<compile_context>
chip_gen: v7x
topology: tpu7x:2x2x1
jax: 0.10.2.dev20260603
libtpu: 0.0.44.dev20260713+nightly
codegen_flags: <defaults>
</compile_context>

<pallas_src>
import functools

import jax
import jax.numpy as jnp
from jax import lax
from jax.experimental import pallas as pl
from jax.experimental.pallas import tpu as pltpu
from jax.experimental.pallas import tpu_sc as plsc

_INFO = plsc.get_sparse_core_info()
_NC = _INFO.num_cores
_NS = _INFO.num_subcores
_NW = _NC * _NS
_L = _INFO.num_lanes

_E = 320000
_D = 128
_PER_W = _E // _NW
_C = 80
_NCHUNK = _PER_W // _C


def _make_sc_kernel():
    mesh = plsc.VectorSubcoreMesh(core_axis_name="c", subcore_axis_name="s")

    @functools.partial(
        pl.kernel,
        mesh=mesh,
        out_type=jax.ShapeDtypeStruct((_NW, _NCHUNK, _C), jnp.float32),
        compiler_params=pltpu.CompilerParams(needs_layout_passes=False, use_tc_tiling_on_sc=False),
        scratch_types=[
            pltpu.VMEM((_NCHUNK, _C), jnp.int32),
            pltpu.VMEM((_NCHUNK, _C), jnp.int32),
            pltpu.VMEM((_C, _D // 2), jnp.int32),
            pltpu.VMEM((_C, _D // 2), jnp.int32),
            pltpu.VMEM((_C, _D // 2), jnp.int32),
            pltpu.VMEM((_C, _D // 2), jnp.int32),
            pltpu.VMEM((_NCHUNK, _C), jnp.float32),
            pltpu.VMEM_SHARED((10000, _D // 2), jnp.int32),
            pltpu.SemaphoreType.DMA,
            pltpu.SemaphoreType.DMA,
            pltpu.SemaphoreType.DMA,
            pltpu.SemaphoreType.DMA,
        ],
    )
    def k(h_hbm, u_hbm, v_hbm, out_hbm,
          iu, iv, ru0, rv0, ru1, rv1, scores, sh, su0, sv0, su1, sv1):
        wid = lax.axis_index("s") * _NC + lax.axis_index("c")
        lanes = lax.iota(jnp.int32, _L)

        @pl.when(lax.axis_index("s") == 0)
        def _stage_h():
            pltpu.sync_copy(h_hbm, sh)

        pltpu.sync_copy(u_hbm.at[wid], iu)
        pltpu.sync_copy(v_hbm.at[wid], iv)
        plsc.subcore_barrier()

        def start(c, ru, rv, su, sv):
            pltpu.async_copy(sh.at[iu.at[c]], ru, su)
            pltpu.async_copy(sh.at[iv.at[c]], rv, sv)

        def wait(c, ru, rv, su, sv):
            pltpu.make_async_copy(sh.at[iu.at[c]], ru, su).wait()
            pltpu.make_async_copy(sh.at[iv.at[c]], rv, sv).wait()

        def compute(c, ru, rv):
            @plsc.parallel_loop(0, _C // _L, 1)
            def group_body(g):
                accs = []
                for j in range(_L):
                    e = g * _L + j
                    parts = []
                    for t in range(_D // (2 * _L)):
                        bu = plsc.bitcast(ru[e, pl.ds(t * _L, _L)], jnp.bfloat16)
                        bv = plsc.bitcast(rv[e, pl.ds(t * _L, _L)], jnp.bfloat16)
                        p0, p1 = plsc.unpack(bu * bv, format=plsc.PackFormat.INTERLEAVED)
                        parts.append(p0 + p1)
                    accs.append((parts[0] + parts[1]) + (parts[2] + parts[3]))
                for bit in (1, 2, 4, 8):
                    sel = (lanes & bit) == 0
                    perm = jnp.bitwise_xor(lanes, bit)
                    nxt = []
                    for m in range(0, len(accs), 2):
                        a = accs[m] + jnp.take_along_axis(accs[m], perm, axis=0)
                        b = accs[m + 1] + jnp.take_along_axis(accs[m + 1], perm, axis=0)
                        nxt.append(jnp.where(sel, a, b))
                    accs = nxt
                scores[c, pl.ds(g * _L, _L)] = accs[0]

        start(0, ru0, rv0, su0, sv0)

        def body(c2, _):
            ca = 2 * c2
            cb = ca + 1
            start(cb, ru1, rv1, su1, sv1)
            wait(ca, ru0, rv0, su0, sv0)
            compute(ca, ru0, rv0)
            start(ca + 2, ru0, rv0, su0, sv0)
            wait(cb, ru1, rv1, su1, sv1)
            compute(cb, ru1, rv1)
            return 0

        lax.fori_loop(0, (_NCHUNK - 1) // 2, body, 0)
        wait(_NCHUNK - 1, ru0, rv0, su0, sv0)
        compute(_NCHUNK - 1, ru0, rv0)

        pltpu.sync_copy(scores, out_hbm.at[wid])

    return k


_sc_kernel = _make_sc_kernel()


@jax.jit
def kernel(h, edge_index):
    ei = edge_index.astype(jnp.int32).reshape(2, _NW, _NCHUNK, _C)
    hb = h.astype(jnp.bfloat16).reshape(h.shape[0], _D // 2, 2)
    h_packed = lax.bitcast_convert_type(hb, jnp.int32)
    out = _sc_kernel(h_packed, ei[0], ei[1])
    return out.reshape(_E)

# --- scband reference (transcript-rebuilt; emitter-appended) ---
"""Pipeline reference for scband-dot-predictor-12773232738509 (READ-ONLY COPY).

The authoritative reference and input builder live on the scoring server;
editing this copy changes nothing except your own understanding.
"""

import jax, jax.numpy as jnp
import numpy as np


def setup_inputs(seed: int = 0) -> dict:
    key = jax.random.key(seed)
    k1, k2 = jax.random.split(key)
    h = jax.random.normal(k1, (10000, 128), dtype=jnp.float32)
    edge_index = jax.random.randint(k2, (2, 320000), 0, 10000, dtype=jnp.int64)
    return {"h": h, "edge_index": edge_index}


def reference(h, edge_index):
    # DGL DotPredictor: per-edge dot product of endpoint features
    # score_e = sum_d h[u_e, d] * h[v_e, d]
    u = edge_index[0]
    v = edge_index[1]
    hu = jnp.take(h, u, axis=0)
    hv = jnp.take(h, v, axis=0)
    return (hu * hv).sum(axis=1)

if __name__ == "__main__":
    import jax
    _d = setup_inputs()
    print(jax.jit(kernel)(*tuple(_d.values())))

</pallas_src>

<mosaic_0001>
#map = affine_map<(d0, d1) -> (0, 0)>
#map1 = affine_map<(d0, d1) -> (0, 0, 0)>
module attributes {stable_mosaic.version = 14 : i64} {
  func.func @k(%arg0: i32, %arg1: i32, %arg2: memref<10000x64xi32, #tpu.memory_space<hbm>>, %arg3: memref<32x125x80xi32, #tpu.memory_space<hbm>>, %arg4: memref<32x125x80xi32, #tpu.memory_space<hbm>>, %arg5: memref<32x125x80xf32, #tpu.memory_space<hbm>>, %arg6: memref<125x80xi32, #tpu.memory_space<vmem>>, %arg7: memref<125x80xi32, #tpu.memory_space<vmem>>, %arg8: memref<80x64xi32, #tpu.memory_space<vmem>>, %arg9: memref<80x64xi32, #tpu.memory_space<vmem>>, %arg10: memref<80x64xi32, #tpu.memory_space<vmem>>, %arg11: memref<80x64xi32, #tpu.memory_space<vmem>>, %arg12: memref<125x80xf32, #tpu.memory_space<vmem>>, %arg13: memref<10000x64xi32, #tpu.memory_space<vmem_shared>>, %arg14: memref<!tpu.dma_semaphore, #tpu.memory_space<semaphore_mem>>, %arg15: memref<!tpu.dma_semaphore, #tpu.memory_space<semaphore_mem>>, %arg16: memref<!tpu.dma_semaphore, #tpu.memory_space<semaphore_mem>>, %arg17: memref<!tpu.dma_semaphore, #tpu.memory_space<semaphore_mem>>) attributes {dimension_semantics = [#tpu.dimension_semantics<core_parallel>, #tpu.dimension_semantics<subcore_parallel>], iteration_bounds = array<i64: 2, 16>, scalar_prefetch = 0 : i64, scratch_operands = 12 : i64, tpu.core_type = #tpu.core_type<sc_vector_subcore>, window_params = [{transform_indices = #map}, {transform_indices = #map1}, {transform_indices = #map1}, {transform_indices = #map1}]} {
    %mul3A = arith.constant 2 : i32
    %mul3A_0 = arith.muli %arg1, %mul3A : i32
    %add3A = arith.addi %mul3A_0, %arg0 : i32
    %iota3A = tpu.iota {dimensions = array<i32: 0>} : vector<16xi32>
    %eq3A = arith.constant 0 : i32
    %eq3A_1 = arith.cmpi eq, %arg1, %eq3A : i32
    %convert_element_type3A = arith.extui %eq3A_1 : i1 to i32
    %cond3A = arith.constant 0 : i32
    %cond3A_2 = arith.cmpi ne, %convert_element_type3A, %cond3A : i32
    scf.if %cond3A_2 {
      "tpu.region"() ({
        %run_scoped3A = tpu.sem_alloc : memref<!tpu.dma_semaphore, #tpu.memory_space<semaphore_mem>>
        tpu.enqueue_dma source(%arg2 : memref<10000x64xi32, #tpu.memory_space<hbm>>) target(%arg13 : memref<10000x64xi32, #tpu.memory_space<vmem_shared>>) target_semaphore(%run_scoped3A : memref<!tpu.dma_semaphore, #tpu.memory_space<semaphore_mem>>)
        tpu.wait_dma2 semaphore(%run_scoped3A : memref<!tpu.dma_semaphore, #tpu.memory_space<semaphore_mem>>) src(%arg2 : memref<10000x64xi32, #tpu.memory_space<hbm>>) dst(%arg13 : memref<10000x64xi32, #tpu.memory_space<vmem_shared>>)
        tpu.yield
      }) : () -> ()
    } else {
    }
    "tpu.region"() ({
      %run_scoped3A = tpu.sem_alloc : memref<!tpu.dma_semaphore, #tpu.memory_space<semaphore_mem>>
      %dma_start3A_37 = arith.constant 0 : i32
      %dma_start3A_38 = arith.constant 0 : i32
      %dma_start3A_39 = tpu.memref_slice %arg3[%add3A, %dma_start3A_37, %dma_start3A_38] : memref<32x125x80xi32, #tpu.memory_space<hbm>> -> memref<1x125x80xi32, #tpu.memory_space<hbm>>
      %dma_start3A_40 = tpu.memref_squeeze %dma_start3A_39 : memref<1x125x80xi32, #tpu.memory_space<hbm>> -> memref<125x80xi32, #tpu.memory_space<hbm>>
      %dma_start3A_41 = arith.constant 0 : i32
      %dma_start3A_42 = arith.constant 0 : i32
      %dma_start3A_43 = tpu.memref_slice %arg3[%add3A, %dma_start3A_41, %dma_start3A_42] : memref<32x125x80xi32, #tpu.memory_space<hbm>> -> memref<1x125x80xi32, #tpu.memory_space<hbm>>
      %dma_start3A_44 = tpu.memref_squeeze %dma_start3A_43 : memref<1x125x80xi32, #tpu.memory_space<hbm>> -> memref<125x80xi32, #tpu.memory_space<hbm>>
      tpu.enqueue_dma source(%dma_start3A_44 : memref<125x80xi32, #tpu.memory_space<hbm>>) target(%arg6 : memref<125x80xi32, #tpu.memory_space<vmem>>) target_semaphore(%run_scoped3A : memref<!tpu.dma_semaphore, #tpu.memory_space<semaphore_mem>>)
      %dma_wait3A_45 = arith.constant 0 : i32
      %dma_wait3A_46 = arith.constant 0 : i32
      %dma_wait3A_47 = tpu.memref_slice %arg3[%add3A, %dma_wait3A_45, %dma_wait3A_46] : memref<32x125x80xi32, #tpu.memory_space<hbm>> -> memref<1x125x80xi32, #tpu.memory_space<hbm>>
      %dma_wait3A_48 = tpu.memref_squeeze %dma_wait3A_47 : memref<1x125x80xi32, #tpu.memory_space<hbm>> -> memref<125x80xi32, #tpu.memory_space<hbm>>
      %dma_wait3A_49 = arith.constant 0 : i32
      %dma_wait3A_50 = arith.constant 0 : i32
      %dma_wait3A_51 = tpu.memref_slice %arg3[%add3A, %dma_wait3A_49, %dma_wait3A_50] : memref<32x125x80xi32, #tpu.memory_space<hbm>> -> memref<1x125x80xi32, #tpu.memory_space<hbm>>
      %dma_wait3A_52 = tpu.memref_squeeze %dma_wait3A_51 : memref<1x125x80xi32, #tpu.memory_space<hbm>> -> memref<125x80xi32, #tpu.memory_space<hbm>>
      tpu.wait_dma2 semaphore(%run_scoped3A : memref<!tpu.dma_semaphore, #tpu.memory_space<semaphore_mem>>) src(%dma_wait3A_52 : memref<125x80xi32, #tpu.memory_space<hbm>>) dst(%arg6 : memref<125x80xi32, #tpu.memory_space<vmem>>)
      tpu.yield
    }) : () -> ()
    "tpu.region"() ({
      %run_scoped3A = tpu.sem_alloc : memref<!tpu.dma_semaphore, #tpu.memory_space<semaphore_mem>>
      %dma_start3A_37 = arith.constant 0 : i32
      %dma_start3A_38 = arith.constant 0 : i32
      %dma_start3A_39 = tpu.memref_slice %arg4[%add3A, %dma_start3A_37, %dma_start3A_38] : memref<32x125x80xi32, #tpu.memory_space<hbm>> -> memref<1x125x80xi32, #tpu.memory_space<hbm>>
      %dma_start3A_40 = tpu.memref_squeeze %dma_start3A_39 : memref<1x125x80xi32, #tpu.memory_space<hbm>> -> memref<125x80xi32, #tpu.memory_space<hbm>>
      %dma_start3A_41 = arith.constant 0 : i32
      %dma_start3A_42 = arith.constant 0 : i32
      %dma_start3A_43 = tpu.memref_slice %arg4[%add3A, %dma_start3A_41, %dma_start3A_42] : memref<32x125x80xi32, #tpu.memory_space<hbm>> -> memref<1x125x80xi32, #tpu.memory_space<hbm>>
      %dma_start3A_44 = tpu.memref_squeeze %dma_start3A_43 : memref<1x125x80xi32, #tpu.memory_space<hbm>> -> memref<125x80xi32, #tpu.memory_space<hbm>>
      tpu.enqueue_dma source(%dma_start3A_44 : memref<125x80xi32, #tpu.memory_space<hbm>>) target(%arg7 : memref<125x80xi32, #tpu.memory_space<vmem>>) target_semaphore(%run_scoped3A : memref<!tpu.dma_semaphore, #tpu.memory_space<semaphore_mem>>)
      %dma_wait3A_45 = arith.constant 0 : i32
      %dma_wait3A_46 = arith.constant 0 : i32
      %dma_wait3A_47 = tpu.memref_slice %arg4[%add3A, %dma_wait3A_45, %dma_wait3A_46] : memref<32x125x80xi32, #tpu.memory_space<hbm>> -> memref<1x125x80xi32, #tpu.memory_space<hbm>>
      %dma_wait3A_48 = tpu.memref_squeeze %dma_wait3A_47 : memref<1x125x80xi32, #tpu.memory_space<hbm>> -> memref<125x80xi32, #tpu.memory_space<hbm>>
      %dma_wait3A_49 = arith.constant 0 : i32
      %dma_wait3A_50 = arith.constant 0 : i32
      %dma_wait3A_51 = tpu.memref_slice %arg4[%add3A, %dma_wait3A_49, %dma_wait3A_50] : memref<32x125x80xi32, #tpu.memory_space<hbm>> -> memref<1x125x80xi32, #tpu.memory_space<hbm>>
      %dma_wait3A_52 = tpu.memref_squeeze %dma_wait3A_51 : memref<1x125x80xi32, #tpu.memory_space<hbm>> -> memref<125x80xi32, #tpu.memory_space<hbm>>
      tpu.wait_dma2 semaphore(%run_scoped3A : memref<!tpu.dma_semaphore, #tpu.memory_space<semaphore_mem>>) src(%dma_wait3A_52 : memref<125x80xi32, #tpu.memory_space<hbm>>) dst(%arg7 : memref<125x80xi32, #tpu.memory_space<vmem>>)
      tpu.yield
    }) : () -> ()
    %barrier3A = arith.constant 0 : index
    tpu.barrier barrier_id(%barrier3A)
    %dma_start3A = arith.constant 0 : i32
    %dma_start3A_3 = arith.constant 0 : i32
    %dma_start3A_4 = tpu.memref_slice %arg6[%dma_start3A, %dma_start3A_3] : memref<125x80xi32, #tpu.memory_space<vmem>> -> memref<1x80xi32, #tpu.memory_space<vmem>>
    %dma_start3A_5 = tpu.memref_squeeze %dma_start3A_4 : memref<1x80xi32, #tpu.memory_space<vmem>> -> memref<80xi32, #tpu.memory_space<vmem>>
    %dma_start3A_6 = arith.constant 0 : i32
    %dma_start3A_7 = arith.constant 0 : i32
    %dma_start3A_8 = tpu.memref_slice %arg13[%dma_start3A_6, %dma_start3A_7] : memref<10000x64xi32, #tpu.memory_space<vmem_shared>> -> memref<10000x64xi32, #tpu.memory_space<vmem_shared>>
    tpu.enqueue_indirect_dma source(%dma_start3A_8 : memref<10000x64xi32, #tpu.memory_space<vmem_shared>>) target(%arg8 : memref<80x64xi32, #tpu.memory_space<vmem>>) offsets(%dma_start3A_5 : memref<80xi32, #tpu.memory_space<vmem>>) semaphore(%arg14 : memref<!tpu.dma_semaphore, #tpu.memory_space<semaphore_mem>>)
    %dma_start3A_9 = arith.constant 0 : i32
    %dma_start3A_10 = arith.constant 0 : i32
    %dma_start3A_11 = tpu.memref_slice %arg7[%dma_start3A_9, %dma_start3A_10] : memref<125x80xi32, #tpu.memory_space<vmem>> -> memref<1x80xi32, #tpu.memory_space<vmem>>
    %dma_start3A_12 = tpu.memref_squeeze %dma_start3A_11 : memref<1x80xi32, #tpu.memory_space<vmem>> -> memref<80xi32, #tpu.memory_space<vmem>>
    %dma_start3A_13 = arith.constant 0 : i32
    %dma_start3A_14 = arith.constant 0 : i32
    %dma_start3A_15 = tpu.memref_slice %arg13[%dma_start3A_13, %dma_start3A_14] : memref<10000x64xi32, #tpu.memory_space<vmem_shared>> -> memref<10000x64xi32, #tpu.memory_space<vmem_shared>>
    tpu.enqueue_indirect_dma source(%dma_start3A_15 : memref<10000x64xi32, #tpu.memory_space<vmem_shared>>) target(%arg9 : memref<80x64xi32, #tpu.memory_space<vmem>>) offsets(%dma_start3A_12 : memref<80xi32, #tpu.memory_space<vmem>>) semaphore(%arg15 : memref<!tpu.dma_semaphore, #tpu.memory_space<semaphore_mem>>)
    %scan3A = arith.constant 0 : i32
    %scan3A_16 = arith.constant 0 : i32
    %scan3A_17 = arith.constant 62 : i32
    %scan3A_18 = arith.addi %scan3A_16, %scan3A_17 : i32
    %scan3A_19 = arith.constant 1 : i32
    %scan3A_20 = scf.for %scan3A_37 = %scan3A_16 to %scan3A_18 step %scan3A_19 iter_args(%scan3A_38 = %scan3A) -> (i32)  : i32 {
      %mul3A_39 = arith.constant 2 : i32
      %mul3A_40 = arith.muli %mul3A_39, %scan3A_37 : i32
      %add3A_41 = arith.constant 1 : i32
      %add3A_42 = arith.addi %mul3A_40, %add3A_41 : i32
      %dma_start3A_43 = arith.constant 0 : i32
      %dma_start3A_44 = tpu.memref_slice %arg6[%add3A_42, %dma_start3A_43] : memref<125x80xi32, #tpu.memory_space<vmem>> -> memref<1x80xi32, #tpu.memory_space<vmem>>
      %dma_start3A_45 = tpu.memref_squeeze %dma_start3A_44 : memref<1x80xi32, #tpu.memory_space<vmem>> -> memref<80xi32, #tpu.memory_space<vmem>>
      %dma_start3A_46 = arith.constant 0 : i32
      %dma_start3A_47 = arith.constant 0 : i32
      %dma_start3A_48 = tpu.memref_slice %arg13[%dma_start3A_46, %dma_start3A_47] : memref<10000x64xi32, #tpu.memory_space<vmem_shared>> -> memref<10000x64xi32, #tpu.memory_space<vmem_shared>>
      tpu.enqueue_indirect_dma source(%dma_start3A_48 : memref<10000x64xi32, #tpu.memory_space<vmem_shared>>) target(%arg10 : memref<80x64xi32, #tpu.memory_space<vmem>>) offsets(%dma_start3A_45 : memref<80xi32, #tpu.memory_space<vmem>>) semaphore(%arg16 : memref<!tpu.dma_semaphore, #tpu.memory_space<semaphore_mem>>)
      %dma_start3A_49 = arith.constant 0 : i32
      %dma_start3A_50 = tpu.memref_slice %arg7[%add3A_42, %dma_start3A_49] : memref<125x80xi32, #tpu.memory_space<vmem>> -> memref<1x80xi32, #tpu.memory_space<vmem>>
      %dma_start3A_51 = tpu.memref_squeeze %dma_start3A_50 : memref<1x80xi32, #tpu.memory_space<vmem>> -> memref<80xi32, #tpu.memory_space<vmem>>
      %dma_start3A_52 = arith.constant 0 : i32
      %dma_start3A_53 = arith.constant 0 : i32
      %dma_start3A_54 = tpu.memref_slice %arg13[%dma_start3A_52, %dma_start3A_53] : memref<10000x64xi32, #tpu.memory_space<vmem_shared>> -> memref<10000x64xi32, #tpu.memory_space<vmem_shared>>
      tpu.enqueue_indirect_dma source(%dma_start3A_54 : memref<10000x64xi32, #tpu.memory_space<vmem_shared>>) target(%arg11 : memref<80x64xi32, #tpu.memory_space<vmem>>) offsets(%dma_start3A_51 : memref<80xi32, #tpu.memory_space<vmem>>) semaphore(%arg17 : memref<!tpu.dma_semaphore, #tpu.memory_space<semaphore_mem>>)
      %dma_wait3A_55 = arith.constant 0 : i32
      %dma_wait3A_56 = tpu.memref_slice %arg6[%mul3A_40, %dma_wait3A_55] : memref<125x80xi32, #tpu.memory_space<vmem>> -> memref<1x80xi32, #tpu.memory_space<vmem>>
      %dma_wait3A_57 = tpu.memref_squeeze %dma_wait3A_56 : memref<1x80xi32, #tpu.memory_space<vmem>> -> memref<80xi32, #tpu.memory_space<vmem>>
      %dma_wait3A_58 = arith.constant 0 : i32
      %dma_wait3A_59 = arith.constant 0 : i32
      %dma_wait3A_60 = tpu.memref_slice %arg13[%dma_wait3A_58, %dma_wait3A_59] : memref<10000x64xi32, #tpu.memory_space<vmem_shared>> -> memref<10000x64xi32, #tpu.memory_space<vmem_shared>>
      tpu.wait_indirect_dma semaphore(%arg14 : memref<!tpu.dma_semaphore, #tpu.memory_space<semaphore_mem>>) src(%dma_wait3A_60 : memref<10000x64xi32, #tpu.memory_space<vmem_shared>>) dst(%arg8 : memref<80x64xi32, #tpu.memory_space<vmem>>)
      %dma_wait3A_61 = arith.constant 0 : i32
      %dma_wait3A_62 = tpu.memref_slice %arg7[%mul3A_40, %dma_wait3A_61] : memref<125x80xi32, #tpu.memory_space<vmem>> -> memref<1x80xi32, #tpu.memory_space<vmem>>
      %dma_wait3A_63 = tpu.memref_squeeze %dma_wait3A_62 : memref<1x80xi32, #tpu.memory_space<vmem>> -> memref<80xi32, #tpu.memory_space<vmem>>
      %dma_wait3A_64 = arith.constant 0 : i32
      %dma_wait3A_65 = arith.constant 0 : i32
      %dma_wait3A_66 = tpu.memref_slice %arg13[%dma_wait3A_64, %dma_wait3A_65] : memref<10000x64xi32, #tpu.memory_space<vmem_shared>> -> memref<10000x64xi32, #tpu.memory_space<vmem_shared>>
      tpu.wait_indirect_dma semaphore(%arg15 : memref<!tpu.dma_semaphore, #tpu.memory_space<semaphore_mem>>) src(%dma_wait3A_66 : memref<10000x64xi32, #tpu.memory_space<vmem_shared>>) dst(%arg9 : memref<80x64xi32, #tpu.memory_space<vmem>>)
      %parallel_loop3A_67 = arith.constant 0 : i32
      %parallel_loop3A_68 = arith.constant 5 : i32
      %parallel_loop3A_69 = arith.constant 1 : i32
      scf.for %parallel_loop3A_100 = %parallel_loop3A_67 to %parallel_loop3A_68 step %parallel_loop3A_69  : i32 {
        %parallel_loop3A_101 = arith.constant 16 : i32
        %parallel_loop3A_102 = arith.muli %parallel_loop3A_100, %parallel_loop3A_101 : i32
        %parallel_loop3A_103 = arith.constant 0 : i32
        %parallel_loop3A_104 = arith.addi %parallel_loop3A_102, %parallel_loop3A_103 : i32
        %parallel_loop3A_105 = arith.index_cast %parallel_loop3A_104 : i32 to index
        %parallel_loop3A_106 = arith.constant 0 : index
        %parallel_loop3A_107 = tpu.vector_load %arg8[%parallel_loop3A_105, %parallel_loop3A_106] {strides = array<i32>} : memref<80x64xi32, #tpu.memory_space<vmem>>, vector<16xi32>,
        %parallel_loop3A_108 = vector.bitcast %parallel_loop3A_107 : vector<16xi32> to vector<32xbf16>
        %parallel_loop3A_109 = arith.index_cast %parallel_loop3A_104 : i32 to index
        %parallel_loop3A_110 = arith.constant 0 : index
        %parallel_loop3A_111 = tpu.vector_load %arg9[%parallel_loop3A_109, %parallel_loop3A_110] {strides = array<i32>} : memref<80x64xi32, #tpu.memory_space<vmem>>, vector<16xi32>,
        %parallel_loop3A_112 = vector.bitcast %parallel_loop3A_111 : vector<16xi32> to vector<32xbf16>
        %parallel_loop3A_113 = arith.mulf %parallel_loop3A_108, %parallel_loop3A_112 : vector<32xbf16>
        %parallel_loop3A_114 = tpu.unpack_subelements %parallel_loop3A_113, 0 {pack_format = #tpu.pack_format<interleaved>} : vector<32xbf16> -> vector<16xf32>
        %parallel_loop3A_115 = tpu.unpack_subelements %parallel_loop3A_113, 1 {pack_format = #tpu.pack_format<interleaved>} : vector<32xbf16> -> vector<16xf32>
        %parallel_loop3A_116 = arith.addf %parallel_loop3A_114, %parallel_loop3A_115 : vector<16xf32>
        %parallel_loop3A_117 = arith.index_cast %parallel_loop3A_104 : i32 to index
        %parallel_loop3A_118 = arith.constant 16 : index
        %parallel_loop3A_119 = tpu.vector_load %arg8[%parallel_loop3A_117, %parallel_loop3A_118] {strides = array<i32>} : memref<80x64xi32, #tpu.memory_space<vmem>>, vector<16xi32>,
        %parallel_loop3A_120 = vector.bitcast %parallel_loop3A_119 : vector<16xi32> to vector<32xbf16>
        %parallel_loop3A_121 = arith.index_cast %parallel_loop3A_104 : i32 to index
        %parallel_loop3A_122 = arith.constant 16 : index
        %parallel_loop3A_123 = tpu.vector_load %arg9[%parallel_loop3A_121, %parallel_loop3A_122] {strides = array<i32>} : memref<80x64xi32, #tpu.memory_space<vmem>>, vector<16xi32>,
        %parallel_loop3A_124 = vector.bitcast %parallel_loop3A_123 : vector<16xi32> to vector<32xbf16>
        %parallel_loop3A_125 = arith.mulf %parallel_loop3A_120, %parallel_loop3A_124 : vector<32xbf16>
        %parallel_loop3A_126 = tpu.unpack_subelements %parallel_loop3A_125, 0 {pack_format = #tpu.pack_format<interleaved>} : vector<32xbf16> -> vector<16xf32>
        %parallel_loop3A_127 = tpu.unpack_subelements %parallel_loop3A_125, 1 {pack_format = #tpu.pack_format<interleaved>} : vector<32xbf16> -> vector<16xf32>
        %parallel_loop3A_128 = arith.addf %parallel_loop3A_126, %parallel_loop3A_127 : vector<16xf32>
        %parallel_loop3A_129 = arith.index_cast %parallel_loop3A_104 : i32 to index
        %parallel_loop3A_130 = arith.constant 32 : index
        %parallel_loop3A_131 = tpu.vector_load %arg8[%parallel_loop3A_129, %parallel_loop3A_130] {strides = array<i32>} : memref<80x64xi32, #tpu.memory_space<vmem>>, vector<16xi32>,
        %parallel_loop3A_132 = vector.bitcast %parallel_loop3A_131 : vector<16xi32> to vector<32xbf16>
        %parallel_loop3A_133 = arith.index_cast %parallel_loop3A_104 : i32 to index
        %parallel_loop3A_134 = arith.constant 32 : index
        %parallel_loop3A_135 = tpu.vector_load %arg9[%parallel_loop3A_133, %parallel_loop3A_134] {strides = array<i32>} : memref<80x64xi32, #tpu.memory_space<vmem>>, vector<16xi32>,
        %parallel_loop3A_136 = vector.bitcast %parallel_loop3A_135 : vector<16xi32> to vector<32xbf16>
        %parallel_loop3A_137 = arith.mulf %parallel_loop3A_132, %parallel_loop3A_136 : vector<32xbf16>
        %parallel_loop3A_138 = tpu.unpack_subelements %parallel_loop3A_137, 0 {pack_format = #tpu.pack_format<interleaved>} : vector<32xbf16> -> vector<16xf32>
        %parallel_loop3A_139 = tpu.unpack_subelements %parallel_loop3A_137, 1 {pack_format = #tpu.pack_format<interleaved>} : vector<32xbf16> -> vector<16xf32>
        %parallel_loop3A_140 = arith.addf %parallel_loop3A_138, %parallel_loop3A_139 : vector<16xf32>
        %parallel_loop3A_141 = arith.index_cast %parallel_loop3A_104 : i32 to index
        %parallel_loop3A_142 = arith.constant 48 : index
        %parallel_loop3A_143 = tpu.vector_load %arg8[%parallel_loop3A_141, %parallel_loop3A_142] {strides = array<i32>} : memref<80x64xi32, #tpu.memory_space<vmem>>, vector<16xi32>,
        %parallel_loop3A_144 = vector.bitcast %parallel_loop3A_143 : vector<16xi32> to vector<32xbf16>
        %parallel_loop3A_145 = arith.index_cast %parallel_loop3A_104 : i32 to index
        %parallel_loop3A_146 = arith.constant 48 : index
        %parallel_loop3A_147 = tpu.vector_load %arg9[%parallel_loop3A_145, %parallel_loop3A_146] {strides = array<i32>} : memref<80x64xi32, #tpu.memory_space<vmem>>, vector<16xi32>,
        %parallel_loop3A_148 = vector.bitcast %parallel_loop3A_147 : vector<16xi32> to vector<32xbf16>
        %parallel_loop3A_149 = arith.mulf %parallel_loop3A_144, %parallel_loop3A_148 : vector<32xbf16>
        %parallel_loop3A_150 = tpu.unpack_subelements %parallel_loop3A_149, 0 {pack_format = #tpu.pack_format<interleaved>} : vector<32xbf16> -> vector<16xf32>
        %parallel_loop3A_151 = tpu.unpack_subelements %parallel_loop3A_149, 1 {pack_format = #tpu.pack_format<interleaved>} : vector<32xbf16> -> vector<16xf32>
        %parallel_loop3A_152 = arith.addf %parallel_loop3A_150, %parallel_loop3A_151 : vector<16xf32>
        %parallel_loop3A_153 = arith.addf %parallel_loop3A_116, %parallel_loop3A_128 : vector<16xf32>
        %parallel_loop3A_154 = arith.addf %parallel_loop3A_140, %parallel_loop3A_152 : vector<16xf32>
        %parallel_loop3A_155 = arith.addf %parallel_loop3A_153, %parallel_loop3A_154 : vector<16xf32>
        %parallel_loop3A_156 = arith.constant 16 : i32
        %parallel_loop3A_157 = arith.muli %parallel_loop3A_100, %parallel_loop3A_156 : i32
        %parallel_loop3A_158 = arith.constant 1 : i32
        %parallel_loop3A_159 = arith.addi %parallel_loop3A_157, %parallel_loop3A_158 : i32
        %parallel_loop3A_160 = arith.index_cast %parallel_loop3A_159 : i32 to index
        %parallel_loop3A_161 = arith.constant 0 : index
        %parallel_loop3A_162 = tpu.vector_load %arg8[%parallel_loop3A_160, %parallel_loop3A_161] {strides = array<i32>} : memref<80x64xi32, #tpu.memory_space<vmem>>, vector<16xi32>,
        %parallel_loop3A_163 = vector.bitcast %parallel_loop3A_162 : vector<16xi32> to vector<32xbf16>
        %parallel_loop3A_164 = arith.index_cast %parallel_loop3A_159 : i32 to index
        %parallel_loop3A_165 = arith.constant 0 : index
        %parallel_loop3A_166 = tpu.vector_load %arg9[%parallel_loop3A_164, %parallel_loop3A_165] {strides = array<i32>} : memref<80x64xi32, #tpu.memory_space<vmem>>, vector<16xi32>,
        %parallel_loop3A_167 = vector.bitcast %parallel_loop3A_166 : vector<16xi32> to vector<32xbf16>
        %parallel_loop3A_168 = arith.mulf %parallel_loop3A_163, %parallel_loop3A_167 : vector<32xbf16>
        %parallel_loop3A_169 = tpu.unpack_subelements %parallel_loop3A_168, 0 {pack_format = #tpu.pack_format<interleaved>} : vector<32xbf16> -> vector<16xf32>
        %parallel_loop3A_170 = tpu.unpack_subelements %parallel_loop3A_168, 1 {pack_format = #tpu.pack_format<interleaved>} : vector<32xbf16> -> vector<16xf32>
        %parallel_loop3A_171 = arith.addf %parallel_loop3A_169, %parallel_loop3A_170 : vector<16xf32>
        %parallel_loop3A_172 = arith.index_cast %parallel_loop3A_159 : i32 to index
        %parallel_loop3A_173 = arith.constant 16 : index
        %parallel_loop3A_174 = tpu.vector_load %arg8[%parallel_loop3A_172, %parallel_loop3A_173] {strides = array<i32>} : memref<80x64xi32, #tpu.memory_space<vmem>>, vector<16xi32>,
        %parallel_loop3A_175 = vector.bitcast %parallel_loop3A_174 : vector<16xi32> to vector<32xbf16>
        %parallel_loop3A_176 = arith.index_cast %parallel_loop3A_159 : i32 to index
        %parallel_loop3A_177 = arith.constant 16 : index
        %parallel_loop3A_178 = tpu.vector_load %arg9[%parallel_loop3A_176, %parallel_loop3A_177] {strides = array<i32>} : memref<80x64xi32, #tpu.memory_space<vmem>>, vector<16xi32>,
        %parallel_loop3A_179 = vector.bitcast %parallel_loop3A_178 : vector<16xi32> to vector<32xbf16>
        %parallel_loop3A_180 = arith.mulf %parallel_loop3A_175, %parallel_loop3A_179 : vector<32xbf16>
        %parallel_loop3A_181 = tpu.unpack_subelements %parallel_loop3A_180, 0 {pack_format = #tpu.pack_format<interleaved>} : vector<32xbf16> -> vector<16xf32>
        %parallel_loop3A_182 = tpu.unpack_subelements %parallel_loop3A_180, 1 {pack_format = #tpu.pack_format<interleaved>} : vector<32xbf16> -> vector<16xf32>
        %parallel_loop3A_183 = arith.addf %parallel_loop3A_181, %parallel_loop3A_182 : vector<16xf32>
        %parallel_loop3A_184 = arith.index_cast %parallel_loop3A_159 : i32 to index
        %parallel_loop3A_185 = arith.constant 32 : index
        %parallel_loop3A_186 = tpu.vector_load %arg8[%parallel_loop3A_184, %parallel_loop3A_185] {strides = array<i32>} : memref<80x64xi32, #tpu.memory_space<vmem>>, vector<16xi32>,
        %parallel_loop3A_187 = vector.bitcast %parallel_loop3A_186 : vector<16xi32> to vector<32xbf16>
        %parallel_loop3A_188 = arith.index_cast %parallel_loop3A_159 : i32 to index
        %parallel_loop3A_189 = arith.constant 32 : index
        %parallel_loop3A_190 = tpu.vector_load %arg9[%parallel_loop3A_188, %parallel_loop3A_189] {strides = array<i32>} : memref<80x64xi32, #tpu.memory_space<vmem>>, vector<16xi32>,
        %parallel_loop3A_191 = vector.bitcast %parallel_loop3A_190 : vector<16xi32> to vector<32xbf16>
        %parallel_loop3A_192 = arith.mulf %parallel_loop3A_187, %parallel_loop3A_191 : vector<32xbf16>
        %parallel_loop3A_193 = tpu.unpack_subelements %parallel_loop3A_192, 0 {pack_format = #tpu.pack_format<interleaved>} : vector<32xbf16> -> vector<16xf32>
        %parallel_loop3A_194 = tpu.unpack_subelements %parallel_loop3A_192, 1 {pack_format = #tpu.pack_format<interleaved>} : vector<32xbf16> -> vector<16xf32>
        %parallel_loop3A_195 = arith.addf %parallel_loop3A_193, %parallel_loop3A_194 : vector<16xf32>
        %parallel_loop3A_196 = arith.index_cast %parallel_loop3A_159 : i32 to index
        %parallel_loop3A_197 = arith.constant 48 : index
        %parallel_loop3A_198 = tpu.vector_load %arg8[%parallel_loop3A_196, %parallel_loop3A_197] {strides = array<i32>} : memref<80x64xi32, #tpu.memory_space<vmem>>, vector<16xi32>,
        %parallel_loop3A_199 = vector.bitcast %parallel_loop3A_198 : vector<16xi32> to vector<32xbf16>
        %parallel_loop3A_200 = arith.index_cast %parallel_loop3A_159 : i32 to index
        %parallel_loop3A_201 = arith.constant 48 : index
        %parallel_loop3A_202 = tpu.vector_load %arg9[%parallel_loop3A_200, %parallel_loop3A_201] {strides = array<i32>} : memref<80x64xi32, #tpu.memory_space<vmem>>, vector<16xi32>,
        %parallel_loop3A_203 = vector.bitcast %parallel_loop3A_202 : vector<16xi32> to vector<32xbf16>
        %parallel_loop3A_204 = arith.mulf %parallel_loop3A_199, %parallel_loop3A_203 : vector<32xbf16>
        %parallel_loop3A_205 = tpu.unpack_subelements %parallel_loop3A_204, 0 {pack_format = #tpu.pack_format<interleaved>} : vector<32xbf16> -> vector<16xf32>
        %parallel_loop3A_206 = tpu.unpack_subelements %parallel_loop3A_204, 1 {pack_format = #tpu.pack_format<interleaved>} : vector<32xbf16> -> vector<16xf32>
        %parallel_loop3A_207 = arith.addf %parallel_loop3A_205, %parallel_loop3A_206 : vector<16xf32>
        %parallel_loop3A_208 = arith.addf %parallel_loop3A_171, %parallel_loop3A_183 : vector<16xf32>
        %parallel_loop3A_209 = arith.addf %parallel_loop3A_195, %parallel_loop3A_207 : vector<16xf32>
        %parallel_loop3A_210 = arith.addf %parallel_loop3A_208, %parallel_loop3A_209 : vector<16xf32>
        %parallel_loop3A_211 = arith.constant 16 : i32
        %parallel_loop3A_212 = arith.muli %parallel_loop3A_100, %parallel_loop3A_211 : i32
        %parallel_loop3A_213 = arith.constant 2 : i32
        %parallel_loop3A_214 = arith.addi %parallel_loop3A_212, %parallel_loop3A_213 : i32
        %parallel_loop3A_215 = arith.index_cast %parallel_loop3A_214 : i32 to index
        %parallel_loop3A_216 = arith.constant 0 : index
        %parallel_loop3A_217 = tpu.vector_load %arg8[%parallel_loop3A_215, %parallel_loop3A_216] {strides = array<i32>} : memref<80x64xi32, #tpu.memory_space<vmem>>, vector<16xi32>,
        %parallel_loop3A_218 = vector.bitcast %parallel_loop3A_217 : vector<16xi32> to vector<32xbf16>
        %parallel_loop3A_219 = arith.index_cast %parallel_loop3A_214 : i32 to index
        %parallel_loop3A_220 = arith.constant 0 : index
        %parallel_loop3A_221 = tpu.vector_load %arg9[%parallel_loop3A_219, %parallel_loop3A_220] {strides = array<i32>} : memref<80x64xi32, #tpu.memory_space<vmem>>, vector<16xi32>,
        %parallel_loop3A_222 = vector.bitcast %parallel_loop3A_221 : vector<16xi32> to vector<32xbf16>
        %parallel_loop3A_223 = arith.mulf %parallel_loop3A_218, %parallel_loop3A_222 : vector<32xbf16>
        %parallel_loop3A_224 = tpu.unpack_subelements %parallel_loop3A_223, 0 {pack_format = #tpu.pack_format<interleaved>} : vector<32xbf16> -> vector<16xf32>
        %parallel_loop3A_225 = tpu.unpack_subelements %parallel_loop3A_223, 1 {pack_format = #tpu.pack_format<interleaved>} : vector<32xbf16> -> vector<16xf32>
        %parallel_loop3A_226 = arith.addf %parallel_loop3A_224, %parallel_loop3A_225 : vector<16xf32>
        %parallel_loop3A_227 = arith.index_cast %parallel_loop3A_214 : i32 to index
        %parallel_loop3A_228 = arith.constant 16 : index
        %parallel_loop3A_229 = tpu.vector_load %arg8[%parallel_loop3A_227, %parallel_loop3A_228] {strides = array<i32>} : memref<80x64xi32, #tpu.memory_space<vmem>>, vector<16xi32>,
        %parallel_loop3A_230 = vector.bitcast %parallel_loop3A_229 : vector<16xi32> to vector<32xbf16>
        %parallel_loop3A_231 = arith.index_cast %parallel_loop3A_214 : i32 to index
        %parallel_loop3A_232 = arith.constant 16 : index
        %parallel_loop3A_233 = tpu.vector_load %arg9[%parallel_loop3A_231, %parallel_loop3A_232] {strides = array<i32>} : memref<80x64xi32, #tpu.memory_space<vmem>>, vector<16xi32>,
        %parallel_loop3A_234 = vector.bitcast %parallel_loop3A_233 : vector<16xi32> to vector<32xbf16>
        %parallel_loop3A_235 = arith.mulf %parallel_loop3A_230, %parallel_loop3A_234 : vector<32xbf16>
        %parallel_loop3A_236 = tpu.unpack_subelements %parallel_loop3A_235, 0 {pack_format = #tpu.pack_format<interleaved>} : vector<32xbf16> -> vector<16xf32>
        %parallel_loop3A_237 = tpu.unpack_subelements %parallel_loop3A_235, 1 {pack_format = #tpu.pack_format<interleaved>} : vector<32xbf16> -> vector<16xf32>
        %parallel_loop3A_238 = arith.addf %parallel_loop3A_236, %parallel_loop3A_237 : vector<16xf32>
        %parallel_loop3A_239 = arith.index_cast %parallel_loop3A_214 : i32 to index
        %parallel_loop3A_240 = arith.constant 32 : index
        %parallel_loop3A_241 = tpu.vector_load %arg8[%parallel_loop3A_239, %parallel_loop3A_240] {strides = array<i32>} : memref<80x64xi32, #tpu.memory_space<vmem>>, vector<16xi32>,
        %parallel_loop3A_242 = vector.bitcast %parallel_loop3A_241 : vector<16xi32> to vector<32xbf16>
        %parallel_loop3A_243 = arith.index_cast %parallel_loop3A_214 : i32 to index
        %parallel_loop3A_244 = arith.constant 32 : index
        %parallel_loop3A_245 = tpu.vector_load %arg9[%parallel_loop3A_243, %parallel_loop3A_244] {strides = array<i32>} : memref<80x64xi32, #tpu.memory_space<vmem>>, vector<16xi32>,
        %parallel_loop3A_246 = vector.bitcast %parallel_loop3A_245 : vector<16xi32> to vector<32xbf16>
        %parallel_loop3A_247 = arith.mulf %parallel_loop3A_242, %parallel_loop3A_246 : vector<32xbf16>
        %parallel_loop3A_248 = tpu.unpack_subelements %parallel_loop3A_247, 0 {pack_format = #tpu.pack_format<interleaved>} : vector<32xbf16> -> vector<16xf32>
        %parallel_loop3A_249 = tpu.unpack_subelements %parallel_loop3A_247, 1 {pack_format = #tpu.pack_format<interleaved>} : vector<32xbf16> -> vector<16xf32>
        %parallel_loop3A_250 = arith.addf %parallel_loop3A_248, %parallel_loop3A_249 : vector<16xf32>
        %parallel_loop3A_251 = arith.index_cast %parallel_loop3A_214 : i32 to index
        %parallel_loop3A_252 = arith.constant 48 : index
        %parallel_loop3A_253 = tpu.vector_load %arg8[%parallel_loop3A_251, %parallel_loop3A_252] {strides = array<i32>} : memref<80x64xi32, #tpu.memory_space<vmem>>, vector<16xi32>,
        %parallel_loop3A_254 = vector.bitcast %parallel_loop3A_253 : vector<16xi32> to vector<32xbf16>
        %parallel_loop3A_255 = arith.index_cast %parallel_loop3A_214 : i32 to index
        %parallel_loop3A_256 = arith.constant 48 : index
        %parallel_loop3A_257 = tpu.vector_load %arg9[%parallel_loop3A_255, %parallel_loop3A_256] {strides = array<i32>} : memref<80x64xi32, #tpu.memory_space<vmem>>, vector<16xi32>,
        %parallel_loop3A_258 = vector.bitcast %parallel_loop3A_257 : vector<16xi32> to vector<32xbf16>
        %parallel_loop3A_259 = arith.mulf %parallel_loop3A_254, %parallel_loop3A_258 : vector<32xbf16>
        %parallel_loop3A_260 = tpu.unpack_subelements %parallel_loop3A_259, 0 {pack_format = #tpu.pack_format<interleaved>} : vector<32xbf16> -> vector<16xf32>
        %parallel_loop3A_261 = tpu.unpack_subelements %parallel_loop3A_259, 1 {pack_format = #tpu.pack_format<interleaved>} : vector<32xbf16> -> vector<16xf32>
        %parallel_loop3A_262 = arith.addf %parallel_loop3A_260, %parallel_loop3A_261 : vector<16xf32>
        %parallel_loop3A_263 = arith.addf %parallel_loop3A_226, %parallel_loop3A_238 : vector<16xf32>
        %parallel_loop3A_264 = arith.addf %parallel_loop3A_250, %parallel_loop3A_262 : vector<16xf32>
        %parallel_loop3A_265 = arith.addf %parallel_loop3A_263, %parallel_loop3A_264 : vector<16xf32>
        %parallel_loop3A_266 = arith.constant 16 : i32
        %parallel_loop3A_267 = arith.muli %parallel_loop3A_100, %parallel_loop3A_266 : i32
        %parallel_loop3A_268 = arith.constant 3 : i32
        %parallel_loop3A_269 = arith.addi %parallel_loop3A_267, %parallel_loop3A_268 : i32
        %parallel_loop3A_270 = arith.index_cast %parallel_loop3A_269 : i32 to index
        %parallel_loop3A_271 = arith.constant 0 : index
        %parallel_loop3A_272 = tpu.vector_load %arg8[%parallel_loop3A_270, %parallel_loop3A_271] {strides = array<i32>} : memref<80x64xi32, #tpu.memory_space<vmem>>, vector<16xi32>,
        %parallel_loop3A_273 = vector.bitcast %parallel_loop3A_272 : vector<16xi32> to vector<32xbf16>
        %parallel_loop3A_274 = arith.index_cast %parallel_loop3A_269 : i32 to index
        %parallel_loop3A_275 = arith.constant 0 : index
        %parallel_loop3A_276 = tpu.vector_load %arg9[%parallel_loop3A_274, %parallel_loop3A_275] {strides = array<i32>} : memref<80x64xi32, #tpu.memory_space<vmem>>, vector<16xi32>,
        %parallel_loop3A_277 = vector.bitcast %parallel_loop3A_276 : vector<16xi32> to vector<32xbf16>
        %parallel_loop3A_278 = arith.mulf %parallel_loop3A_273, %parallel_loop3A_277 : vector<32xbf16>
        %parallel_loop3A_279 = tpu.unpack_subelements %parallel_loop3A_278, 0 {pack_format = #tpu.pack_format<interleaved>} : vector<32xbf16> -> vector<16xf32>
        %parallel_loop3A_280 = tpu.unpack_subelements %parallel_loop3A_278, 1 {pack_format = #tpu.pack_format<interleaved>} : vector<32xbf16> -> vector<16xf32>
        %parallel_loop3A_281 = arith.addf %parallel_loop3A_279, %parallel_loop3A_280 : vector<16xf32>
        %parallel_loop3A_282 = arith.index_cast %parallel_loop3A_269 : i32 to index
        %parallel_loop3A_283 = arith.constant 16 : index
        %parallel_loop3A_284 = tpu.vector_load %arg8[%parallel_loop3A_282, %parallel_loop3A_283] {strides = array<i32>} : memref<80x64xi32, #tpu.memory_space<vmem>>, vector<16xi32>,
        %parallel_loop3A_285 = vector.bitcast %parallel_loop3A_284 : vector<16xi32> to vector<32xbf16>
        %parallel_loop3A_286 = arith.index_cast %parallel_loop3A_269 : i32 to index
        %parallel_loop3A_287 = arith.constant 16 : index
        %parallel_loop3A_288 = tpu.vector_load %arg9[%parallel_loop3A_286, %parallel_loop3A_287] {strides = array<i32>} : memref<80x64xi32, #tpu.memory_space<vmem>>, vector<16xi32>,
        %parallel_loop3A_289 = vector.bitcast %parallel_loop3A_288 : vector<16xi32> to vector<32xbf16>
        %parallel_loop3A_290 = arith.mulf %parallel_loop3A_285, %parallel_loop3A_289 : vector<32xbf16>
        %parallel_loop3A_291 = tpu.unpack_subelements %parallel_loop3A_290, 0 {pack_format = #tpu.pack_format<interleaved>} : vector<32xbf16> -> vector<16xf32>
        %parallel_loop3A_292 = tpu.unpack_subelements %parallel_loop3A_290, 1 {pack_format = #tpu.pack_format<interleaved>} : vector<32xbf16> -> vector<16xf32>
        %parallel_loop3A_293 = arith.addf %parallel_loop3A_291, %parallel_loop3A_292 : vector<16xf32>
        %parallel_loop3A_294 = arith.index_cast %parallel_loop3A_269 : i32 to index
        %parallel_loop3A_295 = arith.constant 32 : index
        %parallel_loop3A_296 = tpu.vector_load %arg8[%parallel_loop3A_294, %parallel_loop3A_295] {strides = array<i32>} : memref<80x64xi32, #tpu.memory_space<vmem>>, vector<16xi32>,
        %parallel_loop3A_297 = vector.bitcast %parallel_loop3A_296 : vector<16xi32> to vector<32xbf16>
        %parallel_loop3A_298 = arith.index_cast %parallel_loop3A_269 : i32 to index
        %parallel_loop3A_299 = arith.constant 32 : index
        %parallel_loop3A_300 = tpu.vector_load %arg9[%parallel_loop3A_298, %parallel_loop3A_299] {strides = array<i32>} : memref<80x64xi32, #tpu.memory_space<vmem>>, vector<16xi32>,
        %parallel_loop3A_301 = vector.bitcast %parallel_loop3A_300 : vector<16xi32> to vector<32xbf16>
        %parallel_loop3A_302 = arith.mulf %parallel_loop3A_297, %parallel_loop3A_301 : vector<32xbf16>
        %parallel_loop3A_303 = tpu.unpack_subelements %parallel_loop3A_302, 0 {pack_format = #tpu.pack_format<interleaved>} : vector<32xbf16> -> vector<16xf32>
        %parallel_loop3A_304 = tpu.unpack_subelements %parallel_loop3A_302, 1 {pack_format = #tpu.pack_format<interleaved>} : vector<32xbf16> -> vector<16xf32>
        %parallel_loop3A_305 = arith.addf %parallel_loop3A_303, %parallel_loop3A_304 : vector<16xf32>
        %parallel_loop3A_306 = arith.index_cast %parallel_loop3A_269 : i32 to index
        %parallel_loop3A_307 = arith.constant 48 : index
        %parallel_loop3A_308 = tpu.vector_load %arg8[%parallel_loop3A_306, %parallel_loop3A_307] {strides = array<i32>} : memref<80x64xi32, #tpu.memory_space<vmem>>, vector<16xi32>,
        %parallel_loop3A_309 = vector.bitcast %parallel_loop3A_308 : vector<16xi32> to vector<32xbf16>
        %parallel_loop3A_310 = arith.index_cast %parallel_loop3A_269 : i32 to index
        %parallel_loop3A_311 = arith.constant 48 : index
        %parallel_loop3A_312 = tpu.vector_load %arg9[%parallel_loop3A_310, %parallel_loop3A_311] {strides = array<i32>} : memref<80x64xi32, #tpu.memory_space<vmem>>, vector<16xi32>,
        %parallel_loop3A_313 = vector.bitcast %parallel_loop3A_312 : vector<16xi32> to vector<32xbf16>
        %parallel_loop3A_314 = arith.mulf %parallel_loop3A_309, %parallel_loop3A_313 : vector<32xbf16>
        %parallel_loop3A_315 = tpu.unpack_subelements %parallel_loop3A_314, 0 {pack_format = #tpu.pack_format<interleaved>} : vector<32xbf16> -> vector<16xf32>
        %parallel_loop3A_316 = tpu.unpack_subelements %parallel_loop3A_314, 1 {pack_format = #tpu.pack_format<interleaved>} : vector<32xbf16> -> vector<16xf32>
        %parallel_loop3A_317 = arith.addf %parallel_loop3A_315, %parallel_loop3A_316 : vector<16xf32>
        %parallel_loop3A_318 = arith.addf %parallel_loop3A_281, %parallel_loop3A_293 : vector<16xf32>
        %parallel_loop3A_319 = arith.addf %parallel_loop3A_305, %parallel_loop3A_317 : vector<16xf32>
        %parallel_loop3A_320 = arith.addf %parallel_loop3A_318, %parallel_loop3A_319 : vector<16xf32>
        %parallel_loop3A_321 = arith.constant 16 : i32
        %parallel_loop3A_322 = arith.muli %parallel_loop3A_100, %parallel_loop3A_321 : i32
        %parallel_loop3A_323 = arith.constant 4 : i32
        %parallel_loop3A_324 = arith.addi %parallel_loop3A_322, %parallel_loop3A_323 : i32
        %parallel_loop3A_325 = arith.index_cast %parallel_loop3A_324 : i32 to index
        %parallel_loop3A_326 = arith.constant 0 : index
        %parallel_loop3A_327 = tpu.vector_load %arg8[%parallel_loop3A_325, %parallel_loop3A_326] {strides = array<i32>} : memref<80x64xi32, #tpu.memory_space<vmem>>, vector<16xi32>,
        %parallel_loop3A_328 = vector.bitcast %parallel_loop3A_327 : vector<16xi32> to vector<32xbf16>
        %parallel_loop3A_329 = arith.index_cast %parallel_loop3A_324 : i32 to index
        %parallel_loop3A_330 = arith.constant 0 : index
        %parallel_loop3A_331 = tpu.vector_load %arg9[%parallel_loop3A_329, %parallel_loop3A_330] {strides = array<i32>} : memref<80x64xi32, #tpu.memory_space<vmem>>, vector<16xi32>,
        %parallel_loop3A_332 = vector.bitcast %parallel_loop3A_331 : vector<16xi32> to vector<32xbf16>
        %parallel_loop3A_333 = arith.mulf %parallel_loop3A_328, %parallel_loop3A_332 : vector<32xbf16>
        %parallel_loop3A_334 = tpu.unpack_subelements %parallel_loop3A_333, 0 {pack_format = #tpu.pack_format<interleaved>} : vector<32xbf16> -> vector<16xf32>
        %parallel_loop3A_335 = tpu.unpack_subelements %parallel_loop3A_333, 1 {pack_format = #tpu.pack_format<interleaved>} : vector<32xbf16> -> vector<16xf32>
        %parallel_loop3A_336 = arith.addf %parallel_loop3A_334, %parallel_loop3A_335 : vector<16xf32>
        %parallel_loop3A_337 = arith.index_cast %parallel_loop3A_324 : i32 to index
        %parallel_loop3A_338 = arith.constant 16 : index
        %parallel_loop3A_339 = tpu.vector_load %arg8[%parallel_loop3A_337, %parallel_loop3A_338] {strides = array<i32>} : memref<80x64xi32, #tpu.memory_space<vmem>>, vector<16xi32>,
        %parallel_loop3A_340 = vector.bitcast %parallel_loop3A_339 : vector<16xi32> to vector<32xbf16>
        %parallel_loop3A_341 = arith.index_cast %parallel_loop3A_324 : i32 to index
        %parallel_loop3A_342 = arith.constant 16 : index
        %parallel_loop3A_343 = tpu.vector_load %arg9[%parallel_loop3A_341, %parallel_loop3A_342] {strides = array<i32>} : memref<80x64xi32, #tpu.memory_space<vmem>>, vector<16xi32>,
        %parallel_loop3A_344 = vector.bitcast %parallel_loop3A_343 : vector<16xi32> to vector<32xbf16>
        %parallel_loop3A_345 = arith.mulf %parallel_loop3A_340, %parallel_loop3A_344 : vector<32xbf16>
        %parallel_loop3A_346 = tpu.unpack_subelements %parallel_loop3A_345, 0 {pack_format = #tpu.pack_format<interleaved>} : vector<32xbf16> -> vector<16xf32>
        %parallel_loop3A_347 = tpu.unpack_subelements %parallel_loop3A_345, 1 {pack_format = #tpu.pack_format<interleaved>} : vector<32xbf16> -> vector<16xf32>
        %parallel_loop3A_348 = arith.addf %parallel_loop3A_346, %parallel_loop3A_347 : vector<16xf32>
        %parallel_loop3A_349 = arith.index_cast %parallel_loop3A_324 : i32 to index
        %parallel_loop3A_350 = arith.constant 32 : index
        %parallel_loop3A_351 = tpu.vector_load %arg8[%parallel_loop3A_349, %parallel_loop3A_350] {strides = array<i32>} : memref<80x64xi32, #tpu.memory_space<vmem>>, vector<16xi32>,
        %parallel_loop3A_352 = vector.bitcast %parallel_loop3A_351 : vector<16xi32> to vector<32xbf16>
        %parallel_loop3A_353 = arith.index_cast %parallel_loop3A_324 : i32 to index
        %parallel_loop3A_354 = arith.constant 32 : index
        %parallel_loop3A_355 = tpu.vector_load %arg9[%parallel_loop3A_353, %parallel_loop3A_354] {strides = array<i32>} : memref<80x64xi32, #tpu.memory_space<vmem>>, vector<16xi32>,
        %parallel_loop3A_356 = vector.bitcast %parallel_loop3A_355 : vector<16xi32> to vector<32xbf16>
        %parallel_loop3A_357 = arith.mulf %parallel_loop3A_352, %parallel_loop3A_356 : vector<32xbf16>
        %parallel_loop3A_358 = tpu.unpack_subelements %parallel_loop3A_357, 0 {pack_format = #tpu.pack_format<interleaved>} : vector<32xbf16> -> vector<16xf32>
        %parallel_loop3A_359 = tpu.unpack_subelements %parallel_loop3A_357, 1 {pack_format = #tpu.pack_format<interleaved>} : vector<32xbf16> -> vector<16xf32>
        %parallel_loop3A_360 = arith.addf %parallel_loop3A_358, %parallel_loop3A_359 : vector<16xf32>
        %parallel_loop3A_361 = arith.index_cast %parallel_loop3A_324 : i32 to index
        %parallel_loop3A_362 = arith.constant 48 : index
        %parallel_loop3A_363 = tpu.vector_load %arg8[%parallel_loop3A_361, %parallel_loop3A_362] {strides = array<i32>} : memref<80x64xi32, #tpu.memory_space<vmem>>, vector<16xi32>,
        %parallel_loop3A_364 = vector.bitcast %parallel_loop3A_363 : vector<16xi32> to vector<32xbf16>
        %parallel_loop3A_365 = arith.index_cast %parallel_loop3A_324 : i32 to index
        %parallel_loop3A_366 = arith.constant 48 : index
        %parallel_loop3A_367 = tpu.vector_load %arg9[%parallel_loop3A_365, %parallel_loop3A_366] {strides = array<i32>} : memref<80x64xi32, #tpu.memory_space<vmem>>, vector<16xi32>,
        %parallel_loop3A_368 = vector.bitcast %parallel_loop3A_367 : vector<16xi32> to vector<32xbf16>
        %parallel_loop3A_369 = arith.mulf %parallel_loop3A_364, %parallel_loop3A_368 : vector<32xbf16>
        %parallel_loop3A_370 = tpu.unpack_subelements %parallel_loop3A_369, 0 {pack_format = #tpu.pack_format<interleaved>} : vector<32xbf16> -> vector<16xf32>
        %parallel_loop3A_371 = tpu.unpack_subelements %parallel_loop3A_369, 1 {pack_format = #tpu.pack_format<interleaved>} : vector<32xbf16> -> vector<16xf32>
        %parallel_loop3A_372 = arith.addf %parallel_loop3A_370, %parallel_loop3A_371 : vector<16xf32>
        %parallel_loop3A_373 = arith.addf %parallel_loop3A_336, %parallel_loop3A_348 : vector<16xf32>
        %parallel_loop3A_374 = arith.addf %parallel_loop3A_360, %parallel_loop3A_372 : vector<16xf32>
        %parallel_loop3A_375 = arith.addf %parallel_loop3A_373, %parallel_loop3A_374 : vector<16xf32>
        %parallel_loop3A_376 = arith.constant 16 : i32
        %parallel_loop3A_377 = arith.muli %parallel_loop3A_100, %parallel_loop3A_376 : i32
        %parallel_loop3A_378 = arith.constant 5 : i32
        %parallel_loop3A_379 = arith.addi %parallel_loop3A_377, %parallel_loop3A_378 : i32
        %parallel_loop3A_380 = arith.index_cast %parallel_loop3A_379 : i32 to index
        %parallel_loop3A_381 = arith.constant 0 : index
        %parallel_loop3A_382 = tpu.vector_load %arg8[%parallel_loop3A_380, %parallel_loop3A_381] {strides = array<i32>} : memref<80x64xi32, #tpu.memory_space<vmem>>, vector<16xi32>,
        %parallel_loop3A_383 = vector.bitcast %parallel_loop3A_382 : vector<16xi32> to vector<32xbf16>
        %parallel_loop3A_384 = arith.index_cast %parallel_loop3A_379 : i32 to index
        %parallel_loop3A_385 = arith.constant 0 : index
        %parallel_loop3A_386 = tpu.vector_load %arg9[%parallel_loop3A_384, %parallel_loop3A_385] {strides = array<i32>} : memref<80x64xi32, #tpu.memory_space<vmem>>, vector<16xi32>,
        %parallel_loop3A_387 = vector.bitcast %parallel_loop3A_386 : vector<16xi32> to vector<32xbf16>
        %parallel_loop3A_388 = arith.mulf %parallel_loop3A_383, %parallel_loop3A_387 : vector<32xbf16>
        %parallel_loop3A_389 = tpu.unpack_subelements %parallel_loop3A_388, 0 {pack_format = #tpu.pack_format<interleaved>} : vector<32xbf16> -> vector<16xf32>
        %parallel_loop3A_390 = tpu.unpack_subelements %parallel_loop3A_388, 1 {pack_format = #tpu.pack_format<interleaved>} : vector<32xbf16> -> vector<16xf32>
        %parallel_loop3A_391 = arith.addf %parallel_loop3A_389, %parallel_loop3A_390 : vector<16xf32>
        %parallel_loop3A_392 = arith.index_cast %parallel_loop3A_379 : i32 to index
        %parallel_loop3A_393 = arith.constant 16 : index
        %parallel_loop3A_394 = tpu.vector_load %arg8[%parallel_loop3A_392, %parallel_loop3A_393] {strides = array<i32>} : memref<80x64xi32, #tpu.memory_space<vmem>>, vector<16xi32>,
        %parallel_loop3A_395 = vector.bitcast %parallel_loop3A_394 : vector<16xi32> to vector<32xbf16>
        %parallel_loop3A_396 = arith.index_cast %parallel_loop3A_379 : i32 to index
        %parallel_loop3A_397 = arith.constant 16 : index
        %parallel_loop3A_398 = tpu.vector_load %arg9[%parallel_loop3A_396, %parallel_loop3A_397] {strides = array<i32>} : memref<80x64xi32, #tpu.memory_space<vmem>>, vector<16xi32>,
        %parallel_loop3A_399 = vector.bitcast %parallel_loop3A_398 : vector<16xi32> to vector<32xbf16>
        %parallel_loop3A_400 = arith.mulf %parallel_loop3A_395, %parallel_loop3A_399 : vector<32xbf16>
        %parallel_loop3A_401 = tpu.unpack_subelements %parallel_loop3A_400, 0 {pack_format = #tpu.pack_format<interleaved>} : vector<32xbf16> -> vector<16xf32>
        %parallel_loop3A_402 = tpu.unpack_subelements %parallel_loop3A_400, 1 {pack_format = #tpu.pack_format<interleaved>} : vector<32xbf16> -> vector<16xf32>
        %parallel_loop3A_403 = arith.addf %parallel_loop3A_401, %parallel_loop3A_402 : vector<16xf32>
        %parallel_loop3A_404 = arith.index_cast %parallel_loop3A_379 : i32 to index
        %parallel_loop3A_405 = arith.constant 32 : index
        %parallel_loop3A_406 = tpu.vector_load %arg8[%parallel_loop3A_404, %parallel_loop3A_405] {strides = array<i32>} : memref<80x64xi32, #tpu.memory_space<vmem>>, vector<16xi32>,
        %parallel_loop3A_407 = vector.bitcast %parallel_loop3A_406 : vector<16xi32> to vector<32xbf16>
        %parallel_loop3A_408 = arith.index_cast %parallel_loop3A_379 : i32 to index
        %parallel_loop3A_409 = arith.constant 32 : index
        %parallel_loop3A_410 = tpu.vector_load %arg9[%parallel_loop3A_408, %parallel_loop3A_409] {strides = array<i32>} : memref<80x64xi32, #tpu.memory_space<vmem>>, vector<16xi32>,
        %parallel_loop3A_411 = vector.bitcast %parallel_loop3A_410 : vector<16xi32> to vector<32xbf16>
        %parallel_loop3A_412 = arith.mulf %parallel_loop3A_407, %parallel_loop3A_411 : vector<32xbf16>
        %parallel_loop3A_413 = tpu.unpack_subelements %parallel_loop3A_412, 0 {pack_format = #tpu.pack_format<interleaved>} : vector<32xbf16> -> vector<16xf32>
        %parallel_loop3A_414 = tpu.unpack_subelements %parallel_loop3A_412, 1 {pack_format = #tpu.pack_format<interleaved>} : vector<32xbf16> -> vector<16xf32>
        %parallel_loop3A_415 = arith.addf %parallel_loop3A_413, %parallel_loop3A_414 : vector<16xf32>
        %parallel_loop3A_416 = arith.index_cast %parallel_loop3A_379 : i32 to index
        %parallel_loop3A_417 = arith.constant 48 : index
        %parallel_loop3A_418 = tpu.vector_load %arg8[%parallel_loop3A_416, %parallel_loop3A_417] {strides = array<i32>} : memref<80x64xi32, #tpu.memory_space<vmem>>, vector<16xi32>,
        %parallel_loop3A_419 = vector.bitcast %parallel_loop3A_418 : vector<16xi32> to vector<32xbf16>
        %parallel_loop3A_420 = arith.index_cast %parallel_loop3A_379 : i32 to index
        %parallel_loop3A_421 = arith.constant 48 : index
        %parallel_loop3A_422 = tpu.vector_load %arg9[%parallel_loop3A_420, %parallel_loop3A_421] {strides = array<i32>} : memref<80x64xi32, #tpu.memory_space<vmem>>, vector<16xi32>,
        %parallel_loop3A_423 = vector.bitcast %parallel_loop3A_422 : vector<16xi32> to vector<32xbf16>
        %parallel_loop3A_424 = arith.mulf %parallel_loop3A_419, %parallel_loop3A_423 : vector<32xbf16>
        %parallel_loop3A_425 = tpu.unpack_subelements %parallel_loop3A_424, 0 {pack_format = #tpu.pack_format<interleaved>} : vector<32xbf16> -> vector<16xf32>
        %parallel_loop3A_426 = tpu.unpack_subelements %parallel_loop3A_424, 1 {pack_format = #tpu.pack_format<interleaved>} : vector<32xbf16> -> vector<16xf32>
        %parallel_loop3A_427 = arith.addf %parallel_loop3A_425, %parallel_loop3A_426 : vector<16xf32>
        %parallel_loop3A_428 = arith.addf %parallel_loop3A_391, %parallel_loop3A_403 : vector<16xf32>
        %parallel_loop3A_429 = arith.addf %parallel_loop3A_415, %parallel_loop3A_427 : vector<16xf32>
        %parallel_loop3A_430 = arith.addf %parallel_loop3A_428, %parallel_loop3A_429 : vector<16xf32>
        %parallel_loop3A_431 = arith.constant 16 : i32
        %parallel_loop3A_432 = arith.muli %parallel_loop3A_100, %parallel_loop3A_431 : i32
        %parallel_loop3A_433 = arith.constant 6 : i32
        %parallel_loop3A_434 = arith.addi %parallel_loop3A_432, %parallel_loop3A_433 : i32
        %parallel_loop3A_435 = arith.index_cast %parallel_loop3A_434 : i32 to index
        %parallel_loop3A_436 = arith.constant 0 : index
        %parallel_loop3A_437 = tpu.vector_load %arg8[%parallel_loop3A_435, %parallel_loop3A_436] {strides = array<i32>} : memref<80x64xi32, #tpu.memory_space<vmem>>, vector<16xi32>,
        %parallel_loop3A_438 = vector.bitcast %parallel_loop3A_437 : vector<16xi32> to vector<32xbf16>
        %parallel_loop3A_439 = arith.index_cast %parallel_loop3A_434 : i32 to index
        %parallel_loop3A_440 = arith.constant 0 : index
        %parallel_loop3A_441 = tpu.vector_load %arg9[%parallel_loop3A_439, %parallel_loop3A_440] {strides = array<i32>} : memref<80x64xi32, #tpu.memory_space<vmem>>, vector<16xi32>,
        %parallel_loop3A_442 = vector.bitcast %parallel_loop3A_441 : vector<16xi32> to vector<32xbf16>
        %parallel_loop3A_443 = arith.mulf %parallel_loop3A_438, %parallel_loop3A_442 : vector<32xbf16>
        %parallel_loop3A_444 = tpu.unpack_subelements %parallel_loop3A_443, 0 {pack_format = #tpu.pack_format<interleaved>} : vector<32xbf16> -> vector<16xf32>
        %parallel_loop3A_445 = tpu.unpack_subelements %parallel_loop3A_443, 1 {pack_format = #tpu.pack_format<interleaved>} : vector<32xbf16> -> vector<16xf32>
        %parallel_loop3A_446 = arith.addf %parallel_loop3A_444, %parallel_loop3A_445 : vector<16xf32>
        %parallel_loop3A_447 = arith.index_cast %parallel_loop3A_434 : i32 to index
        %parallel_loop3A_448 = arith.constant 16 : index
        %parallel_loop3A_449 = tpu.vector_load %arg8[%parallel_loop3A_447, %parallel_loop3A_448] {strides = array<i32>} : memref<80x64xi32, #tpu.memory_space<vmem>>, vector<16xi32>,
        %parallel_loop3A_450 = vector.bitcast %parallel_loop3A_449 : vector<16xi32> to vector<32xbf16>
        %parallel_loop3A_451 = arith.index_cast %parallel_loop3A_434 : i32 to index
        %parallel_loop3A_452 = arith.constant 16 : index
        %parallel_loop3A_453 = tpu.vector_load %arg9[%parallel_loop3A_451, %parallel_loop3A_452] {strides = array<i32>} : memref<80x64xi32, #tpu.memory_space<vmem>>, vector<16xi32>,
        %parallel_loop3A_454 = vector.bitcast %parallel_loop3A_453 : vector<16xi32> to vector<32xbf16>
        %parallel_loop3A_455 = arith.mulf %parallel_loop3A_450, %parallel_loop3A_454 : vector<32xbf16>
        %parallel_loop3A_456 = tpu.unpack_subelements %parallel_loop3A_455, 0 {pack_format = #tpu.pack_format<interleaved>} : vector<32xbf16> -> vector<16xf32>
        %parallel_loop3A_457 = tpu.unpack_subelements %parallel_loop3A_455, 1 {pack_format = #tpu.pack_format<interleaved>} : vector<32xbf16> -> vector<16xf32>
        %parallel_loop3A_458 = arith.addf %parallel_loop3A_456, %parallel_loop3A_457 : vector<16xf32>
        %parallel_loop3A_459 = arith.index_cast %parallel_loop3A_434 : i32 to index
        %parallel_loop3A_460 = arith.constant 32 : index
        %parallel_loop3A_461 = tpu.vector_load %arg8[%parallel_loop3A_459, %parallel_loop3A_460] {strides = array<i32>} : memref<80x64xi32, #tpu.memory_space<vmem>>, vector<16xi32>,
        %parallel_loop3A_462 = vector.bitcast %parallel_loop3A_461 : vector<16xi32> to vector<32xbf16>
        %parallel_loop3A_463 = arith.index_cast %parallel_loop3A_434 : i32 to index
        %parallel_loop3A_464 = arith.constant 32 : index
        %parallel_loop3A_465 = tpu.vector_load %arg9[%parallel_loop3A_463, %parallel_loop3A_464] {strides = array<i32>} : memref<80x64xi32, #tpu.memory_space<vmem>>, vector<16xi32>,
        %parallel_loop3A_466 = vector.bitcast %parallel_loop3A_465 : vector<16xi32> to vector<32xbf16>
        %parallel_loop3A_467 = arith.mulf %parallel_loop3A_462, %parallel_loop3A_466 : vector<32xbf16>
        %parallel_loop3A_468 = tpu.unpack_subelements %parallel_loop3A_467, 0 {pack_format = #tpu.pack_format<interleaved>} : vector<32xbf16> -> vector<16xf32>
        %parallel_loop3A_469 = tpu.unpack_subelements %parallel_loop3A_467, 1 {pack_format = #tpu.pack_format<interleaved>} : vector<32xbf16> -> vector<16xf32>
        %parallel_loop3A_470 = arith.addf %parallel_loop3A_468, %parallel_loop3A_469 : vector<16xf32>
        %parallel_loop3A_471 = arith.index_cast %parallel_loop3A_434 : i32 to index
        %parallel_loop3A_472 = arith.constant 48 : index
        %parallel_loop3A_473 = tpu.vector_load %arg8[%parallel_loop3A_471, %parallel_loop3A_472] {strides = array<i32>} : memref<80x64xi32, #tpu.memory_space<vmem>>, vector<16xi32>,
        %parallel_loop3A_474 = vector.bitcast %parallel_loop3A_473 : vector<16xi32> to vector<32xbf16>
        %parallel_loop3A_475 = arith.index_cast %parallel_loop3A_434 : i32 to index
        %parallel_loop3A_476 = arith.constant 48 : index
        %parallel_loop3A_477 = tpu.vector_load %arg9[%parallel_loop3A_475, %parallel_loop3A_476] {strides = array<i32>} : memref<80x64xi32, #tpu.memory_space<vmem>>, vector<16xi32>,
        %parallel_loop3A_478 = vector.bitcast %parallel_loop3A_477 : vector<16xi32> to vector<32xbf16>
        %parallel_loop3A_479 = arith.mulf %parallel_loop3A_474, %parallel_loop3A_478 : vector<32xbf16>
        %parallel_loop3A_480 = tpu.unpack_subelements %parallel_loop3A_479, 0 {pack_format = #tpu.pack_format<interleaved>} : vector<32xbf16> -> vector<16xf32>
        %parallel_loop3A_481 = tpu.unpack_subelements %parallel_loop3A_479, 1 {pack_format = #tpu.pack_format<interleaved>} : vector<32xbf16> -> vector<16xf32>
        %parallel_loop3A_482 = arith.addf %parallel_loop3A_480, %parallel_loop3A_481 : vector<16xf32>
        %parallel_loop3A_483 = arith.addf %parallel_loop3A_446, %parallel_loop3A_458 : vector<16xf32>
        %parallel_loop3A_484 = arith.addf %parallel_loop3A_470, %parallel_loop3A_482 : vector<16xf32>
        %parallel_loop3A_485 = arith.addf %parallel_loop3A_483, %parallel_loop3A_484 : vector<16xf32>
        %parallel_loop3A_486 = arith.constant 16 : i32
        %parallel_loop3A_487 = arith.muli %parallel_loop3A_100, %parallel_loop3A_486 : i32
        %parallel_loop3A_488 = arith.constant 7 : i32
        %parallel_loop3A_489 = arith.addi %parallel_loop3A_487, %parallel_loop3A_488 : i32
        %parallel_loop3A_490 = arith.index_cast %parallel_loop3A_489 : i32 to index
        %parallel_loop3A_491 = arith.constant 0 : index
        %parallel_loop3A_492 = tpu.vector_load %arg8[%parallel_loop3A_490, %parallel_loop3A_491] {strides = array<i32>} : memref<80x64xi32, #tpu.memory_space<vmem>>, vector<16xi32>,
        %parallel_loop3A_493 = vector.bitcast %parallel_loop3A_492 : vector<16xi32> to vector<32xbf16>
        %parallel_loop3A_494 = arith.index_cast %parallel_loop3A_489 : i32 to index
        %parallel_loop3A_495 = arith.constant 0 : index
        %parallel_loop3A_496 = tpu.vector_load %arg9[%parallel_loop3A_494, %parallel_loop3A_495] {strides = array<i32>} : memref<80x64xi32, #tpu.memory_space<vmem>>, vector<16xi32>,
        %parallel_loop3A_497 = vector.bitcast %parallel_loop3A_496 : vector<16xi32> to vector<32xbf16>
        %parallel_loop3A_498 = arith.mulf %parallel_loop3A_493, %parallel_loop3A_497 : vector<32xbf16>
        %parallel_loop3A_499 = tpu.unpack_subelements %parallel_loop3A_498, 0 {pack_format = #tpu.pack_format<interleaved>} : vector<32xbf16> -> vector<16xf32>
        %parallel_loop3A_500 = tpu.unpack_subelements %parallel_loop3A_498, 1 {pack_format = #tpu.pack_format<interleaved>} : vector<32xbf16> -> vector<16xf32>
        %parallel_loop3A_501 = arith.addf %parallel_loop3A_499, %parallel_loop3A_500 : vector<16xf32>
        %parallel_loop3A_502 = arith.index_cast %parallel_loop3A_489 : i32 to index
        %parallel_loop3A_503 = arith.constant 16 : index
        %parallel_loop3A_504 = tpu.vector_load %arg8[%parallel_loop3A_502, %parallel_loop3A_503] {strides = array<i32>} : memref<80x64xi32, #tpu.memory_space<vmem>>, vector<16xi32>,
        %parallel_loop3A_505 = vector.bitcast %parallel_loop3A_504 : vector<16xi32> to vector<32xbf16>
        %parallel_loop3A_506 = arith.index_cast %parallel_loop3A_489 : i32 to index
        %parallel_loop3A_507 = arith.constant 16 : index
        %parallel_loop3A_508 = tpu.vector_load %arg9[%parallel_loop3A_506, %parallel_loop3A_507] {strides = array<i32>} : memref<80x64xi32, #tpu.memory_space<vmem>>, vector<16xi32>,
        %parallel_loop3A_509 = vector.bitcast %parallel_loop3A_508 : vector<16xi32> to vector<32xbf16>
        %parallel_loop3A_510 = arith.mulf %parallel_loop3A_505, %parallel_loop3A_509 : vector<32xbf16>
        %parallel_loop3A_511 = tpu.unpack_subelements %parallel_loop3A_510, 0 {pack_format = #tpu.pack_format<interleaved>} : vector<32xbf16> -> vector<16xf32>
        %parallel_loop3A_512 = tpu.unpack_subelements %parallel_loop3A_510, 1 {pack_format = #tpu.pack_format<interleaved>} : vector<32xbf16> -> vector<16xf32>
        %parallel_loop3A_513 = arith.addf %parallel_loop3A_511, %parallel_loop3A_512 : vector<16xf32>
        %parallel_loop3A_514 = arith.index_cast %parallel_loop3A_489 : i32 to index
        %parallel_loop3A_515 = arith.constant 32 : index
        %parallel_loop3A_516 = tpu.vector_load %arg8[%parallel_loop3A_514, %parallel_loop3A_515] {strides = array<i32>} : memref<80x64xi32, #tpu.memory_space<vmem>>, vector<16xi32>,
        %parallel_loop3A_517 = vector.bitcast %parallel_loop3A_516 : vector<16xi32> to vector<32xbf16>
        %parallel_loop3A_518 = arith.index_cast %parallel_loop3A_489 : i32 to index
        %parallel_loop3A_519 = arith.constant 32 : index
        %parallel_loop3A_520 = tpu.vector_load %arg9[%parallel_loop3A_518, %parallel_loop3A_519] {strides = array<i32>} : memref<80x64xi32, #tpu.memory_space<vmem>>, vector<16xi32>,
        %parallel_loop3A_521 = vector.bitcast %parallel_loop3A_520 : vector<16xi32> to vector<32xbf16>
        %parallel_loop3A_522 = arith.mulf %parallel_loop3A_517, %parallel_loop3A_521 : vector<32xbf16>
        %parallel_loop3A_523 = tpu.unpack_subelements %parallel_loop3A_522, 0 {pack_format = #tpu.pack_format<interleaved>} : vector<32xbf16> -> vector<16xf32>
        %parallel_loop3A_524 = tpu.unpack_subelements %parallel_loop3A_522, 1 {pack_format = #tpu.pack_format<interleaved>} : vector<32xbf16> -> vector<16xf32>
        %parallel_loop3A_525 = arith.addf %parallel_loop3A_523, %parallel_loop3A_524 : vector<16xf32>
        %parallel_loop3A_526 = arith.index_cast %parallel_loop3A_489 : i32 to index
        %parallel_loop3A_527 = arith.constant 48 : index
        %parallel_loop3A_528 = tpu.vector_load %arg8[%parallel_loop3A_526, %parallel_loop3A_527] {strides = array<i32>} : memref<80x64xi32, #tpu.memory_space<vmem>>, vector<16xi32>,
        %parallel_loop3A_529 = vector.bitcast %parallel_loop3A_528 : vector<16xi32> to vector<32xbf16>
        %parallel_loop3A_530 = arith.index_cast %parallel_loop3A_489 : i32 to index
        %parallel_loop3A_531 = arith.constant 48 : index
        %parallel_loop3A_532 = tpu.vector_load %arg9[%parallel_loop3A_530, %parallel_loop3A_531] {strides = array<i32>} : memref<80x64xi32, #tpu.memory_space<vmem>>, vector<16xi32>,
        %parallel_loop3A_533 = vector.bitcast %parallel_loop3A_532 : vector<16xi32> to vector<32xbf16>
        %parallel_loop3A_534 = arith.mulf %parallel_loop3A_529, %parallel_loop3A_533 : vector<32xbf16>
        %parallel_loop3A_535 = tpu.unpack_subelements %parallel_loop3A_534, 0 {pack_format = #tpu.pack_format<interleaved>} : vector<32xbf16> -> vector<16xf32>
        %parallel_loop3A_536 = tpu.unpack_subelements %parallel_loop3A_534, 1 {pack_format = #tpu.pack_format<interleaved>} : vector<32xbf16> -> vector<16xf32>
        %parallel_loop3A_537 = arith.addf %parallel_loop3A_535, %parallel_loop3A_536 : vector<16xf32>
        %parallel_loop3A_538 = arith.addf %parallel_loop3A_501, %parallel_loop3A_513 : vector<16xf32>
        %parallel_loop3A_539 = arith.addf %parallel_loop3A_525, %parallel_loop3A_537 : vector<16xf32>
        %parallel_loop3A_540 = arith.addf %parallel_loop3A_538, %parallel_loop3A_539 : vector<16xf32>
        %parallel_loop3A_541 = arith.constant 16 : i32
        %parallel_loop3A_542 = arith.muli %parallel_loop3A_100, %parallel_loop3A_541 : i32
        %parallel_loop3A_543 = arith.constant 8 : i32
        %parallel_loop3A_544 = arith.addi %parallel_loop3A_542, %parallel_loop3A_543 : i32
        %parallel_loop3A_545 = arith.index_cast %parallel_loop3A_544 : i32 to index
        %parallel_loop3A_546 = arith.constant 0 : index
        %parallel_loop3A_547 = tpu.vector_load %arg8[%parallel_loop3A_545, %parallel_loop3A_546] {strides = array<i32>} : memref<80x64xi32, #tpu.memory_space<vmem>>, vector<16xi32>,
        %parallel_loop3A_548 = vector.bitcast %parallel_loop3A_547 : vector<16xi32> to vector<32xbf16>
        %parallel_loop3A_549 = arith.index_cast %parallel_loop3A_544 : i32 to index
        %parallel_loop3A_550 = arith.constant 0 : index
        %parallel_loop3A_551 = tpu.vector_load %arg9[%parallel_loop3A_549, %parallel_loop3A_550] {strides = array<i32>} : memref<80x64xi32, #tpu.memory_space<vmem>>, vector<16xi32>,
        %parallel_loop3A_552 = vector.bitcast %parallel_loop3A_551 : vector<16xi32> to vector<32xbf16>
        %parallel_loop3A_553 = arith.mulf %parallel_loop3A_548, %parallel_loop3A_552 : vector<32xbf16>
        %parallel_loop3A_554 = tpu.unpack_subelements %parallel_loop3A_553, 0 {pack_format = #tpu.pack_format<interleaved>} : vector<32xbf16> -> vector<16xf32>
        %parallel_loop3A_555 = tpu.unpack_subelements %parallel_loop3A_553, 1 {pack_format = #tpu.pack_format<interleaved>} : vector<32xbf16> -> vector<16xf32>
        %parallel_loop3A_556 = arith.addf %parallel_loop3A_554, %parallel_loop3A_555 : vector<16xf32>
        %parallel_loop3A_557 = arith.index_cast %parallel_loop3A_544 : i32 to index
        %parallel_loop3A_558 = arith.constant 16 : index
        %parallel_loop3A_559 = tpu.vector_load %arg8[%parallel_loop3A_557, %parallel_loop3A_558] {strides = array<i32>} : memref<80x64xi32, #tpu.memory_space<vmem>>, vector<16xi32>,
        %parallel_loop3A_560 = vector.bitcast %parallel_loop3A_559 : vector<16xi32> to vector<32xbf16>
        %parallel_loop3A_561 = arith.index_cast %parallel_loop3A_544 : i32 to index
        %parallel_loop3A_562 = arith.constant 16 : index
        %parallel_loop3A_563 = tpu.vector_load %arg9[%parallel_loop3A_561, %parallel_loop3A_562] {strides = array<i32>} : memref<80x64xi32, #tpu.memory_space<vmem>>, vector<16xi32>,
        %parallel_loop3A_564 = vector.bitcast %parallel_loop3A_563 : vector<16xi32> to vector<32xbf16>
        %parallel_loop3A_565 = arith.mulf %parallel_loop3A_560, %parallel_loop3A_564 : vector<32xbf16>
        %parallel_loop3A_566 = tpu.unpack_subelements %parallel_loop3A_565, 0 {pack_format = #tpu.pack_format<interleaved>} : vector<32xbf16> -> vector<16xf32>
        %parallel_loop3A_567 = tpu.unpack_subelements %parallel_loop3A_565, 1 {pack_format = #tpu.pack_format<interleaved>} : vector<32xbf16> -> vector<16xf32>
        %parallel_loop3A_568 = arith.addf %parallel_loop3A_566, %parallel_loop3A_567 : vector<16xf32>
        %parallel_loop3A_569 = arith.index_cast %parallel_loop3A_544 : i32 to index
        %parallel_loop3A_570 = arith.constant 32 : index
        %parallel_loop3A_571 = tpu.vector_load %arg8[%parallel_loop3A_569, %parallel_loop3A_570] {strides = array<i32>} : memref<80x64xi32, #tpu.memory_space<vmem>>, vector<16xi32>,
        %parallel_loop3A_572 = vector.bitcast %parallel_loop3A_571 : vector<16xi32> to vector<32xbf16>
        %parallel_loop3A_573 = arith.index_cast %parallel_loop3A_544 : i32 to index
        %parallel_loop3A_574 = arith.constant 32 : index
        %parallel_loop3A_575 = tpu.vector_load %arg9[%parallel_loop3A_573, %parallel_loop3A_574] {strides = array<i32>} : memref<80x64xi32, #tpu.memory_space<vmem>>, vector<16xi32>,
        %parallel_loop3A_576 = vector.bitcast %parallel_loop3A_575 : vector<16xi32> to vector<32xbf16>
        %parallel_loop3A_577 = arith.mulf %parallel_loop3A_572, %parallel_loop3A_576 : vector<32xbf16>
        %parallel_loop3A_578 = tpu.unpack_subelements %parallel_loop3A_577, 0 {pack_format = #tpu.pack_format<interleaved>} : vector<32xbf16> -> vector<16xf32>
        %parallel_loop3A_579 = tpu.unpack_subelements %parallel_loop3A_577, 1 {pack_format = #tpu.pack_format<interleaved>} : vector<32xbf16> -> vector<16xf32>
        %parallel_loop3A_580 = arith.addf %parallel_loop3A_578, %parallel_loop3A_579 : vector<16xf32>
        %parallel_loop3A_581 = arith.index_cast %parallel_loop3A_544 : i32 to index
        %parallel_loop3A_582 = arith.constant 48 : index
        %parallel_loop3A_583 = tpu.vector_load %arg8[%parallel_loop3A_581, %parallel_loop3A_582] {strides = array<i32>} : memref<80x64xi32, #tpu.memory_space<vmem>>, vector<16xi32>,
        %parallel_loop3A_584 = vector.bitcast %parallel_loop3A_583 : vector<16xi32> to vector<32xbf16>
        %parallel_loop3A_585 = arith.index_cast %parallel_loop3A_544 : i32 to index
        %parallel_loop3A_586 = arith.constant 48 : index
        %parallel_loop3A_587 = tpu.vector_load %arg9[%parallel_loop3A_585, %parallel_loop3A_586] {strides = array<i32>} : memref<80x64xi32, #tpu.memory_space<vmem>>, vector<16xi32>,
        %parallel_loop3A_588 = vector.bitcast %parallel_loop3A_587 : vector<16xi32> to vector<32xbf16>
        %parallel_loop3A_589 = arith.mulf %parallel_loop3A_584, %parallel_loop3A_588 : vector<32xbf16>
        %parallel_loop3A_590 = tpu.unpack_subelements %parallel_loop3A_589, 0 {pack_format = #tpu.pack_format<interleaved>} : vector<32xbf16> -> vector<16xf32>
        %parallel_loop3A_591 = tpu.unpack_subelements %parallel_loop3A_589, 1 {pack_format = #tpu.pack_format<interleaved>} : vector<32xbf16> -> vector<16xf32>
        %parallel_loop3A_592 = arith.addf %parallel_loop3A_590, %parallel_loop3A_591 : vector<16xf32>
        %parallel_loop3A_593 = arith.addf %parallel_loop3A_556, %parallel_loop3A_568 : vector<16xf32>
        %parallel_loop3A_594 = arith.addf %parallel_loop3A_580, %parallel_loop3A_592 : vector<16xf32>
        %parallel_loop3A_595 = arith.addf %parallel_loop3A_593, %parallel_loop3A_594 : vector<16xf32>
        %parallel_loop3A_596 = arith.constant 16 : i32
        %parallel_loop3A_597 = arith.muli %parallel_loop3A_100, %parallel_loop3A_596 : i32
        %parallel_loop3A_598 = arith.constant 9 : i32
        %parallel_loop3A_599 = arith.addi %parallel_loop3A_597, %parallel_loop3A_598 : i32
        %parallel_loop3A_600 = arith.index_cast %parallel_loop3A_599 : i32 to index
        %parallel_loop3A_601 = arith.constant 0 : index
        %parallel_loop3A_602 = tpu.vector_load %arg8[%parallel_loop3A_600, %parallel_loop3A_601] {strides = array<i32>} : memref<80x64xi32, #tpu.memory_space<vmem>>, vector<16xi32>,
        %parallel_loop3A_603 = vector.bitcast %parallel_loop3A_602 : vector<16xi32> to vector<32xbf16>
        %parallel_loop3A_604 = arith.index_cast %parallel_loop3A_599 : i32 to index
        %parallel_loop3A_605 = arith.constant 0 : index
        %parallel_loop3A_606 = tpu.vector_load %arg9[%parallel_loop3A_604, %parallel_loop3A_605] {strides = array<i32>} : memref<80x64xi32, #tpu.memory_space<vmem>>, vector<16xi32>,
        %parallel_loop3A_607 = vector.bitcast %parallel_loop3A_606 : vector<16xi32> to vector<32xbf16>
        %parallel_loop3A_608 = arith.mulf %parallel_loop3A_603, %parallel_loop3A_607 : vector<32xbf16>
        %parallel_loop3A_609 = tpu.unpack_subelements %parallel_loop3A_608, 0 {pack_format = #tpu.pack_format<interleaved>} : vector<32xbf16> -> vector<16xf32>
        %parallel_loop3A_610 = tpu.unpack_subelements %parallel_loop3A_608, 1 {pack_format = #tpu.pack_format<interleaved>} : vector<32xbf16> -> vector<16xf32>
        %parallel_loop3A_611 = arith.addf %parallel_loop3A_609, %parallel_loop3A_610 : vector<16xf32>
        %parallel_loop3A_612 = arith.index_cast %parallel_loop3A_599 : i32 to index
        %parallel_loop3A_613 = arith.constant 16 : index
        %parallel_loop3A_614 = tpu.vector_load %arg8[%parallel_loop3A_612, %parallel_loop3A_613] {strides = array<i32>} : memref<80x64xi32, #tpu.memory_space<vmem>>, vector<16xi32>,
        %parallel_loop3A_615 = vector.bitcast %parallel_loop3A_614 : vector<16xi32> to vector<32xbf16>
        %parallel_loop3A_616 = arith.index_cast %parallel_loop3A_599 : i32 to index
        %parallel_loop3A_617 = arith.constant 16 : index
        %parallel_loop3A_618 = tpu.vector_load %arg9[%parallel_loop3A_616, %parallel_loop3A_617] {strides = array<i32>} : memref<80x64xi32, #tpu.memory_space<vmem>>, vector<16xi32>,
        %parallel_loop3A_619 = vector.bitcast %parallel_loop3A_618 : vector<16xi32> to vector<32xbf16>
        %parallel_loop3A_620 = arith.mulf %parallel_loop3A_615, %parallel_loop3A_619 : vector<32xbf16>
        %parallel_loop3A_621 = tpu.unpack_subelements %parallel_loop3A_620, 0 {pack_format = #tpu.pack_format<interleaved>} : vector<32xbf16> -> vector<16xf32>
        %parallel_loop3A_622 = tpu.unpack_subelements %parallel_loop3A_620, 1 {pack_format = #tpu.pack_format<interleaved>} : vector<32xbf16> -> vector<16xf32>
        %parallel_loop3A_623 = arith.addf %parallel_loop3A_621, %parallel_loop3A_622 : vector<16xf32>
        %parallel_loop3A_624 = arith.index_cast %parallel_loop3A_599 : i32 to index
        %parallel_loop3A_625 = arith.constant 32 : index
        %parallel_loop3A_626 = tpu.vector_load %arg8[%parallel_loop3A_624, %parallel_loop3A_625] {strides = array<i32>} : memref<80x64xi32, #tpu.memory_space<vmem>>, vector<16xi32>,
        %parallel_loop3A_627 = vector.bitcast %parallel_loop3A_626 : vector<16xi32> to vector<32xbf16>
        %parallel_loop3A_628 = arith.index_cast %parallel_loop3A_599 : i32 to index
        %parallel_loop3A_629 = arith.constant 32 : index
        %parallel_loop3A_630 = tpu.vector_load %arg9[%parallel_loop3A_628, %parallel_loop3A_629] {strides = array<i32>} : memref<80x64xi32, #tpu.memory_space<vmem>>, vector<16xi32>,
        %parallel_loop3A_631 = vector.bitcast %parallel_loop3A_630 : vector<16xi32> to vector<32xbf16>
        %parallel_loop3A_632 = arith.mulf %parallel_loop3A_627, %parallel_loop3A_631 : vector<32xbf16>
        %parallel_loop3A_633 = tpu.unpack_subelements %parallel_loop3A_632, 0 {pack_format = #tpu.pack_format<interleaved>} : vector<32xbf16> -> vector<16xf32>
        %parallel_loop3A_634 = tpu.unpack_subelements %parallel_loop3A_632, 1 {pack_format = #tpu.pack_format<interleaved>} : vector<32xbf16> -> vector<16xf32>
        %parallel_loop3A_635 = arith.addf %parallel_loop3A_633, %parallel_loop3A_634 : vector<16xf32>
        %parallel_loop3A_636 = arith.index_cast %parallel_loop3A_599 : i32 to index
        %parallel_loop3A_637 = arith.constant 48 : index
        %parallel_loop3A_638 = tpu.vector_load %arg8[%parallel_loop3A_636, %parallel_loop3A_637] {strides = array<i32>} : memref<80x64xi32, #tpu.memory_space<vmem>>, vector<16xi32>,
        %parallel_loop3A_639 = vector.bitcast %parallel_loop3A_638 : vector<16xi32> to vector<32xbf16>
        %parallel_loop3A_640 = arith.index_cast %parallel_loop3A_599 : i32 to index
        %parallel_loop3A_641 = arith.constant 48 : index
        %parallel_loop3A_642 = tpu.vector_load %arg9[%parallel_loop3A_640, %parallel_loop3A_641] {strides = array<i32>} : memref<80x64xi32, #tpu.memory_space<vmem>>, vector<16xi32>,
        %parallel_loop3A_643 = vector.bitcast %parallel_loop3A_642 : vector<16xi32> to vector<32xbf16>
        %parallel_loop3A_644 = arith.mulf %parallel_loop3A_639, %parallel_loop3A_643 : vector<32xbf16>
        %parallel_loop3A_645 = tpu.unpack_subelements %parallel_loop3A_644, 0 {pack_format = #tpu.pack_format<interleaved>} : vector<32xbf16> -> vector<16xf32>
        %parallel_loop3A_646 = tpu.unpack_subelements %parallel_loop3A_644, 1 {pack_format = #tpu.pack_format<interleaved>} : vector<32xbf16> -> vector<16xf32>
        %parallel_loop3A_647 = arith.addf %parallel_loop3A_645, %parallel_loop3A_646 : vector<16xf32>
        %parallel_loop3A_648 = arith.addf %parallel_loop3A_611, %parallel_loop3A_623 : vector<16xf32>
        %parallel_loop3A_649 = arith.addf %parallel_loop3A_635, %parallel_loop3A_647 : vector<16xf32>
        %parallel_loop3A_650 = arith.addf %parallel_loop3A_648, %parallel_loop3A_649 : vector<16xf32>
        %parallel_loop3A_651 = arith.constant 16 : i32
        %parallel_loop3A_652 = arith.muli %parallel_loop3A_100, %parallel_loop3A_651 : i32
        %parallel_loop3A_653 = arith.constant 10 : i32
        %parallel_loop3A_654 = arith.addi %parallel_loop3A_652, %parallel_loop3A_653 : i32
        %parallel_loop3A_655 = arith.index_cast %parallel_loop3A_654 : i32 to index
        %parallel_loop3A_656 = arith.constant 0 : index
        %parallel_loop3A_657 = tpu.vector_load %arg8[%parallel_loop3A_655, %parallel_loop3A_656] {strides = array<i32>} : memref<80x64xi32, #tpu.memory_space<vmem>>, vector<16xi32>,
        %parallel_loop3A_658 = vector.bitcast %parallel_loop3A_657 : vector<16xi32> to vector<32xbf16>
        %parallel_loop3A_659 = arith.index_cast %parallel_loop3A_654 : i32 to index
        %parallel_loop3A_660 = arith.constant 0 : index
        %parallel_loop3A_661 = tpu.vector_load %arg9[%parallel_loop3A_659, %parallel_loop3A_660] {strides = array<i32>} : memref<80x64xi32, #tpu.memory_space<vmem>>, vector<16xi32>,
        %parallel_loop3A_662 = vector.bitcast %parallel_loop3A_661 : vector<16xi32> to vector<32xbf16>
        %parallel_loop3A_663 = arith.mulf %parallel_loop3A_658, %parallel_loop3A_662 : vector<32xbf16>
        %parallel_loop3A_664 = tpu.unpack_subelements %parallel_loop3A_663, 0 {pack_format = #tpu.pack_format<interleaved>} : vector<32xbf16> -> vector<16xf32>
        %parallel_loop3A_665 = tpu.unpack_subelements %parallel_loop3A_663, 1 {pack_format = #tpu.pack_format<interleaved>} : vector<32xbf16> -> vector<16xf32>
        %parallel_loop3A_666 = arith.addf %parallel_loop3A_664, %parallel_loop3A_665 : vector<16xf32>
        %parallel_loop3A_667 = arith.index_cast %parallel_loop3A_654 : i32 to index
        %parallel_loop3A_668 = arith.constant 16 : index
        %parallel_loop3A_669 = tpu.vector_load %arg8[%parallel_loop3A_667, %parallel_loop3A_668] {strides = array<i32>} : memref<80x64xi32, #tpu.memory_space<vmem>>, vector<16xi32>,
        %parallel_loop3A_670 = vector.bitcast %parallel_loop3A_669 : vector<16xi32> to vector<32xbf16>
        %parallel_loop3A_671 = arith.index_cast %parallel_loop3A_654 : i32 to index
        %parallel_loop3A_672 = arith.constant 16 : index
        %parallel_loop3A_673 = tpu.vector_load %arg9[%parallel_loop3A_671, %parallel_loop3A_672] {strides = array<i32>} : memref<80x64xi32, #tpu.memory_space<vmem>>, vector<16xi32>,
        %parallel_loop3A_674 = vector.bitcast %parallel_loop3A_673 : vector<16xi32> to vector<32xbf16>
        %parallel_loop3A_675 = arith.mulf %parallel_loop3A_670, %parallel_loop3A_674 : vector<32xbf16>
        %parallel_loop3A_676 = tpu.unpack_subelements %parallel_loop3A_675, 0 {pack_format = #tpu.pack_format<interleaved>} : vector<32xbf16> -> vector<16xf32>
        %parallel_loop3A_677 = tpu.unpack_subelements %parallel_loop3A_675, 1 {pack_format = #tpu.pack_format<interleaved>} : vector<32xbf16> -> vector<16xf32>
        %parallel_loop3A_678 = arith.addf %parallel_loop3A_676, %parallel_loop3A_677 : vector<16xf32>
        %parallel_loop3A_679 = arith.index_cast %parallel_loop3A_654 : i32 to index
        %parallel_loop3A_680 = arith.constant 32 : index
        %parallel_loop3A_681 = tpu.vector_load %arg8[%parallel_loop3A_679, %parallel_loop3A_680] {strides = array<i32>} : memref<80x64xi32, #tpu.memory_space<vmem>>, vector<16xi32>,
        %parallel_loop3A_682 = vector.bitcast %parallel_loop3A_681 : vector<16xi32> to vector<32xbf16>
        %parallel_loop3A_683 = arith.index_cast %parallel_loop3A_654 : i32 to index
        %parallel_loop3A_684 = arith.constant 32 : index
        %parallel_loop3A_685 = tpu.vector_load %arg9[%parallel_loop3A_683, %parallel_loop3A_684] {strides = array<i32>} : memref<80x64xi32, #tpu.memory_space<vmem>>, vector<16xi32>,
        %parallel_loop3A_686 = vector.bitcast %parallel_loop3A_685 : vector<16xi32> to vector<32xbf16>
        %parallel_loop3A_687 = arith.mulf %parallel_loop3A_682, %parallel_loop3A_686 : vector<32xbf16>
        %parallel_loop3A_688 = tpu.unpack_subelements %parallel_loop3A_687, 0 {pack_format = #tpu.pack_format<interleaved>} : vector<32xbf16> -> vector<16xf32>
        %parallel_loop3A_689 = tpu.unpack_subelements %parallel_loop3A_687, 1 {pack_format = #tpu.pack_format<interleaved>} : vector<32xbf16> -> vector<16xf32>
        %parallel_loop3A_690 = arith.addf %parallel_loop3A_688, %parallel_loop3A_689 : vector<16xf32>
        %parallel_loop3A_691 = arith.index_cast %parallel_loop3A_654 : i32 to index
        %parallel_loop3A_692 = arith.constant 48 : index
        %parallel_loop3A_693 = tpu.vector_load %arg8[%parallel_loop3A_691, %parallel_loop3A_692] {strides = array<i32>} : memref<80x64xi32, #tpu.memory_space<vmem>>, vector<16xi32>,
        %parallel_loop3A_694 = vector.bitcast %parallel_loop3A_693 : vector<16xi32> to vector<32xbf16>
        %parallel_loop3A_695 = arith.index_cast %parallel_loop3A_654 : i32 to index
        %parallel_loop3A_696 = arith.constant 48 : index
        %parallel_loop3A_697 = tpu.vector_load %arg9[%parallel_loop3A_695, %parallel_loop3A_696] {strides = array<i32>} : memref<80x64xi32, #tpu.memory_space<vmem>>, vector<16xi32>,
        %parallel_loop3A_698 = vector.bitcast %parallel_loop3A_697 : vector<16xi32> to vector<32xbf16>
        %parallel_loop3A_699 = arith.mulf %parallel_loop3A_694, %parallel_loop3A_698 : vector<32xbf16>
        %parallel_loop3A_700 = tpu.unpack_subelements %parallel_loop3A_699, 0 {pack_format = #tpu.pack_format<interleaved>} : vector<32xbf16> -> vector<16xf32>
        %parallel_loop3A_701 = tpu.unpack_subelements %parallel_loop3A_699, 1 {pack_format = #tpu.pack_format<interleaved>} : vector<32xbf16> -> vector<16xf32>
        %parallel_loop3A_702 = arith.addf %parallel_loop3A_700, %parallel_loop3A_701 : vector<16xf32>
        %parallel_loop3A_703 = arith.addf %parallel_loop3A_666, %parallel_loop3A_678 : vector<16xf32>
        %parallel_loop3A_704 = arith.addf %parallel_loop3A_690, %parallel_loop3A_702 : vector<16xf32>
        %parallel_loop3A_705 = arith.addf %parallel_loop3A_703, %parallel_loop3A_704 : vector<16xf32>
        %parallel_loop3A_706 = arith.constant 16 : i32
        %parallel_loop3A_707 = arith.muli %parallel_loop3A_100, %parallel_loop3A_706 : i32
        %parallel_loop3A_708 = arith.constant 11 : i32
        %parallel_loop3A_709 = arith.addi %parallel_loop3A_707, %parallel_loop3A_708 : i32
        %parallel_loop3A_710 = arith.index_cast %parallel_loop3A_709 : i32 to index
        %parallel_loop3A_711 = arith.constant 0 : index
        %parallel_loop3A_712 = tpu.vector_load %arg8[%parallel_loop3A_710, %parallel_loop3A_711] {strides = array<i32>} : memref<80x64xi32, #tpu.memory_space<vmem>>, vector<16xi32>,
        %parallel_loop3A_713 = vector.bitcast %parallel_loop3A_712 : vector<16xi32> to vector<32xbf16>
        %parallel_loop3A_714 = arith.index_cast %parallel_loop3A_709 : i32 to index
        %parallel_loop3A_715 = arith.constant 0 : index
        %parallel_loop3A_716 = tpu.vector_load %arg9[%parallel_loop3A_714, %parallel_loop3A_715] {strides = array<i32>} : memref<80x64xi32, #tpu.memory_space<vmem>>, vector<16xi32>,
        %parallel_loop3A_717 = vector.bitcast %parallel_loop3A_716 : vector<16xi32> to vector<32xbf16>
        %parallel_loop3A_718 = arith.mulf %parallel_loop3A_713, %parallel_loop3A_717 : vector<32xbf16>
        %parallel_loop3A_719 = tpu.unpack_subelements %parallel_loop3A_718, 0 {pack_format = #tpu.pack_format<interleaved>} : vector<32xbf16> -> vector<16xf32>
        %parallel_loop3A_720 = tpu.unpack_subelements %parallel_loop3A_718, 1 {pack_format = #tpu.pack_format<interleaved>} : vector<32xbf16> -> vector<16xf32>
        %parallel_loop3A_721 = arith.addf %parallel_loop3A_719, %parallel_loop3A_720 : vector<16xf32>
        %parallel_loop3A_722 = arith.index_cast %parallel_loop3A_709 : i32 to index
        %parallel_loop3A_723 = arith.constant 16 : index
        %parallel_loop3A_724 = tpu.vector_load %arg8[%parallel_loop3A_722, %parallel_loop3A_723] {strides = array<i32>} : memref<80x64xi32, #tpu.memory_space<vmem>>, vector<16xi32>,
        %parallel_loop3A_725 = vector.bitcast %parallel_loop3A_724 : vector<16xi32> to vector<32xbf16>
        %parallel_loop3A_726 = arith.index_cast %parallel_loop3A_709 : i32 to index
        %parallel_loop3A_727 = arith.constant 16 : index
        %parallel_loop3A_728 = tpu.vector_load %arg9[%parallel_loop3A_726, %parallel_loop3A_727] {strides = array<i32>} : memref<80x64xi32, #tpu.memory_space<vmem>>, vector<16xi32>,
        %parallel_loop3A_729 = vector.bitcast %parallel_loop3A_728 : vector<16xi32> to vector<32xbf16>
        %parallel_loop3A_730 = arith.mulf %parallel_loop3A_725, %parallel_loop3A_729 : vector<32xbf16>
        %parallel_loop3A_731 = tpu.unpack_subelements %parallel_loop3A_730, 0 {pack_format = #tpu.pack_format<interleaved>} : vector<32xbf16> -> vector<16xf32>
        %parallel_loop3A_732 = tpu.unpack_subelements %parallel_loop3A_730, 1 {pack_format = #tpu.pack_format<interleaved>} : vector<32xbf16> -> vector<16xf32>
        %parallel_loop3A_733 = arith.addf %parallel_loop3A_731, %parallel_loop3A_732 : vector<16xf32>
        %parallel_loop3A_734 = arith.index_cast %parallel_loop3A_709 : i32 to index
        %parallel_loop3A_735 = arith.constant 32 : index
        %parallel_loop3A_736 = tpu.vector_load %arg8[%parallel_loop3A_734, %parallel_loop3A_735] {strides = array<i32>} : memref<80x64xi32, #tpu.memory_space<vmem>>, vector<16xi32>,
        %parallel_loop3A_737 = vector.bitcast %parallel_loop3A_736 : vector<16xi32> to vector<32xbf16>
        %parallel_loop3A_738 = arith.index_cast %parallel_loop3A_709 : i32 to index
        %parallel_loop3A_739 = arith.constant 32 : index
        %parallel_loop3A_740 = tpu.vector_load %arg9[%parallel_loop3A_738, %parallel_loop3A_739] {strides = array<i32>} : memref<80x64xi32, #tpu.memory_space<vmem>>, vector<16xi32>,
        %parallel_loop3A_741 = vector.bitcast %parallel_loop3A_740 : vector<16xi32> to vector<32xbf16>
        %parallel_loop3A_742 = arith.mulf %parallel_loop3A_737, %parallel_loop3A_741 : vector<32xbf16>
        %parallel_loop3A_743 = tpu.unpack_subelements %parallel_loop3A_742, 0 {pack_format = #tpu.pack_format<interleaved>} : vector<32xbf16> -> vector<16xf32>
        %parallel_loop3A_744 = tpu.unpack_subelements %parallel_loop3A_742, 1 {pack_format = #tpu.pack_format<interleaved>} : vector<32xbf16> -> vector<16xf32>
        %parallel_loop3A_745 = arith.addf %parallel_loop3A_743, %parallel_loop3A_744 : vector<16xf32>
        %parallel_loop3A_746 = arith.index_cast %parallel_loop3A_709 : i32 to index
        %parallel_loop3A_747 = arith.constant 48 : index
        %parallel_loop3A_748 = tpu.vector_load %arg8[%parallel_loop3A_746, %parallel_loop3A_747] {strides = array<i32>} : memref<80x64xi32, #tpu.memory_space<vmem>>, vector<16xi32>,
        %parallel_loop3A_749 = vector.bitcast %parallel_loop3A_748 : vector<16xi32> to vector<32xbf16>
        %parallel_loop3A_750 = arith.index_cast %parallel_loop3A_709 : i32 to index
        %parallel_loop3A_751 = arith.constant 48 : index
        %parallel_loop3A_752 = tpu.vector_load %arg9[%parallel_loop3A_750, %parallel_loop3A_751] {strides = array<i32>} : memref<80x64xi32, #tpu.memory_space<vmem>>, vector<16xi32>,
        %parallel_loop3A_753 = vector.bitcast %parallel_loop3A_752 : vector<16xi32> to vector<32xbf16>
        %parallel_loop3A_754 = arith.mulf %parallel_loop3A_749, %parallel_loop3A_753 : vector<32xbf16>
        %parallel_loop3A_755 = tpu.unpack_subelements %parallel_loop3A_754, 0 {pack_format = #tpu.pack_format<interleaved>} : vector<32xbf16> -> vector<16xf32>
        %parallel_loop3A_756 = tpu.unpack_subelements %parallel_loop3A_754, 1 {pack_format = #tpu.pack_format<interleaved>} : vector<32xbf16> -> vector<16xf32>
        %parallel_loop3A_757 = arith.addf %parallel_loop3A_755, %parallel_loop3A_756 : vector<16xf32>
        %parallel_loop3A_758 = arith.addf %parallel_loop3A_721, %parallel_loop3A_733 : vector<16xf32>
        %parallel_loop3A_759 = arith.addf %parallel_loop3A_745, %parallel_loop3A_757 : vector<16xf32>
        %parallel_loop3A_760 = arith.addf %parallel_loop3A_758, %parallel_loop3A_759 : vector<16xf32>
        %parallel_loop3A_761 = arith.constant 16 : i32
        %parallel_loop3A_762 = arith.muli %parallel_loop3A_100, %parallel_loop3A_761 : i32
        %parallel_loop3A_763 = arith.constant 12 : i32
        %parallel_loop3A_764 = arith.addi %parallel_loop3A_762, %parallel_loop3A_763 : i32
        %parallel_loop3A_765 = arith.index_cast %parallel_loop3A_764 : i32 to index
        %parallel_loop3A_766 = arith.constant 0 : index
        %parallel_loop3A_767 = tpu.vector_load %arg8[%parallel_loop3A_765, %parallel_loop3A_766] {strides = array<i32>} : memref<80x64xi32, #tpu.memory_space<vmem>>, vector<16xi32>,
        %parallel_loop3A_768 = vector.bitcast %parallel_loop3A_767 : vector<16xi32> to vector<32xbf16>
        %parallel_loop3A_769 = arith.index_cast %parallel_loop3A_764 : i32 to index
        %parallel_loop3A_770 = arith.constant 0 : index
        %parallel_loop3A_771 = tpu.vector_load %arg9[%parallel_loop3A_769, %parallel_loop3A_770] {strides = array<i32>} : memref<80x64xi32, #tpu.memory_space<vmem>>, vector<16xi32>,
        %parallel_loop3A_772 = vector.bitcast %parallel_loop3A_771 : vector<16xi32> to vector<32xbf16>
        %parallel_loop3A_773 = arith.mulf %parallel_loop3A_768, %parallel_loop3A_772 : vector<32xbf16>
        %parallel_loop3A_774 = tpu.unpack_subelements %parallel_loop3A_773, 0 {pack_format = #tpu.pack_format<interleaved>} : vector<32xbf16> -> vector<16xf32>
        %parallel_loop3A_775 = tpu.unpack_subelements %parallel_loop3A_773, 1 {pack_format = #tpu.pack_format<interleaved>} : vector<32xbf16> -> vector<16xf32>
        %parallel_loop3A_776 = arith.addf %parallel_loop3A_774, %parallel_loop3A_775 : vector<16xf32>
        %parallel_loop3A_777 = arith.index_cast %parallel_loop3A_764 : i32 to index
        %parallel_loop3A_778 = arith.constant 16 : index
        %parallel_loop3A_779 = tpu.vector_load %arg8[%parallel_loop3A_777, %parallel_loop3A_778] {strides = array<i32>} : memref<80x64xi32, #tpu.memory_space<vmem>>, vector<16xi32>,
        %parallel_loop3A_780 = vector.bitcast %parallel_loop3A_779 : vector<16xi32> to vector<32xbf16>
        %parallel_loop3A_781 = arith.index_cast %parallel_loop3A_764 : i32 to index
        %parallel_loop3A_782 = arith.constant 16 : index
        %parallel_loop3A_783 = tpu.vector_load %arg9[%parallel_loop3A_781, %parallel_loop3A_782] {strides = array<i32>} : memref<80x64xi32, #tpu.memory_space<vmem>>, vector<16xi32>,
        %parallel_loop3A_784 = vector.bitcast %parallel_loop3A_783 : vector<16xi32> to vector<32xbf16>
        %parallel_loop3A_785 = arith.mulf %parallel_loop3A_780, %parallel_loop3A_784 : vector<32xbf16>
        %parallel_loop3A_786 = tpu.unpack_subelements %parallel_loop3A_785, 0 {pack_format = #tpu.pack_format<interleaved>} : vector<32xbf16> -> vector<16xf32>
        %parallel_loop3A_787 = tpu.unpack_subelements %parallel_loop3A_785, 1 {pack_format = #tpu.pack_format<interleaved>} : vector<32xbf16> -> vector<16xf32>
        %parallel_loop3A_788 = arith.addf %parallel_loop3A_786, %parallel_loop3A_787 : vector<16xf32>
        %parallel_loop3A_789 = arith.index_cast %parallel_loop3A_764 : i32 to index
        %parallel_loop3A_790 = arith.constant 32 : index
        %parallel_loop3A_791 = tpu.vector_load %arg8[%parallel_loop3A_789, %parallel_loop3A_790] {strides = array<i32>} : memref<80x64xi32, #tpu.memory_space<vmem>>, vector<16xi32>,
        %parallel_loop3A_792 = vector.bitcast %parallel_loop3A_791 : vector<16xi32> to vector<32xbf16>
        %parallel_loop3A_793 = arith.index_cast %parallel_loop3A_764 : i32 to index
        %parallel_loop3A_794 = arith.constant 32 : index
        %parallel_loop3A_795 = tpu.vector_load %arg9[%parallel_loop3A_793, %parallel_loop3A_794] {strides = array<i32>} : memref<80x64xi32, #tpu.memory_space<vmem>>, vector<16xi32>,
        %parallel_loop3A_796 = vector.bitcast %parallel_loop3A_795 : vector<16xi32> to vector<32xbf16>
        %parallel_loop3A_797 = arith.mulf %parallel_loop3A_792, %parallel_loop3A_796 : vector<32xbf16>
        %parallel_loop3A_798 = tpu.unpack_subelements %parallel_loop3A_797, 0 {pack_format = #tpu.pack_format<interleaved>} : vector<32xbf16> -> vector<16xf32>
        %parallel_loop3A_799 = tpu.unpack_subelements %parallel_loop3A_797, 1 {pack_format = #tpu.pack_format<interleaved>} : vector<32xbf16> -> vector<16xf32>
        %parallel_loop3A_800 = arith.addf %parallel_loop3A_798, %parallel_loop3A_799 : vector<16xf32>
        %parallel_loop3A_801 = arith.index_cast %parallel_loop3A_764 : i32 to index
        %parallel_loop3A_802 = arith.constant 48 : index
        %parallel_loop3A_803 = tpu.vector_load %arg8[%parallel_loop3A_801, %parallel_loop3A_802] {strides = array<i32>} : memref<80x64xi32, #tpu.memory_space<vmem>>, vector<16xi32>,
        %parallel_loop3A_804 = vector.bitcast %parallel_loop3A_803 : vector<16xi32> to vector<32xbf16>
        %parallel_loop3A_805 = arith.index_cast %parallel_loop3A_764 : i32 to index
        %parallel_loop3A_806 = arith.constant 48 : index
        %parallel_loop3A_807 = tpu.vector_load %arg9[%parallel_loop3A_805, %parallel_loop3A_806] {strides = array<i32>} : memref<80x64xi32, #tpu.memory_space<vmem>>, vector<16xi32>,
        %parallel_loop3A_808 = vector.bitcast %parallel_loop3A_807 : vector<16xi32> to vector<32xbf16>
        %parallel_loop3A_809 = arith.mulf %parallel_loop3A_804, %parallel_loop3A_808 : vector<32xbf16>
        %parallel_loop3A_810 = tpu.unpack_subelements %parallel_loop3A_809, 0 {pack_format = #tpu.pack_format<interleaved>} : vector<32xbf16> -> vector<16xf32>
        %parallel_loop3A_811 = tpu.unpack_subelements %parallel_loop3A_809, 1 {pack_format = #tpu.pack_format<interleaved>} : vector<32xbf16> -> vector<16xf32>
        %parallel_loop3A_812 = arith.addf %parallel_loop3A_810, %parallel_loop3A_811 : vector<16xf32>
        %parallel_loop3A_813 = arith.addf %parallel_loop3A_776, %parallel_loop3A_788 : vector<16xf32>
        %parallel_loop3A_814 = arith.addf %parallel_loop3A_800, %parallel_loop3A_812 : vector<16xf32>
        %parallel_loop3A_815 = arith.addf %parallel_loop3A_813, %parallel_loop3A_814 : vector<16xf32>
        %parallel_loop3A_816 = arith.constant 16 : i32
        %parallel_loop3A_817 = arith.muli %parallel_loop3A_100, %parallel_loop3A_816 : i32
        %parallel_loop3A_818 = arith.constant 13 : i32
        %parallel_loop3A_819 = arith.addi %parallel_loop3A_817, %parallel_loop3A_818 : i32
        %parallel_loop3A_820 = arith.index_cast %parallel_loop3A_819 : i32 to index
        %parallel_loop3A_821 = arith.constant 0 : index
        %parallel_loop3A_822 = tpu.vector_load %arg8[%parallel_loop3A_820, %parallel_loop3A_821] {strides = array<i32>} : memref<80x64xi32, #tpu.memory_space<vmem>>, vector<16xi32>,
        %parallel_loop3A_823 = vector.bitcast %parallel_loop3A_822 : vector<16xi32> to vector<32xbf16>
        %parallel_loop3A_824 = arith.index_cast %parallel_loop3A_819 : i32 to index
        %parallel_loop3A_825 = arith.constant 0 : index
        %parallel_loop3A_826 = tpu.vector_load %arg9[%parallel_loop3A_824, %parallel_loop3A_825] {strides = array<i32>} : memref<80x64xi32, #tpu.memory_space<vmem>>, vector<16xi32>,
        %parallel_loop3A_827 = vector.bitcast %parallel_loop3A_826 : vector<16xi32> to vector<32xbf16>
        %parallel_loop3A_828 = arith.mulf %parallel_loop3A_823, %parallel_loop3A_827 : vector<32xbf16>
        %parallel_loop3A_829 = tpu.unpack_subelements %parallel_loop3A_828, 0 {pack_format = #tpu.pack_format<interleaved>} : vector<32xbf16> -> vector<16xf32>
        %parallel_loop3A_830 = tpu.unpack_subelements %parallel_loop3A_828, 1 {pack_format = #tpu.pack_format<interleaved>} : vector<32xbf16> -> vector<16xf32>
        %parallel_loop3A_831 = arith.addf %parallel_loop3A_829, %parallel_loop3A_830 : vector<16xf32>
        %parallel_loop3A_832 = arith.index_cast %parallel_loop3A_819 : i32 to index
        %parallel_loop3A_833 = arith.constant 16 : index
        %parallel_loop3A_834 = tpu.vector_load %arg8[%parallel_loop3A_832, %parallel_loop3A_833] {strides = array<i32>} : memref<80x64xi32, #tpu.memory_space<vmem>>, vector<16xi32>,
        %parallel_loop3A_835 = vector.bitcast %parallel_loop3A_834 : vector<16xi32> to vector<32xbf16>
        %parallel_loop3A_836 = arith.index_cast %parallel_loop3A_819 : i32 to index
        %parallel_loop3A_837 = arith.constant 16 : index
        %parallel_loop3A_838 = tpu.vector_load %arg9[%parallel_loop3A_836, %parallel_loop3A_837] {strides = array<i32>} : memref<80x64xi32, #tpu.memory_space<vmem>>, vector<16xi32>,
        %parallel_loop3A_839 = vector.bitcast %parallel_loop3A_838 : vector<16xi32> to vector<32xbf16>
        %parallel_loop3A_840 = arith.mulf %parallel_loop3A_835, %parallel_loop3A_839 : vector<32xbf16>
        %parallel_loop3A_841 = tpu.unpack_subelements %parallel_loop3A_840, 0 {pack_format = #tpu.pack_format<interleaved>} : vector<32xbf16> -> vector<16xf32>
        %parallel_loop3A_842 = tpu.unpack_subelements %parallel_loop3A_840, 1 {pack_format = #tpu.pack_format<interleaved>} : vector<32xbf16> -> vector<16xf32>
        %parallel_loop3A_843 = arith.addf %parallel_loop3A_841, %parallel_loop3A_842 : vector<16xf32>
        %parallel_loop3A_844 = arith.index_cast %parallel_loop3A_819 : i32 to index
        %parallel_loop3A_845 = arith.constant 32 : index
        %parallel_loop3A_846 = tpu.vector_load %arg8[%parallel_loop3A_844, %parallel_loop3A_845] {strides = array<i32>} : memref<80x64xi32, #tpu.memory_space<vmem>>, vector<16xi32>,
        %parallel_loop3A_847 = vector.bitcast %parallel_loop3A_846 : vector<16xi32> to vector<32xbf16>
        %parallel_loop3A_848 = arith.index_cast %parallel_loop3A_819 : i32 to index
        %parallel_loop3A_849 = arith.constant 32 : index
        %parallel_loop3A_850 = tpu.vector_load %arg9[%parallel_loop3A_848, %parallel_loop3A_849] {strides = array<i32>} : memref<80x64xi32, #tpu.memory_space<vmem>>, vector<16xi32>,
        %parallel_loop3A_851 = vector.bitcast %parallel_loop3A_850 : vector<16xi32> to vector<32xbf16>
        %parallel_loop3A_852 = arith.mulf %parallel_loop3A_847, %parallel_loop3A_851 : vector<32xbf16>
        %parallel_loop3A_853 = tpu.unpack_subelements %parallel_loop3A_852, 0 {pack_format = #tpu.pack_format<interleaved>} : vector<32xbf16> -> vector<16xf32>
        %parallel_loop3A_854 = tpu.unpack_subelements %parallel_loop3A_852, 1 {pack_format = #tpu.pack_format<interleaved>} : vector<32xbf16> -> vector<16xf32>
        %parallel_loop3A_855 = arith.addf %parallel_loop3A_853, %parallel_loop3A_854 : vector<16xf32>
        %parallel_loop3A_856 = arith.index_cast %parallel_loop3A_819 : i32 to index
        %parallel_loop3A_857 = arith.constant 48 : index
        %parallel_loop3A_858 = tpu.vector_load %arg8[%parallel_loop3A_856, %parallel_loop3A_857] {strides = array<i32>} : memref<80x64xi32, #tpu.memory_space<vmem>>, vector<16xi32>,
        %parallel_loop3A_859 = vector.bitcast %parallel_loop3A_858 : vector<16xi32> to vector<32xbf16>
        %parallel_loop3A_860 = arith.index_cast %parallel_loop3A_819 : i32 to index
        %parallel_loop3A_861 = arith.constant 48 : index
        %parallel_loop3A_862 = tpu.vector_load %arg9[%parallel_loop3A_860, %parallel_loop3A_861] {strides = array<i32>} : memref<80x64xi32, #tpu.memory_space<vmem>>, vector<16xi32>,
        %parallel_loop3A_863 = vector.bitcast %parallel_loop3A_862 : vector<16xi32> to vector<32xbf16>
        %parallel_loop3A_864 = arith.mulf %parallel_loop3A_859, %parallel_loop3A_863 : vector<32xbf16>
        %parallel_loop3A_865 = tpu.unpack_subelements %parallel_loop3A_864, 0 {pack_format = #tpu.pack_format<interleaved>} : vector<32xbf16> -> vector<16xf32>
        %parallel_loop3A_866 = tpu.unpack_subelements %parallel_loop3A_864, 1 {pack_format = #tpu.pack_format<interleaved>} : vector<32xbf16> -> vector<16xf32>
        %parallel_loop3A_867 = arith.addf %parallel_loop3A_865, %parallel_loop3A_866 : vector<16xf32>
        %parallel_loop3A_868 = arith.addf %parallel_loop3A_831, %parallel_loop3A_843 : vector<16xf32>
        %parallel_loop3A_869 = arith.addf %parallel_loop3A_855, %parallel_loop3A_867 : vector<16xf32>
        %parallel_loop3A_870 = arith.addf %parallel_loop3A_868, %parallel_loop3A_869 : vector<16xf32>
        %parallel_loop3A_871 = arith.constant 16 : i32
        %parallel_loop3A_872 = arith.muli %parallel_loop3A_100, %parallel_loop3A_871 : i32
        %parallel_loop3A_873 = arith.constant 14 : i32
        %parallel_loop3A_874 = arith.addi %parallel_loop3A_872, %parallel_loop3A_873 : i32
        %parallel_loop3A_875 = arith.index_cast %parallel_loop3A_874 : i32 to index
        %parallel_loop3A_876 = arith.constant 0 : index
        %parallel_loop3A_877 = tpu.vector_load %arg8[%parallel_loop3A_875, %parallel_loop3A_876] {strides = array<i32>} : memref<80x64xi32, #tpu.memory_space<vmem>>, vector<16xi32>,
        %parallel_loop3A_878 = vector.bitcast %parallel_loop3A_877 : vector<16xi32> to vector<32xbf16>
        %parallel_loop3A_879 = arith.index_cast %parallel_loop3A_874 : i32 to index
        %parallel_loop3A_880 = arith.constant 0 : index
        %parallel_loop3A_881 = tpu.vector_load %arg9[%parallel_loop3A_879, %parallel_loop3A_880] {strides = array<i32>} : memref<80x64xi32, #tpu.memory_space<vmem>>, vector<16xi32>,
        %parallel_loop3A_882 = vector.bitcast %parallel_loop3A_881 : vector<16xi32> to vector<32xbf16>
        %parallel_loop3A_883 = arith.mulf %parallel_loop3A_878, %parallel_loop3A_882 : vector<32xbf16>
        %parallel_loop3A_884 = tpu.unpack_subelements %parallel_loop3A_883, 0 {pack_format = #tpu.pack_format<interleaved>} : vector<32xbf16> -> vector<16xf32>
        %parallel_loop3A_885 = tpu.unpack_subelements %parallel_loop3A_883, 1 {pack_format = #tpu.pack_format<interleaved>} : vector<32xbf16> -> vector<16xf32>
        %parallel_loop3A_886 = arith.addf %parallel_loop3A_884, %parallel_loop3A_885 : vector<16xf32>
        %parallel_loop3A_887 = arith.index_cast %parallel_loop3A_874 : i32 to index
        %parallel_loop3A_888 = arith.constant 16 : index
        %parallel_loop3A_889 = tpu.vector_load %arg8[%parallel_loop3A_887, %parallel_loop3A_888] {strides = array<i32>} : memref<80x64xi32, #tpu.memory_space<vmem>>, vector<16xi32>,
        %parallel_loop3A_890 = vector.bitcast %parallel_loop3A_889 : vector<16xi32> to vector<32xbf16>
        %parallel_loop3A_891 = arith.index_cast %parallel_loop3A_874 : i32 to index
        %parallel_loop3A_892 = arith.constant 16 : index
        %parallel_loop3A_893 = tpu.vector_load %arg9[%parallel_loop3A_891, %parallel_loop3A_892] {strides = array<i32>} : memref<80x64xi32, #tpu.memory_space<vmem>>, vector<16xi32>,
        %parallel_loop3A_894 = vector.bitcast %parallel_loop3A_893 : vector<16xi32> to vector<32xbf16>
        %parallel_loop3A_895 = arith.mulf %parallel_loop3A_890, %parallel_loop3A_894 : vector<32xbf16>
        %parallel_loop3A_896 = tpu.unpack_subelements %parallel_loop3A_895, 0 {pack_format = #tpu.pack_format<interleaved>} : vector<32xbf16> -> vector<16xf32>
        %parallel_loop3A_897 = tpu.unpack_subelements %parallel_loop3A_895, 1 {pack_format = #tpu.pack_format<interleaved>} : vector<32xbf16> -> vector<16xf32>
        %parallel_loop3A_898 = arith.addf %parallel_loop3A_896, %parallel_loop3A_897 : vector<16xf32>
        %parallel_loop3A_899 = arith.index_cast %parallel_loop3A_874 : i32 to index
        %parallel_loop3A_900 = arith.constant 32 : index
        %parallel_loop3A_901 = tpu.vector_load %arg8[%parallel_loop3A_899, %parallel_loop3A_900] {strides = array<i32>} : memref<80x64xi32, #tpu.memory_space<vmem>>, vector<16xi32>,
        %parallel_loop3A_902 = vector.bitcast %parallel_loop3A_901 : vector<16xi32> to vector<32xbf16>
        %parallel_loop3A_903 = arith.index_cast %parallel_loop3A_874 : i32 to index
        %parallel_loop3A_904 = arith.constant 32 : index
        %parallel_loop3A_905 = tpu.vector_load %arg9[%parallel_loop3A_903, %parallel_loop3A_904] {strides = array<i32>} : memref<80x64xi32, #tpu.memory_space<vmem>>, vector<16xi32>,
        %parallel_loop3A_906 = vector.bitcast %parallel_loop3A_905 : vector<16xi32> to vector<32xbf16>
        %parallel_loop3A_907 = arith.mulf %parallel_loop3A_902, %parallel_loop3A_906 : vector<32xbf16>
        %parallel_loop3A_908 = tpu.unpack_subelements %parallel_loop3A_907, 0 {pack_format = #tpu.pack_format<interleaved>} : vector<32xbf16> -> vector<16xf32>
        %parallel_loop3A_909 = tpu.unpack_subelements %parallel_loop3A_907, 1 {pack_format = #tpu.pack_format<interleaved>} : vector<32xbf16> -> vector<16xf32>
        %parallel_loop3A_910 = arith.addf %parallel_loop3A_908, %parallel_loop3A_909 : vector<16xf32>
        %parallel_loop3A_911 = arith.index_cast %parallel_loop3A_874 : i32 to index
        %parallel_loop3A_912 = arith.constant 48 : index
        %parallel_loop3A_913 = tpu.vector_load %arg8[%parallel_loop3A_911, %parallel_loop3A_912] {strides = array<i32>} : memref<80x64xi32, #tpu.memory_space<vmem>>, vector<16xi32>,
        %parallel_loop3A_914 = vector.bitcast %parallel_loop3A_913 : vector<16xi32> to vector<32xbf16>
        %parallel_loop3A_915 = arith.index_cast %parallel_loop3A_874 : i32 to index
        %parallel_loop3A_916 = arith.constant 48 : index
        %parallel_loop3A_917 = tpu.vector_load %arg9[%parallel_loop3A_915, %parallel_loop3A_916] {strides = array<i32>} : memref<80x64xi32, #tpu.memory_space<vmem>>, vector<16xi32>,
        %parallel_loop3A_918 = vector.bitcast %parallel_loop3A_917 : vector<16xi32> to vector<32xbf16>
        %parallel_loop3A_919 = arith.mulf %parallel_loop3A_914, %parallel_loop3A_918 : vector<32xbf16>
        %parallel_loop3A_920 = tpu.unpack_subelements %parallel_loop3A_919, 0 {pack_format = #tpu.pack_format<interleaved>} : vector<32xbf16> -> vector<16xf32>
        %parallel_loop3A_921 = tpu.unpack_subelements %parallel_loop3A_919, 1 {pack_format = #tpu.pack_format<interleaved>} : vector<32xbf16> -> vector<16xf32>
        %parallel_loop3A_922 = arith.addf %parallel_loop3A_920, %parallel_loop3A_921 : vector<16xf32>
        %parallel_loop3A_923 = arith.addf %parallel_loop3A_886, %parallel_loop3A_898 : vector<16xf32>
        %parallel_loop3A_924 = arith.addf %parallel_loop3A_910, %parallel_loop3A_922 : vector<16xf32>
        %parallel_loop3A_925 = arith.addf %parallel_loop3A_923, %parallel_loop3A_924 : vector<16xf32>
        %parallel_loop3A_926 = arith.constant 16 : i32
        %parallel_loop3A_927 = arith.muli %parallel_loop3A_100, %parallel_loop3A_926 : i32
        %parallel_loop3A_928 = arith.constant 15 : i32
        %parallel_loop3A_929 = arith.addi %parallel_loop3A_927, %parallel_loop3A_928 : i32
        %parallel_loop3A_930 = arith.index_cast %parallel_loop3A_929 : i32 to index
        %parallel_loop3A_931 = arith.constant 0 : index
        %parallel_loop3A_932 = tpu.vector_load %arg8[%parallel_loop3A_930, %parallel_loop3A_931] {strides = array<i32>} : memref<80x64xi32, #tpu.memory_space<vmem>>, vector<16xi32>,
        %parallel_loop3A_933 = vector.bitcast %parallel_loop3A_932 : vector<16xi32> to vector<32xbf16>
        %parallel_loop3A_934 = arith.index_cast %parallel_loop3A_929 : i32 to index
        %parallel_loop3A_935 = arith.constant 0 : index
        %parallel_loop3A_936 = tpu.vector_load %arg9[%parallel_loop3A_934, %parallel_loop3A_935] {strides = array<i32>} : memref<80x64xi32, #tpu.memory_space<vmem>>, vector<16xi32>,
        %parallel_loop3A_937 = vector.bitcast %parallel_loop3A_936 : vector<16xi32> to vector<32xbf16>
        %parallel_loop3A_938 = arith.mulf %parallel_loop3A_933, %parallel_loop3A_937 : vector<32xbf16>
        %parallel_loop3A_939 = tpu.unpack_subelements %parallel_loop3A_938, 0 {pack_format = #tpu.pack_format<interleaved>} : vector<32xbf16> -> vector<16xf32>
        %parallel_loop3A_940 = tpu.unpack_subelements %parallel_loop3A_938, 1 {pack_format = #tpu.pack_format<interleaved>} : vector<32xbf16> -> vector<16xf32>
        %parallel_loop3A_941 = arith.addf %parallel_loop3A_939, %parallel_loop3A_940 : vector<16xf32>
        %parallel_loop3A_942 = arith.index_cast %parallel_loop3A_929 : i32 to index
        %parallel_loop3A_943 = arith.constant 16 : index
        %parallel_loop3A_944 = tpu.vector_load %arg8[%parallel_loop3A_942, %parallel_loop3A_943] {strides = array<i32>} : memref<80x64xi32, #tpu.memory_space<vmem>>, vector<16xi32>,
        %parallel_loop3A_945 = vector.bitcast %parallel_loop3A_944 : vector<16xi32> to vector<32xbf16>
        %parallel_loop3A_946 = arith.index_cast %parallel_loop3A_929 : i32 to index
        %parallel_loop3A_947 = arith.constant 16 : index
        %parallel_loop3A_948 = tpu.vector_load %arg9[%parallel_loop3A_946, %parallel_loop3A_947] {strides = array<i32>} : memref<80x64xi32, #tpu.memory_space<vmem>>, vector<16xi32>,
        %parallel_loop3A_949 = vector.bitcast %parallel_loop3A_948 : vector<16xi32> to vector<32xbf16>
        %parallel_loop3A_950 = arith.mulf %parallel_loop3A_945, %parallel_loop3A_949 : vector<32xbf16>
        %parallel_loop3A_951 = tpu.unpack_subelements %parallel_loop3A_950, 0 {pack_format = #tpu.pack_format<interleaved>} : vector<32xbf16> -> vector<16xf32>
        %parallel_loop3A_952 = tpu.unpack_subelements %parallel_loop3A_950, 1 {pack_format = #tpu.pack_format<interleaved>} : vector<32xbf16> -> vector<16xf32>
        %parallel_loop3A_953 = arith.addf %parallel_loop3A_951, %parallel_loop3A_952 : vector<16xf32>
        %parallel_loop3A_954 = arith.index_cast %parallel_loop3A_929 : i32 to index
        %parallel_loop3A_955 = arith.constant 32 : index
        %parallel_loop3A_956 = tpu.vector_load %arg8[%parallel_loop3A_954, %parallel_loop3A_955] {strides = array<i32>} : memref<80x64xi32, #tpu.memory_space<vmem>>, vector<16xi32>,
        %parallel_loop3A_957 = vector.bitcast %parallel_loop3A_956 : vector<16xi32> to vector<32xbf16>
        %parallel_loop3A_958 = arith.index_cast %parallel_loop3A_929 : i32 to index
        %parallel_loop3A_959 = arith.constant 32 : index
        %parallel_loop3A_960 = tpu.vector_load %arg9[%parallel_loop3A_958, %parallel_loop3A_959] {strides = array<i32>} : memref<80x64xi32, #tpu.memory_space<vmem>>, vector<16xi32>,
        %parallel_loop3A_961 = vector.bitcast %parallel_loop3A_960 : vector<16xi32> to vector<32xbf16>
        %parallel_loop3A_962 = arith.mulf %parallel_loop3A_957, %parallel_loop3A_961 : vector<32xbf16>
        %parallel_loop3A_963 = tpu.unpack_subelements %parallel_loop3A_962, 0 {pack_format = #tpu.pack_format<interleaved>} : vector<32xbf16> -> vector<16xf32>
        %parallel_loop3A_964 = tpu.unpack_subelements %parallel_loop3A_962, 1 {pack_format = #tpu.pack_format<interleaved>} : vector<32xbf16> -> vector<16xf32>
        %parallel_loop3A_965 = arith.addf %parallel_loop3A_963, %parallel_loop3A_964 : vector<16xf32>
        %parallel_loop3A_966 = arith.index_cast %parallel_loop3A_929 : i32 to index
        %parallel_loop3A_967 = arith.constant 48 : index
        %parallel_loop3A_968 = tpu.vector_load %arg8[%parallel_loop3A_966, %parallel_loop3A_967] {strides = array<i32>} : memref<80x64xi32, #tpu.memory_space<vmem>>, vector<16xi32>,
        %parallel_loop3A_969 = vector.bitcast %parallel_loop3A_968 : vector<16xi32> to vector<32xbf16>
        %parallel_loop3A_970 = arith.index_cast %parallel_loop3A_929 : i32 to index
        %parallel_loop3A_971 = arith.constant 48 : index
        %parallel_loop3A_972 = tpu.vector_load %arg9[%parallel_loop3A_970, %parallel_loop3A_971] {strides = array<i32>} : memref<80x64xi32, #tpu.memory_space<vmem>>, vector<16xi32>,
        %parallel_loop3A_973 = vector.bitcast %parallel_loop3A_972 : vector<16xi32> to vector<32xbf16>
        %parallel_loop3A_974 = arith.mulf %parallel_loop3A_969, %parallel_loop3A_973 : vector<32xbf16>
        %parallel_loop3A_975 = tpu.unpack_subelements %parallel_loop3A_974, 0 {pack_format = #tpu.pack_format<interleaved>} : vector<32xbf16> -> vector<16xf32>
        %parallel_loop3A_976 = tpu.unpack_subelements %parallel_loop3A_974, 1 {pack_format = #tpu.pack_format<interleaved>} : vector<32xbf16> -> vector<16xf32>
        %parallel_loop3A_977 = arith.addf %parallel_loop3A_975, %parallel_loop3A_976 : vector<16xf32>
        %parallel_loop3A_978 = arith.addf %parallel_loop3A_941, %parallel_loop3A_953 : vector<16xf32>
        %parallel_loop3A_979 = arith.addf %parallel_loop3A_965, %parallel_loop3A_977 : vector<16xf32>
        %parallel_loop3A_980 = arith.addf %parallel_loop3A_978, %parallel_loop3A_979 : vector<16xf32>
        %parallel_loop3A_981 = arith.constant 1 : i32
        %parallel_loop3A_982 = vector.broadcast %parallel_loop3A_981 : i32 to vector<16xi32>
        %parallel_loop3A_983 = arith.andi %iota3A, %parallel_loop3A_982 : vector<16xi32>
        %parallel_loop3A_984 = arith.constant 0 : i32
        %parallel_loop3A_985 = vector.broadcast %parallel_loop3A_984 : i32 to vector<16xi32>
        %parallel_loop3A_986 = arith.cmpi eq, %parallel_loop3A_983, %parallel_loop3A_985 : vector<16xi32>
        %parallel_loop3A_987 = arith.constant 1 : i32
        %parallel_loop3A_988 = vector.broadcast %parallel_loop3A_987 : i32 to vector<16xi32>
        %parallel_loop3A_989 = arith.xori %iota3A, %parallel_loop3A_988 : vector<16xi32>
        %parallel_loop3A_990 = arith.constant 0 : i32
        %parallel_loop3A_991 = vector.broadcast %parallel_loop3A_990 : i32 to vector<16xi32>
        %parallel_loop3A_992 = arith.cmpi slt, %parallel_loop3A_989, %parallel_loop3A_991 : vector<16xi32>
        %parallel_loop3A_993 = arith.constant 16 : i32
        %parallel_loop3A_994 = vector.broadcast %parallel_loop3A_993 : i32 to vector<16xi32>
        %parallel_loop3A_995 = arith.addi %parallel_loop3A_989, %parallel_loop3A_994 : vector<16xi32>
        %parallel_loop3A_996 = arith.select %parallel_loop3A_992, %parallel_loop3A_995, %parallel_loop3A_989 : vector<16xi1>, vector<16xi32>
        %parallel_loop3A_997 = vector.shape_cast %parallel_loop3A_996 : vector<16xi32> to vector<16x1xi32>
        %parallel_loop3A_998 = vector.shape_cast %parallel_loop3A_997 : vector<16x1xi32> to vector<16xi32>
        %parallel_loop3A_999 = tpu.dynamic_gather %parallel_loop3A_155[%parallel_loop3A_998] in [0] : vector<16xf32>, vector<16xi32> -> vector<16xf32>
        %parallel_loop3A_1000 = arith.addf %parallel_loop3A_155, %parallel_loop3A_999 : vector<16xf32>
        %parallel_loop3A_1001 = arith.constant 0 : i32
        %parallel_loop3A_1002 = vector.broadcast %parallel_loop3A_1001 : i32 to vector<16xi32>
        %parallel_loop3A_1003 = arith.cmpi slt, %parallel_loop3A_989, %parallel_loop3A_1002 : vector<16xi32>
        %parallel_loop3A_1004 = arith.constant 16 : i32
        %parallel_loop3A_1005 = vector.broadcast %parallel_loop3A_1004 : i32 to vector<16xi32>
        %parallel_loop3A_1006 = arith.addi %parallel_loop3A_989, %parallel_loop3A_1005 : vector<16xi32>
        %parallel_loop3A_1007 = arith.select %parallel_loop3A_1003, %parallel_loop3A_1006, %parallel_loop3A_989 : vector<16xi1>, vector<16xi32>
        %parallel_loop3A_1008 = vector.shape_cast %parallel_loop3A_1007 : vector<16xi32> to vector<16x1xi32>
        %parallel_loop3A_1009 = vector.shape_cast %parallel_loop3A_1008 : vector<16x1xi32> to vector<16xi32>
        %parallel_loop3A_1010 = tpu.dynamic_gather %parallel_loop3A_210[%parallel_loop3A_1009] in [0] : vector<16xf32>, vector<16xi32> -> vector<16xf32>
        %parallel_loop3A_1011 = arith.addf %parallel_loop3A_210, %parallel_loop3A_1010 : vector<16xf32>
        %parallel_loop3A_1012 = arith.select %parallel_loop3A_986, %parallel_loop3A_1000, %parallel_loop3A_1011 : vector<16xi1>, vector<16xf32>
        %parallel_loop3A_1013 = arith.constant 0 : i32
        %parallel_loop3A_1014 = vector.broadcast %parallel_loop3A_1013 : i32 to vector<16xi32>
        %parallel_loop3A_1015 = arith.cmpi slt, %parallel_loop3A_989, %parallel_loop3A_1014 : vector<16xi32>
        %parallel_loop3A_1016 = arith.constant 16 : i32
        %parallel_loop3A_1017 = vector.broadcast %parallel_loop3A_1016 : i32 to vector<16xi32>
        %parallel_loop3A_1018 = arith.addi %parallel_loop3A_989, %parallel_loop3A_1017 : vector<16xi32>
        %parallel_loop3A_1019 = arith.select %parallel_loop3A_1015, %parallel_loop3A_1018, %parallel_loop3A_989 : vector<16xi1>, vector<16xi32>
        %parallel_loop3A_1020 = vector.shape_cast %parallel_loop3A_1019 : vector<16xi32> to vector<16x1xi32>
        %parallel_loop3A_1021 = vector.shape_cast %parallel_loop3A_1020 : vector<16x1xi32> to vector<16xi32>
        %parallel_loop3A_1022 = tpu.dynamic_gather %parallel_loop3A_265[%parallel_loop3A_1021] in [0] : vector<16xf32>, vector<16xi32> -> vector<16xf32>
        %parallel_loop3A_1023 = arith.addf %parallel_loop3A_265, %parallel_loop3A_1022 : vector<16xf32>
        %parallel_loop3A_1024 = arith.constant 0 : i32
        %parallel_loop3A_1025 = vector.broadcast %parallel_loop3A_1024 : i32 to vector<16xi32>
        %parallel_loop3A_1026 = arith.cmpi slt, %parallel_loop3A_989, %parallel_loop3A_1025 : vector<16xi32>
        %parallel_loop3A_1027 = arith.constant 16 : i32
        %parallel_loop3A_1028 = vector.broadcast %parallel_loop3A_1027 : i32 to vector<16xi32>
        %parallel_loop3A_1029 = arith.addi %parallel_loop3A_989, %parallel_loop3A_1028 : vector<16xi32>
        %parallel_loop3A_1030 = arith.select %parallel_loop3A_1026, %parallel_loop3A_1029, %parallel_loop3A_989 : vector<16xi1>, vector<16xi32>
        %parallel_loop3A_1031 = vector.shape_cast %parallel_loop3A_1030 : vector<16xi32> to vector<16x1xi32>
        %parallel_loop3A_1032 = vector.shape_cast %parallel_loop3A_1031 : vector<16x1xi32> to vector<16xi32>
        %parallel_loop3A_1033 = tpu.dynamic_gather %parallel_loop3A_320[%parallel_loop3A_1032] in [0] : vector<16xf32>, vector<16xi32> -> vector<16xf32>
        %parallel_loop3A_1034 = arith.addf %parallel_loop3A_320, %parallel_loop3A_1033 : vector<16xf32>
        %parallel_loop3A_1035 = arith.select %parallel_loop3A_986, %parallel_loop3A_1023, %parallel_loop3A_1034 : vector<16xi1>, vector<16xf32>
        %parallel_loop3A_1036 = arith.constant 0 : i32
        %parallel_loop3A_1037 = vector.broadcast %parallel_loop3A_1036 : i32 to vector<16xi32>
        %parallel_loop3A_1038 = arith.cmpi slt, %parallel_loop3A_989, %parallel_loop3A_1037 : vector<16xi32>
        %parallel_loop3A_1039 = arith.constant 16 : i32
        %parallel_loop3A_1040 = vector.broadcast %parallel_loop3A_1039 : i32 to vector<16xi32>
        %parallel_loop3A_1041 = arith.addi %parallel_loop3A_989, %parallel_loop3A_1040 : vector<16xi32>
        %parallel_loop3A_1042 = arith.select %parallel_loop3A_1038, %parallel_loop3A_1041, %parallel_loop3A_989 : vector<16xi1>, vector<16xi32>
        %parallel_loop3A_1043 = vector.shape_cast %parallel_loop3A_1042 : vector<16xi32> to vector<16x1xi32>
        %parallel_loop3A_1044 = vector.shape_cast %parallel_loop3A_1043 : vector<16x1xi32> to vector<16xi32>
        %parallel_loop3A_1045 = tpu.dynamic_gather %parallel_loop3A_375[%parallel_loop3A_1044] in [0] : vector<16xf32>, vector<16xi32> -> vector<16xf32>
        %parallel_loop3A_1046 = arith.addf %parallel_loop3A_375, %parallel_loop3A_1045 : vector<16xf32>
        %parallel_loop3A_1047 = arith.constant 0 : i32
        %parallel_loop3A_1048 = vector.broadcast %parallel_loop3A_1047 : i32 to vector<16xi32>
        %parallel_loop3A_1049 = arith.cmpi slt, %parallel_loop3A_989, %parallel_loop3A_1048 : vector<16xi32>
        %parallel_loop3A_1050 = arith.constant 16 : i32
        %parallel_loop3A_1051 = vector.broadcast %parallel_loop3A_1050 : i32 to vector<16xi32>
        %parallel_loop3A_1052 = arith.addi %parallel_loop3A_989, %parallel_loop3A_1051 : vector<16xi32>
        %parallel_loop3A_1053 = arith.select %parallel_loop3A_1049, %parallel_loop3A_1052, %parallel_loop3A_989 : vector<16xi1>, vector<16xi32>
        %parallel_loop3A_1054 = vector.shape_cast %parallel_loop3A_1053 : vector<16xi32> to vector<16x1xi32>
        %parallel_loop3A_1055 = vector.shape_cast %parallel_loop3A_1054 : vector<16x1xi32> to vector<16xi32>
        %parallel_loop3A_1056 = tpu.dynamic_gather %parallel_loop3A_430[%parallel_loop3A_1055] in [0] : vector<16xf32>, vector<16xi32> -> vector<16xf32>
        %parallel_loop3A_1057 = arith.addf %parallel_loop3A_430, %parallel_loop3A_1056 : vector<16xf32>
        %parallel_loop3A_1058 = arith.select %parallel_loop3A_986, %parallel_loop3A_1046, %parallel_loop3A_1057 : vector<16xi1>, vector<16xf32>
        %parallel_loop3A_1059 = arith.constant 0 : i32
        %parallel_loop3A_1060 = vector.broadcast %parallel_loop3A_1059 : i32 to vector<16xi32>
        %parallel_loop3A_1061 = arith.cmpi slt, %parallel_loop3A_989, %parallel_loop3A_1060 : vector<16xi32>
        %parallel_loop3A_1062 = arith.constant 16 : i32
        %parallel_loop3A_1063 = vector.broadcast %parallel_loop3A_1062 : i32 to vector<16xi32>
        %parallel_loop3A_1064 = arith.addi %parallel_loop3A_989, %parallel_loop3A_1063 : vector<16xi32>
        %parallel_loop3A_1065 = arith.select %parallel_loop3A_1061, %parallel_loop3A_1064, %parallel_loop3A_989 : vector<16xi1>, vector<16xi32>
        %parallel_loop3A_1066 = vector.shape_cast %parallel_loop3A_1065 : vector<16xi32> to vector<16x1xi32>
        %parallel_loop3A_1067 = vector.shape_cast %parallel_loop3A_1066 : vector<16x1xi32> to vector<16xi32>
        %parallel_loop3A_1068 = tpu.dynamic_gather %parallel_loop3A_485[%parallel_loop3A_1067] in [0] : vector<16xf32>, vector<16xi32> -> vector<16xf32>
        %parallel_loop3A_1069 = arith.addf %parallel_loop3A_485, %parallel_loop3A_1068 : vector<16xf32>
        %parallel_loop3A_1070 = arith.constant 0 : i32
        %parallel_loop3A_1071 = vector.broadcast %parallel_loop3A_1070 : i32 to vector<16xi32>
        %parallel_loop3A_1072 = arith.cmpi slt, %parallel_loop3A_989, %parallel_loop3A_1071 : vector<16xi32>
        %parallel_loop3A_1073 = arith.constant 16 : i32
        %parallel_loop3A_1074 = vector.broadcast %parallel_loop3A_1073 : i32 to vector<16xi32>
        %parallel_loop3A_1075 = arith.addi %parallel_loop3A_989, %parallel_loop3A_1074 : vector<16xi32>
        %parallel_loop3A_1076 = arith.select %parallel_loop3A_1072, %parallel_loop3A_1075, %parallel_loop3A_989 : vector<16xi1>, vector<16xi32>
        %parallel_loop3A_1077 = vector.shape_cast %parallel_loop3A_1076 : vector<16xi32> to vector<16x1xi32>
        %parallel_loop3A_1078 = vector.shape_cast %parallel_loop3A_1077 : vector<16x1xi32> to vector<16xi32>
        %parallel_loop3A_1079 = tpu.dynamic_gather %parallel_loop3A_540[%parallel_loop3A_1078] in [0] : vector<16xf32>, vector<16xi32> -> vector<16xf32>
        %parallel_loop3A_1080 = arith.addf %parallel_loop3A_540, %parallel_loop3A_1079 : vector<16xf32>
        %parallel_loop3A_1081 = arith.select %parallel_loop3A_986, %parallel_loop3A_1069, %parallel_loop3A_1080 : vector<16xi1>, vector<16xf32>
        %parallel_loop3A_1082 = arith.constant 0 : i32
        %parallel_loop3A_1083 = vector.broadcast %parallel_loop3A_1082 : i32 to vector<16xi32>
        %parallel_loop3A_1084 = arith.cmpi slt, %parallel_loop3A_989, %parallel_loop3A_1083 : vector<16xi32>
        %parallel_loop3A_1085 = arith.constant 16 : i32
        %parallel_loop3A_1086 = vector.broadcast %parallel_loop3A_1085 : i32 to vector<16xi32>
        %parallel_loop3A_1087 = arith.addi %parallel_loop3A_989, %parallel_loop3A_1086 : vector<16xi32>
        %parallel_loop3A_1088 = arith.select %parallel_loop3A_1084, %parallel_loop3A_1087, %parallel_loop3A_989 : vector<16xi1>, vector<16xi32>
        %parallel_loop3A_1089 = vector.shape_cast %parallel_loop3A_1088 : vector<16xi32> to vector<16x1xi32>
        %parallel_loop3A_1090 = vector.shape_cast %parallel_loop3A_1089 : vector<16x1xi32> to vector<16xi32>
        %parallel_loop3A_1091 = tpu.dynamic_gather %parallel_loop3A_595[%parallel_loop3A_1090] in [0] : vector<16xf32>, vector<16xi32> -> vector<16xf32>
        %parallel_loop3A_1092 = arith.addf %parallel_loop3A_595, %parallel_loop3A_1091 : vector<16xf32>
        %parallel_loop3A_1093 = arith.constant 0 : i32
        %parallel_loop3A_1094 = vector.broadcast %parallel_loop3A_1093 : i32 to vector<16xi32>
        %parallel_loop3A_1095 = arith.cmpi slt, %parallel_loop3A_989, %parallel_loop3A_1094 : vector<16xi32>
        %parallel_loop3A_1096 = arith.constant 16 : i32
        %parallel_loop3A_1097 = vector.broadcast %parallel_loop3A_1096 : i32 to vector<16xi32>
        %parallel_loop3A_1098 = arith.addi %parallel_loop3A_989, %parallel_loop3A_1097 : vector<16xi32>
        %parallel_loop3A_1099 = arith.select %parallel_loop3A_1095, %parallel_loop3A_1098, %parallel_loop3A_989 : vector<16xi1>, vector<16xi32>
        %parallel_loop3A_1100 = vector.shape_cast %parallel_loop3A_1099 : vector<16xi32> to vector<16x1xi32>
        %parallel_loop3A_1101 = vector.shape_cast %parallel_loop3A_1100 : vector<16x1xi32> to vector<16xi32>
        %parallel_loop3A_1102 = tpu.dynamic_gather %parallel_loop3A_650[%parallel_loop3A_1101] in [0] : vector<16xf32>, vector<16xi32> -> vector<16xf32>
        %parallel_loop3A_1103 = arith.addf %parallel_loop3A_650, %parallel_loop3A_1102 : vector<16xf32>
        %parallel_loop3A_1104 = arith.select %parallel_loop3A_986, %parallel_loop3A_1092, %parallel_loop3A_1103 : vector<16xi1>, vector<16xf32>
        %parallel_loop3A_1105 = arith.constant 0 : i32
        %parallel_loop3A_1106 = vector.broadcast %parallel_loop3A_1105 : i32 to vector<16xi32>
        %parallel_loop3A_1107 = arith.cmpi slt, %parallel_loop3A_989, %parallel_loop3A_1106 : vector<16xi32>
        %parallel_loop3A_1108 = arith.constant 16 : i32
        %parallel_loop3A_1109 = vector.broadcast %parallel_loop3A_1108 : i32 to vector<16xi32>
        %parallel_loop3A_1110 = arith.addi %parallel_loop3A_989, %parallel_loop3A_1109 : vector<16xi32>
        %parallel_loop3A_1111 = arith.select %parallel_loop3A_1107, %parallel_loop3A_1110, %parallel_loop3A_989 : vector<16xi1>, vector<16xi32>
        %parallel_loop3A_1112 = vector.shape_cast %parallel_loop3A_1111 : vector<16xi32> to vector<16x1xi32>
        %parallel_loop3A_1113 = vector.shape_cast %parallel_loop3A_1112 : vector<16x1xi32> to vector<16xi32>
        %parallel_loop3A_1114 = tpu.dynamic_gather %parallel_loop3A_705[%parallel_loop3A_1113] in [0] : vector<16xf32>, vector<16xi32> -> vector<16xf32>
        %parallel_loop3A_1115 = arith.addf %parallel_loop3A_705, %parallel_loop3A_1114 : vector<16xf32>
        %parallel_loop3A_1116 = arith.constant 0 : i32
        %parallel_loop3A_1117 = vector.broadcast %parallel_loop3A_1116 : i32 to vector<16xi32>
        %parallel_loop3A_1118 = arith.cmpi slt, %parallel_loop3A_989, %parallel_loop3A_1117 : vector<16xi32>
        %parallel_loop3A_1119 = arith.constant 16 : i32
        %parallel_loop3A_1120 = vector.broadcast %parallel_loop3A_1119 : i32 to vector<16xi32>
        %parallel_loop3A_1121 = arith.addi %parallel_loop3A_989, %parallel_loop3A_1120 : vector<16xi32>
        %parallel_loop3A_1122 = arith.select %parallel_loop3A_1118, %parallel_loop3A_1121, %parallel_loop3A_989 : vector<16xi1>, vector<16xi32>
        %parallel_loop3A_1123 = vector.shape_cast %parallel_loop3A_1122 : vector<16xi32> to vector<16x1xi32>
        %parallel_loop3A_1124 = vector.shape_cast %parallel_loop3A_1123 : vector<16x1xi32> to vector<16xi32>
        %parallel_loop3A_1125 = tpu.dynamic_gather %parallel_loop3A_760[%parallel_loop3A_1124] in [0] : vector<16xf32>, vector<16xi32> -> vector<16xf32>
        %parallel_loop3A_1126 = arith.addf %parallel_loop3A_760, %parallel_loop3A_1125 : vector<16xf32>
        %parallel_loop3A_1127 = arith.select %parallel_loop3A_986, %parallel_loop3A_1115, %parallel_loop3A_1126 : vector<16xi1>, vector<16xf32>
        %parallel_loop3A_1128 = arith.constant 0 : i32
        %parallel_loop3A_1129 = vector.broadcast %parallel_loop3A_1128 : i32 to vector<16xi32>
        %parallel_loop3A_1130 = arith.cmpi slt, %parallel_loop3A_989, %parallel_loop3A_1129 : vector<16xi32>
        %parallel_loop3A_1131 = arith.constant 16 : i32
        %parallel_loop3A_1132 = vector.broadcast %parallel_loop3A_1131 : i32 to vector<16xi32>
        %parallel_loop3A_1133 = arith.addi %parallel_loop3A_989, %parallel_loop3A_1132 : vector<16xi32>
        %parallel_loop3A_1134 = arith.select %parallel_loop3A_1130, %parallel_loop3A_1133, %parallel_loop3A_989 : vector<16xi1>, vector<16xi32>
        %parallel_loop3A_1135 = vector.shape_cast %parallel_loop3A_1134 : vector<16xi32> to vector<16x1xi32>
        %parallel_loop3A_1136 = vector.shape_cast %parallel_loop3A_1135 : vector<16x1xi32> to vector<16xi32>
        %parallel_loop3A_1137 = tpu.dynamic_gather %parallel_loop3A_815[%parallel_loop3A_1136] in [0] : vector<16xf32>, vector<16xi32> -> vector<16xf32>
        %parallel_loop3A_1138 = arith.addf %parallel_loop3A_815, %parallel_loop3A_1137 : vector<16xf32>
        %parallel_loop3A_1139 = arith.constant 0 : i32
        %parallel_loop3A_1140 = vector.broadcast %parallel_loop3A_1139 : i32 to vector<16xi32>
        %parallel_loop3A_1141 = arith.cmpi slt, %parallel_loop3A_989, %parallel_loop3A_1140 : vector<16xi32>
        %parallel_loop3A_1142 = arith.constant 16 : i32
        %parallel_loop3A_1143 = vector.broadcast %parallel_loop3A_1142 : i32 to vector<16xi32>
        %parallel_loop3A_1144 = arith.addi %parallel_loop3A_989, %parallel_loop3A_1143 : vector<16xi32>
        %parallel_loop3A_1145 = arith.select %parallel_loop3A_1141, %parallel_loop3A_1144, %parallel_loop3A_989 : vector<16xi1>, vector<16xi32>
        %parallel_loop3A_1146 = vector.shape_cast %parallel_loop3A_1145 : vector<16xi32> to vector<16x1xi32>
        %parallel_loop3A_1147 = vector.shape_cast %parallel_loop3A_1146 : vector<16x1xi32> to vector<16xi32>
        %parallel_loop3A_1148 = tpu.dynamic_gather %parallel_loop3A_870[%parallel_loop3A_1147] in [0] : vector<16xf32>, vector<16xi32> -> vector<16xf32>
        %parallel_loop3A_1149 = arith.addf %parallel_loop3A_870, %parallel_loop3A_1148 : vector<16xf32>
        %parallel_loop3A_1150 = arith.select %parallel_loop3A_986, %parallel_loop3A_1138, %parallel_loop3A_1149 : vector<16xi1>, vector<16xf32>
        %parallel_loop3A_1151 = arith.constant 0 : i32
        %parallel_loop3A_1152 = vector.broadcast %parallel_loop3A_1151 : i32 to vector<16xi32>
        %parallel_loop3A_1153 = arith.cmpi slt, %parallel_loop3A_989, %parallel_loop3A_1152 : vector<16xi32>
        %parallel_loop3A_1154 = arith.constant 16 : i32
        %parallel_loop3A_1155 = vector.broadcast %parallel_loop3A_1154 : i32 to vector<16xi32>
        %parallel_loop3A_1156 = arith.addi %parallel_loop3A_989, %parallel_loop3A_1155 : vector<16xi32>
        %parallel_loop3A_1157 = arith.select %parallel_loop3A_1153, %parallel_loop3A_1156, %parallel_loop3A_989 : vector<16xi1>, vector<16xi32>
        %parallel_loop3A_1158 = vector.shape_cast %parallel_loop3A_1157 : vector<16xi32> to vector<16x1xi32>
        %parallel_loop3A_1159 = vector.shape_cast %parallel_loop3A_1158 : vector<16x1xi32> to vector<16xi32>
        %parallel_loop3A_1160 = tpu.dynamic_gather %parallel_loop3A_925[%parallel_loop3A_1159] in [0] : vector<16xf32>, vector<16xi32> -> vector<16xf32>
        %parallel_loop3A_1161 = arith.addf %parallel_loop3A_925, %parallel_loop3A_1160 : vector<16xf32>
        %parallel_loop3A_1162 = arith.constant 0 : i32
        %parallel_loop3A_1163 = vector.broadcast %parallel_loop3A_1162 : i32 to vector<16xi32>
        %parallel_loop3A_1164 = arith.cmpi slt, %parallel_loop3A_989, %parallel_loop3A_1163 : vector<16xi32>
        %parallel_loop3A_1165 = arith.constant 16 : i32
        %parallel_loop3A_1166 = vector.broadcast %parallel_loop3A_1165 : i32 to vector<16xi32>
        %parallel_loop3A_1167 = arith.addi %parallel_loop3A_989, %parallel_loop3A_1166 : vector<16xi32>
        %parallel_loop3A_1168 = arith.select %parallel_loop3A_1164, %parallel_loop3A_1167, %parallel_loop3A_989 : vector<16xi1>, vector<16xi32>
        %parallel_loop3A_1169 = vector.shape_cast %parallel_loop3A_1168 : vector<16xi32> to vector<16x1xi32>
        %parallel_loop3A_1170 = vector.shape_cast %parallel_loop3A_1169 : vector<16x1xi32> to vector<16xi32>
        %parallel_loop3A_1171 = tpu.dynamic_gather %parallel_loop3A_980[%parallel_loop3A_1170] in [0] : vector<16xf32>, vector<16xi32> -> vector<16xf32>
        %parallel_loop3A_1172 = arith.addf %parallel_loop3A_980, %parallel_loop3A_1171 : vector<16xf32>
        %parallel_loop3A_1173 = arith.select %parallel_loop3A_986, %parallel_loop3A_1161, %parallel_loop3A_1172 : vector<16xi1>, vector<16xf32>
        %parallel_loop3A_1174 = arith.constant 2 : i32
        %parallel_loop3A_1175 = vector.broadcast %parallel_loop3A_1174 : i32 to vector<16xi32>
        %parallel_loop3A_1176 = arith.andi %iota3A, %parallel_loop3A_1175 : vector<16xi32>
        %parallel_loop3A_1177 = arith.constant 0 : i32
        %parallel_loop3A_1178 = vector.broadcast %parallel_loop3A_1177 : i32 to vector<16xi32>
        %parallel_loop3A_1179 = arith.cmpi eq, %parallel_loop3A_1176, %parallel_loop3A_1178 : vector<16xi32>
        %parallel_loop3A_1180 = arith.constant 2 : i32
        %parallel_loop3A_1181 = vector.broadcast %parallel_loop3A_1180 : i32 to vector<16xi32>
        %parallel_loop3A_1182 = arith.xori %iota3A, %parallel_loop3A_1181 : vector<16xi32>
        %parallel_loop3A_1183 = arith.constant 0 : i32
        %parallel_loop3A_1184 = vector.broadcast %parallel_loop3A_1183 : i32 to vector<16xi32>
        %parallel_loop3A_1185 = arith.cmpi slt, %parallel_loop3A_1182, %parallel_loop3A_1184 : vector<16xi32>
        %parallel_loop3A_1186 = arith.constant 16 : i32
        %parallel_loop3A_1187 = vector.broadcast %parallel_loop3A_1186 : i32 to vector<16xi32>
        %parallel_loop3A_1188 = arith.addi %parallel_loop3A_1182, %parallel_loop3A_1187 : vector<16xi32>
        %parallel_loop3A_1189 = arith.select %parallel_loop3A_1185, %parallel_loop3A_1188, %parallel_loop3A_1182 : vector<16xi1>, vector<16xi32>
        %parallel_loop3A_1190 = vector.shape_cast %parallel_loop3A_1189 : vector<16xi32> to vector<16x1xi32>
        %parallel_loop3A_1191 = vector.shape_cast %parallel_loop3A_1190 : vector<16x1xi32> to vector<16xi32>
        %parallel_loop3A_1192 = tpu.dynamic_gather %parallel_loop3A_1012[%parallel_loop3A_1191] in [0] : vector<16xf32>, vector<16xi32> -> vector<16xf32>
        %parallel_loop3A_1193 = arith.addf %parallel_loop3A_1012, %parallel_loop3A_1192 : vector<16xf32>
        %parallel_loop3A_1194 = arith.constant 0 : i32
        %parallel_loop3A_1195 = vector.broadcast %parallel_loop3A_1194 : i32 to vector<16xi32>
        %parallel_loop3A_1196 = arith.cmpi slt, %parallel_loop3A_1182, %parallel_loop3A_1195 : vector<16xi32>
        %parallel_loop3A_1197 = arith.constant 16 : i32
        %parallel_loop3A_1198 = vector.broadcast %parallel_loop3A_1197 : i32 to vector<16xi32>
        %parallel_loop3A_1199 = arith.addi %parallel_loop3A_1182, %parallel_loop3A_1198 : vector<16xi32>
        %parallel_loop3A_1200 = arith.select %parallel_loop3A_1196, %parallel_loop3A_1199, %parallel_loop3A_1182 : vector<16xi1>, vector<16xi32>
        %parallel_loop3A_1201 = vector.shape_cast %parallel_loop3A_1200 : vector<16xi32> to vector<16x1xi32>
        %parallel_loop3A_1202 = vector.shape_cast %parallel_loop3A_1201 : vector<16x1xi32> to vector<16xi32>
        %parallel_loop3A_1203 = tpu.dynamic_gather %parallel_loop3A_1035[%parallel_loop3A_1202] in [0] : vector<16xf32>, vector<16xi32> -> vector<16xf32>
        %parallel_loop3A_1204 = arith.addf %parallel_loop3A_1035, %parallel_loop3A_1203 : vector<16xf32>
        %parallel_loop3A_1205 = arith.select %parallel_loop3A_1179, %parallel_loop3A_1193, %parallel_loop3A_1204 : vector<16xi1>, vector<16xf32>
        %parallel_loop3A_1206 = arith.constant 0 : i32
        %parallel_loop3A_1207 = vector.broadcast %parallel_loop3A_1206 : i32 to vector<16xi32>
        %parallel_loop3A_1208 = arith.cmpi slt, %parallel_loop3A_1182, %parallel_loop3A_1207 : vector<16xi32>
        %parallel_loop3A_1209 = arith.constant 16 : i32
        %parallel_loop3A_1210 = vector.broadcast %parallel_loop3A_1209 : i32 to vector<16xi32>
        %parallel_loop3A_1211 = arith.addi %parallel_loop3A_1182, %parallel_loop3A_1210 : vector<16xi32>
        %parallel_loop3A_1212 = arith.select %parallel_loop3A_1208, %parallel_loop3A_1211, %parallel_loop3A_1182 : vector<16xi1>, vector<16xi32>
        %parallel_loop3A_1213 = vector.shape_cast %parallel_loop3A_1212 : vector<16xi32> to vector<16x1xi32>
        %parallel_loop3A_1214 = vector.shape_cast %parallel_loop3A_1213 : vector<16x1xi32> to vector<16xi32>
        %parallel_loop3A_1215 = tpu.dynamic_gather %parallel_loop3A_1058[%parallel_loop3A_1214] in [0] : vector<16xf32>, vector<16xi32> -> vector<16xf32>
        %parallel_loop3A_1216 = arith.addf %parallel_loop3A_1058, %parallel_loop3A_1215 : vector<16xf32>
        %parallel_loop3A_1217 = arith.constant 0 : i32
        %parallel_loop3A_1218 = vector.broadcast %parallel_loop3A_1217 : i32 to vector<16xi32>
        %parallel_loop3A_1219 = arith.cmpi slt, %parallel_loop3A_1182, %parallel_loop3A_1218 : vector<16xi32>
        %parallel_loop3A_1220 = arith.constant 16 : i32
        %parallel_loop3A_1221 = vector.broadcast %parallel_loop3A_1220 : i32 to vector<16xi32>
        %parallel_loop3A_1222 = arith.addi %parallel_loop3A_1182, %parallel_loop3A_1221 : vector<16xi32>
        %parallel_loop3A_1223 = arith.select %parallel_loop3A_1219, %parallel_loop3A_1222, %parallel_loop3A_1182 : vector<16xi1>, vector<16xi32>
        %parallel_loop3A_1224 = vector.shape_cast %parallel_loop3A_1223 : vector<16xi32> to vector<16x1xi32>
        %parallel_loop3A_1225 = vector.shape_cast %parallel_loop3A_1224 : vector<16x1xi32> to vector<16xi32>
        %parallel_loop3A_1226 = tpu.dynamic_gather %parallel_loop3A_1081[%parallel_loop3A_1225] in [0] : vector<16xf32>, vector<16xi32> -> vector<16xf32>
        %parallel_loop3A_1227 = arith.addf %parallel_loop3A_1081, %parallel_loop3A_1226 : vector<16xf32>
        %parallel_loop3A_1228 = arith.select %parallel_loop3A_1179, %parallel_loop3A_1216, %parallel_loop3A_1227 : vector<16xi1>, vector<16xf32>
        %parallel_loop3A_1229 = arith.constant 0 : i32
        %parallel_loop3A_1230 = vector.broadcast %parallel_loop3A_1229 : i32 to vector<16xi32>
        %parallel_loop3A_1231 = arith.cmpi slt, %parallel_loop3A_1182, %parallel_loop3A_1230 : vector<16xi32>
        %parallel_loop3A_1232 = arith.constant 16 : i32
        %parallel_loop3A_1233 = vector.broadcast %parallel_loop3A_1232 : i32 to vector<16xi32>
        %parallel_loop3A_1234 = arith.addi %parallel_loop3A_1182, %parallel_loop3A_1233 : vector<16xi32>
        %parallel_loop3A_1235 = arith.select %parallel_loop3A_1231, %parallel_loop3A_1234, %parallel_loop3A_1182 : vector<16xi1>, vector<16xi32>
        %parallel_loop3A_1236 = vector.shape_cast %parallel_loop3A_1235 : vector<16xi32> to vector<16x1xi32>
        %parallel_loop3A_1237 = vector.shape_cast %parallel_loop3A_1236 : vector<16x1xi32> to vector<16xi32>
        %parallel_loop3A_1238 = tpu.dynamic_gather %parallel_loop3A_1104[%parallel_loop3A_1237] in [0] : vector<16xf32>, vector<16xi32> -> vector<16xf32>
        %parallel_loop3A_1239 = arith.addf %parallel_loop3A_1104, %parallel_loop3A_1238 : vector<16xf32>
        %parallel_loop3A_1240 = arith.constant 0 : i32
        %parallel_loop3A_1241 = vector.broadcast %parallel_loop3A_1240 : i32 to vector<16xi32>
        %parallel_loop3A_1242 = arith.cmpi slt, %parallel_loop3A_1182, %parallel_loop3A_1241 : vector<16xi32>
        %parallel_loop3A_1243 = arith.constant 16 : i32
        %parallel_loop3A_1244 = vector.broadcast %parallel_loop3A_1243 : i32 to vector<16xi32>
        %parallel_loop3A_1245 = arith.addi %parallel_loop3A_1182, %parallel_loop3A_1244 : vector<16xi32>
        %parallel_loop3A_1246 = arith.select %parallel_loop3A_1242, %parallel_loop3A_1245, %parallel_loop3A_1182 : vector<16xi1>, vector<16xi32>
        %parallel_loop3A_1247 = vector.shape_cast %parallel_loop3A_1246 : vector<16xi32> to vector<16x1xi32>
        %parallel_loop3A_1248 = vector.shape_cast %parallel_loop3A_1247 : vector<16x1xi32> to vector<16xi32>
        %parallel_loop3A_1249 = tpu.dynamic_gather %parallel_loop3A_1127[%parallel_loop3A_1248] in [0] : vector<16xf32>, vector<16xi32> -> vector<16xf32>
        %parallel_loop3A_1250 = arith.addf %parallel_loop3A_1127, %parallel_loop3A_1249 : vector<16xf32>
        %parallel_loop3A_1251 = arith.select %parallel_loop3A_1179, %parallel_loop3A_1239, %parallel_loop3A_1250 : vector<16xi1>, vector<16xf32>
        %parallel_loop3A_1252 = arith.constant 0 : i32
        %parallel_loop3A_1253 = vector.broadcast %parallel_loop3A_1252 : i32 to vector<16xi32>
        %parallel_loop3A_1254 = arith.cmpi slt, %parallel_loop3A_1182, %parallel_loop3A_1253 : vector<16xi32>
        %parallel_loop3A_1255 = arith.constant 16 : i32
        %parallel_loop3A_1256 = vector.broadcast %parallel_loop3A_1255 : i32 to vector<16xi32>
        %parallel_loop3A_1257 = arith.addi %parallel_loop3A_1182, %parallel_loop3A_1256 : vector<16xi32>
        %parallel_loop3A_1258 = arith.select %parallel_loop3A_1254, %parallel_loop3A_1257, %parallel_loop3A_1182 : vector<16xi1>, vector<16xi32>
        %parallel_loop3A_1259 = vector.shape_cast %parallel_loop3A_1258 : vector<16xi32> to vector<16x1xi32>
        %parallel_loop3A_1260 = vector.shape_cast %parallel_loop3A_1259 : vector<16x1xi32> to vector<16xi32>
        %parallel_loop3A_1261 = tpu.dynamic_gather %parallel_loop3A_1150[%parallel_loop3A_1260] in [0] : vector<16xf32>, vector<16xi32> -> vector<16xf32>
        %parallel_loop3A_1262 = arith.addf %parallel_loop3A_1150, %parallel_loop3A_1261 : vector<16xf32>
        %parallel_loop3A_1263 = arith.constant 0 : i32
        %parallel_loop3A_1264 = vector.broadcast %parallel_loop3A_1263 : i32 to vector<16xi32>
        %parallel_loop3A_1265 = arith.cmpi slt, %parallel_loop3A_1182, %parallel_loop3A_1264 : vector<16xi32>
        %parallel_loop3A_1266 = arith.constant 16 : i32
        %parallel_loop3A_1267 = vector.broadcast %parallel_loop3A_1266 : i32 to vector<16xi32>
        %parallel_loop3A_1268 = arith.addi %parallel_loop3A_1182, %parallel_loop3A_1267 : vector<16xi32>
        %parallel_loop3A_1269 = arith.select %parallel_loop3A_1265, %parallel_loop3A_1268, %parallel_loop3A_1182 : vector<16xi1>, vector<16xi32>
        %parallel_loop3A_1270 = vector.shape_cast %parallel_loop3A_1269 : vector<16xi32> to vector<16x1xi32>
        %parallel_loop3A_1271 = vector.shape_cast %parallel_loop3A_1270 : vector<16x1xi32> to vector<16xi32>
        %parallel_loop3A_1272 = tpu.dynamic_gather %parallel_loop3A_1173[%parallel_loop3A_1271] in [0] : vector<16xf32>, vector<16xi32> -> vector<16xf32>
        %parallel_loop3A_1273 = arith.addf %parallel_loop3A_1173, %parallel_loop3A_1272 : vector<16xf32>
        %parallel_loop3A_1274 = arith.select %parallel_loop3A_1179, %parallel_loop3A_1262, %parallel_loop3A_1273 : vector<16xi1>, vector<16xf32>
        %parallel_loop3A_1275 = arith.constant 4 : i32
        %parallel_loop3A_1276 = vector.broadcast %parallel_loop3A_1275 : i32 to vector<16xi32>
        %parallel_loop3A_1277 = arith.andi %iota3A, %parallel_loop3A_1276 : vector<16xi32>
        %parallel_loop3A_1278 = arith.constant 0 : i32
        %parallel_loop3A_1279 = vector.broadcast %parallel_loop3A_1278 : i32 to vector<16xi32>
        %parallel_loop3A_1280 = arith.cmpi eq, %parallel_loop3A_1277, %parallel_loop3A_1279 : vector<16xi32>
        %parallel_loop3A_1281 = arith.constant 4 : i32
        %parallel_loop3A_1282 = vector.broadcast %parallel_loop3A_1281 : i32 to vector<16xi32>
        %parallel_loop3A_1283 = arith.xori %iota3A, %parallel_loop3A_1282 : vector<16xi32>
        %parallel_loop3A_1284 = arith.constant 0 : i32
        %parallel_loop3A_1285 = vector.broadcast %parallel_loop3A_1284 : i32 to vector<16xi32>
        %parallel_loop3A_1286 = arith.cmpi slt, %parallel_loop3A_1283, %parallel_loop3A_1285 : vector<16xi32>
        %parallel_loop3A_1287 = arith.constant 16 : i32
        %parallel_loop3A_1288 = vector.broadcast %parallel_loop3A_1287 : i32 to vector<16xi32>
        %parallel_loop3A_1289 = arith.addi %parallel_loop3A_1283, %parallel_loop3A_1288 : vector<16xi32>
        %parallel_loop3A_1290 = arith.select %parallel_loop3A_1286, %parallel_loop3A_1289, %parallel_loop3A_1283 : vector<16xi1>, vector<16xi32>
        %parallel_loop3A_1291 = vector.shape_cast %parallel_loop3A_1290 : vector<16xi32> to vector<16x1xi32>
        %parallel_loop3A_1292 = vector.shape_cast %parallel_loop3A_1291 : vector<16x1xi32> to vector<16xi32>
        %parallel_loop3A_1293 = tpu.dynamic_gather %parallel_loop3A_1205[%parallel_loop3A_1292] in [0] : vector<16xf32>, vector<16xi32> -> vector<16xf32>
        %parallel_loop3A_1294 = arith.addf %parallel_loop3A_1205, %parallel_loop3A_1293 : vector<16xf32>
        %parallel_loop3A_1295 = arith.constant 0 : i32
        %parallel_loop3A_1296 = vector.broadcast %parallel_loop3A_1295 : i32 to vector<16xi32>
        %parallel_loop3A_1297 = arith.cmpi slt, %parallel_loop3A_1283, %parallel_loop3A_1296 : vector<16xi32>
        %parallel_loop3A_1298 = arith.constant 16 : i32
        %parallel_loop3A_1299 = vector.broadcast %parallel_loop3A_1298 : i32 to vector<16xi32>
        %parallel_loop3A_1300 = arith.addi %parallel_loop3A_1283, %parallel_loop3A_1299 : vector<16xi32>
        %parallel_loop3A_1301 = arith.select %parallel_loop3A_1297, %parallel_loop3A_1300, %parallel_loop3A_1283 : vector<16xi1>, vector<16xi32>
        %parallel_loop3A_1302 = vector.shape_cast %parallel_loop3A_1301 : vector<16xi32> to vector<16x1xi32>
        %parallel_loop3A_1303 = vector.shape_cast %parallel_loop3A_1302 : vector<16x1xi32> to vector<16xi32>
        %parallel_loop3A_1304 = tpu.dynamic_gather %parallel_loop3A_1228[%parallel_loop3A_1303] in [0] : vector<16xf32>, vector<16xi32> -> vector<16xf32>
        %parallel_loop3A_1305 = arith.addf %parallel_loop3A_1228, %parallel_loop3A_1304 : vector<16xf32>
        %parallel_loop3A_1306 = arith.select %parallel_loop3A_1280, %parallel_loop3A_1294, %parallel_loop3A_1305 : vector<16xi1>, vector<16xf32>
        %parallel_loop3A_1307 = arith.constant 0 : i32
        %parallel_loop3A_1308 = vector.broadcast %parallel_loop3A_1307 : i32 to vector<16xi32>
        %parallel_loop3A_1309 = arith.cmpi slt, %parallel_loop3A_1283, %parallel_loop3A_1308 : vector<16xi32>
        %parallel_loop3A_1310 = arith.constant 16 : i32
        %parallel_loop3A_1311 = vector.broadcast %parallel_loop3A_1310 : i32 to vector<16xi32>
        %parallel_loop3A_1312 = arith.addi %parallel_loop3A_1283, %parallel_loop3A_1311 : vector<16xi32>
        %parallel_loop3A_1313 = arith.select %parallel_loop3A_1309, %parallel_loop3A_1312, %parallel_loop3A_1283 : vector<16xi1>, vector<16xi32>
        %parallel_loop3A_1314 = vector.shape_cast %parallel_loop3A_1313 : vector<16xi32> to vector<16x1xi32>
        %parallel_loop3A_1315 = vector.shape_cast %parallel_loop3A_1314 : vector<16x1xi32> to vector<16xi32>
        %parallel_loop3A_1316 = tpu.dynamic_gather %parallel_loop3A_1251[%parallel_loop3A_1315] in [0] : vector<16xf32>, vector<16xi32> -> vector<16xf32>
        %parallel_loop3A_1317 = arith.addf %parallel_loop3A_1251, %parallel_loop3A_1316 : vector<16xf32>
        %parallel_loop3A_1318 = arith.constant 0 : i32
        %parallel_loop3A_1319 = vector.broadcast %parallel_loop3A_1318 : i32 to vector<16xi32>
        %parallel_loop3A_1320 = arith.cmpi slt, %parallel_loop3A_1283, %parallel_loop3A_1319 : vector<16xi32>
        %parallel_loop3A_1321 = arith.constant 16 : i32
        %parallel_loop3A_1322 = vector.broadcast %parallel_loop3A_1321 : i32 to vector<16xi32>
        %parallel_loop3A_1323 = arith.addi %parallel_loop3A_1283, %parallel_loop3A_1322 : vector<16xi32>
        %parallel_loop3A_1324 = arith.select %parallel_loop3A_1320, %parallel_loop3A_1323, %parallel_loop3A_1283 : vector<16xi1>, vector<16xi32>
        %parallel_loop3A_1325 = vector.shape_cast %parallel_loop3A_1324 : vector<16xi32> to vector<16x1xi32>
        %parallel_loop3A_1326 = vector.shape_cast %parallel_loop3A_1325 : vector<16x1xi32> to vector<16xi32>
        %parallel_loop3A_1327 = tpu.dynamic_gather %parallel_loop3A_1274[%parallel_loop3A_1326] in [0] : vector<16xf32>, vector<16xi32> -> vector<16xf32>
        %parallel_loop3A_1328 = arith.addf %parallel_loop3A_1274, %parallel_loop3A_1327 : vector<16xf32>
        %parallel_loop3A_1329 = arith.select %parallel_loop3A_1280, %parallel_loop3A_1317, %parallel_loop3A_1328 : vector<16xi1>, vector<16xf32>
        %parallel_loop3A_1330 = arith.constant 8 : i32
        %parallel_loop3A_1331 = vector.broadcast %parallel_loop3A_1330 : i32 to vector<16xi32>
        %parallel_loop3A_1332 = arith.andi %iota3A, %parallel_loop3A_1331 : vector<16xi32>
        %parallel_loop3A_1333 = arith.constant 0 : i32
        %parallel_loop3A_1334 = vector.broadcast %parallel_loop3A_1333 : i32 to vector<16xi32>
        %parallel_loop3A_1335 = arith.cmpi eq, %parallel_loop3A_1332, %parallel_loop3A_1334 : vector<16xi32>
        %parallel_loop3A_1336 = arith.constant 8 : i32
        %parallel_loop3A_1337 = vector.broadcast %parallel_loop3A_1336 : i32 to vector<16xi32>
        %parallel_loop3A_1338 = arith.xori %iota3A, %parallel_loop3A_1337 : vector<16xi32>
        %parallel_loop3A_1339 = arith.constant 0 : i32
        %parallel_loop3A_1340 = vector.broadcast %parallel_loop3A_1339 : i32 to vector<16xi32>
        %parallel_loop3A_1341 = arith.cmpi slt, %parallel_loop3A_1338, %parallel_loop3A_1340 : vector<16xi32>
        %parallel_loop3A_1342 = arith.constant 16 : i32
        %parallel_loop3A_1343 = vector.broadcast %parallel_loop3A_1342 : i32 to vector<16xi32>
        %parallel_loop3A_1344 = arith.addi %parallel_loop3A_1338, %parallel_loop3A_1343 : vector<16xi32>
        %parallel_loop3A_1345 = arith.select %parallel_loop3A_1341, %parallel_loop3A_1344, %parallel_loop3A_1338 : vector<16xi1>, vector<16xi32>
        %parallel_loop3A_1346 = vector.shape_cast %parallel_loop3A_1345 : vector<16xi32> to vector<16x1xi32>
        %parallel_loop3A_1347 = vector.shape_cast %parallel_loop3A_1346 : vector<16x1xi32> to vector<16xi32>
        %parallel_loop3A_1348 = tpu.dynamic_gather %parallel_loop3A_1306[%parallel_loop3A_1347] in [0] : vector<16xf32>, vector<16xi32> -> vector<16xf32>
        %parallel_loop3A_1349 = arith.addf %parallel_loop3A_1306, %parallel_loop3A_1348 : vector<16xf32>
        %parallel_loop3A_1350 = arith.constant 0 : i32
        %parallel_loop3A_1351 = vector.broadcast %parallel_loop3A_1350 : i32 to vector<16xi32>
        %parallel_loop3A_1352 = arith.cmpi slt, %parallel_loop3A_1338, %parallel_loop3A_1351 : vector<16xi32>
        %parallel_loop3A_1353 = arith.constant 16 : i32
        %parallel_loop3A_1354 = vector.broadcast %parallel_loop3A_1353 : i32 to vector<16xi32>
        %parallel_loop3A_1355 = arith.addi %parallel_loop3A_1338, %parallel_loop3A_1354 : vector<16xi32>
        %parallel_loop3A_1356 = arith.select %parallel_loop3A_1352, %parallel_loop3A_1355, %parallel_loop3A_1338 : vector<16xi1>, vector<16xi32>
        %parallel_loop3A_1357 = vector.shape_cast %parallel_loop3A_1356 : vector<16xi32> to vector<16x1xi32>
        %parallel_loop3A_1358 = vector.shape_cast %parallel_loop3A_1357 : vector<16x1xi32> to vector<16xi32>
        %parallel_loop3A_1359 = tpu.dynamic_gather %parallel_loop3A_1329[%parallel_loop3A_1358] in [0] : vector<16xf32>, vector<16xi32> -> vector<16xf32>
        %parallel_loop3A_1360 = arith.addf %parallel_loop3A_1329, %parallel_loop3A_1359 : vector<16xf32>
        %parallel_loop3A_1361 = arith.select %parallel_loop3A_1335, %parallel_loop3A_1349, %parallel_loop3A_1360 : vector<16xi1>, vector<16xf32>
        %parallel_loop3A_1362 = arith.constant 16 : i32
        %parallel_loop3A_1363 = arith.muli %parallel_loop3A_100, %parallel_loop3A_1362 : i32
        %parallel_loop3A_1364 = arith.index_cast %mul3A_40 : i32 to index
        %parallel_loop3A_1365 = arith.index_cast %parallel_loop3A_1363 : i32 to index
        %parallel_loop3A_1366 = tpu.vector_load %arg12[%parallel_loop3A_1364, %parallel_loop3A_1365] {strides = array<i32>} : memref<125x80xf32, #tpu.memory_space<vmem>>, vector<16xf32>,
        tpu.vector_store %arg12[%parallel_loop3A_1364, %parallel_loop3A_1365], %parallel_loop3A_1361 {strides = array<i32>} : memref<125x80xf32, #tpu.memory_space<vmem>>, vector<16xf32>,
      } {sc.loop_unroll_factor = 1 : i64, sc.parallel_access}
      %add3A_70 = arith.constant 2 : i32
      %add3A_71 = arith.addi %mul3A_40, %add3A_70 : i32
      %dma_start3A_72 = arith.constant 0 : i32
      %dma_start3A_73 = tpu.memref_slice %arg6[%add3A_71, %dma_start3A_72] : memref<125x80xi32, #tpu.memory_space<vmem>> -> memref<1x80xi32, #tpu.memory_space<vmem>>
      %dma_start3A_74 = tpu.memref_squeeze %dma_start3A_73 : memref<1x80xi32, #tpu.memory_space<vmem>> -> memref<80xi32, #tpu.memory_space<vmem>>
      %dma_start3A_75 = arith.constant 0 : i32
      %dma_start3A_76 = arith.constant 0 : i32
      %dma_start3A_77 = tpu.memref_slice %arg13[%dma_start3A_75, %dma_start3A_76] : memref<10000x64xi32, #tpu.memory_space<vmem_shared>> -> memref<10000x64xi32, #tpu.memory_space<vmem_shared>>
      tpu.enqueue_indirect_dma source(%dma_start3A_77 : memref<10000x64xi32, #tpu.memory_space<vmem_shared>>) target(%arg8 : memref<80x64xi32, #tpu.memory_space<vmem>>) offsets(%dma_start3A_74 : memref<80xi32, #tpu.memory_space<vmem>>) semaphore(%arg14 : memref<!tpu.dma_semaphore, #tpu.memory_space<semaphore_mem>>)
      %dma_start3A_78 = arith.constant 0 : i32
      %dma_start3A_79 = tpu.memref_slice %arg7[%add3A_71, %dma_start3A_78] : memref<125x80xi32, #tpu.memory_space<vmem>> -> memref<1x80xi32, #tpu.memory_space<vmem>>
      %dma_start3A_80 = tpu.memref_squeeze %dma_start3A_79 : memref<1x80xi32, #tpu.memory_space<vmem>> -> memref<80xi32, #tpu.memory_space<vmem>>
      %dma_start3A_81 = arith.constant 0 : i32
      %dma_start3A_82 = arith.constant 0 : i32
      %dma_start3A_83 = tpu.memref_slice %arg13[%dma_start3A_81, %dma_start3A_82] : memref<10000x64xi32, #tpu.memory_space<vmem_shared>> -> memref<10000x64xi32, #tpu.memory_space<vmem_shared>>
      tpu.enqueue_indirect_dma source(%dma_start3A_83 : memref<10000x64xi32, #tpu.memory_space<vmem_shared>>) target(%arg9 : memref<80x64xi32, #tpu.memory_space<vmem>>) offsets(%dma_start3A_80 : memref<80xi32, #tpu.memory_space<vmem>>) semaphore(%arg15 : memref<!tpu.dma_semaphore, #tpu.memory_space<semaphore_mem>>)
      %dma_wait3A_84 = arith.constant 0 : i32
      %dma_wait3A_85 = tpu.memref_slice %arg6[%add3A_42, %dma_wait3A_84] : memref<125x80xi32, #tpu.memory_space<vmem>> -> memref<1x80xi32, #tpu.memory_space<vmem>>
      %dma_wait3A_86 = tpu.memref_squeeze %dma_wait3A_85 : memref<1x80xi32, #tpu.memory_space<vmem>> -> memref<80xi32, #tpu.memory_space<vmem>>
      %dma_wait3A_87 = arith.constant 0 : i32
      %dma_wait3A_88 = arith.constant 0 : i32
      %dma_wait3A_89 = tpu.memref_slice %arg13[%dma_wait3A_87, %dma_wait3A_88] : memref<10000x64xi32, #tpu.memory_space<vmem_shared>> -> memref<10000x64xi32, #tpu.memory_space<vmem_shared>>
      tpu.wait_indirect_dma semaphore(%arg16 : memref<!tpu.dma_semaphore, #tpu.memory_space<semaphore_mem>>) src(%dma_wait3A_89 : memref<10000x64xi32, #tpu.memory_space<vmem_shared>>) dst(%arg10 : memref<80x64xi32, #tpu.memory_space<vmem>>)
      %dma_wait3A_90 = arith.constant 0 : i32
      %dma_wait3A_91 = tpu.memref_slice %arg7[%add3A_42, %dma_wait3A_90] : memref<125x80xi32, #tpu.memory_space<vmem>> -> memref<1x80xi32, #tpu.memory_space<vmem>>
      %dma_wait3A_92 = tpu.memref_squeeze %dma_wait3A_91 : memref<1x80xi32, #tpu.memory_space<vmem>> -> memref<80xi32, #tpu.memory_space<vmem>>
      %dma_wait3A_93 = arith.constant 0 : i32
      %dma_wait3A_94 = arith.constant 0 : i32
      %dma_wait3A_95 = tpu.memref_slice %arg13[%dma_wait3A_93, %dma_wait3A_94] : memref<10000x64xi32, #tpu.memory_space<vmem_shared>> -> memref<10000x64xi32, #tpu.memory_space<vmem_shared>>
      tpu.wait_indirect_dma semaphore(%arg17 : memref<!tpu.dma_semaphore, #tpu.memory_space<semaphore_mem>>) src(%dma_wait3A_95 : memref<10000x64xi32, #tpu.memory_space<vmem_shared>>) dst(%arg11 : memref<80x64xi32, #tpu.memory_space<vmem>>)
      %parallel_loop3A_96 = arith.constant 0 : i32
      %parallel_loop3A_97 = arith.constant 5 : i32
      %parallel_loop3A_98 = arith.constant 1 : i32
      scf.for %parallel_loop3A_100 = %parallel_loop3A_96 to %parallel_loop3A_97 step %parallel_loop3A_98  : i32 {
        %parallel_loop3A_101 = arith.constant 16 : i32
        %parallel_loop3A_102 = arith.muli %parallel_loop3A_100, %parallel_loop3A_101 : i32
        %parallel_loop3A_103 = arith.constant 0 : i32
        %parallel_loop3A_104 = arith.addi %parallel_loop3A_102, %parallel_loop3A_103 : i32
        %parallel_loop3A_105 = arith.index_cast %parallel_loop3A_104 : i32 to index
        %parallel_loop3A_106 = arith.constant 0 : index
        %parallel_loop3A_107 = tpu.vector_load %arg10[%parallel_loop3A_105, %parallel_loop3A_106] {strides = array<i32>} : memref<80x64xi32, #tpu.memory_space<vmem>>, vector<16xi32>,
        %parallel_loop3A_108 = vector.bitcast %parallel_loop3A_107 : vector<16xi32> to vector<32xbf16>
        %parallel_loop3A_109 = arith.index_cast %parallel_loop3A_104 : i32 to index
        %parallel_loop3A_110 = arith.constant 0 : index
        %parallel_loop3A_111 = tpu.vector_load %arg11[%parallel_loop3A_109, %parallel_loop3A_110] {strides = array<i32>} : memref<80x64xi32, #tpu.memory_space<vmem>>, vector<16xi32>,
        %parallel_loop3A_112 = vector.bitcast %parallel_loop3A_111 : vector<16xi32> to vector<32xbf16>
        %parallel_loop3A_113 = arith.mulf %parallel_loop3A_108, %parallel_loop3A_112 : vector<32xbf16>
        %parallel_loop3A_114 = tpu.unpack_subelements %parallel_loop3A_113, 0 {pack_format = #tpu.pack_format<interleaved>} : vector<32xbf16> -> vector<16xf32>
        %parallel_loop3A_115 = tpu.unpack_subelements %parallel_loop3A_113, 1 {pack_format = #tpu.pack_format<interleaved>} : vector<32xbf16> -> vector<16xf32>
        %parallel_loop3A_116 = arith.addf %parallel_loop3A_114, %parallel_loop3A_115 : vector<16xf32>
        %parallel_loop3A_117 = arith.index_cast %parallel_loop3A_104 : i32 to index
        %parallel_loop3A_118 = arith.constant 16 : index
        %parallel_loop3A_119 = tpu.vector_load %arg10[%parallel_loop3A_117, %parallel_loop3A_118] {strides = array<i32>} : memref<80x64xi32, #tpu.memory_space<vmem>>, vector<16xi32>,
        %parallel_loop3A_120 = vector.bitcast %parallel_loop3A_119 : vector<16xi32> to vector<32xbf16>
        %parallel_loop3A_121 = arith.index_cast %parallel_loop3A_104 : i32 to index
        %parallel_loop3A_122 = arith.constant 16 : index
        %parallel_loop3A_123 = tpu.vector_load %arg11[%parallel_loop3A_121, %parallel_loop3A_122] {strides = array<i32>} : memref<80x64xi32, #tpu.memory_space<vmem>>, vector<16xi32>,
        %parallel_loop3A_124 = vector.bitcast %parallel_loop3A_123 : vector<16xi32> to vector<32xbf16>
        %parallel_loop3A_125 = arith.mulf %parallel_loop3A_120, %parallel_loop3A_124 : vector<32xbf16>
        %parallel_loop3A_126 = tpu.unpack_subelements %parallel_loop3A_125, 0 {pack_format = #tpu.pack_format<interleaved>} : vector<32xbf16> -> vector<16xf32>
        %parallel_loop3A_127 = tpu.unpack_subelements %parallel_loop3A_125, 1 {pack_format = #tpu.pack_format<interleaved>} : vector<32xbf16> -> vector<16xf32>
        %parallel_loop3A_128 = arith.addf %parallel_loop3A_126, %parallel_loop3A_127 : vector<16xf32>
        %parallel_loop3A_129 = arith.index_cast %parallel_loop3A_104 : i32 to index
        %parallel_loop3A_130 = arith.constant 32 : index
        %parallel_loop3A_131 = tpu.vector_load %arg10[%parallel_loop3A_129, %parallel_loop3A_130] {strides = array<i32>} : memref<80x64xi32, #tpu.memory_space<vmem>>, vector<16xi32>,
        %parallel_loop3A_132 = vector.bitcast %parallel_loop3A_131 : vector<16xi32> to vector<32xbf16>
        %parallel_loop3A_133 = arith.index_cast %parallel_loop3A_104 : i32 to index
        %parallel_loop3A_134 = arith.constant 32 : index
        %parallel_loop3A_135 = tpu.vector_load %arg11[%parallel_loop3A_133, %parallel_loop3A_134] {strides = array<i32>} : memref<80x64xi32, #tpu.memory_space<vmem>>, vector<16xi32>,
        %parallel_loop3A_136 = vector.bitcast %parallel_loop3A_135 : vector<16xi32> to vector<32xbf16>
        %parallel_loop3A_137 = arith.mulf %parallel_loop3A_132, %parallel_loop3A_136 : vector<32xbf16>
        %parallel_loop3A_138 = tpu.unpack_subelements %parallel_loop3A_137, 0 {pack_format = #tpu.pack_format<interleaved>} : vector<32xbf16> -> vector<16xf32>
        %parallel_loop3A_139 = tpu.unpack_subelements %parallel_loop3A_137, 1 {pack_format = #tpu.pack_format<interleaved>} : vector<32xbf16> -> vector<16xf32>
        %parallel_loop3A_140 = arith.addf %parallel_loop3A_138, %parallel_loop3A_139 : vector<16xf32>
        %parallel_loop3A_141 = arith.index_cast %parallel_loop3A_104 : i32 to index
        %parallel_loop3A_142 = arith.constant 48 : index
        %parallel_loop3A_143 = tpu.vector_load %arg10[%parallel_loop3A_141, %parallel_loop3A_142] {strides = array<i32>} : memref<80x64xi32, #tpu.memory_space<vmem>>, vector<16xi32>,
        %parallel_loop3A_144 = vector.bitcast %parallel_loop3A_143 : vector<16xi32> to vector<32xbf16>
        %parallel_loop3A_145 = arith.index_cast %parallel_loop3A_104 : i32 to index
        %parallel_loop3A_146 = arith.constant 48 : index
        %parallel_loop3A_147 = tpu.vector_load %arg11[%parallel_loop3A_145, %parallel_loop3A_146] {strides = array<i32>} : memref<80x64xi32, #tpu.memory_space<vmem>>, vector<16xi32>,
        %parallel_loop3A_148 = vector.bitcast %parallel_loop3A_147 : vector<16xi32> to vector<32xbf16>
        %parallel_loop3A_149 = arith.mulf %parallel_loop3A_144, %parallel_loop3A_148 : vector<32xbf16>
        %parallel_loop3A_150 = tpu.unpack_subelements %parallel_loop3A_149, 0 {pack_format = #tpu.pack_format<interleaved>} : vector<32xbf16> -> vector<16xf32>
        %parallel_loop3A_151 = tpu.unpack_subelements %parallel_loop3A_149, 1 {pack_format = #tpu.pack_format<interleaved>} : vector<32xbf16> -> vector<16xf32>
        %parallel_loop3A_152 = arith.addf %parallel_loop3A_150, %parallel_loop3A_151 : vector<16xf32>
        %parallel_loop3A_153 = arith.addf %parallel_loop3A_116, %parallel_loop3A_128 : vector<16xf32>
        %parallel_loop3A_154 = arith.addf %parallel_loop3A_140, %parallel_loop3A_152 : vector<16xf32>
        %parallel_loop3A_155 = arith.addf %parallel_loop3A_153, %parallel_loop3A_154 : vector<16xf32>
        %parallel_loop3A_156 = arith.constant 16 : i32
        %parallel_loop3A_157 = arith.muli %parallel_loop3A_100, %parallel_loop3A_156 : i32
        %parallel_loop3A_158 = arith.constant 1 : i32
        %parallel_loop3A_159 = arith.addi %parallel_loop3A_157, %parallel_loop3A_158 : i32
        %parallel_loop3A_160 = arith.index_cast %parallel_loop3A_159 : i32 to index
        %parallel_loop3A_161 = arith.constant 0 : index
        %parallel_loop3A_162 = tpu.vector_load %arg10[%parallel_loop3A_160, %parallel_loop3A_161] {strides = array<i32>} : memref<80x64xi32, #tpu.memory_space<vmem>>, vector<16xi32>,
        %parallel_loop3A_163 = vector.bitcast %parallel_loop3A_162 : vector<16xi32> to vector<32xbf16>
        %parallel_loop3A_164 = arith.index_cast %parallel_loop3A_159 : i32 to index
        %parallel_loop3A_165 = arith.constant 0 : index
        %parallel_loop3A_166 = tpu.vector_load %arg11[%parallel_loop3A_164, %parallel_loop3A_165] {strides = array<i32>} : memref<80x64xi32, #tpu.memory_space<vmem>>, vector<16xi32>,
        %parallel_loop3A_167 = vector.bitcast %parallel_loop3A_166 : vector<16xi32> to vector<32xbf16>
        %parallel_loop3A_168 = arith.mulf %parallel_loop3A_163, %parallel_loop3A_167 : vector<32xbf16>
        %parallel_loop3A_169 = tpu.unpack_subelements %parallel_loop3A_168, 0 {pack_format = #tpu.pack_format<interleaved>} : vector<32xbf16> -> vector<16xf32>
        %parallel_loop3A_170 = tpu.unpack_subelements %parallel_loop3A_168, 1 {pack_format = #tpu.pack_format<interleaved>} : vector<32xbf16> -> vector<16xf32>
        %parallel_loop3A_171 = arith.addf %parallel_loop3A_169, %parallel_loop3A_170 : vector<16xf32>
        %parallel_loop3A_172 = arith.index_cast %parallel_loop3A_159 : i32 to index
        %parallel_loop3A_173 = arith.constant 16 : index
        %parallel_loop3A_174 = tpu.vector_load %arg10[%parallel_loop3A_172, %parallel_loop3A_173] {strides = array<i32>} : memref<80x64xi32, #tpu.memory_space<vmem>>, vector<16xi32>,
        %parallel_loop3A_175 = vector.bitcast %parallel_loop3A_174 : vector<16xi32> to vector<32xbf16>
        %parallel_loop3A_176 = arith.index_cast %parallel_loop3A_159 : i32 to index
        %parallel_loop3A_177 = arith.constant 16 : index
        %parallel_loop3A_178 = tpu.vector_load %arg11[%parallel_loop3A_176, %parallel_loop3A_177] {strides = array<i32>} : memref<80x64xi32, #tpu.memory_space<vmem>>, vector<16xi32>,
        %parallel_loop3A_179 = vector.bitcast %parallel_loop3A_178 : vector<16xi32> to vector<32xbf16>
        %parallel_loop3A_180 = arith.mulf %parallel_loop3A_175, %parallel_loop3A_179 : vector<32xbf16>
        %parallel_loop3A_181 = tpu.unpack_subelements %parallel_loop3A_180, 0 {pack_format = #tpu.pack_format<interleaved>} : vector<32xbf16> -> vector<16xf32>
        %parallel_loop3A_182 = tpu.unpack_subelements %parallel_loop3A_180, 1 {pack_format = #tpu.pack_format<interleaved>} : vector<32xbf16> -> vector<16xf32>
        %parallel_loop3A_183 = arith.addf %parallel_loop3A_181, %parallel_loop3A_182 : vector<16xf32>
        %parallel_loop3A_184 = arith.index_cast %parallel_loop3A_159 : i32 to index
        %parallel_loop3A_185 = arith.constant 32 : index
        %parallel_loop3A_186 = tpu.vector_load %arg10[%parallel_loop3A_184, %parallel_loop3A_185] {strides = array<i32>} : memref<80x64xi32, #tpu.memory_space<vmem>>, vector<16xi32>,
        %parallel_loop3A_187 = vector.bitcast %parallel_loop3A_186 : vector<16xi32> to vector<32xbf16>
        %parallel_loop3A_188 = arith.index_cast %parallel_loop3A_159 : i32 to index
        %parallel_loop3A_189 = arith.constant 32 : index
        %parallel_loop3A_190 = tpu.vector_load %arg11[%parallel_loop3A_188, %parallel_loop3A_189] {strides = array<i32>} : memref<80x64xi32, #tpu.memory_space<vmem>>, vector<16xi32>,
        %parallel_loop3A_191 = vector.bitcast %parallel_loop3A_190 : vector<16xi32> to vector<32xbf16>
        %parallel_loop3A_192 = arith.mulf %parallel_loop3A_187, %parallel_loop3A_191 : vector<32xbf16>
        %parallel_loop3A_193 = tpu.unpack_subelements %parallel_loop3A_192, 0 {pack_format = #tpu.pack_format<interleaved>} : vector<32xbf16> -> vector<16xf32>
        %parallel_loop3A_194 = tpu.unpack_subelements %parallel_loop3A_192, 1 {pack_format = #tpu.pack_format<interleaved>} : vector<32xbf16> -> vector<16xf32>
        %parallel_loop3A_195 = arith.addf %parallel_loop3A_193, %parallel_loop3A_194 : vector<16xf32>
        %parallel_loop3A_196 = arith.index_cast %parallel_loop3A_159 : i32 to index
        %parallel_loop3A_197 = arith.constant 48 : index
        %parallel_loop3A_198 = tpu.vector_load %arg10[%parallel_loop3A_196, %parallel_loop3A_197] {strides = array<i32>} : memref<80x64xi32, #tpu.memory_space<vmem>>, vector<16xi32>,
        %parallel_loop3A_199 = vector.bitcast %parallel_loop3A_198 : vector<16xi32> to vector<32xbf16>
        %parallel_loop3A_200 = arith.index_cast %parallel_loop3A_159 : i32 to index
        %parallel_loop3A_201 = arith.constant 48 : index
        %parallel_loop3A_202 = tpu.vector_load %arg11[%parallel_loop3A_200, %parallel_loop3A_201] {strides = array<i32>} : memref<80x64xi32, #tpu.memory_space<vmem>>, vector<16xi32>,
        %parallel_loop3A_203 = vector.bitcast %parallel_loop3A_202 : vector<16xi32> to vector<32xbf16>
        %parallel_loop3A_204 = arith.mulf %parallel_loop3A_199, %parallel_loop3A_203 : vector<32xbf16>
        %parallel_loop3A_205 = tpu.unpack_subelements %parallel_loop3A_204, 0 {pack_format = #tpu.pack_format<interleaved>} : vector<32xbf16> -> vector<16xf32>
        %parallel_loop3A_206 = tpu.unpack_subelements %parallel_loop3A_204, 1 {pack_format = #tpu.pack_format<interleaved>} : vector<32xbf16> -> vector<16xf32>
        %parallel_loop3A_207 = arith.addf %parallel_loop3A_205, %parallel_loop3A_206 : vector<16xf32>
        %parallel_loop3A_208 = arith.addf %parallel_loop3A_171, %parallel_loop3A_183 : vector<16xf32>
        %parallel_loop3A_209 = arith.addf %parallel_loop3A_195, %parallel_loop3A_207 : vector<16xf32>
        %parallel_loop3A_210 = arith.addf %parallel_loop3A_208, %parallel_loop3A_209 : vector<16xf32>
        %parallel_loop3A_211 = arith.constant 16 : i32
        %parallel_loop3A_212 = arith.muli %parallel_loop3A_100, %parallel_loop3A_211 : i32
        %parallel_loop3A_213 = arith.constant 2 : i32
        %parallel_loop3A_214 = arith.addi %parallel_loop3A_212, %parallel_loop3A_213 : i32
        %parallel_loop3A_215 = arith.index_cast %parallel_loop3A_214 : i32 to index
        %parallel_loop3A_216 = arith.constant 0 : index
        %parallel_loop3A_217 = tpu.vector_load %arg10[%parallel_loop3A_215, %parallel_loop3A_216] {strides = array<i32>} : memref<80x64xi32, #tpu.memory_space<vmem>>, vector<16xi32>,
        %parallel_loop3A_218 = vector.bitcast %parallel_loop3A_217 : vector<16xi32> to vector<32xbf16>
        %parallel_loop3A_219 = arith.index_cast %parallel_loop3A_214 : i32 to index
        %parallel_loop3A_220 = arith.constant 0 : index
        %parallel_loop3A_221 = tpu.vector_load %arg11[%parallel_loop3A_219, %parallel_loop3A_220] {strides = array<i32>} : memref<80x64xi32, #tpu.memory_space<vmem>>, vector<16xi32>,
        %parallel_loop3A_222 = vector.bitcast %parallel_loop3A_221 : vector<16xi32> to vector<32xbf16>
        %parallel_loop3A_223 = arith.mulf %parallel_loop3A_218, %parallel_loop3A_222 : vector<32xbf16>
        %parallel_loop3A_224 = tpu.unpack_subelements %parallel_loop3A_223, 0 {pack_format = #tpu.pack_format<interleaved>} : vector<32xbf16> -> vector<16xf32>
        %parallel_loop3A_225 = tpu.unpack_subelements %parallel_loop3A_223, 1 {pack_format = #tpu.pack_format<interleaved>} : vector<32xbf16> -> vector<16xf32>
        %parallel_loop3A_226 = arith.addf %parallel_loop3A_224, %parallel_loop3A_225 : vector<16xf32>
        %parallel_loop3A_227 = arith.index_cast %parallel_loop3A_214 : i32 to index
        %parallel_loop3A_228 = arith.constant 16 : index
        %parallel_loop3A_229 = tpu.vector_load %arg10[%parallel_loop3A_227, %parallel_loop3A_228] {strides = array<i32>} : memref<80x64xi32, #tpu.memory_space<vmem>>, vector<16xi32>,
        %parallel_loop3A_230 = vector.bitcast %parallel_loop3A_229 : vector<16xi32> to vector<32xbf16>
        %parallel_loop3A_231 = arith.index_cast %parallel_loop3A_214 : i32 to index
        %parallel_loop3A_232 = arith.constant 16 : index
        %parallel_loop3A_233 = tpu.vector_load %arg11[%parallel_loop3A_231, %parallel_loop3A_232] {strides = array<i32>} : memref<80x64xi32, #tpu.memory_space<vmem>>, vector<16xi32>,
        %parallel_loop3A_234 = vector.bitcast %parallel_loop3A_233 : vector<16xi32> to vector<32xbf16>
        %parallel_loop3A_235 = arith.mulf %parallel_loop3A_230, %parallel_loop3A_234 : vector<32xbf16>
        %parallel_loop3A_236 = tpu.unpack_subelements %parallel_loop3A_235, 0 {pack_format = #tpu.pack_format<interleaved>} : vector<32xbf16> -> vector<16xf32>
        %parallel_loop3A_237 = tpu.unpack_subelements %parallel_loop3A_235, 1 {pack_format = #tpu.pack_format<interleaved>} : vector<32xbf16> -> vector<16xf32>
        %parallel_loop3A_238 = arith.addf %parallel_loop3A_236, %parallel_loop3A_237 : vector<16xf32>
        %parallel_loop3A_239 = arith.index_cast %parallel_loop3A_214 : i32 to index
        %parallel_loop3A_240 = arith.constant 32 : index
        %parallel_loop3A_241 = tpu.vector_load %arg10[%parallel_loop3A_239, %parallel_loop3A_240] {strides = array<i32>} : memref<80x64xi32, #tpu.memory_space<vmem>>, vector<16xi32>,
        %parallel_loop3A_242 = vector.bitcast %parallel_loop3A_241 : vector<16xi32> to vector<32xbf16>
        %parallel_loop3A_243 = arith.index_cast %parallel_loop3A_214 : i32 to index
        %parallel_loop3A_244 = arith.constant 32 : index
        %parallel_loop3A_245 = tpu.vector_load %arg11[%parallel_loop3A_243, %parallel_loop3A_244] {strides = array<i32>} : memref<80x64xi32, #tpu.memory_space<vmem>>, vector<16xi32>,
        %parallel_loop3A_246 = vector.bitcast %parallel_loop3A_245 : vector<16xi32> to vector<32xbf16>
        %parallel_loop3A_247 = arith.mulf %parallel_loop3A_242, %parallel_loop3A_246 : vector<32xbf16>
        %parallel_loop3A_248 = tpu.unpack_subelements %parallel_loop3A_247, 0 {pack_format = #tpu.pack_format<interleaved>} : vector<32xbf16> -> vector<16xf32>
        %parallel_loop3A_249 = tpu.unpack_subelements %parallel_loop3A_247, 1 {pack_format = #tpu.pack_format<interleaved>} : vector<32xbf16> -> vector<16xf32>
        %parallel_loop3A_250 = arith.addf %parallel_loop3A_248, %parallel_loop3A_249 : vector<16xf32>
        %parallel_loop3A_251 = arith.index_cast %parallel_loop3A_214 : i32 to index
        %parallel_loop3A_252 = arith.constant 48 : index
        %parallel_loop3A_253 = tpu.vector_load %arg10[%parallel_loop3A_251, %parallel_loop3A_252] {strides = array<i32>} : memref<80x64xi32, #tpu.memory_space<vmem>>, vector<16xi32>,
        %parallel_loop3A_254 = vector.bitcast %parallel_loop3A_253 : vector<16xi32> to vector<32xbf16>
        %parallel_loop3A_255 = arith.index_cast %parallel_loop3A_214 : i32 to index
        %parallel_loop3A_256 = arith.constant 48 : index
        %parallel_loop3A_257 = tpu.vector_load %arg11[%parallel_loop3A_255, %parallel_loop3A_256] {strides = array<i32>} : memref<80x64xi32, #tpu.memory_space<vmem>>, vector<16xi32>,
        %parallel_loop3A_258 = vector.bitcast %parallel_loop3A_257 : vector<16xi32> to vector<32xbf16>
        %parallel_loop3A_259 = arith.mulf %parallel_loop3A_254, %parallel_loop3A_258 : vector<32xbf16>
        %parallel_loop3A_260 = tpu.unpack_subelements %parallel_loop3A_259, 0 {pack_format = #tpu.pack_format<interleaved>} : vector<32xbf16> -> vector<16xf32>
        %parallel_loop3A_261 = tpu.unpack_subelements %parallel_loop3A_259, 1 {pack_format = #tpu.pack_format<interleaved>} : vector<32xbf16> -> vector<16xf32>
        %parallel_loop3A_262 = arith.addf %parallel_loop3A_260, %parallel_loop3A_261 : vector<16xf32>
        %parallel_loop3A_263 = arith.addf %parallel_loop3A_226, %parallel_loop3A_238 : vector<16xf32>
        %parallel_loop3A_264 = arith.addf %parallel_loop3A_250, %parallel_loop3A_262 : vector<16xf32>
        %parallel_loop3A_265 = arith.addf %parallel_loop3A_263, %parallel_loop3A_264 : vector<16xf32>
        %parallel_loop3A_266 = arith.constant 16 : i32
        %parallel_loop3A_267 = arith.muli %parallel_loop3A_100, %parallel_loop3A_266 : i32
        %parallel_loop3A_268 = arith.constant 3 : i32
        %parallel_loop3A_269 = arith.addi %parallel_loop3A_267, %parallel_loop3A_268 : i32
        %parallel_loop3A_270 = arith.index_cast %parallel_loop3A_269 : i32 to index
        %parallel_loop3A_271 = arith.constant 0 : index
        %parallel_loop3A_272 = tpu.vector_load %arg10[%parallel_loop3A_270, %parallel_loop3A_271] {strides = array<i32>} : memref<80x64xi32, #tpu.memory_space<vmem>>, vector<16xi32>,
        %parallel_loop3A_273 = vector.bitcast %parallel_loop3A_272 : vector<16xi32> to vector<32xbf16>
        %parallel_loop3A_274 = arith.index_cast %parallel_loop3A_269 : i32 to index
        %parallel_loop3A_275 = arith.constant 0 : index
        %parallel_loop3A_276 = tpu.vector_load %arg11[%parallel_loop3A_274, %parallel_loop3A_275] {strides = array<i32>} : memref<80x64xi32, #tpu.memory_space<vmem>>, vector<16xi32>,
        %parallel_loop3A_277 = vector.bitcast %parallel_loop3A_276 : vector<16xi32> to vector<32xbf16>
        %parallel_loop3A_278 = arith.mulf %parallel_loop3A_273, %parallel_loop3A_277 : vector<32xbf16>
        %parallel_loop3A_279 = tpu.unpack_subelements %parallel_loop3A_278, 0 {pack_format = #tpu.pack_format<interleaved>} : vector<32xbf16> -> vector<16xf32>
        %parallel_loop3A_280 = tpu.unpack_subelements %parallel_loop3A_278, 1 {pack_format = #tpu.pack_format<interleaved>} : vector<32xbf16> -> vector<16xf32>
        %parallel_loop3A_281 = arith.addf %parallel_loop3A_279, %parallel_loop3A_280 : vector<16xf32>
        %parallel_loop3A_282 = arith.index_cast %parallel_loop3A_269 : i32 to index
        %parallel_loop3A_283 = arith.constant 16 : index
        %parallel_loop3A_284 = tpu.vector_load %arg10[%parallel_loop3A_282, %parallel_loop3A_283] {strides = array<i32>} : memref<80x64xi32, #tpu.memory_space<vmem>>, vector<16xi32>,
        %parallel_loop3A_285 = vector.bitcast %parallel_loop3A_284 : vector<16xi32> to vector<32xbf16>
        %parallel_loop3A_286 = arith.index_cast %parallel_loop3A_269 : i32 to index
        %parallel_loop3A_287 = arith.constant 16 : index
        %parallel_loop3A_288 = tpu.vector_load %arg11[%parallel_loop3A_286, %parallel_loop3A_287] {strides = array<i32>} : memref<80x64xi32, #tpu.memory_space<vmem>>, vector<16xi32>,
        %parallel_loop3A_289 = vector.bitcast %parallel_loop3A_288 : vector<16xi32> to vector<32xbf16>
        %parallel_loop3A_290 = arith.mulf %parallel_loop3A_285, %parallel_loop3A_289 : vector<32xbf16>
        %parallel_loop3A_291 = tpu.unpack_subelements %parallel_loop3A_290, 0 {pack_format = #tpu.pack_format<interleaved>} : vector<32xbf16> -> vector<16xf32>
        %parallel_loop3A_292 = tpu.unpack_subelements %parallel_loop3A_290, 1 {pack_format = #tpu.pack_format<interleaved>} : vector<32xbf16> -> vector<16xf32>
        %parallel_loop3A_293 = arith.addf %parallel_loop3A_291, %parallel_loop3A_292 : vector<16xf32>
        %parallel_loop3A_294 = arith.index_cast %parallel_loop3A_269 : i32 to index
        %parallel_loop3A_295 = arith.constant 32 : index
        %parallel_loop3A_296 = tpu.vector_load %arg10[%parallel_loop3A_294, %parallel_loop3A_295] {strides = array<i32>} : memref<80x64xi32, #tpu.memory_space<vmem>>, vector<16xi32>,
        %parallel_loop3A_297 = vector.bitcast %parallel_loop3A_296 : vector<16xi32> to vector<32xbf16>
        %parallel_loop3A_298 = arith.index_cast %parallel_loop3A_269 : i32 to index
        %parallel_loop3A_299 = arith.constant 32 : index
        %parallel_loop3A_300 = tpu.vector_load %arg11[%parallel_loop3A_298, %parallel_loop3A_299] {strides = array<i32>} : memref<80x64xi32, #tpu.memory_space<vmem>>, vector<16xi32>,
        %parallel_loop3A_301 = vector.bitcast %parallel_loop3A_300 : vector<16xi32> to vector<32xbf16>
        %parallel_loop3A_302 = arith.mulf %parallel_loop3A_297, %parallel_loop3A_301 : vector<32xbf16>
        %parallel_loop3A_303 = tpu.unpack_subelements %parallel_loop3A_302, 0 {pack_format = #tpu.pack_format<interleaved>} : vector<32xbf16> -> vector<16xf32>
        %parallel_loop3A_304 = tpu.unpack_subelements %parallel_loop3A_302, 1 {pack_format = #tpu.pack_format<interleaved>} : vector<32xbf16> -> vector<16xf32>
        %parallel_loop3A_305 = arith.addf %parallel_loop3A_303, %parallel_loop3A_304 : vector<16xf32>
        %parallel_loop3A_306 = arith.index_cast %parallel_loop3A_269 : i32 to index
        %parallel_loop3A_307 = arith.constant 48 : index
        %parallel_loop3A_308 = tpu.vector_load %arg10[%parallel_loop3A_306, %parallel_loop3A_307] {strides = array<i32>} : memref<80x64xi32, #tpu.memory_space<vmem>>, vector<16xi32>,
        %parallel_loop3A_309 = vector.bitcast %parallel_loop3A_308 : vector<16xi32> to vector<32xbf16>
        %parallel_loop3A_310 = arith.index_cast %parallel_loop3A_269 : i32 to index
        %parallel_loop3A_311 = arith.constant 48 : index
        %parallel_loop3A_312 = tpu.vector_load %arg11[%parallel_loop3A_310, %parallel_loop3A_311] {strides = array<i32>} : memref<80x64xi32, #tpu.memory_space<vmem>>, vector<16xi32>,
        %parallel_loop3A_313 = vector.bitcast %parallel_loop3A_312 : vector<16xi32> to vector<32xbf16>
        %parallel_loop3A_314 = arith.mulf %parallel_loop3A_309, %parallel_loop3A_313 : vector<32xbf16>
        %parallel_loop3A_315 = tpu.unpack_subelements %parallel_loop3A_314, 0 {pack_format = #tpu.pack_format<interleaved>} : vector<32xbf16> -> vector<16xf32>
        %parallel_loop3A_316 = tpu.unpack_subelements %parallel_loop3A_314, 1 {pack_format = #tpu.pack_format<interleaved>} : vector<32xbf16> -> vector<16xf32>
        %parallel_loop3A_317 = arith.addf %parallel_loop3A_315, %parallel_loop3A_316 : vector<16xf32>
        %parallel_loop3A_318 = arith.addf %parallel_loop3A_281, %parallel_loop3A_293 : vector<16xf32>
        %parallel_loop3A_319 = arith.addf %parallel_loop3A_305, %parallel_loop3A_317 : vector<16xf32>
        %parallel_loop3A_320 = arith.addf %parallel_loop3A_318, %parallel_loop3A_319 : vector<16xf32>
        %parallel_loop3A_321 = arith.constant 16 : i32
        %parallel_loop3A_322 = arith.muli %parallel_loop3A_100, %parallel_loop3A_321 : i32
        %parallel_loop3A_323 = arith.constant 4 : i32
        %parallel_loop3A_324 = arith.addi %parallel_loop3A_322, %parallel_loop3A_323 : i32
        %parallel_loop3A_325 = arith.index_cast %parallel_loop3A_324 : i32 to index
        %parallel_loop3A_326 = arith.constant 0 : index
        %parallel_loop3A_327 = tpu.vector_load %arg10[%parallel_loop3A_325, %parallel_loop3A_326] {strides = array<i32>} : memref<80x64xi32, #tpu.memory_space<vmem>>, vector<16xi32>,
        %parallel_loop3A_328 = vector.bitcast %parallel_loop3A_327 : vector<16xi32> to vector<32xbf16>
        %parallel_loop3A_329 = arith.index_cast %parallel_loop3A_324 : i32 to index
        %parallel_loop3A_330 = arith.constant 0 : index
        %parallel_loop3A_331 = tpu.vector_load %arg11[%parallel_loop3A_329, %parallel_loop3A_330] {strides = array<i32>} : memref<80x64xi32, #tpu.memory_space<vmem>>, vector<16xi32>,
        %parallel_loop3A_332 = vector.bitcast %parallel_loop3A_331 : vector<16xi32> to vector<32xbf16>
        %parallel_loop3A_333 = arith.mulf %parallel_loop3A_328, %parallel_loop3A_332 : vector<32xbf16>
        %parallel_loop3A_334 = tpu.unpack_subelements %parallel_loop3A_333, 0 {pack_format = #tpu.pack_format<interleaved>} : vector<32xbf16> -> vector<16xf32>
        %parallel_loop3A_335 = tpu.unpack_subelements %parallel_loop3A_333, 1 {pack_format = #tpu.pack_format<interleaved>} : vector<32xbf16> -> vector<16xf32>
        %parallel_loop3A_336 = arith.addf %parallel_loop3A_334, %parallel_loop3A_335 : vector<16xf32>
        %parallel_loop3A_337 = arith.index_cast %parallel_loop3A_324 : i32 to index
        %parallel_loop3A_338 = arith.constant 16 : index
        %parallel_loop3A_339 = tpu.vector_load %arg10[%parallel_loop3A_337, %parallel_loop3A_338] {strides = array<i32>} : memref<80x64xi32, #tpu.memory_space<vmem>>, vector<16xi32>,
        %parallel_loop3A_340 = vector.bitcast %parallel_loop3A_339 : vector<16xi32> to vector<32xbf16>
        %parallel_loop3A_341 = arith.index_cast %parallel_loop3A_324 : i32 to index
        %parallel_loop3A_342 = arith.constant 16 : index
        %parallel_loop3A_343 = tpu.vector_load %arg11[%parallel_loop3A_341, %parallel_loop3A_342] {strides = array<i32>} : memref<80x64xi32, #tpu.memory_space<vmem>>, vector<16xi32>,
        %parallel_loop3A_344 = vector.bitcast %parallel_loop3A_343 : vector<16xi32> to vector<32xbf16>
        %parallel_loop3A_345 = arith.mulf %parallel_loop3A_340, %parallel_loop3A_344 : vector<32xbf16>
        %parallel_loop3A_346 = tpu.unpack_subelements %parallel_loop3A_345, 0 {pack_format = #tpu.pack_format<interleaved>} : vector<32xbf16> -> vector<16xf32>
        %parallel_loop3A_347 = tpu.unpack_subelements %parallel_loop3A_345, 1 {pack_format = #tpu.pack_format<interleaved>} : vector<32xbf16> -> vector<16xf32>
        %parallel_loop3A_348 = arith.addf %parallel_loop3A_346, %parallel_loop3A_347 : vector<16xf32>
        %parallel_loop3A_349 = arith.index_cast %parallel_loop3A_324 : i32 to index
        %parallel_loop3A_350 = arith.constant 32 : index
        %parallel_loop3A_351 = tpu.vector_load %arg10[%parallel_loop3A_349, %parallel_loop3A_350] {strides = array<i32>} : memref<80x64xi32, #tpu.memory_space<vmem>>, vector<16xi32>,
        %parallel_loop3A_352 = vector.bitcast %parallel_loop3A_351 : vector<16xi32> to vector<32xbf16>
        %parallel_loop3A_353 = arith.index_cast %parallel_loop3A_324 : i32 to index
        %parallel_loop3A_354 = arith.constant 32 : index
        %parallel_loop3A_355 = tpu.vector_load %arg11[%parallel_loop3A_353, %parallel_loop3A_354] {strides = array<i32>} : memref<80x64xi32, #tpu.memory_space<vmem>>, vector<16xi32>,
        %parallel_loop3A_356 = vector.bitcast %parallel_loop3A_355 : vector<16xi32> to vector<32xbf16>
        %parallel_loop3A_357 = arith.mulf %parallel_loop3A_352, %parallel_loop3A_356 : vector<32xbf16>
        %parallel_loop3A_358 = tpu.unpack_subelements %parallel_loop3A_357, 0 {pack_format = #tpu.pack_format<interleaved>} : vector<32xbf16> -> vector<16xf32>
        %parallel_loop3A_359 = tpu.unpack_subelements %parallel_loop3A_357, 1 {pack_format = #tpu.pack_format<interleaved>} : vector<32xbf16> -> vector<16xf32>
        %parallel_loop3A_360 = arith.addf %parallel_loop3A_358, %parallel_loop3A_359 : vector<16xf32>
        %parallel_loop3A_361 = arith.index_cast %parallel_loop3A_324 : i32 to index
        %parallel_loop3A_362 = arith.constant 48 : index
        %parallel_loop3A_363 = tpu.vector_load %arg10[%parallel_loop3A_361, %parallel_loop3A_362] {strides = array<i32>} : memref<80x64xi32, #tpu.memory_space<vmem>>, vector<16xi32>,
        %parallel_loop3A_364 = vector.bitcast %parallel_loop3A_363 : vector<16xi32> to vector<32xbf16>
        %parallel_loop3A_365 = arith.index_cast %parallel_loop3A_324 : i32 to index
        %parallel_loop3A_366 = arith.constant 48 : index
        %parallel_loop3A_367 = tpu.vector_load %arg11[%parallel_loop3A_365, %parallel_loop3A_366] {strides = array<i32>} : memref<80x64xi32, #tpu.memory_space<vmem>>, vector<16xi32>,
        %parallel_loop3A_368 = vector.bitcast %parallel_loop3A_367 : vector<16xi32> to vector<32xbf16>
        %parallel_loop3A_369 = arith.mulf %parallel_loop3A_364, %parallel_loop3A_368 : vector<32xbf16>
        %parallel_loop3A_370 = tpu.unpack_subelements %parallel_loop3A_369, 0 {pack_format = #tpu.pack_format<interleaved>} : vector<32xbf16> -> vector<16xf32>
        %parallel_loop3A_371 = tpu.unpack_subelements %parallel_loop3A_369, 1 {pack_format = #tpu.pack_format<interleaved>} : vector<32xbf16> -> vector<16xf32>
        %parallel_loop3A_372 = arith.addf %parallel_loop3A_370, %parallel_loop3A_371 : vector<16xf32>
        %parallel_loop3A_373 = arith.addf %parallel_loop3A_336, %parallel_loop3A_348 : vector<16xf32>
        %parallel_loop3A_374 = arith.addf %parallel_loop3A_360, %parallel_loop3A_372 : vector<16xf32>
        %parallel_loop3A_375 = arith.addf %parallel_loop3A_373, %parallel_loop3A_374 : vector<16xf32>
        %parallel_loop3A_376 = arith.constant 16 : i32
        %parallel_loop3A_377 = arith.muli %parallel_loop3A_100, %parallel_loop3A_376 : i32
        %parallel_loop3A_378 = arith.constant 5 : i32
        %parallel_loop3A_379 = arith.addi %parallel_loop3A_377, %parallel_loop3A_378 : i32
        %parallel_loop3A_380 = arith.index_cast %parallel_loop3A_379 : i32 to index
        %parallel_loop3A_381 = arith.constant 0 : index
        %parallel_loop3A_382 = tpu.vector_load %arg10[%parallel_loop3A_380, %parallel_loop3A_381] {strides = array<i32>} : memref<80x64xi32, #tpu.memory_space<vmem>>, vector<16xi32>,
        %parallel_loop3A_383 = vector.bitcast %parallel_loop3A_382 : vector<16xi32> to vector<32xbf16>
        %parallel_loop3A_384 = arith.index_cast %parallel_loop3A_379 : i32 to index
        %parallel_loop3A_385 = arith.constant 0 : index
        %parallel_loop3A_386 = tpu.vector_load %arg11[%parallel_loop3A_384, %parallel_loop3A_385] {strides = array<i32>} : memref<80x64xi32, #tpu.memory_space<vmem>>, vector<16xi32>,
        %parallel_loop3A_387 = vector.bitcast %parallel_loop3A_386 : vector<16xi32> to vector<32xbf16>
        %parallel_loop3A_388 = arith.mulf %parallel_loop3A_383, %parallel_loop3A_387 : vector<32xbf16>
        %parallel_loop3A_389 = tpu.unpack_subelements %parallel_loop3A_388, 0 {pack_format = #tpu.pack_format<interleaved>} : vector<32xbf16> -> vector<16xf32>
        %parallel_loop3A_390 = tpu.unpack_subelements %parallel_loop3A_388, 1 {pack_format = #tpu.pack_format<interleaved>} : vector<32xbf16> -> vector<16xf32>
        %parallel_loop3A_391 = arith.addf %parallel_loop3A_389, %parallel_loop3A_390 : vector<16xf32>
        %parallel_loop3A_392 = arith.index_cast %parallel_loop3A_379 : i32 to index
        %parallel_loop3A_393 = arith.constant 16 : index
        %parallel_loop3A_394 = tpu.vector_load %arg10[%parallel_loop3A_392, %parallel_loop3A_393] {strides = array<i32>} : memref<80x64xi32, #tpu.memory_space<vmem>>, vector<16xi32>,
        %parallel_loop3A_395 = vector.bitcast %parallel_loop3A_394 : vector<16xi32> to vector<32xbf16>
        %parallel_loop3A_396 = arith.index_cast %parallel_loop3A_379 : i32 to index
        %parallel_loop3A_397 = arith.constant 16 : index
        %parallel_loop3A_398 = tpu.vector_load %arg11[%parallel_loop3A_396, %parallel_loop3A_397] {strides = array<i32>} : memref<80x64xi32, #tpu.memory_space<vmem>>, vector<16xi32>,
        %parallel_loop3A_399 = vector.bitcast %parallel_loop3A_398 : vector<16xi32> to vector<32xbf16>
        %parallel_loop3A_400 = arith.mulf %parallel_loop3A_395, %parallel_loop3A_399 : vector<32xbf16>
        %parallel_loop3A_401 = tpu.unpack_subelements %parallel_loop3A_400, 0 {pack_format = #tpu.pack_format<interleaved>} : vector<32xbf16> -> vector<16xf32>
        %parallel_loop3A_402 = tpu.unpack_subelements %parallel_loop3A_400, 1 {pack_format = #tpu.pack_format<interleaved>} : vector<32xbf16> -> vector<16xf32>
        %parallel_loop3A_403 = arith.addf %parallel_loop3A_401, %parallel_loop3A_402 : vector<16xf32>
        %parallel_loop3A_404 = arith.index_cast %parallel_loop3A_379 : i32 to index
        %parallel_loop3A_405 = arith.constant 32 : index
        %parallel_loop3A_406 = tpu.vector_load %arg10[%parallel_loop3A_404, %parallel_loop3A_405] {strides = array<i32>} : memref<80x64xi32, #tpu.memory_space<vmem>>, vector<16xi32>,
        %parallel_loop3A_407 = vector.bitcast %parallel_loop3A_406 : vector<16xi32> to vector<32xbf16>
        %parallel_loop3A_408 = arith.index_cast %parallel_loop3A_379 : i32 to index
        %parallel_loop3A_409 = arith.constant 32 : index
        %parallel_loop3A_410 = tpu.vector_load %arg11[%parallel_loop3A_408, %parallel_loop3A_409] {strides = array<i32>} : memref<80x64xi32, #tpu.memory_space<vmem>>, vector<16xi32>,
        %parallel_loop3A_411 = vector.bitcast %parallel_loop3A_410 : vector<16xi32> to vector<32xbf16>
        %parallel_loop3A_412 = arith.mulf %parallel_loop3A_407, %parallel_loop3A_411 : vector<32xbf16>
        %parallel_loop3A_413 = tpu.unpack_subelements %parallel_loop3A_412, 0 {pack_format = #tpu.pack_format<interleaved>} : vector<32xbf16> -> vector<16xf32>
        %parallel_loop3A_414 = tpu.unpack_subelements %parallel_loop3A_412, 1 {pack_format = #tpu.pack_format<interleaved>} : vector<32xbf16> -> vector<16xf32>
        %parallel_loop3A_415 = arith.addf %parallel_loop3A_413, %parallel_loop3A_414 : vector<16xf32>
        %parallel_loop3A_416 = arith.index_cast %parallel_loop3A_379 : i32 to index
        %parallel_loop3A_417 = arith.constant 48 : index
        %parallel_loop3A_418 = tpu.vector_load %arg10[%parallel_loop3A_416, %parallel_loop3A_417] {strides = array<i32>} : memref<80x64xi32, #tpu.memory_space<vmem>>, vector<16xi32>,
        %parallel_loop3A_419 = vector.bitcast %parallel_loop3A_418 : vector<16xi32> to vector<32xbf16>
        %parallel_loop3A_420 = arith.index_cast %parallel_loop3A_379 : i32 to index
        %parallel_loop3A_421 = arith.constant 48 : index
        %parallel_loop3A_422 = tpu.vector_load %arg11[%parallel_loop3A_420, %parallel_loop3A_421] {strides = array<i32>} : memref<80x64xi32, #tpu.memory_space<vmem>>, vector<16xi32>,
        %parallel_loop3A_423 = vector.bitcast %parallel_loop3A_422 : vector<16xi32> to vector<32xbf16>
        %parallel_loop3A_424 = arith.mulf %parallel_loop3A_419, %parallel_loop3A_423 : vector<32xbf16>
        %parallel_loop3A_425 = tpu.unpack_subelements %parallel_loop3A_424, 0 {pack_format = #tpu.pack_format<interleaved>} : vector<32xbf16> -> vector<16xf32>
        %parallel_loop3A_426 = tpu.unpack_subelements %parallel_loop3A_424, 1 {pack_format = #tpu.pack_format<interleaved>} : vector<32xbf16> -> vector<16xf32>
        %parallel_loop3A_427 = arith.addf %parallel_loop3A_425, %parallel_loop3A_426 : vector<16xf32>
        %parallel_loop3A_428 = arith.addf %parallel_loop3A_391, %parallel_loop3A_403 : vector<16xf32>
        %parallel_loop3A_429 = arith.addf %parallel_loop3A_415, %parallel_loop3A_427 : vector<16xf32>
        %parallel_loop3A_430 = arith.addf %parallel_loop3A_428, %parallel_loop3A_429 : vector<16xf32>
        %parallel_loop3A_431 = arith.constant 16 : i32
        %parallel_loop3A_432 = arith.muli %parallel_loop3A_100, %parallel_loop3A_431 : i32
        %parallel_loop3A_433 = arith.constant 6 : i32
        %parallel_loop3A_434 = arith.addi %parallel_loop3A_432, %parallel_loop3A_433 : i32
        %parallel_loop3A_435 = arith.index_cast %parallel_loop3A_434 : i32 to index
        %parallel_loop3A_436 = arith.constant 0 : index
        %parallel_loop3A_437 = tpu.vector_load %arg10[%parallel_loop3A_435, %parallel_loop3A_436] {strides = array<i32>} : memref<80x64xi32, #tpu.memory_space<vmem>>, vector<16xi32>,
        %parallel_loop3A_438 = vector.bitcast %parallel_loop3A_437 : vector<16xi32> to vector<32xbf16>
        %parallel_loop3A_439 = arith.index_cast %parallel_loop3A_434 : i32 to index
        %parallel_loop3A_440 = arith.constant 0 : index
        %parallel_loop3A_441 = tpu.vector_load %arg11[%parallel_loop3A_439, %parallel_loop3A_440] {strides = array<i32>} : memref<80x64xi32, #tpu.memory_space<vmem>>, vector<16xi32>,
        %parallel_loop3A_442 = vector.bitcast %parallel_loop3A_441 : vector<16xi32> to vector<32xbf16>
        %parallel_loop3A_443 = arith.mulf %parallel_loop3A_438, %parallel_loop3A_442 : vector<32xbf16>
        %parallel_loop3A_444 = tpu.unpack_subelements %parallel_loop3A_443, 0 {pack_format = #tpu.pack_format<interleaved>} : vector<32xbf16> -> vector<16xf32>
        %parallel_loop3A_445 = tpu.unpack_subelements %parallel_loop3A_443, 1 {pack_format = #tpu.pack_format<interleaved>} : vector<32xbf16> -> vector<16xf32>
        %parallel_loop3A_446 = arith.addf %parallel_loop3A_444, %parallel_loop3A_445 : vector<16xf32>
        %parallel_loop3A_447 = arith.index_cast %parallel_loop3A_434 : i32 to index
        %parallel_loop3A_448 = arith.constant 16 : index
        %parallel_loop3A_449 = tpu.vector_load %arg10[%parallel_loop3A_447, %parallel_loop3A_448] {strides = array<i32>} : memref<80x64xi32, #tpu.memory_space<vmem>>, vector<16xi32>,
        %parallel_loop3A_450 = vector.bitcast %parallel_loop3A_449 : vector<16xi32> to vector<32xbf16>
        %parallel_loop3A_451 = arith.index_cast %parallel_loop3A_434 : i32 to index
        %parallel_loop3A_452 = arith.constant 16 : index
        %parallel_loop3A_453 = tpu.vector_load %arg11[%parallel_loop3A_451, %parallel_loop3A_452] {strides = array<i32>} : memref<80x64xi32, #tpu.memory_space<vmem>>, vector<16xi32>,
        %parallel_loop3A_454 = vector.bitcast %parallel_loop3A_453 : vector<16xi32> to vector<32xbf16>
        %parallel_loop3A_455 = arith.mulf %parallel_loop3A_450, %parallel_loop3A_454 : vector<32xbf16>
        %parallel_loop3A_456 = tpu.unpack_subelements %parallel_loop3A_455, 0 {pack_format = #tpu.pack_format<interleaved>} : vector<32xbf16> -> vector<16xf32>
        %parallel_loop3A_457 = tpu.unpack_subelements %parallel_loop3A_455, 1 {pack_format = #tpu.pack_format<interleaved>} : vector<32xbf16> -> vector<16xf32>
        %parallel_loop3A_458 = arith.addf %parallel_loop3A_456, %parallel_loop3A_457 : vector<16xf32>
        %parallel_loop3A_459 = arith.index_cast %parallel_loop3A_434 : i32 to index
        %parallel_loop3A_460 = arith.constant 32 : index
        %parallel_loop3A_461 = tpu.vector_load %arg10[%parallel_loop3A_459, %parallel_loop3A_460] {strides = array<i32>} : memref<80x64xi32, #tpu.memory_space<vmem>>, vector<16xi32>,
        %parallel_loop3A_462 = vector.bitcast %parallel_loop3A_461 : vector<16xi32> to vector<32xbf16>
        %parallel_loop3A_463 = arith.index_cast %parallel_loop3A_434 : i32 to index
        %parallel_loop3A_464 = arith.constant 32 : index
        %parallel_loop3A_465 = tpu.vector_load %arg11[%parallel_loop3A_463, %parallel_loop3A_464] {strides = array<i32>} : memref<80x64xi32, #tpu.memory_space<vmem>>, vector<16xi32>,
        %parallel_loop3A_466 = vector.bitcast %parallel_loop3A_465 : vector<16xi32> to vector<32xbf16>
        %parallel_loop3A_467 = arith.mulf %parallel_loop3A_462, %parallel_loop3A_466 : vector<32xbf16>
        %parallel_loop3A_468 = tpu.unpack_subelements %parallel_loop3A_467, 0 {pack_format = #tpu.pack_format<interleaved>} : vector<32xbf16> -> vector<16xf32>
        %parallel_loop3A_469 = tpu.unpack_subelements %parallel_loop3A_467, 1 {pack_format = #tpu.pack_format<interleaved>} : vector<32xbf16> -> vector<16xf32>
        %parallel_loop3A_470 = arith.addf %parallel_loop3A_468, %parallel_loop3A_469 : vector<16xf32>
        %parallel_loop3A_471 = arith.index_cast %parallel_loop3A_434 : i32 to index
        %parallel_loop3A_472 = arith.constant 48 : index
        %parallel_loop3A_473 = tpu.vector_load %arg10[%parallel_loop3A_471, %parallel_loop3A_472] {strides = array<i32>} : memref<80x64xi32, #tpu.memory_space<vmem>>, vector<16xi32>,
        %parallel_loop3A_474 = vector.bitcast %parallel_loop3A_473 : vector<16xi32> to vector<32xbf16>
        %parallel_loop3A_475 = arith.index_cast %parallel_loop3A_434 : i32 to index
        %parallel_loop3A_476 = arith.constant 48 : index
        %parallel_loop3A_477 = tpu.vector_load %arg11[%parallel_loop3A_475, %parallel_loop3A_476] {strides = array<i32>} : memref<80x64xi32, #tpu.memory_space<vmem>>, vector<16xi32>,
        %parallel_loop3A_478 = vector.bitcast %parallel_loop3A_477 : vector<16xi32> to vector<32xbf16>
        %parallel_loop3A_479 = arith.mulf %parallel_loop3A_474, %parallel_loop3A_478 : vector<32xbf16>
        %parallel_loop3A_480 = tpu.unpack_subelements %parallel_loop3A_479, 0 {pack_format = #tpu.pack_format<interleaved>} : vector<32xbf16> -> vector<16xf32>
        %parallel_loop3A_481 = tpu.unpack_subelements %parallel_loop3A_479, 1 {pack_format = #tpu.pack_format<interleaved>} : vector<32xbf16> -> vector<16xf32>
        %parallel_loop3A_482 = arith.addf %parallel_loop3A_480, %parallel_loop3A_481 : vector<16xf32>
        %parallel_loop3A_483 = arith.addf %parallel_loop3A_446, %parallel_loop3A_458 : vector<16xf32>
        %parallel_loop3A_484 = arith.addf %parallel_loop3A_470, %parallel_loop3A_482 : vector<16xf32>
        %parallel_loop3A_485 = arith.addf %parallel_loop3A_483, %parallel_loop3A_484 : vector<16xf32>
        %parallel_loop3A_486 = arith.constant 16 : i32
        %parallel_loop3A_487 = arith.muli %parallel_loop3A_100, %parallel_loop3A_486 : i32
        %parallel_loop3A_488 = arith.constant 7 : i32
        %parallel_loop3A_489 = arith.addi %parallel_loop3A_487, %parallel_loop3A_488 : i32
        %parallel_loop3A_490 = arith.index_cast %parallel_loop3A_489 : i32 to index
        %parallel_loop3A_491 = arith.constant 0 : index
        %parallel_loop3A_492 = tpu.vector_load %arg10[%parallel_loop3A_490, %parallel_loop3A_491] {strides = array<i32>} : memref<80x64xi32, #tpu.memory_space<vmem>>, vector<16xi32>,
        %parallel_loop3A_493 = vector.bitcast %parallel_loop3A_492 : vector<16xi32> to vector<32xbf16>
        %parallel_loop3A_494 = arith.index_cast %parallel_loop3A_489 : i32 to index
        %parallel_loop3A_495 = arith.constant 0 : index
        %parallel_loop3A_496 = tpu.vector_load %arg11[%parallel_loop3A_494, %parallel_loop3A_495] {strides = array<i32>} : memref<80x64xi32, #tpu.memory_space<vmem>>, vector<16xi32>,
        %parallel_loop3A_497 = vector.bitcast %parallel_loop3A_496 : vector<16xi32> to vector<32xbf16>
        %parallel_loop3A_498 = arith.mulf %parallel_loop3A_493, %parallel_loop3A_497 : vector<32xbf16>
        %parallel_loop3A_499 = tpu.unpack_subelements %parallel_loop3A_498, 0 {pack_format = #tpu.pack_format<interleaved>} : vector<32xbf16> -> vector<16xf32>
        %parallel_loop3A_500 = tpu.unpack_subelements %parallel_loop3A_498, 1 {pack_format = #tpu.pack_format<interleaved>} : vector<32xbf16> -> vector<16xf32>
        %parallel_loop3A_501 = arith.addf %parallel_loop3A_499, %parallel_loop3A_500 : vector<16xf32>
        %parallel_loop3A_502 = arith.index_cast %parallel_loop3A_489 : i32 to index
        %parallel_loop3A_503 = arith.constant 16 : index
        %parallel_loop3A_504 = tpu.vector_load %arg10[%parallel_loop3A_502, %parallel_loop3A_503] {strides = array<i32>} : memref<80x64xi32, #tpu.memory_space<vmem>>, vector<16xi32>,
        %parallel_loop3A_505 = vector.bitcast %parallel_loop3A_504 : vector<16xi32> to vector<32xbf16>
        %parallel_loop3A_506 = arith.index_cast %parallel_loop3A_489 : i32 to index
        %parallel_loop3A_507 = arith.constant 16 : index
        %parallel_loop3A_508 = tpu.vector_load %arg11[%parallel_loop3A_506, %parallel_loop3A_507] {strides = array<i32>} : memref<80x64xi32, #tpu.memory_space<vmem>>, vector<16xi32>,
        %parallel_loop3A_509 = vector.bitcast %parallel_loop3A_508 : vector<16xi32> to vector<32xbf16>
        %parallel_loop3A_510 = arith.mulf %parallel_loop3A_505, %parallel_loop3A_509 : vector<32xbf16>
        %parallel_loop3A_511 = tpu.unpack_subelements %parallel_loop3A_510, 0 {pack_format = #tpu.pack_format<interleaved>} : vector<32xbf16> -> vector<16xf32>
        %parallel_loop3A_512 = tpu.unpack_subelements %parallel_loop3A_510, 1 {pack_format = #tpu.pack_format<interleaved>} : vector<32xbf16> -> vector<16xf32>
        %parallel_loop3A_513 = arith.addf %parallel_loop3A_511, %parallel_loop3A_512 : vector<16xf32>
        %parallel_loop3A_514 = arith.index_cast %parallel_loop3A_489 : i32 to index
        %parallel_loop3A_515 = arith.constant 32 : index
        %parallel_loop3A_516 = tpu.vector_load %arg10[%parallel_loop3A_514, %parallel_loop3A_515] {strides = array<i32>} : memref<80x64xi32, #tpu.memory_space<vmem>>, vector<16xi32>,
        %parallel_loop3A_517 = vector.bitcast %parallel_loop3A_516 : vector<16xi32> to vector<32xbf16>
        %parallel_loop3A_518 = arith.index_cast %parallel_loop3A_489 : i32 to index
        %parallel_loop3A_519 = arith.constant 32 : index
        %parallel_loop3A_520 = tpu.vector_load %arg11[%parallel_loop3A_518, %parallel_loop3A_519] {strides = array<i32>} : memref<80x64xi32, #tpu.memory_space<vmem>>, vector<16xi32>,
        %parallel_loop3A_521 = vector.bitcast %parallel_loop3A_520 : vector<16xi32> to vector<32xbf16>
        %parallel_loop3A_522 = arith.mulf %parallel_loop3A_517, %parallel_loop3A_521 : vector<32xbf16>
        %parallel_loop3A_523 = tpu.unpack_subelements %parallel_loop3A_522, 0 {pack_format = #tpu.pack_format<interleaved>} : vector<32xbf16> -> vector<16xf32>
        %parallel_loop3A_524 = tpu.unpack_subelements %parallel_loop3A_522, 1 {pack_format = #tpu.pack_format<interleaved>} : vector<32xbf16> -> vector<16xf32>
        %parallel_loop3A_525 = arith.addf %parallel_loop3A_523, %parallel_loop3A_524 : vector<16xf32>
        %parallel_loop3A_526 = arith.index_cast %parallel_loop3A_489 : i32 to index
        %parallel_loop3A_527 = arith.constant 48 : index
        %parallel_loop3A_528 = tpu.vector_load %arg10[%parallel_loop3A_526, %parallel_loop3A_527] {strides = array<i32>} : memref<80x64xi32, #tpu.memory_space<vmem>>, vector<16xi32>,
        %parallel_loop3A_529 = vector.bitcast %parallel_loop3A_528 : vector<16xi32> to vector<32xbf16>
        %parallel_loop3A_530 = arith.index_cast %parallel_loop3A_489 : i32 to index
        %parallel_loop3A_531 = arith.constant 48 : index
        %parallel_loop3A_532 = tpu.vector_load %arg11[%parallel_loop3A_530, %parallel_loop3A_531] {strides = array<i32>} : memref<80x64xi32, #tpu.memory_space<vmem>>, vector<16xi32>,
        %parallel_loop3A_533 = vector.bitcast %parallel_loop3A_532 : vector<16xi32> to vector<32xbf16>
        %parallel_loop3A_534 = arith.mulf %parallel_loop3A_529, %parallel_loop3A_533 : vector<32xbf16>
        %parallel_loop3A_535 = tpu.unpack_subelements %parallel_loop3A_534, 0 {pack_format = #tpu.pack_format<interleaved>} : vector<32xbf16> -> vector<16xf32>
        %parallel_loop3A_536 = tpu.unpack_subelements %parallel_loop3A_534, 1 {pack_format = #tpu.pack_format<interleaved>} : vector<32xbf16> -> vector<16xf32>
        %parallel_loop3A_537 = arith.addf %parallel_loop3A_535, %parallel_loop3A_536 : vector<16xf32>
        %parallel_loop3A_538 = arith.addf %parallel_loop3A_501, %parallel_loop3A_513 : vector<16xf32>
        %parallel_loop3A_539 = arith.addf %parallel_loop3A_525, %parallel_loop3A_537 : vector<16xf32>
        %parallel_loop3A_540 = arith.addf %parallel_loop3A_538, %parallel_loop3A_539 : vector<16xf32>
        %parallel_loop3A_541 = arith.constant 16 : i32
        %parallel_loop3A_542 = arith.muli %parallel_loop3A_100, %parallel_loop3A_541 : i32
        %parallel_loop3A_543 = arith.constant 8 : i32
        %parallel_loop3A_544 = arith.addi %parallel_loop3A_542, %parallel_loop3A_543 : i32
        %parallel_loop3A_545 = arith.index_cast %parallel_loop3A_544 : i32 to index
        %parallel_loop3A_546 = arith.constant 0 : index
        %parallel_loop3A_547 = tpu.vector_load %arg10[%parallel_loop3A_545, %parallel_loop3A_546] {strides = array<i32>} : memref<80x64xi32, #tpu.memory_space<vmem>>, vector<16xi32>,
        %parallel_loop3A_548 = vector.bitcast %parallel_loop3A_547 : vector<16xi32> to vector<32xbf16>
        %parallel_loop3A_549 = arith.index_cast %parallel_loop3A_544 : i32 to index
        %parallel_loop3A_550 = arith.constant 0 : index
        %parallel_loop3A_551 = tpu.vector_load %arg11[%parallel_loop3A_549, %parallel_loop3A_550] {strides = array<i32>} : memref<80x64xi32, #tpu.memory_space<vmem>>, vector<16xi32>,
        %parallel_loop3A_552 = vector.bitcast %parallel_loop3A_551 : vector<16xi32> to vector<32xbf16>
        %parallel_loop3A_553 = arith.mulf %parallel_loop3A_548, %parallel_loop3A_552 : vector<32xbf16>
        %parallel_loop3A_554 = tpu.unpack_subelements %parallel_loop3A_553, 0 {pack_format = #tpu.pack_format<interleaved>} : vector<32xbf16> -> vector<16xf32>
        %parallel_loop3A_555 = tpu.unpack_subelements %parallel_loop3A_553, 1 {pack_format = #tpu.pack_format<interleaved>} : vector<32xbf16> -> vector<16xf32>
        %parallel_loop3A_556 = arith.addf %parallel_loop3A_554, %parallel_loop3A_555 : vector<16xf32>
        %parallel_loop3A_557 = arith.index_cast %parallel_loop3A_544 : i32 to index
        %parallel_loop3A_558 = arith.constant 16 : index
        %parallel_loop3A_559 = tpu.vector_load %arg10[%parallel_loop3A_557, %parallel_loop3A_558] {strides = array<i32>} : memref<80x64xi32, #tpu.memory_space<vmem>>, vector<16xi32>,
        %parallel_loop3A_560 = vector.bitcast %parallel_loop3A_559 : vector<16xi32> to vector<32xbf16>
        %parallel_loop3A_561 = arith.index_cast %parallel_loop3A_544 : i32 to index
        %parallel_loop3A_562 = arith.constant 16 : index
        %parallel_loop3A_563 = tpu.vector_load %arg11[%parallel_loop3A_561, %parallel_loop3A_562] {strides = array<i32>} : memref<80x64xi32, #tpu.memory_space<vmem>>, vector<16xi32>,
        %parallel_loop3A_564 = vector.bitcast %parallel_loop3A_563 : vector<16xi32> to vector<32xbf16>
        %parallel_loop3A_565 = arith.mulf %parallel_loop3A_560, %parallel_loop3A_564 : vector<32xbf16>
        %parallel_loop3A_566 = tpu.unpack_subelements %parallel_loop3A_565, 0 {pack_format = #tpu.pack_format<interleaved>} : vector<32xbf16> -> vector<16xf32>
        %parallel_loop3A_567 = tpu.unpack_subelements %parallel_loop3A_565, 1 {pack_format = #tpu.pack_format<interleaved>} : vector<32xbf16> -> vector<16xf32>
        %parallel_loop3A_568 = arith.addf %parallel_loop3A_566, %parallel_loop3A_567 : vector<16xf32>
        %parallel_loop3A_569 = arith.index_cast %parallel_loop3A_544 : i32 to index
        %parallel_loop3A_570 = arith.constant 32 : index
        %parallel_loop3A_571 = tpu.vector_load %arg10[%parallel_loop3A_569, %parallel_loop3A_570] {strides = array<i32>} : memref<80x64xi32, #tpu.memory_space<vmem>>, vector<16xi32>,
        %parallel_loop3A_572 = vector.bitcast %parallel_loop3A_571 : vector<16xi32> to vector<32xbf16>
        %parallel_loop3A_573 = arith.index_cast %parallel_loop3A_544 : i32 to index
        %parallel_loop3A_574 = arith.constant 32 : index
        %parallel_loop3A_575 = tpu.vector_load %arg11[%parallel_loop3A_573, %parallel_loop3A_574] {strides = array<i32>} : memref<80x64xi32, #tpu.memory_space<vmem>>, vector<16xi32>,
        %parallel_loop3A_576 = vector.bitcast %parallel_loop3A_575 : vector<16xi32> to vector<32xbf16>
        %parallel_loop3A_577 = arith.mulf %parallel_loop3A_572, %parallel_loop3A_576 : vector<32xbf16>
        %parallel_loop3A_578 = tpu.unpack_subelements %parallel_loop3A_577, 0 {pack_format = #tpu.pack_format<interleaved>} : vector<32xbf16> -> vector<16xf32>
        %parallel_loop3A_579 = tpu.unpack_subelements %parallel_loop3A_577, 1 {pack_format = #tpu.pack_format<interleaved>} : vector<32xbf16> -> vector<16xf32>
        %parallel_loop3A_580 = arith.addf %parallel_loop3A_578, %parallel_loop3A_579 : vector<16xf32>
        %parallel_loop3A_581 = arith.index_cast %parallel_loop3A_544 : i32 to index
        %parallel_loop3A_582 = arith.constant 48 : index
        %parallel_loop3A_583 = tpu.vector_load %arg10[%parallel_loop3A_581, %parallel_loop3A_582] {strides = array<i32>} : memref<80x64xi32, #tpu.memory_space<vmem>>, vector<16xi32>,
        %parallel_loop3A_584 = vector.bitcast %parallel_loop3A_583 : vector<16xi32> to vector<32xbf16>
        %parallel_loop3A_585 = arith.index_cast %parallel_loop3A_544 : i32 to index
        %parallel_loop3A_586 = arith.constant 48 : index
        %parallel_loop3A_587 = tpu.vector_load %arg11[%parallel_loop3A_585, %parallel_loop3A_586] {strides = array<i32>} : memref<80x64xi32, #tpu.memory_space<vmem>>, vector<16xi32>,
        %parallel_loop3A_588 = vector.bitcast %parallel_loop3A_587 : vector<16xi32> to vector<32xbf16>
        %parallel_loop3A_589 = arith.mulf %parallel_loop3A_584, %parallel_loop3A_588 : vector<32xbf16>
        %parallel_loop3A_590 = tpu.unpack_subelements %parallel_loop3A_589, 0 {pack_format = #tpu.pack_format<interleaved>} : vector<32xbf16> -> vector<16xf32>
        %parallel_loop3A_591 = tpu.unpack_subelements %parallel_loop3A_589, 1 {pack_format = #tpu.pack_format<interleaved>} : vector<32xbf16> -> vector<16xf32>
        %parallel_loop3A_592 = arith.addf %parallel_loop3A_590, %parallel_loop3A_591 : vector<16xf32>
        %parallel_loop3A_593 = arith.addf %parallel_loop3A_556, %parallel_loop3A_568 : vector<16xf32>
        %parallel_loop3A_594 = arith.addf %parallel_loop3A_580, %parallel_loop3A_592 : vector<16xf32>
        %parallel_loop3A_595 = arith.addf %parallel_loop3A_593, %parallel_loop3A_594 : vector<16xf32>
        %parallel_loop3A_596 = arith.constant 16 : i32
        %parallel_loop3A_597 = arith.muli %parallel_loop3A_100, %parallel_loop3A_596 : i32
        %parallel_loop3A_598 = arith.constant 9 : i32
        %parallel_loop3A_599 = arith.addi %parallel_loop3A_597, %parallel_loop3A_598 : i32
        %parallel_loop3A_600 = arith.index_cast %parallel_loop3A_599 : i32 to index
        %parallel_loop3A_601 = arith.constant 0 : index
        %parallel_loop3A_602 = tpu.vector_load %arg10[%parallel_loop3A_600, %parallel_loop3A_601] {strides = array<i32>} : memref<80x64xi32, #tpu.memory_space<vmem>>, vector<16xi32>,
        %parallel_loop3A_603 = vector.bitcast %parallel_loop3A_602 : vector<16xi32> to vector<32xbf16>
        %parallel_loop3A_604 = arith.index_cast %parallel_loop3A_599 : i32 to index
        %parallel_loop3A_605 = arith.constant 0 : index
        %parallel_loop3A_606 = tpu.vector_load %arg11[%parallel_loop3A_604, %parallel_loop3A_605] {strides = array<i32>} : memref<80x64xi32, #tpu.memory_space<vmem>>, vector<16xi32>,
        %parallel_loop3A_607 = vector.bitcast %parallel_loop3A_606 : vector<16xi32> to vector<32xbf16>
        %parallel_loop3A_608 = arith.mulf %parallel_loop3A_603, %parallel_loop3A_607 : vector<32xbf16>
        %parallel_loop3A_609 = tpu.unpack_subelements %parallel_loop3A_608, 0 {pack_format = #tpu.pack_format<interleaved>} : vector<32xbf16> -> vector<16xf32>
        %parallel_loop3A_610 = tpu.unpack_subelements %parallel_loop3A_608, 1 {pack_format = #tpu.pack_format<interleaved>} : vector<32xbf16> -> vector<16xf32>
        %parallel_loop3A_611 = arith.addf %parallel_loop3A_609, %parallel_loop3A_610 : vector<16xf32>
        %parallel_loop3A_612 = arith.index_cast %parallel_loop3A_599 : i32 to index
        %parallel_loop3A_613 = arith.constant 16 : index
        %parallel_loop3A_614 = tpu.vector_load %arg10[%parallel_loop3A_612, %parallel_loop3A_613] {strides = array<i32>} : memref<80x64xi32, #tpu.memory_space<vmem>>, vector<16xi32>,
        %parallel_loop3A_615 = vector.bitcast %parallel_loop3A_614 : vector<16xi32> to vector<32xbf16>
        %parallel_loop3A_616 = arith.index_cast %parallel_loop3A_599 : i32 to index
        %parallel_loop3A_617 = arith.constant 16 : index
        %parallel_loop3A_618 = tpu.vector_load %arg11[%parallel_loop3A_616, %parallel_loop3A_617] {strides = array<i32>} : memref<80x64xi32, #tpu.memory_space<vmem>>, vector<16xi32>,
        %parallel_loop3A_619 = vector.bitcast %parallel_loop3A_618 : vector<16xi32> to vector<32xbf16>
        %parallel_loop3A_620 = arith.mulf %parallel_loop3A_615, %parallel_loop3A_619 : vector<32xbf16>
        %parallel_loop3A_621 = tpu.unpack_subelements %parallel_loop3A_620, 0 {pack_format = #tpu.pack_format<interleaved>} : vector<32xbf16> -> vector<16xf32>
        %parallel_loop3A_622 = tpu.unpack_subelements %parallel_loop3A_620, 1 {pack_format = #tpu.pack_format<interleaved>} : vector<32xbf16> -> vector<16xf32>
        %parallel_loop3A_623 = arith.addf %parallel_loop3A_621, %parallel_loop3A_622 : vector<16xf32>
        %parallel_loop3A_624 = arith.index_cast %parallel_loop3A_599 : i32 to index
        %parallel_loop3A_625 = arith.constant 32 : index
        %parallel_loop3A_626 = tpu.vector_load %arg10[%parallel_loop3A_624, %parallel_loop3A_625] {strides = array<i32>} : memref<80x64xi32, #tpu.memory_space<vmem>>, vector<16xi32>,
        %parallel_loop3A_627 = vector.bitcast %parallel_loop3A_626 : vector<16xi32> to vector<32xbf16>
        %parallel_loop3A_628 = arith.index_cast %parallel_loop3A_599 : i32 to index
        %parallel_loop3A_629 = arith.constant 32 : index
        %parallel_loop3A_630 = tpu.vector_load %arg11[%parallel_loop3A_628, %parallel_loop3A_629] {strides = array<i32>} : memref<80x64xi32, #tpu.memory_space<vmem>>, vector<16xi32>,
        %parallel_loop3A_631 = vector.bitcast %parallel_loop3A_630 : vector<16xi32> to vector<32xbf16>
        %parallel_loop3A_632 = arith.mulf %parallel_loop3A_627, %parallel_loop3A_631 : vector<32xbf16>
        %parallel_loop3A_633 = tpu.unpack_subelements %parallel_loop3A_632, 0 {pack_format = #tpu.pack_format<interleaved>} : vector<32xbf16> -> vector<16xf32>
        %parallel_loop3A_634 = tpu.unpack_subelements %parallel_loop3A_632, 1 {pack_format = #tpu.pack_format<interleaved>} : vector<32xbf16> -> vector<16xf32>
        %parallel_loop3A_635 = arith.addf %parallel_loop3A_633, %parallel_loop3A_634 : vector<16xf32>
        %parallel_loop3A_636 = arith.index_cast %parallel_loop3A_599 : i32 to index
        %parallel_loop3A_637 = arith.constant 48 : index
        %parallel_loop3A_638 = tpu.vector_load %arg10[%parallel_loop3A_636, %parallel_loop3A_637] {strides = array<i32>} : memref<80x64xi32, #tpu.memory_space<vmem>>, vector<16xi32>,
        %parallel_loop3A_639 = vector.bitcast %parallel_loop3A_638 : vector<16xi32> to vector<32xbf16>
        %parallel_loop3A_640 = arith.index_cast %parallel_loop3A_599 : i32 to index
        %parallel_loop3A_641 = arith.constant 48 : index
        %parallel_loop3A_642 = tpu.vector_load %arg11[%parallel_loop3A_640, %parallel_loop3A_641] {strides = array<i32>} : memref<80x64xi32, #tpu.memory_space<vmem>>, vector<16xi32>,
        %parallel_loop3A_643 = vector.bitcast %parallel_loop3A_642 : vector<16xi32> to vector<32xbf16>
        %parallel_loop3A_644 = arith.mulf %parallel_loop3A_639, %parallel_loop3A_643 : vector<32xbf16>
        %parallel_loop3A_645 = tpu.unpack_subelements %parallel_loop3A_644, 0 {pack_format = #tpu.pack_format<interleaved>} : vector<32xbf16> -> vector<16xf32>
        %parallel_loop3A_646 = tpu.unpack_subelements %parallel_loop3A_644, 1 {pack_format = #tpu.pack_format<interleaved>} : vector<32xbf16> -> vector<16xf32>
        %parallel_loop3A_647 = arith.addf %parallel_loop3A_645, %parallel_loop3A_646 : vector<16xf32>
        %parallel_loop3A_648 = arith.addf %parallel_loop3A_611, %parallel_loop3A_623 : vector<16xf32>
        %parallel_loop3A_649 = arith.addf %parallel_loop3A_635, %parallel_loop3A_647 : vector<16xf32>
        %parallel_loop3A_650 = arith.addf %parallel_loop3A_648, %parallel_loop3A_649 : vector<16xf32>
        %parallel_loop3A_651 = arith.constant 16 : i32
        %parallel_loop3A_652 = arith.muli %parallel_loop3A_100, %parallel_loop3A_651 : i32
        %parallel_loop3A_653 = arith.constant 10 : i32
        %parallel_loop3A_654 = arith.addi %parallel_loop3A_652, %parallel_loop3A_653 : i32
        %parallel_loop3A_655 = arith.index_cast %parallel_loop3A_654 : i32 to index
        %parallel_loop3A_656 = arith.constant 0 : index
        %parallel_loop3A_657 = tpu.vector_load %arg10[%parallel_loop3A_655, %parallel_loop3A_656] {strides = array<i32>} : memref<80x64xi32, #tpu.memory_space<vmem>>, vector<16xi32>,
        %parallel_loop3A_658 = vector.bitcast %parallel_loop3A_657 : vector<16xi32> to vector<32xbf16>
        %parallel_loop3A_659 = arith.index_cast %parallel_loop3A_654 : i32 to index
        %parallel_loop3A_660 = arith.constant 0 : index
        %parallel_loop3A_661 = tpu.vector_load %arg11[%parallel_loop3A_659, %parallel_loop3A_660] {strides = array<i32>} : memref<80x64xi32, #tpu.memory_space<vmem>>, vector<16xi32>,
        %parallel_loop3A_662 = vector.bitcast %parallel_loop3A_661 : vector<16xi32> to vector<32xbf16>
        %parallel_loop3A_663 = arith.mulf %parallel_loop3A_658, %parallel_loop3A_662 : vector<32xbf16>
        %parallel_loop3A_664 = tpu.unpack_subelements %parallel_loop3A_663, 0 {pack_format = #tpu.pack_format<interleaved>} : vector<32xbf16> -> vector<16xf32>
        %parallel_loop3A_665 = tpu.unpack_subelements %parallel_loop3A_663, 1 {pack_format = #tpu.pack_format<interleaved>} : vector<32xbf16> -> vector<16xf32>
        %parallel_loop3A_666 = arith.addf %parallel_loop3A_664, %parallel_loop3A_665 : vector<16xf32>
        %parallel_loop3A_667 = arith.index_cast %parallel_loop3A_654 : i32 to index
        %parallel_loop3A_668 = arith.constant 16 : index
        %parallel_loop3A_669 = tpu.vector_load %arg10[%parallel_loop3A_667, %parallel_loop3A_668] {strides = array<i32>} : memref<80x64xi32, #tpu.memory_space<vmem>>, vector<16xi32>,
        %parallel_loop3A_670 = vector.bitcast %parallel_loop3A_669 : vector<16xi32> to vector<32xbf16>
        %parallel_loop3A_671 = arith.index_cast %parallel_loop3A_654 : i32 to index
        %parallel_loop3A_672 = arith.constant 16 : index
        %parallel_loop3A_673 = tpu.vector_load %arg11[%parallel_loop3A_671, %parallel_loop3A_672] {strides = array<i32>} : memref<80x64xi32, #tpu.memory_space<vmem>>, vector<16xi32>,
        %parallel_loop3A_674 = vector.bitcast %parallel_loop3A_673 : vector<16xi32> to vector<32xbf16>
        %parallel_loop3A_675 = arith.mulf %parallel_loop3A_670, %parallel_loop3A_674 : vector<32xbf16>
        %parallel_loop3A_676 = tpu.unpack_subelements %parallel_loop3A_675, 0 {pack_format = #tpu.pack_format<interleaved>} : vector<32xbf16> -> vector<16xf32>
        %parallel_loop3A_677 = tpu.unpack_subelements %parallel_loop3A_675, 1 {pack_format = #tpu.pack_format<interleaved>} : vector<32xbf16> -> vector<16xf32>
        %parallel_loop3A_678 = arith.addf %parallel_loop3A_676, %parallel_loop3A_677 : vector<16xf32>
        %parallel_loop3A_679 = arith.index_cast %parallel_loop3A_654 : i32 to index
        %parallel_loop3A_680 = arith.constant 32 : index
        %parallel_loop3A_681 = tpu.vector_load %arg10[%parallel_loop3A_679, %parallel_loop3A_680] {strides = array<i32>} : memref<80x64xi32, #tpu.memory_space<vmem>>, vector<16xi32>,
        %parallel_loop3A_682 = vector.bitcast %parallel_loop3A_681 : vector<16xi32> to vector<32xbf16>
        %parallel_loop3A_683 = arith.index_cast %parallel_loop3A_654 : i32 to index
        %parallel_loop3A_684 = arith.constant 32 : index
        %parallel_loop3A_685 = tpu.vector_load %arg11[%parallel_loop3A_683, %parallel_loop3A_684] {strides = array<i32>} : memref<80x64xi32, #tpu.memory_space<vmem>>, vector<16xi32>,
        %parallel_loop3A_686 = vector.bitcast %parallel_loop3A_685 : vector<16xi32> to vector<32xbf16>
        %parallel_loop3A_687 = arith.mulf %parallel_loop3A_682, %parallel_loop3A_686 : vector<32xbf16>
        %parallel_loop3A_688 = tpu.unpack_subelements %parallel_loop3A_687, 0 {pack_format = #tpu.pack_format<interleaved>} : vector<32xbf16> -> vector<16xf32>
        %parallel_loop3A_689 = tpu.unpack_subelements %parallel_loop3A_687, 1 {pack_format = #tpu.pack_format<interleaved>} : vector<32xbf16> -> vector<16xf32>
        %parallel_loop3A_690 = arith.addf %parallel_loop3A_688, %parallel_loop3A_689 : vector<16xf32>
        %parallel_loop3A_691 = arith.index_cast %parallel_loop3A_654 : i32 to index
        %parallel_loop3A_692 = arith.constant 48 : index
        %parallel_loop3A_693 = tpu.vector_load %arg10[%parallel_loop3A_691, %parallel_loop3A_692] {strides = array<i32>} : memref<80x64xi32, #tpu.memory_space<vmem>>, vector<16xi32>,
        %parallel_loop3A_694 = vector.bitcast %parallel_loop3A_693 : vector<16xi32> to vector<32xbf16>
        %parallel_loop3A_695 = arith.index_cast %parallel_loop3A_654 : i32 to index
        %parallel_loop3A_696 = arith.constant 48 : index
        %parallel_loop3A_697 = tpu.vector_load %arg11[%parallel_loop3A_695, %parallel_loop3A_696] {strides = array<i32>} : memref<80x64xi32, #tpu.memory_space<vmem>>, vector<16xi32>,
        %parallel_loop3A_698 = vector.bitcast %parallel_loop3A_697 : vector<16xi32> to vector<32xbf16>
        %parallel_loop3A_699 = arith.mulf %parallel_loop3A_694, %parallel_loop3A_698 : vector<32xbf16>
        %parallel_loop3A_700 = tpu.unpack_subelements %parallel_loop3A_699, 0 {pack_format = #tpu.pack_format<interleaved>} : vector<32xbf16> -> vector<16xf32>
        %parallel_loop3A_701 = tpu.unpack_subelements %parallel_loop3A_699, 1 {pack_format = #tpu.pack_format<interleaved>} : vector<32xbf16> -> vector<16xf32>
        %parallel_loop3A_702 = arith.addf %parallel_loop3A_700, %parallel_loop3A_701 : vector<16xf32>
        %parallel_loop3A_703 = arith.addf %parallel_loop3A_666, %parallel_loop3A_678 : vector<16xf32>
        %parallel_loop3A_704 = arith.addf %parallel_loop3A_690, %parallel_loop3A_702 : vector<16xf32>
        %parallel_loop3A_705 = arith.addf %parallel_loop3A_703, %parallel_loop3A_704 : vector<16xf32>
        %parallel_loop3A_706 = arith.constant 16 : i32
        %parallel_loop3A_707 = arith.muli %parallel_loop3A_100, %parallel_loop3A_706 : i32
        %parallel_loop3A_708 = arith.constant 11 : i32
        %parallel_loop3A_709 = arith.addi %parallel_loop3A_707, %parallel_loop3A_708 : i32
        %parallel_loop3A_710 = arith.index_cast %parallel_loop3A_709 : i32 to index
        %parallel_loop3A_711 = arith.constant 0 : index
        %parallel_loop3A_712 = tpu.vector_load %arg10[%parallel_loop3A_710, %parallel_loop3A_711] {strides = array<i32>} : memref<80x64xi32, #tpu.memory_space<vmem>>, vector<16xi32>,
        %parallel_loop3A_713 = vector.bitcast %parallel_loop3A_712 : vector<16xi32> to vector<32xbf16>
        %parallel_loop3A_714 = arith.index_cast %parallel_loop3A_709 : i32 to index
        %parallel_loop3A_715 = arith.constant 0 : index
        %parallel_loop3A_716 = tpu.vector_load %arg11[%parallel_loop3A_714, %parallel_loop3A_715] {strides = array<i32>} : memref<80x64xi32, #tpu.memory_space<vmem>>, vector<16xi32>,
        %parallel_loop3A_717 = vector.bitcast %parallel_loop3A_716 : vector<16xi32> to vector<32xbf16>
        %parallel_loop3A_718 = arith.mulf %parallel_loop3A_713, %parallel_loop3A_717 : vector<32xbf16>
        %parallel_loop3A_719 = tpu.unpack_subelements %parallel_loop3A_718, 0 {pack_format = #tpu.pack_format<interleaved>} : vector<32xbf16> -> vector<16xf32>
        %parallel_loop3A_720 = tpu.unpack_subelements %parallel_loop3A_718, 1 {pack_format = #tpu.pack_format<interleaved>} : vector<32xbf16> -> vector<16xf32>
        %parallel_loop3A_721 = arith.addf %parallel_loop3A_719, %parallel_loop3A_720 : vector<16xf32>
        %parallel_loop3A_722 = arith.index_cast %parallel_loop3A_709 : i32 to index
        %parallel_loop3A_723 = arith.constant 16 : index
        %parallel_loop3A_724 = tpu.vector_load %arg10[%parallel_loop3A_722, %parallel_loop3A_723] {strides = array<i32>} : memref<80x64xi32, #tpu.memory_space<vmem>>, vector<16xi32>,
        %parallel_loop3A_725 = vector.bitcast %parallel_loop3A_724 : vector<16xi32> to vector<32xbf16>
        %parallel_loop3A_726 = arith.index_cast %parallel_loop3A_709 : i32 to index
        %parallel_loop3A_727 = arith.constant 16 : index
        %parallel_loop3A_728 = tpu.vector_load %arg11[%parallel_loop3A_726, %parallel_loop3A_727] {strides = array<i32>} : memref<80x64xi32, #tpu.memory_space<vmem>>, vector<16xi32>,
        %parallel_loop3A_729 = vector.bitcast %parallel_loop3A_728 : vector<16xi32> to vector<32xbf16>
        %parallel_loop3A_730 = arith.mulf %parallel_loop3A_725, %parallel_loop3A_729 : vector<32xbf16>
        %parallel_loop3A_731 = tpu.unpack_subelements %parallel_loop3A_730, 0 {pack_format = #tpu.pack_format<interleaved>} : vector<32xbf16> -> vector<16xf32>
        %parallel_loop3A_732 = tpu.unpack_subelements %parallel_loop3A_730, 1 {pack_format = #tpu.pack_format<interleaved>} : vector<32xbf16> -> vector<16xf32>
        %parallel_loop3A_733 = arith.addf %parallel_loop3A_731, %parallel_loop3A_732 : vector<16xf32>
        %parallel_loop3A_734 = arith.index_cast %parallel_loop3A_709 : i32 to index
        %parallel_loop3A_735 = arith.constant 32 : index
        %parallel_loop3A_736 = tpu.vector_load %arg10[%parallel_loop3A_734, %parallel_loop3A_735] {strides = array<i32>} : memref<80x64xi32, #tpu.memory_space<vmem>>, vector<16xi32>,
        %parallel_loop3A_737 = vector.bitcast %parallel_loop3A_736 : vector<16xi32> to vector<32xbf16>
        %parallel_loop3A_738 = arith.index_cast %parallel_loop3A_709 : i32 to index
        %parallel_loop3A_739 = arith.constant 32 : index
        %parallel_loop3A_740 = tpu.vector_load %arg11[%parallel_loop3A_738, %parallel_loop3A_739] {strides = array<i32>} : memref<80x64xi32, #tpu.memory_space<vmem>>, vector<16xi32>,
        %parallel_loop3A_741 = vector.bitcast %parallel_loop3A_740 : vector<16xi32> to vector<32xbf16>
        %parallel_loop3A_742 = arith.mulf %parallel_loop3A_737, %parallel_loop3A_741 : vector<32xbf16>
        %parallel_loop3A_743 = tpu.unpack_subelements %parallel_loop3A_742, 0 {pack_format = #tpu.pack_format<interleaved>} : vector<32xbf16> -> vector<16xf32>
        %parallel_loop3A_744 = tpu.unpack_subelements %parallel_loop3A_742, 1 {pack_format = #tpu.pack_format<interleaved>} : vector<32xbf16> -> vector<16xf32>
        %parallel_loop3A_745 = arith.addf %parallel_loop3A_743, %parallel_loop3A_744 : vector<16xf32>
        %parallel_loop3A_746 = arith.index_cast %parallel_loop3A_709 : i32 to index
        %parallel_loop3A_747 = arith.constant 48 : index
        %parallel_loop3A_748 = tpu.vector_load %arg10[%parallel_loop3A_746, %parallel_loop3A_747] {strides = array<i32>} : memref<80x64xi32, #tpu.memory_space<vmem>>, vector<16xi32>,
        %parallel_loop3A_749 = vector.bitcast %parallel_loop3A_748 : vector<16xi32> to vector<32xbf16>
        %parallel_loop3A_750 = arith.index_cast %parallel_loop3A_709 : i32 to index
        %parallel_loop3A_751 = arith.constant 48 : index
        %parallel_loop3A_752 = tpu.vector_load %arg11[%parallel_loop3A_750, %parallel_loop3A_751] {strides = array<i32>} : memref<80x64xi32, #tpu.memory_space<vmem>>, vector<16xi32>,
        %parallel_loop3A_753 = vector.bitcast %parallel_loop3A_752 : vector<16xi32> to vector<32xbf16>
        %parallel_loop3A_754 = arith.mulf %parallel_loop3A_749, %parallel_loop3A_753 : vector<32xbf16>
        %parallel_loop3A_755 = tpu.unpack_subelements %parallel_loop3A_754, 0 {pack_format = #tpu.pack_format<interleaved>} : vector<32xbf16> -> vector<16xf32>
        %parallel_loop3A_756 = tpu.unpack_subelements %parallel_loop3A_754, 1 {pack_format = #tpu.pack_format<interleaved>} : vector<32xbf16> -> vector<16xf32>
        %parallel_loop3A_757 = arith.addf %parallel_loop3A_755, %parallel_loop3A_756 : vector<16xf32>
        %parallel_loop3A_758 = arith.addf %parallel_loop3A_721, %parallel_loop3A_733 : vector<16xf32>
        %parallel_loop3A_759 = arith.addf %parallel_loop3A_745, %parallel_loop3A_757 : vector<16xf32>
        %parallel_loop3A_760 = arith.addf %parallel_loop3A_758, %parallel_loop3A_759 : vector<16xf32>
        %parallel_loop3A_761 = arith.constant 16 : i32
        %parallel_loop3A_762 = arith.muli %parallel_loop3A_100, %parallel_loop3A_761 : i32
        %parallel_loop3A_763 = arith.constant 12 : i32
        %parallel_loop3A_764 = arith.addi %parallel_loop3A_762, %parallel_loop3A_763 : i32
        %parallel_loop3A_765 = arith.index_cast %parallel_loop3A_764 : i32 to index
        %parallel_loop3A_766 = arith.constant 0 : index
        %parallel_loop3A_767 = tpu.vector_load %arg10[%parallel_loop3A_765, %parallel_loop3A_766] {strides = array<i32>} : memref<80x64xi32, #tpu.memory_space<vmem>>, vector<16xi32>,
        %parallel_loop3A_768 = vector.bitcast %parallel_loop3A_767 : vector<16xi32> to vector<32xbf16>
        %parallel_loop3A_769 = arith.index_cast %parallel_loop3A_764 : i32 to index
        %parallel_loop3A_770 = arith.constant 0 : index
        %parallel_loop3A_771 = tpu.vector_load %arg11[%parallel_loop3A_769, %parallel_loop3A_770] {strides = array<i32>} : memref<80x64xi32, #tpu.memory_space<vmem>>, vector<16xi32>,
        %parallel_loop3A_772 = vector.bitcast %parallel_loop3A_771 : vector<16xi32> to vector<32xbf16>
        %parallel_loop3A_773 = arith.mulf %parallel_loop3A_768, %parallel_loop3A_772 : vector<32xbf16>
        %parallel_loop3A_774 = tpu.unpack_subelements %parallel_loop3A_773, 0 {pack_format = #tpu.pack_format<interleaved>} : vector<32xbf16> -> vector<16xf32>
        %parallel_loop3A_775 = tpu.unpack_subelements %parallel_loop3A_773, 1 {pack_format = #tpu.pack_format<interleaved>} : vector<32xbf16> -> vector<16xf32>
        %parallel_loop3A_776 = arith.addf %parallel_loop3A_774, %parallel_loop3A_775 : vector<16xf32>
        %parallel_loop3A_777 = arith.index_cast %parallel_loop3A_764 : i32 to index
        %parallel_loop3A_778 = arith.constant 16 : index
        %parallel_loop3A_779 = tpu.vector_load %arg10[%parallel_loop3A_777, %parallel_loop3A_778] {strides = array<i32>} : memref<80x64xi32, #tpu.memory_space<vmem>>, vector<16xi32>,
        %parallel_loop3A_780 = vector.bitcast %parallel_loop3A_779 : vector<16xi32> to vector<32xbf16>
        %parallel_loop3A_781 = arith.index_cast %parallel_loop3A_764 : i32 to index
        %parallel_loop3A_782 = arith.constant 16 : index
        %parallel_loop3A_783 = tpu.vector_load %arg11[%parallel_loop3A_781, %parallel_loop3A_782] {strides = array<i32>} : memref<80x64xi32, #tpu.memory_space<vmem>>, vector<16xi32>,
        %parallel_loop3A_784 = vector.bitcast %parallel_loop3A_783 : vector<16xi32> to vector<32xbf16>
        %parallel_loop3A_785 = arith.mulf %parallel_loop3A_780, %parallel_loop3A_784 : vector<32xbf16>
        %parallel_loop3A_786 = tpu.unpack_subelements %parallel_loop3A_785, 0 {pack_format = #tpu.pack_format<interleaved>} : vector<32xbf16> -> vector<16xf32>
        %parallel_loop3A_787 = tpu.unpack_subelements %parallel_loop3A_785, 1 {pack_format = #tpu.pack_format<interleaved>} : vector<32xbf16> -> vector<16xf32>
        %parallel_loop3A_788 = arith.addf %parallel_loop3A_786, %parallel_loop3A_787 : vector<16xf32>
        %parallel_loop3A_789 = arith.index_cast %parallel_loop3A_764 : i32 to index
        %parallel_loop3A_790 = arith.constant 32 : index
        %parallel_loop3A_791 = tpu.vector_load %arg10[%parallel_loop3A_789, %parallel_loop3A_790] {strides = array<i32>} : memref<80x64xi32, #tpu.memory_space<vmem>>, vector<16xi32>,
        %parallel_loop3A_792 = vector.bitcast %parallel_loop3A_791 : vector<16xi32> to vector<32xbf16>
        %parallel_loop3A_793 = arith.index_cast %parallel_loop3A_764 : i32 to index
        %parallel_loop3A_794 = arith.constant 32 : index
        %parallel_loop3A_795 = tpu.vector_load %arg11[%parallel_loop3A_793, %parallel_loop3A_794] {strides = array<i32>} : memref<80x64xi32, #tpu.memory_space<vmem>>, vector<16xi32>,
        %parallel_loop3A_796 = vector.bitcast %parallel_loop3A_795 : vector<16xi32> to vector<32xbf16>
        %parallel_loop3A_797 = arith.mulf %parallel_loop3A_792, %parallel_loop3A_796 : vector<32xbf16>
        %parallel_loop3A_798 = tpu.unpack_subelements %parallel_loop3A_797, 0 {pack_format = #tpu.pack_format<interleaved>} : vector<32xbf16> -> vector<16xf32>
        %parallel_loop3A_799 = tpu.unpack_subelements %parallel_loop3A_797, 1 {pack_format = #tpu.pack_format<interleaved>} : vector<32xbf16> -> vector<16xf32>
        %parallel_loop3A_800 = arith.addf %parallel_loop3A_798, %parallel_loop3A_799 : vector<16xf32>
        %parallel_loop3A_801 = arith.index_cast %parallel_loop3A_764 : i32 to index
        %parallel_loop3A_802 = arith.constant 48 : index
        %parallel_loop3A_803 = tpu.vector_load %arg10[%parallel_loop3A_801, %parallel_loop3A_802] {strides = array<i32>} : memref<80x64xi32, #tpu.memory_space<vmem>>, vector<16xi32>,
        %parallel_loop3A_804 = vector.bitcast %parallel_loop3A_803 : vector<16xi32> to vector<32xbf16>
        %parallel_loop3A_805 = arith.index_cast %parallel_loop3A_764 : i32 to index
        %parallel_loop3A_806 = arith.constant 48 : index
        %parallel_loop3A_807 = tpu.vector_load %arg11[%parallel_loop3A_805, %parallel_loop3A_806] {strides = array<i32>} : memref<80x64xi32, #tpu.memory_space<vmem>>, vector<16xi32>,
        %parallel_loop3A_808 = vector.bitcast %parallel_loop3A_807 : vector<16xi32> to vector<32xbf16>
        %parallel_loop3A_809 = arith.mulf %parallel_loop3A_804, %parallel_loop3A_808 : vector<32xbf16>
        %parallel_loop3A_810 = tpu.unpack_subelements %parallel_loop3A_809, 0 {pack_format = #tpu.pack_format<interleaved>} : vector<32xbf16> -> vector<16xf32>
        %parallel_loop3A_811 = tpu.unpack_subelements %parallel_loop3A_809, 1 {pack_format = #tpu.pack_format<interleaved>} : vector<32xbf16> -> vector<16xf32>
        %parallel_loop3A_812 = arith.addf %parallel_loop3A_810, %parallel_loop3A_811 : vector<16xf32>
        %parallel_loop3A_813 = arith.addf %parallel_loop3A_776, %parallel_loop3A_788 : vector<16xf32>
        %parallel_loop3A_814 = arith.addf %parallel_loop3A_800, %parallel_loop3A_812 : vector<16xf32>
        %parallel_loop3A_815 = arith.addf %parallel_loop3A_813, %parallel_loop3A_814 : vector<16xf32>
        %parallel_loop3A_816 = arith.constant 16 : i32
        %parallel_loop3A_817 = arith.muli %parallel_loop3A_100, %parallel_loop3A_816 : i32
        %parallel_loop3A_818 = arith.constant 13 : i32
        %parallel_loop3A_819 = arith.addi %parallel_loop3A_817, %parallel_loop3A_818 : i32
        %parallel_loop3A_820 = arith.index_cast %parallel_loop3A_819 : i32 to index
        %parallel_loop3A_821 = arith.constant 0 : index
        %parallel_loop3A_822 = tpu.vector_load %arg10[%parallel_loop3A_820, %parallel_loop3A_821] {strides = array<i32>} : memref<80x64xi32, #tpu.memory_space<vmem>>, vector<16xi32>,
        %parallel_loop3A_823 = vector.bitcast %parallel_loop3A_822 : vector<16xi32> to vector<32xbf16>
        %parallel_loop3A_824 = arith.index_cast %parallel_loop3A_819 : i32 to index
        %parallel_loop3A_825 = arith.constant 0 : index
        %parallel_loop3A_826 = tpu.vector_load %arg11[%parallel_loop3A_824, %parallel_loop3A_825] {strides = array<i32>} : memref<80x64xi32, #tpu.memory_space<vmem>>, vector<16xi32>,
        %parallel_loop3A_827 = vector.bitcast %parallel_loop3A_826 : vector<16xi32> to vector<32xbf16>
        %parallel_loop3A_828 = arith.mulf %parallel_loop3A_823, %parallel_loop3A_827 : vector<32xbf16>
        %parallel_loop3A_829 = tpu.unpack_subelements %parallel_loop3A_828, 0 {pack_format = #tpu.pack_format<interleaved>} : vector<32xbf16> -> vector<16xf32>
        %parallel_loop3A_830 = tpu.unpack_subelements %parallel_loop3A_828, 1 {pack_format = #tpu.pack_format<interleaved>} : vector<32xbf16> -> vector<16xf32>
        %parallel_loop3A_831 = arith.addf %parallel_loop3A_829, %parallel_loop3A_830 : vector<16xf32>
        %parallel_loop3A_832 = arith.index_cast %parallel_loop3A_819 : i32 to index
        %parallel_loop3A_833 = arith.constant 16 : index
        %parallel_loop3A_834 = tpu.vector_load %arg10[%parallel_loop3A_832, %parallel_loop3A_833] {strides = array<i32>} : memref<80x64xi32, #tpu.memory_space<vmem>>, vector<16xi32>,
        %parallel_loop3A_835 = vector.bitcast %parallel_loop3A_834 : vector<16xi32> to vector<32xbf16>
        %parallel_loop3A_836 = arith.index_cast %parallel_loop3A_819 : i32 to index
        %parallel_loop3A_837 = arith.constant 16 : index
        %parallel_loop3A_838 = tpu.vector_load %arg11[%parallel_loop3A_836, %parallel_loop3A_837] {strides = array<i32>} : memref<80x64xi32, #tpu.memory_space<vmem>>, vector<16xi32>,
        %parallel_loop3A_839 = vector.bitcast %parallel_loop3A_838 : vector<16xi32> to vector<32xbf16>
        %parallel_loop3A_840 = arith.mulf %parallel_loop3A_835, %parallel_loop3A_839 : vector<32xbf16>
        %parallel_loop3A_841 = tpu.unpack_subelements %parallel_loop3A_840, 0 {pack_format = #tpu.pack_format<interleaved>} : vector<32xbf16> -> vector<16xf32>
        %parallel_loop3A_842 = tpu.unpack_subelements %parallel_loop3A_840, 1 {pack_format = #tpu.pack_format<interleaved>} : vector<32xbf16> -> vector<16xf32>
        %parallel_loop3A_843 = arith.addf %parallel_loop3A_841, %parallel_loop3A_842 : vector<16xf32>
        %parallel_loop3A_844 = arith.index_cast %parallel_loop3A_819 : i32 to index
        %parallel_loop3A_845 = arith.constant 32 : index
        %parallel_loop3A_846 = tpu.vector_load %arg10[%parallel_loop3A_844, %parallel_loop3A_845] {strides = array<i32>} : memref<80x64xi32, #tpu.memory_space<vmem>>, vector<16xi32>,
        %parallel_loop3A_847 = vector.bitcast %parallel_loop3A_846 : vector<16xi32> to vector<32xbf16>
        %parallel_loop3A_848 = arith.index_cast %parallel_loop3A_819 : i32 to index
        %parallel_loop3A_849 = arith.constant 32 : index
        %parallel_loop3A_850 = tpu.vector_load %arg11[%parallel_loop3A_848, %parallel_loop3A_849] {strides = array<i32>} : memref<80x64xi32, #tpu.memory_space<vmem>>, vector<16xi32>,
        %parallel_loop3A_851 = vector.bitcast %parallel_loop3A_850 : vector<16xi32> to vector<32xbf16>
        %parallel_loop3A_852 = arith.mulf %parallel_loop3A_847, %parallel_loop3A_851 : vector<32xbf16>
        %parallel_loop3A_853 = tpu.unpack_subelements %parallel_loop3A_852, 0 {pack_format = #tpu.pack_format<interleaved>} : vector<32xbf16> -> vector<16xf32>
        %parallel_loop3A_854 = tpu.unpack_subelements %parallel_loop3A_852, 1 {pack_format = #tpu.pack_format<interleaved>} : vector<32xbf16> -> vector<16xf32>
        %parallel_loop3A_855 = arith.addf %parallel_loop3A_853, %parallel_loop3A_854 : vector<16xf32>
        %parallel_loop3A_856 = arith.index_cast %parallel_loop3A_819 : i32 to index
        %parallel_loop3A_857 = arith.constant 48 : index
        %parallel_loop3A_858 = tpu.vector_load %arg10[%parallel_loop3A_856, %parallel_loop3A_857] {strides = array<i32>} : memref<80x64xi32, #tpu.memory_space<vmem>>, vector<16xi32>,
        %parallel_loop3A_859 = vector.bitcast %parallel_loop3A_858 : vector<16xi32> to vector<32xbf16>
        %parallel_loop3A_860 = arith.index_cast %parallel_loop3A_819 : i32 to index
        %parallel_loop3A_861 = arith.constant 48 : index
        %parallel_loop3A_862 = tpu.vector_load %arg11[%parallel_loop3A_860, %parallel_loop3A_861] {strides = array<i32>} : memref<80x64xi32, #tpu.memory_space<vmem>>, vector<16xi32>,
        %parallel_loop3A_863 = vector.bitcast %parallel_loop3A_862 : vector<16xi32> to vector<32xbf16>
        %parallel_loop3A_864 = arith.mulf %parallel_loop3A_859, %parallel_loop3A_863 : vector<32xbf16>
        %parallel_loop3A_865 = tpu.unpack_subelements %parallel_loop3A_864, 0 {pack_format = #tpu.pack_format<interleaved>} : vector<32xbf16> -> vector<16xf32>
        %parallel_loop3A_866 = tpu.unpack_subelements %parallel_loop3A_864, 1 {pack_format = #tpu.pack_format<interleaved>} : vector<32xbf16> -> vector<16xf32>
        %parallel_loop3A_867 = arith.addf %parallel_loop3A_865, %parallel_loop3A_866 : vector<16xf32>
        %parallel_loop3A_868 = arith.addf %parallel_loop3A_831, %parallel_loop3A_843 : vector<16xf32>
        %parallel_loop3A_869 = arith.addf %parallel_loop3A_855, %parallel_loop3A_867 : vector<16xf32>
        %parallel_loop3A_870 = arith.addf %parallel_loop3A_868, %parallel_loop3A_869 : vector<16xf32>
        %parallel_loop3A_871 = arith.constant 16 : i32
        %parallel_loop3A_872 = arith.muli %parallel_loop3A_100, %parallel_loop3A_871 : i32
        %parallel_loop3A_873 = arith.constant 14 : i32
        %parallel_loop3A_874 = arith.addi %parallel_loop3A_872, %parallel_loop3A_873 : i32
        %parallel_loop3A_875 = arith.index_cast %parallel_loop3A_874 : i32 to index
        %parallel_loop3A_876 = arith.constant 0 : index
        %parallel_loop3A_877 = tpu.vector_load %arg10[%parallel_loop3A_875, %parallel_loop3A_876] {strides = array<i32>} : memref<80x64xi32, #tpu.memory_space<vmem>>, vector<16xi32>,
        %parallel_loop3A_878 = vector.bitcast %parallel_loop3A_877 : vector<16xi32> to vector<32xbf16>
        %parallel_loop3A_879 = arith.index_cast %parallel_loop3A_874 : i32 to index
        %parallel_loop3A_880 = arith.constant 0 : index
        %parallel_loop3A_881 = tpu.vector_load %arg11[%parallel_loop3A_879, %parallel_loop3A_880] {strides = array<i32>} : memref<80x64xi32, #tpu.memory_space<vmem>>, vector<16xi32>,
        %parallel_loop3A_882 = vector.bitcast %parallel_loop3A_881 : vector<16xi32> to vector<32xbf16>
        %parallel_loop3A_883 = arith.mulf %parallel_loop3A_878, %parallel_loop3A_882 : vector<32xbf16>
        %parallel_loop3A_884 = tpu.unpack_subelements %parallel_loop3A_883, 0 {pack_format = #tpu.pack_format<interleaved>} : vector<32xbf16> -> vector<16xf32>
        %parallel_loop3A_885 = tpu.unpack_subelements %parallel_loop3A_883, 1 {pack_format = #tpu.pack_format<interleaved>} : vector<32xbf16> -> vector<16xf32>
        %parallel_loop3A_886 = arith.addf %parallel_loop3A_884, %parallel_loop3A_885 : vector<16xf32>
        %parallel_loop3A_887 = arith.index_cast %parallel_loop3A_874 : i32 to index
        %parallel_loop3A_888 = arith.constant 16 : index
        %parallel_loop3A_889 = tpu.vector_load %arg10[%parallel_loop3A_887, %parallel_loop3A_888] {strides = array<i32>} : memref<80x64xi32, #tpu.memory_space<vmem>>, vector<16xi32>,
        %parallel_loop3A_890 = vector.bitcast %parallel_loop3A_889 : vector<16xi32> to vector<32xbf16>
        %parallel_loop3A_891 = arith.index_cast %parallel_loop3A_874 : i32 to index
        %parallel_loop3A_892 = arith.constant 16 : index
        %parallel_loop3A_893 = tpu.vector_load %arg11[%parallel_loop3A_891, %parallel_loop3A_892] {strides = array<i32>} : memref<80x64xi32, #tpu.memory_space<vmem>>, vector<16xi32>,
        %parallel_loop3A_894 = vector.bitcast %parallel_loop3A_893 : vector<16xi32> to vector<32xbf16>
        %parallel_loop3A_895 = arith.mulf %parallel_loop3A_890, %parallel_loop3A_894 : vector<32xbf16>
        %parallel_loop3A_896 = tpu.unpack_subelements %parallel_loop3A_895, 0 {pack_format = #tpu.pack_format<interleaved>} : vector<32xbf16> -> vector<16xf32>
        %parallel_loop3A_897 = tpu.unpack_subelements %parallel_loop3A_895, 1 {pack_format = #tpu.pack_format<interleaved>} : vector<32xbf16> -> vector<16xf32>
        %parallel_loop3A_898 = arith.addf %parallel_loop3A_896, %parallel_loop3A_897 : vector<16xf32>
        %parallel_loop3A_899 = arith.index_cast %parallel_loop3A_874 : i32 to index
        %parallel_loop3A_900 = arith.constant 32 : index
        %parallel_loop3A_901 = tpu.vector_load %arg10[%parallel_loop3A_899, %parallel_loop3A_900] {strides = array<i32>} : memref<80x64xi32, #tpu.memory_space<vmem>>, vector<16xi32>,
        %parallel_loop3A_902 = vector.bitcast %parallel_loop3A_901 : vector<16xi32> to vector<32xbf16>
        %parallel_loop3A_903 = arith.index_cast %parallel_loop3A_874 : i32 to index
        %parallel_loop3A_904 = arith.constant 32 : index
        %parallel_loop3A_905 = tpu.vector_load %arg11[%parallel_loop3A_903, %parallel_loop3A_904] {strides = array<i32>} : memref<80x64xi32, #tpu.memory_space<vmem>>, vector<16xi32>,
        %parallel_loop3A_906 = vector.bitcast %parallel_loop3A_905 : vector<16xi32> to vector<32xbf16>
        %parallel_loop3A_907 = arith.mulf %parallel_loop3A_902, %parallel_loop3A_906 : vector<32xbf16>
        %parallel_loop3A_908 = tpu.unpack_subelements %parallel_loop3A_907, 0 {pack_format = #tpu.pack_format<interleaved>} : vector<32xbf16> -> vector<16xf32>
        %parallel_loop3A_909 = tpu.unpack_subelements %parallel_loop3A_907, 1 {pack_format = #tpu.pack_format<interleaved>} : vector<32xbf16> -> vector<16xf32>
        %parallel_loop3A_910 = arith.addf %parallel_loop3A_908, %parallel_loop3A_909 : vector<16xf32>
        %parallel_loop3A_911 = arith.index_cast %parallel_loop3A_874 : i32 to index
        %parallel_loop3A_912 = arith.constant 48 : index
        %parallel_loop3A_913 = tpu.vector_load %arg10[%parallel_loop3A_911, %parallel_loop3A_912] {strides = array<i32>} : memref<80x64xi32, #tpu.memory_space<vmem>>, vector<16xi32>,
        %parallel_loop3A_914 = vector.bitcast %parallel_loop3A_913 : vector<16xi32> to vector<32xbf16>
        %parallel_loop3A_915 = arith.index_cast %parallel_loop3A_874 : i32 to index
        %parallel_loop3A_916 = arith.constant 48 : index
        %parallel_loop3A_917 = tpu.vector_load %arg11[%parallel_loop3A_915, %parallel_loop3A_916] {strides = array<i32>} : memref<80x64xi32, #tpu.memory_space<vmem>>, vector<16xi32>,
        %parallel_loop3A_918 = vector.bitcast %parallel_loop3A_917 : vector<16xi32> to vector<32xbf16>
        %parallel_loop3A_919 = arith.mulf %parallel_loop3A_914, %parallel_loop3A_918 : vector<32xbf16>
        %parallel_loop3A_920 = tpu.unpack_subelements %parallel_loop3A_919, 0 {pack_format = #tpu.pack_format<interleaved>} : vector<32xbf16> -> vector<16xf32>
        %parallel_loop3A_921 = tpu.unpack_subelements %parallel_loop3A_919, 1 {pack_format = #tpu.pack_format<interleaved>} : vector<32xbf16> -> vector<16xf32>
        %parallel_loop3A_922 = arith.addf %parallel_loop3A_920, %parallel_loop3A_921 : vector<16xf32>
        %parallel_loop3A_923 = arith.addf %parallel_loop3A_886, %parallel_loop3A_898 : vector<16xf32>
        %parallel_loop3A_924 = arith.addf %parallel_loop3A_910, %parallel_loop3A_922 : vector<16xf32>
        %parallel_loop3A_925 = arith.addf %parallel_loop3A_923, %parallel_loop3A_924 : vector<16xf32>
        %parallel_loop3A_926 = arith.constant 16 : i32
        %parallel_loop3A_927 = arith.muli %parallel_loop3A_100, %parallel_loop3A_926 : i32
        %parallel_loop3A_928 = arith.constant 15 : i32
        %parallel_loop3A_929 = arith.addi %parallel_loop3A_927, %parallel_loop3A_928 : i32
        %parallel_loop3A_930 = arith.index_cast %parallel_loop3A_929 : i32 to index
        %parallel_loop3A_931 = arith.constant 0 : index
        %parallel_loop3A_932 = tpu.vector_load %arg10[%parallel_loop3A_930, %parallel_loop3A_931] {strides = array<i32>} : memref<80x64xi32, #tpu.memory_space<vmem>>, vector<16xi32>,
        %parallel_loop3A_933 = vector.bitcast %parallel_loop3A_932 : vector<16xi32> to vector<32xbf16>
        %parallel_loop3A_934 = arith.index_cast %parallel_loop3A_929 : i32 to index
        %parallel_loop3A_935 = arith.constant 0 : index
        %parallel_loop3A_936 = tpu.vector_load %arg11[%parallel_loop3A_934, %parallel_loop3A_935] {strides = array<i32>} : memref<80x64xi32, #tpu.memory_space<vmem>>, vector<16xi32>,
        %parallel_loop3A_937 = vector.bitcast %parallel_loop3A_936 : vector<16xi32> to vector<32xbf16>
        %parallel_loop3A_938 = arith.mulf %parallel_loop3A_933, %parallel_loop3A_937 : vector<32xbf16>
        %parallel_loop3A_939 = tpu.unpack_subelements %parallel_loop3A_938, 0 {pack_format = #tpu.pack_format<interleaved>} : vector<32xbf16> -> vector<16xf32>
        %parallel_loop3A_940 = tpu.unpack_subelements %parallel_loop3A_938, 1 {pack_format = #tpu.pack_format<interleaved>} : vector<32xbf16> -> vector<16xf32>
        %parallel_loop3A_941 = arith.addf %parallel_loop3A_939, %parallel_loop3A_940 : vector<16xf32>
        %parallel_loop3A_942 = arith.index_cast %parallel_loop3A_929 : i32 to index
        %parallel_loop3A_943 = arith.constant 16 : index
        %parallel_loop3A_944 = tpu.vector_load %arg10[%parallel_loop3A_942, %parallel_loop3A_943] {strides = array<i32>} : memref<80x64xi32, #tpu.memory_space<vmem>>, vector<16xi32>,
        %parallel_loop3A_945 = vector.bitcast %parallel_loop3A_944 : vector<16xi32> to vector<32xbf16>
        %parallel_loop3A_946 = arith.index_cast %parallel_loop3A_929 : i32 to index
        %parallel_loop3A_947 = arith.constant 16 : index
        %parallel_loop3A_948 = tpu.vector_load %arg11[%parallel_loop3A_946, %parallel_loop3A_947] {strides = array<i32>} : memref<80x64xi32, #tpu.memory_space<vmem>>, vector<16xi32>,
        %parallel_loop3A_949 = vector.bitcast %parallel_loop3A_948 : vector<16xi32> to vector<32xbf16>
        %parallel_loop3A_950 = arith.mulf %parallel_loop3A_945, %parallel_loop3A_949 : vector<32xbf16>
        %parallel_loop3A_951 = tpu.unpack_subelements %parallel_loop3A_950, 0 {pack_format = #tpu.pack_format<interleaved>} : vector<32xbf16> -> vector<16xf32>
        %parallel_loop3A_952 = tpu.unpack_subelements %parallel_loop3A_950, 1 {pack_format = #tpu.pack_format<interleaved>} : vector<32xbf16> -> vector<16xf32>
        %parallel_loop3A_953 = arith.addf %parallel_loop3A_951, %parallel_loop3A_952 : vector<16xf32>
        %parallel_loop3A_954 = arith.index_cast %parallel_loop3A_929 : i32 to index
        %parallel_loop3A_955 = arith.constant 32 : index
        %parallel_loop3A_956 = tpu.vector_load %arg10[%parallel_loop3A_954, %parallel_loop3A_955] {strides = array<i32>} : memref<80x64xi32, #tpu.memory_space<vmem>>, vector<16xi32>,
        %parallel_loop3A_957 = vector.bitcast %parallel_loop3A_956 : vector<16xi32> to vector<32xbf16>
        %parallel_loop3A_958 = arith.index_cast %parallel_loop3A_929 : i32 to index
        %parallel_loop3A_959 = arith.constant 32 : index
        %parallel_loop3A_960 = tpu.vector_load %arg11[%parallel_loop3A_958, %parallel_loop3A_959] {strides = array<i32>} : memref<80x64xi32, #tpu.memory_space<vmem>>, vector<16xi32>,
        %parallel_loop3A_961 = vector.bitcast %parallel_loop3A_960 : vector<16xi32> to vector<32xbf16>
        %parallel_loop3A_962 = arith.mulf %parallel_loop3A_957, %parallel_loop3A_961 : vector<32xbf16>
        %parallel_loop3A_963 = tpu.unpack_subelements %parallel_loop3A_962, 0 {pack_format = #tpu.pack_format<interleaved>} : vector<32xbf16> -> vector<16xf32>
        %parallel_loop3A_964 = tpu.unpack_subelements %parallel_loop3A_962, 1 {pack_format = #tpu.pack_format<interleaved>} : vector<32xbf16> -> vector<16xf32>
        %parallel_loop3A_965 = arith.addf %parallel_loop3A_963, %parallel_loop3A_964 : vector<16xf32>
        %parallel_loop3A_966 = arith.index_cast %parallel_loop3A_929 : i32 to index
        %parallel_loop3A_967 = arith.constant 48 : index
        %parallel_loop3A_968 = tpu.vector_load %arg10[%parallel_loop3A_966, %parallel_loop3A_967] {strides = array<i32>} : memref<80x64xi32, #tpu.memory_space<vmem>>, vector<16xi32>,
        %parallel_loop3A_969 = vector.bitcast %parallel_loop3A_968 : vector<16xi32> to vector<32xbf16>
        %parallel_loop3A_970 = arith.index_cast %parallel_loop3A_929 : i32 to index
        %parallel_loop3A_971 = arith.constant 48 : index
        %parallel_loop3A_972 = tpu.vector_load %arg11[%parallel_loop3A_970, %parallel_loop3A_971] {strides = array<i32>} : memref<80x64xi32, #tpu.memory_space<vmem>>, vector<16xi32>,
        %parallel_loop3A_973 = vector.bitcast %parallel_loop3A_972 : vector<16xi32> to vector<32xbf16>
        %parallel_loop3A_974 = arith.mulf %parallel_loop3A_969, %parallel_loop3A_973 : vector<32xbf16>
        %parallel_loop3A_975 = tpu.unpack_subelements %parallel_loop3A_974, 0 {pack_format = #tpu.pack_format<interleaved>} : vector<32xbf16> -> vector<16xf32>
        %parallel_loop3A_976 = tpu.unpack_subelements %parallel_loop3A_974, 1 {pack_format = #tpu.pack_format<interleaved>} : vector<32xbf16> -> vector<16xf32>
        %parallel_loop3A_977 = arith.addf %parallel_loop3A_975, %parallel_loop3A_976 : vector<16xf32>
        %parallel_loop3A_978 = arith.addf %parallel_loop3A_941, %parallel_loop3A_953 : vector<16xf32>
        %parallel_loop3A_979 = arith.addf %parallel_loop3A_965, %parallel_loop3A_977 : vector<16xf32>
        %parallel_loop3A_980 = arith.addf %parallel_loop3A_978, %parallel_loop3A_979 : vector<16xf32>
        %parallel_loop3A_981 = arith.constant 1 : i32
        %parallel_loop3A_982 = vector.broadcast %parallel_loop3A_981 : i32 to vector<16xi32>
        %parallel_loop3A_983 = arith.andi %iota3A, %parallel_loop3A_982 : vector<16xi32>
        %parallel_loop3A_984 = arith.constant 0 : i32
        %parallel_loop3A_985 = vector.broadcast %parallel_loop3A_984 : i32 to vector<16xi32>
        %parallel_loop3A_986 = arith.cmpi eq, %parallel_loop3A_983, %parallel_loop3A_985 : vector<16xi32>
        %parallel_loop3A_987 = arith.constant 1 : i32
        %parallel_loop3A_988 = vector.broadcast %parallel_loop3A_987 : i32 to vector<16xi32>
        %parallel_loop3A_989 = arith.xori %iota3A, %parallel_loop3A_988 : vector<16xi32>
        %parallel_loop3A_990 = arith.constant 0 : i32
        %parallel_loop3A_991 = vector.broadcast %parallel_loop3A_990 : i32 to vector<16xi32>
        %parallel_loop3A_992 = arith.cmpi slt, %parallel_loop3A_989, %parallel_loop3A_991 : vector<16xi32>
        %parallel_loop3A_993 = arith.constant 16 : i32
        %parallel_loop3A_994 = vector.broadcast %parallel_loop3A_993 : i32 to vector<16xi32>
        %parallel_loop3A_995 = arith.addi %parallel_loop3A_989, %parallel_loop3A_994 : vector<16xi32>
        %parallel_loop3A_996 = arith.select %parallel_loop3A_992, %parallel_loop3A_995, %parallel_loop3A_989 : vector<16xi1>, vector<16xi32>
        %parallel_loop3A_997 = vector.shape_cast %parallel_loop3A_996 : vector<16xi32> to vector<16x1xi32>
        %parallel_loop3A_998 = vector.shape_cast %parallel_loop3A_997 : vector<16x1xi32> to vector<16xi32>
        %parallel_loop3A_999 = tpu.dynamic_gather %parallel_loop3A_155[%parallel_loop3A_998] in [0] : vector<16xf32>, vector<16xi32> -> vector<16xf32>
        %parallel_loop3A_1000 = arith.addf %parallel_loop3A_155, %parallel_loop3A_999 : vector<16xf32>
        %parallel_loop3A_1001 = arith.constant 0 : i32
        %parallel_loop3A_1002 = vector.broadcast %parallel_loop3A_1001 : i32 to vector<16xi32>
        %parallel_loop3A_1003 = arith.cmpi slt, %parallel_loop3A_989, %parallel_loop3A_1002 : vector<16xi32>
        %parallel_loop3A_1004 = arith.constant 16 : i32
        %parallel_loop3A_1005 = vector.broadcast %parallel_loop3A_1004 : i32 to vector<16xi32>
        %parallel_loop3A_1006 = arith.addi %parallel_loop3A_989, %parallel_loop3A_1005 : vector<16xi32>
        %parallel_loop3A_1007 = arith.select %parallel_loop3A_1003, %parallel_loop3A_1006, %parallel_loop3A_989 : vector<16xi1>, vector<16xi32>
        %parallel_loop3A_1008 = vector.shape_cast %parallel_loop3A_1007 : vector<16xi32> to vector<16x1xi32>
        %parallel_loop3A_1009 = vector.shape_cast %parallel_loop3A_1008 : vector<16x1xi32> to vector<16xi32>
        %parallel_loop3A_1010 = tpu.dynamic_gather %parallel_loop3A_210[%parallel_loop3A_1009] in [0] : vector<16xf32>, vector<16xi32> -> vector<16xf32>
        %parallel_loop3A_1011 = arith.addf %parallel_loop3A_210, %parallel_loop3A_1010 : vector<16xf32>
        %parallel_loop3A_1012 = arith.select %parallel_loop3A_986, %parallel_loop3A_1000, %parallel_loop3A_1011 : vector<16xi1>, vector<16xf32>
        %parallel_loop3A_1013 = arith.constant 0 : i32
        %parallel_loop3A_1014 = vector.broadcast %parallel_loop3A_1013 : i32 to vector<16xi32>
        %parallel_loop3A_1015 = arith.cmpi slt, %parallel_loop3A_989, %parallel_loop3A_1014 : vector<16xi32>
        %parallel_loop3A_1016 = arith.constant 16 : i32
        %parallel_loop3A_1017 = vector.broadcast %parallel_loop3A_1016 : i32 to vector<16xi32>
        %parallel_loop3A_1018 = arith.addi %parallel_loop3A_989, %parallel_loop3A_1017 : vector<16xi32>
        %parallel_loop3A_1019 = arith.select %parallel_loop3A_1015, %parallel_loop3A_1018, %parallel_loop3A_989 : vector<16xi1>, vector<16xi32>
        %parallel_loop3A_1020 = vector.shape_cast %parallel_loop3A_1019 : vector<16xi32> to vector<16x1xi32>
        %parallel_loop3A_1021 = vector.shape_cast %parallel_loop3A_1020 : vector<16x1xi32> to vector<16xi32>
        %parallel_loop3A_1022 = tpu.dynamic_gather %parallel_loop3A_265[%parallel_loop3A_1021] in [0] : vector<16xf32>, vector<16xi32> -> vector<16xf32>
        %parallel_loop3A_1023 = arith.addf %parallel_loop3A_265, %parallel_loop3A_1022 : vector<16xf32>
        %parallel_loop3A_1024 = arith.constant 0 : i32
        %parallel_loop3A_1025 = vector.broadcast %parallel_loop3A_1024 : i32 to vector<16xi32>
        %parallel_loop3A_1026 = arith.cmpi slt, %parallel_loop3A_989, %parallel_loop3A_1025 : vector<16xi32>
        %parallel_loop3A_1027 = arith.constant 16 : i32
        %parallel_loop3A_1028 = vector.broadcast %parallel_loop3A_1027 : i32 to vector<16xi32>
        %parallel_loop3A_1029 = arith.addi %parallel_loop3A_989, %parallel_loop3A_1028 : vector<16xi32>
        %parallel_loop3A_1030 = arith.select %parallel_loop3A_1026, %parallel_loop3A_1029, %parallel_loop3A_989 : vector<16xi1>, vector<16xi32>
        %parallel_loop3A_1031 = vector.shape_cast %parallel_loop3A_1030 : vector<16xi32> to vector<16x1xi32>
        %parallel_loop3A_1032 = vector.shape_cast %parallel_loop3A_1031 : vector<16x1xi32> to vector<16xi32>
        %parallel_loop3A_1033 = tpu.dynamic_gather %parallel_loop3A_320[%parallel_loop3A_1032] in [0] : vector<16xf32>, vector<16xi32> -> vector<16xf32>
        %parallel_loop3A_1034 = arith.addf %parallel_loop3A_320, %parallel_loop3A_1033 : vector<16xf32>
        %parallel_loop3A_1035 = arith.select %parallel_loop3A_986, %parallel_loop3A_1023, %parallel_loop3A_1034 : vector<16xi1>, vector<16xf32>
        %parallel_loop3A_1036 = arith.constant 0 : i32
        %parallel_loop3A_1037 = vector.broadcast %parallel_loop3A_1036 : i32 to vector<16xi32>
        %parallel_loop3A_1038 = arith.cmpi slt, %parallel_loop3A_989, %parallel_loop3A_1037 : vector<16xi32>
        %parallel_loop3A_1039 = arith.constant 16 : i32
        %parallel_loop3A_1040 = vector.broadcast %parallel_loop3A_1039 : i32 to vector<16xi32>
        %parallel_loop3A_1041 = arith.addi %parallel_loop3A_989, %parallel_loop3A_1040 : vector<16xi32>
        %parallel_loop3A_1042 = arith.select %parallel_loop3A_1038, %parallel_loop3A_1041, %parallel_loop3A_989 : vector<16xi1>, vector<16xi32>
        %parallel_loop3A_1043 = vector.shape_cast %parallel_loop3A_1042 : vector<16xi32> to vector<16x1xi32>
        %parallel_loop3A_1044 = vector.shape_cast %parallel_loop3A_1043 : vector<16x1xi32> to vector<16xi32>
        %parallel_loop3A_1045 = tpu.dynamic_gather %parallel_loop3A_375[%parallel_loop3A_1044] in [0] : vector<16xf32>, vector<16xi32> -> vector<16xf32>
        %parallel_loop3A_1046 = arith.addf %parallel_loop3A_375, %parallel_loop3A_1045 : vector<16xf32>
        %parallel_loop3A_1047 = arith.constant 0 : i32
        %parallel_loop3A_1048 = vector.broadcast %parallel_loop3A_1047 : i32 to vector<16xi32>
        %parallel_loop3A_1049 = arith.cmpi slt, %parallel_loop3A_989, %parallel_loop3A_1048 : vector<16xi32>
        %parallel_loop3A_1050 = arith.constant 16 : i32
        %parallel_loop3A_1051 = vector.broadcast %parallel_loop3A_1050 : i32 to vector<16xi32>
        %parallel_loop3A_1052 = arith.addi %parallel_loop3A_989, %parallel_loop3A_1051 : vector<16xi32>
        %parallel_loop3A_1053 = arith.select %parallel_loop3A_1049, %parallel_loop3A_1052, %parallel_loop3A_989 : vector<16xi1>, vector<16xi32>
        %parallel_loop3A_1054 = vector.shape_cast %parallel_loop3A_1053 : vector<16xi32> to vector<16x1xi32>
        %parallel_loop3A_1055 = vector.shape_cast %parallel_loop3A_1054 : vector<16x1xi32> to vector<16xi32>
        %parallel_loop3A_1056 = tpu.dynamic_gather %parallel_loop3A_430[%parallel_loop3A_1055] in [0] : vector<16xf32>, vector<16xi32> -> vector<16xf32>
        %parallel_loop3A_1057 = arith.addf %parallel_loop3A_430, %parallel_loop3A_1056 : vector<16xf32>
        %parallel_loop3A_1058 = arith.select %parallel_loop3A_986, %parallel_loop3A_1046, %parallel_loop3A_1057 : vector<16xi1>, vector<16xf32>
        %parallel_loop3A_1059 = arith.constant 0 : i32
        %parallel_loop3A_1060 = vector.broadcast %parallel_loop3A_1059 : i32 to vector<16xi32>
        %parallel_loop3A_1061 = arith.cmpi slt, %parallel_loop3A_989, %parallel_loop3A_1060 : vector<16xi32>
        %parallel_loop3A_1062 = arith.constant 16 : i32
        %parallel_loop3A_1063 = vector.broadcast %parallel_loop3A_1062 : i32 to vector<16xi32>
        %parallel_loop3A_1064 = arith.addi %parallel_loop3A_989, %parallel_loop3A_1063 : vector<16xi32>
        %parallel_loop3A_1065 = arith.select %parallel_loop3A_1061, %parallel_loop3A_1064, %parallel_loop3A_989 : vector<16xi1>, vector<16xi32>
        %parallel_loop3A_1066 = vector.shape_cast %parallel_loop3A_1065 : vector<16xi32> to vector<16x1xi32>
        %parallel_loop3A_1067 = vector.shape_cast %parallel_loop3A_1066 : vector<16x1xi32> to vector<16xi32>
        %parallel_loop3A_1068 = tpu.dynamic_gather %parallel_loop3A_485[%parallel_loop3A_1067] in [0] : vector<16xf32>, vector<16xi32> -> vector<16xf32>
        %parallel_loop3A_1069 = arith.addf %parallel_loop3A_485, %parallel_loop3A_1068 : vector<16xf32>
        %parallel_loop3A_1070 = arith.constant 0 : i32
        %parallel_loop3A_1071 = vector.broadcast %parallel_loop3A_1070 : i32 to vector<16xi32>
        %parallel_loop3A_1072 = arith.cmpi slt, %parallel_loop3A_989, %parallel_loop3A_1071 : vector<16xi32>
        %parallel_loop3A_1073 = arith.constant 16 : i32
        %parallel_loop3A_1074 = vector.broadcast %parallel_loop3A_1073 : i32 to vector<16xi32>
        %parallel_loop3A_1075 = arith.addi %parallel_loop3A_989, %parallel_loop3A_1074 : vector<16xi32>
        %parallel_loop3A_1076 = arith.select %parallel_loop3A_1072, %parallel_loop3A_1075, %parallel_loop3A_989 : vector<16xi1>, vector<16xi32>
        %parallel_loop3A_1077 = vector.shape_cast %parallel_loop3A_1076 : vector<16xi32> to vector<16x1xi32>
        %parallel_loop3A_1078 = vector.shape_cast %parallel_loop3A_1077 : vector<16x1xi32> to vector<16xi32>
        %parallel_loop3A_1079 = tpu.dynamic_gather %parallel_loop3A_540[%parallel_loop3A_1078] in [0] : vector<16xf32>, vector<16xi32> -> vector<16xf32>
        %parallel_loop3A_1080 = arith.addf %parallel_loop3A_540, %parallel_loop3A_1079 : vector<16xf32>
        %parallel_loop3A_1081 = arith.select %parallel_loop3A_986, %parallel_loop3A_1069, %parallel_loop3A_1080 : vector<16xi1>, vector<16xf32>
        %parallel_loop3A_1082 = arith.constant 0 : i32
        %parallel_loop3A_1083 = vector.broadcast %parallel_loop3A_1082 : i32 to vector<16xi32>
        %parallel_loop3A_1084 = arith.cmpi slt, %parallel_loop3A_989, %parallel_loop3A_1083 : vector<16xi32>
        %parallel_loop3A_1085 = arith.constant 16 : i32
        %parallel_loop3A_1086 = vector.broadcast %parallel_loop3A_1085 : i32 to vector<16xi32>
        %parallel_loop3A_1087 = arith.addi %parallel_loop3A_989, %parallel_loop3A_1086 : vector<16xi32>
        %parallel_loop3A_1088 = arith.select %parallel_loop3A_1084, %parallel_loop3A_1087, %parallel_loop3A_989 : vector<16xi1>, vector<16xi32>
        %parallel_loop3A_1089 = vector.shape_cast %parallel_loop3A_1088 : vector<16xi32> to vector<16x1xi32>
        %parallel_loop3A_1090 = vector.shape_cast %parallel_loop3A_1089 : vector<16x1xi32> to vector<16xi32>
        %parallel_loop3A_1091 = tpu.dynamic_gather %parallel_loop3A_595[%parallel_loop3A_1090] in [0] : vector<16xf32>, vector<16xi32> -> vector<16xf32>
        %parallel_loop3A_1092 = arith.addf %parallel_loop3A_595, %parallel_loop3A_1091 : vector<16xf32>
        %parallel_loop3A_1093 = arith.constant 0 : i32
        %parallel_loop3A_1094 = vector.broadcast %parallel_loop3A_1093 : i32 to vector<16xi32>
        %parallel_loop3A_1095 = arith.cmpi slt, %parallel_loop3A_989, %parallel_loop3A_1094 : vector<16xi32>
        %parallel_loop3A_1096 = arith.constant 16 : i32
        %parallel_loop3A_1097 = vector.broadcast %parallel_loop3A_1096 : i32 to vector<16xi32>
        %parallel_loop3A_1098 = arith.addi %parallel_loop3A_989, %parallel_loop3A_1097 : vector<16xi32>
        %parallel_loop3A_1099 = arith.select %parallel_loop3A_1095, %parallel_loop3A_1098, %parallel_loop3A_989 : vector<16xi1>, vector<16xi32>
        %parallel_loop3A_1100 = vector.shape_cast %parallel_loop3A_1099 : vector<16xi32> to vector<16x1xi32>
        %parallel_loop3A_1101 = vector.shape_cast %parallel_loop3A_1100 : vector<16x1xi32> to vector<16xi32>
        %parallel_loop3A_1102 = tpu.dynamic_gather %parallel_loop3A_650[%parallel_loop3A_1101] in [0] : vector<16xf32>, vector<16xi32> -> vector<16xf32>
        %parallel_loop3A_1103 = arith.addf %parallel_loop3A_650, %parallel_loop3A_1102 : vector<16xf32>
        %parallel_loop3A_1104 = arith.select %parallel_loop3A_986, %parallel_loop3A_1092, %parallel_loop3A_1103 : vector<16xi1>, vector<16xf32>
        %parallel_loop3A_1105 = arith.constant 0 : i32
        %parallel_loop3A_1106 = vector.broadcast %parallel_loop3A_1105 : i32 to vector<16xi32>
        %parallel_loop3A_1107 = arith.cmpi slt, %parallel_loop3A_989, %parallel_loop3A_1106 : vector<16xi32>
        %parallel_loop3A_1108 = arith.constant 16 : i32
        %parallel_loop3A_1109 = vector.broadcast %parallel_loop3A_1108 : i32 to vector<16xi32>
        %parallel_loop3A_1110 = arith.addi %parallel_loop3A_989, %parallel_loop3A_1109 : vector<16xi32>
        %parallel_loop3A_1111 = arith.select %parallel_loop3A_1107, %parallel_loop3A_1110, %parallel_loop3A_989 : vector<16xi1>, vector<16xi32>
        %parallel_loop3A_1112 = vector.shape_cast %parallel_loop3A_1111 : vector<16xi32> to vector<16x1xi32>
        %parallel_loop3A_1113 = vector.shape_cast %parallel_loop3A_1112 : vector<16x1xi32> to vector<16xi32>
        %parallel_loop3A_1114 = tpu.dynamic_gather %parallel_loop3A_705[%parallel_loop3A_1113] in [0] : vector<16xf32>, vector<16xi32> -> vector<16xf32>
        %parallel_loop3A_1115 = arith.addf %parallel_loop3A_705, %parallel_loop3A_1114 : vector<16xf32>
        %parallel_loop3A_1116 = arith.constant 0 : i32
        %parallel_loop3A_1117 = vector.broadcast %parallel_loop3A_1116 : i32 to vector<16xi32>
        %parallel_loop3A_1118 = arith.cmpi slt, %parallel_loop3A_989, %parallel_loop3A_1117 : vector<16xi32>
        %parallel_loop3A_1119 = arith.constant 16 : i32
        %parallel_loop3A_1120 = vector.broadcast %parallel_loop3A_1119 : i32 to vector<16xi32>
        %parallel_loop3A_1121 = arith.addi %parallel_loop3A_989, %parallel_loop3A_1120 : vector<16xi32>
        %parallel_loop3A_1122 = arith.select %parallel_loop3A_1118, %parallel_loop3A_1121, %parallel_loop3A_989 : vector<16xi1>, vector<16xi32>
        %parallel_loop3A_1123 = vector.shape_cast %parallel_loop3A_1122 : vector<16xi32> to vector<16x1xi32>
        %parallel_loop3A_1124 = vector.shape_cast %parallel_loop3A_1123 : vector<16x1xi32> to vector<16xi32>
        %parallel_loop3A_1125 = tpu.dynamic_gather %parallel_loop3A_760[%parallel_loop3A_1124] in [0] : vector<16xf32>, vector<16xi32> -> vector<16xf32>
        %parallel_loop3A_1126 = arith.addf %parallel_loop3A_760, %parallel_loop3A_1125 : vector<16xf32>
        %parallel_loop3A_1127 = arith.select %parallel_loop3A_986, %parallel_loop3A_1115, %parallel_loop3A_1126 : vector<16xi1>, vector<16xf32>
        %parallel_loop3A_1128 = arith.constant 0 : i32
        %parallel_loop3A_1129 = vector.broadcast %parallel_loop3A_1128 : i32 to vector<16xi32>
        %parallel_loop3A_1130 = arith.cmpi slt, %parallel_loop3A_989, %parallel_loop3A_1129 : vector<16xi32>
        %parallel_loop3A_1131 = arith.constant 16 : i32
        %parallel_loop3A_1132 = vector.broadcast %parallel_loop3A_1131 : i32 to vector<16xi32>
        %parallel_loop3A_1133 = arith.addi %parallel_loop3A_989, %parallel_loop3A_1132 : vector<16xi32>
        %parallel_loop3A_1134 = arith.select %parallel_loop3A_1130, %parallel_loop3A_1133, %parallel_loop3A_989 : vector<16xi1>, vector<16xi32>
        %parallel_loop3A_1135 = vector.shape_cast %parallel_loop3A_1134 : vector<16xi32> to vector<16x1xi32>
        %parallel_loop3A_1136 = vector.shape_cast %parallel_loop3A_1135 : vector<16x1xi32> to vector<16xi32>
        %parallel_loop3A_1137 = tpu.dynamic_gather %parallel_loop3A_815[%parallel_loop3A_1136] in [0] : vector<16xf32>, vector<16xi32> -> vector<16xf32>
        %parallel_loop3A_1138 = arith.addf %parallel_loop3A_815, %parallel_loop3A_1137 : vector<16xf32>
        %parallel_loop3A_1139 = arith.constant 0 : i32
        %parallel_loop3A_1140 = vector.broadcast %parallel_loop3A_1139 : i32 to vector<16xi32>
        %parallel_loop3A_1141 = arith.cmpi slt, %parallel_loop3A_989, %parallel_loop3A_1140 : vector<16xi32>
        %parallel_loop3A_1142 = arith.constant 16 : i32
        %parallel_loop3A_1143 = vector.broadcast %parallel_loop3A_1142 : i32 to vector<16xi32>
        %parallel_loop3A_1144 = arith.addi %parallel_loop3A_989, %parallel_loop3A_1143 : vector<16xi32>
        %parallel_loop3A_1145 = arith.select %parallel_loop3A_1141, %parallel_loop3A_1144, %parallel_loop3A_989 : vector<16xi1>, vector<16xi32>
        %parallel_loop3A_1146 = vector.shape_cast %parallel_loop3A_1145 : vector<16xi32> to vector<16x1xi32>
        %parallel_loop3A_1147 = vector.shape_cast %parallel_loop3A_1146 : vector<16x1xi32> to vector<16xi32>
        %parallel_loop3A_1148 = tpu.dynamic_gather %parallel_loop3A_870[%parallel_loop3A_1147] in [0] : vector<16xf32>, vector<16xi32> -> vector<16xf32>
        %parallel_loop3A_1149 = arith.addf %parallel_loop3A_870, %parallel_loop3A_1148 : vector<16xf32>
        %parallel_loop3A_1150 = arith.select %parallel_loop3A_986, %parallel_loop3A_1138, %parallel_loop3A_1149 : vector<16xi1>, vector<16xf32>
        %parallel_loop3A_1151 = arith.constant 0 : i32
        %parallel_loop3A_1152 = vector.broadcast %parallel_loop3A_1151 : i32 to vector<16xi32>
        %parallel_loop3A_1153 = arith.cmpi slt, %parallel_loop3A_989, %parallel_loop3A_1152 : vector<16xi32>
        %parallel_loop3A_1154 = arith.constant 16 : i32
        %parallel_loop3A_1155 = vector.broadcast %parallel_loop3A_1154 : i32 to vector<16xi32>
        %parallel_loop3A_1156 = arith.addi %parallel_loop3A_989, %parallel_loop3A_1155 : vector<16xi32>
        %parallel_loop3A_1157 = arith.select %parallel_loop3A_1153, %parallel_loop3A_1156, %parallel_loop3A_989 : vector<16xi1>, vector<16xi32>
        %parallel_loop3A_1158 = vector.shape_cast %parallel_loop3A_1157 : vector<16xi32> to vector<16x1xi32>
        %parallel_loop3A_1159 = vector.shape_cast %parallel_loop3A_1158 : vector<16x1xi32> to vector<16xi32>
        %parallel_loop3A_1160 = tpu.dynamic_gather %parallel_loop3A_925[%parallel_loop3A_1159] in [0] : vector<16xf32>, vector<16xi32> -> vector<16xf32>
        %parallel_loop3A_1161 = arith.addf %parallel_loop3A_925, %parallel_loop3A_1160 : vector<16xf32>
        %parallel_loop3A_1162 = arith.constant 0 : i32
        %parallel_loop3A_1163 = vector.broadcast %parallel_loop3A_1162 : i32 to vector<16xi32>
        %parallel_loop3A_1164 = arith.cmpi slt, %parallel_loop3A_989, %parallel_loop3A_1163 : vector<16xi32>
        %parallel_loop3A_1165 = arith.constant 16 : i32
        %parallel_loop3A_1166 = vector.broadcast %parallel_loop3A_1165 : i32 to vector<16xi32>
        %parallel_loop3A_1167 = arith.addi %parallel_loop3A_989, %parallel_loop3A_1166 : vector<16xi32>
        %parallel_loop3A_1168 = arith.select %parallel_loop3A_1164, %parallel_loop3A_1167, %parallel_loop3A_989 : vector<16xi1>, vector<16xi32>
        %parallel_loop3A_1169 = vector.shape_cast %parallel_loop3A_1168 : vector<16xi32> to vector<16x1xi32>
        %parallel_loop3A_1170 = vector.shape_cast %parallel_loop3A_1169 : vector<16x1xi32> to vector<16xi32>
        %parallel_loop3A_1171 = tpu.dynamic_gather %parallel_loop3A_980[%parallel_loop3A_1170] in [0] : vector<16xf32>, vector<16xi32> -> vector<16xf32>
        %parallel_loop3A_1172 = arith.addf %parallel_loop3A_980, %parallel_loop3A_1171 : vector<16xf32>
        %parallel_loop3A_1173 = arith.select %parallel_loop3A_986, %parallel_loop3A_1161, %parallel_loop3A_1172 : vector<16xi1>, vector<16xf32>
        %parallel_loop3A_1174 = arith.constant 2 : i32
        %parallel_loop3A_1175 = vector.broadcast %parallel_loop3A_1174 : i32 to vector<16xi32>
        %parallel_loop3A_1176 = arith.andi %iota3A, %parallel_loop3A_1175 : vector<16xi32>
        %parallel_loop3A_1177 = arith.constant 0 : i32
        %parallel_loop3A_1178 = vector.broadcast %parallel_loop3A_1177 : i32 to vector<16xi32>
        %parallel_loop3A_1179 = arith.cmpi eq, %parallel_loop3A_1176, %parallel_loop3A_1178 : vector<16xi32>
        %parallel_loop3A_1180 = arith.constant 2 : i32
        %parallel_loop3A_1181 = vector.broadcast %parallel_loop3A_1180 : i32 to vector<16xi32>
        %parallel_loop3A_1182 = arith.xori %iota3A, %parallel_loop3A_1181 : vector<16xi32>
        %parallel_loop3A_1183 = arith.constant 0 : i32
        %parallel_loop3A_1184 = vector.broadcast %parallel_loop3A_1183 : i32 to vector<16xi32>
        %parallel_loop3A_1185 = arith.cmpi slt, %parallel_loop3A_1182, %parallel_loop3A_1184 : vector<16xi32>
        %parallel_loop3A_1186 = arith.constant 16 : i32
        %parallel_loop3A_1187 = vector.broadcast %parallel_loop3A_1186 : i32 to vector<16xi32>
        %parallel_loop3A_1188 = arith.addi %parallel_loop3A_1182, %parallel_loop3A_1187 : vector<16xi32>
        %parallel_loop3A_1189 = arith.select %parallel_loop3A_1185, %parallel_loop3A_1188, %parallel_loop3A_1182 : vector<16xi1>, vector<16xi32>
        %parallel_loop3A_1190 = vector.shape_cast %parallel_loop3A_1189 : vector<16xi32> to vector<16x1xi32>
        %parallel_loop3A_1191 = vector.shape_cast %parallel_loop3A_1190 : vector<16x1xi32> to vector<16xi32>
        %parallel_loop3A_1192 = tpu.dynamic_gather %parallel_loop3A_1012[%parallel_loop3A_1191] in [0] : vector<16xf32>, vector<16xi32> -> vector<16xf32>
        %parallel_loop3A_1193 = arith.addf %parallel_loop3A_1012, %parallel_loop3A_1192 : vector<16xf32>
        %parallel_loop3A_1194 = arith.constant 0 : i32
        %parallel_loop3A_1195 = vector.broadcast %parallel_loop3A_1194 : i32 to vector<16xi32>
        %parallel_loop3A_1196 = arith.cmpi slt, %parallel_loop3A_1182, %parallel_loop3A_1195 : vector<16xi32>
        %parallel_loop3A_1197 = arith.constant 16 : i32
        %parallel_loop3A_1198 = vector.broadcast %parallel_loop3A_1197 : i32 to vector<16xi32>
        %parallel_loop3A_1199 = arith.addi %parallel_loop3A_1182, %parallel_loop3A_1198 : vector<16xi32>
        %parallel_loop3A_1200 = arith.select %parallel_loop3A_1196, %parallel_loop3A_1199, %parallel_loop3A_1182 : vector<16xi1>, vector<16xi32>
        %parallel_loop3A_1201 = vector.shape_cast %parallel_loop3A_1200 : vector<16xi32> to vector<16x1xi32>
        %parallel_loop3A_1202 = vector.shape_cast %parallel_loop3A_1201 : vector<16x1xi32> to vector<16xi32>
        %parallel_loop3A_1203 = tpu.dynamic_gather %parallel_loop3A_1035[%parallel_loop3A_1202] in [0] : vector<16xf32>, vector<16xi32> -> vector<16xf32>
        %parallel_loop3A_1204 = arith.addf %parallel_loop3A_1035, %parallel_loop3A_1203 : vector<16xf32>
        %parallel_loop3A_1205 = arith.select %parallel_loop3A_1179, %parallel_loop3A_1193, %parallel_loop3A_1204 : vector<16xi1>, vector<16xf32>
        %parallel_loop3A_1206 = arith.constant 0 : i32
        %parallel_loop3A_1207 = vector.broadcast %parallel_loop3A_1206 : i32 to vector<16xi32>
        %parallel_loop3A_1208 = arith.cmpi slt, %parallel_loop3A_1182, %parallel_loop3A_1207 : vector<16xi32>
        %parallel_loop3A_1209 = arith.constant 16 : i32
        %parallel_loop3A_1210 = vector.broadcast %parallel_loop3A_1209 : i32 to vector<16xi32>
        %parallel_loop3A_1211 = arith.addi %parallel_loop3A_1182, %parallel_loop3A_1210 : vector<16xi32>
        %parallel_loop3A_1212 = arith.select %parallel_loop3A_1208, %parallel_loop3A_1211, %parallel_loop3A_1182 : vector<16xi1>, vector<16xi32>
        %parallel_loop3A_1213 = vector.shape_cast %parallel_loop3A_1212 : vector<16xi32> to vector<16x1xi32>
        %parallel_loop3A_1214 = vector.shape_cast %parallel_loop3A_1213 : vector<16x1xi32> to vector<16xi32>
        %parallel_loop3A_1215 = tpu.dynamic_gather %parallel_loop3A_1058[%parallel_loop3A_1214] in [0] : vector<16xf32>, vector<16xi32> -> vector<16xf32>
        %parallel_loop3A_1216 = arith.addf %parallel_loop3A_1058, %parallel_loop3A_1215 : vector<16xf32>
        %parallel_loop3A_1217 = arith.constant 0 : i32
        %parallel_loop3A_1218 = vector.broadcast %parallel_loop3A_1217 : i32 to vector<16xi32>
        %parallel_loop3A_1219 = arith.cmpi slt, %parallel_loop3A_1182, %parallel_loop3A_1218 : vector<16xi32>
        %parallel_loop3A_1220 = arith.constant 16 : i32
        %parallel_loop3A_1221 = vector.broadcast %parallel_loop3A_1220 : i32 to vector<16xi32>
        %parallel_loop3A_1222 = arith.addi %parallel_loop3A_1182, %parallel_loop3A_1221 : vector<16xi32>
        %parallel_loop3A_1223 = arith.select %parallel_loop3A_1219, %parallel_loop3A_1222, %parallel_loop3A_1182 : vector<16xi1>, vector<16xi32>
        %parallel_loop3A_1224 = vector.shape_cast %parallel_loop3A_1223 : vector<16xi32> to vector<16x1xi32>
        %parallel_loop3A_1225 = vector.shape_cast %parallel_loop3A_1224 : vector<16x1xi32> to vector<16xi32>
        %parallel_loop3A_1226 = tpu.dynamic_gather %parallel_loop3A_1081[%parallel_loop3A_1225] in [0] : vector<16xf32>, vector<16xi32> -> vector<16xf32>
        %parallel_loop3A_1227 = arith.addf %parallel_loop3A_1081, %parallel_loop3A_1226 : vector<16xf32>
        %parallel_loop3A_1228 = arith.select %parallel_loop3A_1179, %parallel_loop3A_1216, %parallel_loop3A_1227 : vector<16xi1>, vector<16xf32>
        %parallel_loop3A_1229 = arith.constant 0 : i32
        %parallel_loop3A_1230 = vector.broadcast %parallel_loop3A_1229 : i32 to vector<16xi32>
        %parallel_loop3A_1231 = arith.cmpi slt, %parallel_loop3A_1182, %parallel_loop3A_1230 : vector<16xi32>
        %parallel_loop3A_1232 = arith.constant 16 : i32
        %parallel_loop3A_1233 = vector.broadcast %parallel_loop3A_1232 : i32 to vector<16xi32>
        %parallel_loop3A_1234 = arith.addi %parallel_loop3A_1182, %parallel_loop3A_1233 : vector<16xi32>
        %parallel_loop3A_1235 = arith.select %parallel_loop3A_1231, %parallel_loop3A_1234, %parallel_loop3A_1182 : vector<16xi1>, vector<16xi32>
        %parallel_loop3A_1236 = vector.shape_cast %parallel_loop3A_1235 : vector<16xi32> to vector<16x1xi32>
        %parallel_loop3A_1237 = vector.shape_cast %parallel_loop3A_1236 : vector<16x1xi32> to vector<16xi32>
        %parallel_loop3A_1238 = tpu.dynamic_gather %parallel_loop3A_1104[%parallel_loop3A_1237] in [0] : vector<16xf32>, vector<16xi32> -> vector<16xf32>
        %parallel_loop3A_1239 = arith.addf %parallel_loop3A_1104, %parallel_loop3A_1238 : vector<16xf32>
        %parallel_loop3A_1240 = arith.constant 0 : i32
        %parallel_loop3A_1241 = vector.broadcast %parallel_loop3A_1240 : i32 to vector<16xi32>
        %parallel_loop3A_1242 = arith.cmpi slt, %parallel_loop3A_1182, %parallel_loop3A_1241 : vector<16xi32>
        %parallel_loop3A_1243 = arith.constant 16 : i32
        %parallel_loop3A_1244 = vector.broadcast %parallel_loop3A_1243 : i32 to vector<16xi32>
        %parallel_loop3A_1245 = arith.addi %parallel_loop3A_1182, %parallel_loop3A_1244 : vector<16xi32>
        %parallel_loop3A_1246 = arith.select %parallel_loop3A_1242, %parallel_loop3A_1245, %parallel_loop3A_1182 : vector<16xi1>, vector<16xi32>
        %parallel_loop3A_1247 = vector.shape_cast %parallel_loop3A_1246 : vector<16xi32> to vector<16x1xi32>
        %parallel_loop3A_1248 = vector.shape_cast %parallel_loop3A_1247 : vector<16x1xi32> to vector<16xi32>
        %parallel_loop3A_1249 = tpu.dynamic_gather %parallel_loop3A_1127[%parallel_loop3A_1248] in [0] : vector<16xf32>, vector<16xi32> -> vector<16xf32>
        %parallel_loop3A_1250 = arith.addf %parallel_loop3A_1127, %parallel_loop3A_1249 : vector<16xf32>
        %parallel_loop3A_1251 = arith.select %parallel_loop3A_1179, %parallel_loop3A_1239, %parallel_loop3A_1250 : vector<16xi1>, vector<16xf32>
        %parallel_loop3A_1252 = arith.constant 0 : i32
        %parallel_loop3A_1253 = vector.broadcast %parallel_loop3A_1252 : i32 to vector<16xi32>
        %parallel_loop3A_1254 = arith.cmpi slt, %parallel_loop3A_1182, %parallel_loop3A_1253 : vector<16xi32>
        %parallel_loop3A_1255 = arith.constant 16 : i32
        %parallel_loop3A_1256 = vector.broadcast %parallel_loop3A_1255 : i32 to vector<16xi32>
        %parallel_loop3A_1257 = arith.addi %parallel_loop3A_1182, %parallel_loop3A_1256 : vector<16xi32>
        %parallel_loop3A_1258 = arith.select %parallel_loop3A_1254, %parallel_loop3A_1257, %parallel_loop3A_1182 : vector<16xi1>, vector<16xi32>
        %parallel_loop3A_1259 = vector.shape_cast %parallel_loop3A_1258 : vector<16xi32> to vector<16x1xi32>
        %parallel_loop3A_1260 = vector.shape_cast %parallel_loop3A_1259 : vector<16x1xi32> to vector<16xi32>
        %parallel_loop3A_1261 = tpu.dynamic_gather %parallel_loop3A_1150[%parallel_loop3A_1260] in [0] : vector<16xf32>, vector<16xi32> -> vector<16xf32>
        %parallel_loop3A_1262 = arith.addf %parallel_loop3A_1150, %parallel_loop3A_1261 : vector<16xf32>
        %parallel_loop3A_1263 = arith.constant 0 : i32
        %parallel_loop3A_1264 = vector.broadcast %parallel_loop3A_1263 : i32 to vector<16xi32>
        %parallel_loop3A_1265 = arith.cmpi slt, %parallel_loop3A_1182, %parallel_loop3A_1264 : vector<16xi32>
        %parallel_loop3A_1266 = arith.constant 16 : i32
        %parallel_loop3A_1267 = vector.broadcast %parallel_loop3A_1266 : i32 to vector<16xi32>
        %parallel_loop3A_1268 = arith.addi %parallel_loop3A_1182, %parallel_loop3A_1267 : vector<16xi32>
        %parallel_loop3A_1269 = arith.select %parallel_loop3A_1265, %parallel_loop3A_1268, %parallel_loop3A_1182 : vector<16xi1>, vector<16xi32>
        %parallel_loop3A_1270 = vector.shape_cast %parallel_loop3A_1269 : vector<16xi32> to vector<16x1xi32>
        %parallel_loop3A_1271 = vector.shape_cast %parallel_loop3A_1270 : vector<16x1xi32> to vector<16xi32>
        %parallel_loop3A_1272 = tpu.dynamic_gather %parallel_loop3A_1173[%parallel_loop3A_1271] in [0] : vector<16xf32>, vector<16xi32> -> vector<16xf32>
        %parallel_loop3A_1273 = arith.addf %parallel_loop3A_1173, %parallel_loop3A_1272 : vector<16xf32>
        %parallel_loop3A_1274 = arith.select %parallel_loop3A_1179, %parallel_loop3A_1262, %parallel_loop3A_1273 : vector<16xi1>, vector<16xf32>
        %parallel_loop3A_1275 = arith.constant 4 : i32
        %parallel_loop3A_1276 = vector.broadcast %parallel_loop3A_1275 : i32 to vector<16xi32>
        %parallel_loop3A_1277 = arith.andi %iota3A, %parallel_loop3A_1276 : vector<16xi32>
        %parallel_loop3A_1278 = arith.constant 0 : i32
        %parallel_loop3A_1279 = vector.broadcast %parallel_loop3A_1278 : i32 to vector<16xi32>
        %parallel_loop3A_1280 = arith.cmpi eq, %parallel_loop3A_1277, %parallel_loop3A_1279 : vector<16xi32>
        %parallel_loop3A_1281 = arith.constant 4 : i32
        %parallel_loop3A_1282 = vector.broadcast %parallel_loop3A_1281 : i32 to vector<16xi32>
        %parallel_loop3A_1283 = arith.xori %iota3A, %parallel_loop3A_1282 : vector<16xi32>
        %parallel_loop3A_1284 = arith.constant 0 : i32
        %parallel_loop3A_1285 = vector.broadcast %parallel_loop3A_1284 : i32 to vector<16xi32>
        %parallel_loop3A_1286 = arith.cmpi slt, %parallel_loop3A_1283, %parallel_loop3A_1285 : vector<16xi32>
        %parallel_loop3A_1287 = arith.constant 16 : i32
        %parallel_loop3A_1288 = vector.broadcast %parallel_loop3A_1287 : i32 to vector<16xi32>
        %parallel_loop3A_1289 = arith.addi %parallel_loop3A_1283, %parallel_loop3A_1288 : vector<16xi32>
        %parallel_loop3A_1290 = arith.select %parallel_loop3A_1286, %parallel_loop3A_1289, %parallel_loop3A_1283 : vector<16xi1>, vector<16xi32>
        %parallel_loop3A_1291 = vector.shape_cast %parallel_loop3A_1290 : vector<16xi32> to vector<16x1xi32>
        %parallel_loop3A_1292 = vector.shape_cast %parallel_loop3A_1291 : vector<16x1xi32> to vector<16xi32>
        %parallel_loop3A_1293 = tpu.dynamic_gather %parallel_loop3A_1205[%parallel_loop3A_1292] in [0] : vector<16xf32>, vector<16xi32> -> vector<16xf32>
        %parallel_loop3A_1294 = arith.addf %parallel_loop3A_1205, %parallel_loop3A_1293 : vector<16xf32>
        %parallel_loop3A_1295 = arith.constant 0 : i32
        %parallel_loop3A_1296 = vector.broadcast %parallel_loop3A_1295 : i32 to vector<16xi32>
        %parallel_loop3A_1297 = arith.cmpi slt, %parallel_loop3A_1283, %parallel_loop3A_1296 : vector<16xi32>
        %parallel_loop3A_1298 = arith.constant 16 : i32
        %parallel_loop3A_1299 = vector.broadcast %parallel_loop3A_1298 : i32 to vector<16xi32>
        %parallel_loop3A_1300 = arith.addi %parallel_loop3A_1283, %parallel_loop3A_1299 : vector<16xi32>
        %parallel_loop3A_1301 = arith.select %parallel_loop3A_1297, %parallel_loop3A_1300, %parallel_loop3A_1283 : vector<16xi1>, vector<16xi32>
        %parallel_loop3A_1302 = vector.shape_cast %parallel_loop3A_1301 : vector<16xi32> to vector<16x1xi32>
        %parallel_loop3A_1303 = vector.shape_cast %parallel_loop3A_1302 : vector<16x1xi32> to vector<16xi32>
        %parallel_loop3A_1304 = tpu.dynamic_gather %parallel_loop3A_1228[%parallel_loop3A_1303] in [0] : vector<16xf32>, vector<16xi32> -> vector<16xf32>
        %parallel_loop3A_1305 = arith.addf %parallel_loop3A_1228, %parallel_loop3A_1304 : vector<16xf32>
        %parallel_loop3A_1306 = arith.select %parallel_loop3A_1280, %parallel_loop3A_1294, %parallel_loop3A_1305 : vector<16xi1>, vector<16xf32>
        %parallel_loop3A_1307 = arith.constant 0 : i32
        %parallel_loop3A_1308 = vector.broadcast %parallel_loop3A_1307 : i32 to vector<16xi32>
        %parallel_loop3A_1309 = arith.cmpi slt, %parallel_loop3A_1283, %parallel_loop3A_1308 : vector<16xi32>
        %parallel_loop3A_1310 = arith.constant 16 : i32
        %parallel_loop3A_1311 = vector.broadcast %parallel_loop3A_1310 : i32 to vector<16xi32>
        %parallel_loop3A_1312 = arith.addi %parallel_loop3A_1283, %parallel_loop3A_1311 : vector<16xi32>
        %parallel_loop3A_1313 = arith.select %parallel_loop3A_1309, %parallel_loop3A_1312, %parallel_loop3A_1283 : vector<16xi1>, vector<16xi32>
        %parallel_loop3A_1314 = vector.shape_cast %parallel_loop3A_1313 : vector<16xi32> to vector<16x1xi32>
        %parallel_loop3A_1315 = vector.shape_cast %parallel_loop3A_1314 : vector<16x1xi32> to vector<16xi32>
        %parallel_loop3A_1316 = tpu.dynamic_gather %parallel_loop3A_1251[%parallel_loop3A_1315] in [0] : vector<16xf32>, vector<16xi32> -> vector<16xf32>
        %parallel_loop3A_1317 = arith.addf %parallel_loop3A_1251, %parallel_loop3A_1316 : vector<16xf32>
        %parallel_loop3A_1318 = arith.constant 0 : i32
        %parallel_loop3A_1319 = vector.broadcast %parallel_loop3A_1318 : i32 to vector<16xi32>
        %parallel_loop3A_1320 = arith.cmpi slt, %parallel_loop3A_1283, %parallel_loop3A_1319 : vector<16xi32>
        %parallel_loop3A_1321 = arith.constant 16 : i32
        %parallel_loop3A_1322 = vector.broadcast %parallel_loop3A_1321 : i32 to vector<16xi32>
        %parallel_loop3A_1323 = arith.addi %parallel_loop3A_1283, %parallel_loop3A_1322 : vector<16xi32>
        %parallel_loop3A_1324 = arith.select %parallel_loop3A_1320, %parallel_loop3A_1323, %parallel_loop3A_1283 : vector<16xi1>, vector<16xi32>
        %parallel_loop3A_1325 = vector.shape_cast %parallel_loop3A_1324 : vector<16xi32> to vector<16x1xi32>
        %parallel_loop3A_1326 = vector.shape_cast %parallel_loop3A_1325 : vector<16x1xi32> to vector<16xi32>
        %parallel_loop3A_1327 = tpu.dynamic_gather %parallel_loop3A_1274[%parallel_loop3A_1326] in [0] : vector<16xf32>, vector<16xi32> -> vector<16xf32>
        %parallel_loop3A_1328 = arith.addf %parallel_loop3A_1274, %parallel_loop3A_1327 : vector<16xf32>
        %parallel_loop3A_1329 = arith.select %parallel_loop3A_1280, %parallel_loop3A_1317, %parallel_loop3A_1328 : vector<16xi1>, vector<16xf32>
        %parallel_loop3A_1330 = arith.constant 8 : i32
        %parallel_loop3A_1331 = vector.broadcast %parallel_loop3A_1330 : i32 to vector<16xi32>
        %parallel_loop3A_1332 = arith.andi %iota3A, %parallel_loop3A_1331 : vector<16xi32>
        %parallel_loop3A_1333 = arith.constant 0 : i32
        %parallel_loop3A_1334 = vector.broadcast %parallel_loop3A_1333 : i32 to vector<16xi32>
        %parallel_loop3A_1335 = arith.cmpi eq, %parallel_loop3A_1332, %parallel_loop3A_1334 : vector<16xi32>
        %parallel_loop3A_1336 = arith.constant 8 : i32
        %parallel_loop3A_1337 = vector.broadcast %parallel_loop3A_1336 : i32 to vector<16xi32>
        %parallel_loop3A_1338 = arith.xori %iota3A, %parallel_loop3A_1337 : vector<16xi32>
        %parallel_loop3A_1339 = arith.constant 0 : i32
        %parallel_loop3A_1340 = vector.broadcast %parallel_loop3A_1339 : i32 to vector<16xi32>
        %parallel_loop3A_1341 = arith.cmpi slt, %parallel_loop3A_1338, %parallel_loop3A_1340 : vector<16xi32>
        %parallel_loop3A_1342 = arith.constant 16 : i32
        %parallel_loop3A_1343 = vector.broadcast %parallel_loop3A_1342 : i32 to vector<16xi32>
        %parallel_loop3A_1344 = arith.addi %parallel_loop3A_1338, %parallel_loop3A_1343 : vector<16xi32>
        %parallel_loop3A_1345 = arith.select %parallel_loop3A_1341, %parallel_loop3A_1344, %parallel_loop3A_1338 : vector<16xi1>, vector<16xi32>
        %parallel_loop3A_1346 = vector.shape_cast %parallel_loop3A_1345 : vector<16xi32> to vector<16x1xi32>
        %parallel_loop3A_1347 = vector.shape_cast %parallel_loop3A_1346 : vector<16x1xi32> to vector<16xi32>
        %parallel_loop3A_1348 = tpu.dynamic_gather %parallel_loop3A_1306[%parallel_loop3A_1347] in [0] : vector<16xf32>, vector<16xi32> -> vector<16xf32>
        %parallel_loop3A_1349 = arith.addf %parallel_loop3A_1306, %parallel_loop3A_1348 : vector<16xf32>
        %parallel_loop3A_1350 = arith.constant 0 : i32
        %parallel_loop3A_1351 = vector.broadcast %parallel_loop3A_1350 : i32 to vector<16xi32>
        %parallel_loop3A_1352 = arith.cmpi slt, %parallel_loop3A_1338, %parallel_loop3A_1351 : vector<16xi32>
        %parallel_loop3A_1353 = arith.constant 16 : i32
        %parallel_loop3A_1354 = vector.broadcast %parallel_loop3A_1353 : i32 to vector<16xi32>
        %parallel_loop3A_1355 = arith.addi %parallel_loop3A_1338, %parallel_loop3A_1354 : vector<16xi32>
        %parallel_loop3A_1356 = arith.select %parallel_loop3A_1352, %parallel_loop3A_1355, %parallel_loop3A_1338 : vector<16xi1>, vector<16xi32>
        %parallel_loop3A_1357 = vector.shape_cast %parallel_loop3A_1356 : vector<16xi32> to vector<16x1xi32>
        %parallel_loop3A_1358 = vector.shape_cast %parallel_loop3A_1357 : vector<16x1xi32> to vector<16xi32>
        %parallel_loop3A_1359 = tpu.dynamic_gather %parallel_loop3A_1329[%parallel_loop3A_1358] in [0] : vector<16xf32>, vector<16xi32> -> vector<16xf32>
        %parallel_loop3A_1360 = arith.addf %parallel_loop3A_1329, %parallel_loop3A_1359 : vector<16xf32>
        %parallel_loop3A_1361 = arith.select %parallel_loop3A_1335, %parallel_loop3A_1349, %parallel_loop3A_1360 : vector<16xi1>, vector<16xf32>
        %parallel_loop3A_1362 = arith.constant 16 : i32
        %parallel_loop3A_1363 = arith.muli %parallel_loop3A_100, %parallel_loop3A_1362 : i32
        %parallel_loop3A_1364 = arith.index_cast %add3A_42 : i32 to index
        %parallel_loop3A_1365 = arith.index_cast %parallel_loop3A_1363 : i32 to index
        %parallel_loop3A_1366 = tpu.vector_load %arg12[%parallel_loop3A_1364, %parallel_loop3A_1365] {strides = array<i32>} : memref<125x80xf32, #tpu.memory_space<vmem>>, vector<16xf32>,
        tpu.vector_store %arg12[%parallel_loop3A_1364, %parallel_loop3A_1365], %parallel_loop3A_1361 {strides = array<i32>} : memref<125x80xf32, #tpu.memory_space<vmem>>, vector<16xf32>,
      } {sc.loop_unroll_factor = 1 : i64, sc.parallel_access}
      %scan3A_99 = arith.constant 0 : i32
      scf.yield %scan3A_99 : i32
    }
    %scan3A_21 = arith.constant 62 : i32
    %dma_wait3A = arith.constant 124 : i32
    %dma_wait3A_22 = arith.constant 0 : i32
    %dma_wait3A_23 = tpu.memref_slice %arg6[%dma_wait3A, %dma_wait3A_22] : memref<125x80xi32, #tpu.memory_space<vmem>> -> memref<1x80xi32, #tpu.memory_space<vmem>>
    %dma_wait3A_24 = tpu.memref_squeeze %dma_wait3A_23 : memref<1x80xi32, #tpu.memory_space<vmem>> -> memref<80xi32, #tpu.memory_space<vmem>>
    %dma_wait3A_25 = arith.constant 0 : i32
    %dma_wait3A_26 = arith.constant 0 : i32
    %dma_wait3A_27 = tpu.memref_slice %arg13[%dma_wait3A_25, %dma_wait3A_26] : memref<10000x64xi32, #tpu.memory_space<vmem_shared>> -> memref<10000x64xi32, #tpu.memory_space<vmem_shared>>
    tpu.wait_indirect_dma semaphore(%arg14 : memref<!tpu.dma_semaphore, #tpu.memory_space<semaphore_mem>>) src(%dma_wait3A_27 : memref<10000x64xi32, #tpu.memory_space<vmem_shared>>) dst(%arg8 : memref<80x64xi32, #tpu.memory_space<vmem>>)
    %dma_wait3A_28 = arith.constant 124 : i32
    %dma_wait3A_29 = arith.constant 0 : i32
    %dma_wait3A_30 = tpu.memref_slice %arg7[%dma_wait3A_28, %dma_wait3A_29] : memref<125x80xi32, #tpu.memory_space<vmem>> -> memref<1x80xi32, #tpu.memory_space<vmem>>
    %dma_wait3A_31 = tpu.memref_squeeze %dma_wait3A_30 : memref<1x80xi32, #tpu.memory_space<vmem>> -> memref<80xi32, #tpu.memory_space<vmem>>
    %dma_wait3A_32 = arith.constant 0 : i32
    %dma_wait3A_33 = arith.constant 0 : i32
    %dma_wait3A_34 = tpu.memref_slice %arg13[%dma_wait3A_32, %dma_wait3A_33] : memref<10000x64xi32, #tpu.memory_space<vmem_shared>> -> memref<10000x64xi32, #tpu.memory_space<vmem_shared>>
    tpu.wait_indirect_dma semaphore(%arg15 : memref<!tpu.dma_semaphore, #tpu.memory_space<semaphore_mem>>) src(%dma_wait3A_34 : memref<10000x64xi32, #tpu.memory_space<vmem_shared>>) dst(%arg9 : memref<80x64xi32, #tpu.memory_space<vmem>>)
    %parallel_loop3A = arith.constant 0 : i32
    %parallel_loop3A_35 = arith.constant 5 : i32
    %parallel_loop3A_36 = arith.constant 1 : i32
    scf.for %parallel_loop3A_37 = %parallel_loop3A to %parallel_loop3A_35 step %parallel_loop3A_36  : i32 {
      %parallel_loop3A_38 = arith.constant 16 : i32
      %parallel_loop3A_39 = arith.muli %parallel_loop3A_37, %parallel_loop3A_38 : i32
      %parallel_loop3A_40 = arith.constant 0 : i32
      %parallel_loop3A_41 = arith.addi %parallel_loop3A_39, %parallel_loop3A_40 : i32
      %parallel_loop3A_42 = arith.index_cast %parallel_loop3A_41 : i32 to index
      %parallel_loop3A_43 = arith.constant 0 : index
      %parallel_loop3A_44 = tpu.vector_load %arg8[%parallel_loop3A_42, %parallel_loop3A_43] {strides = array<i32>} : memref<80x64xi32, #tpu.memory_space<vmem>>, vector<16xi32>,
      %parallel_loop3A_45 = vector.bitcast %parallel_loop3A_44 : vector<16xi32> to vector<32xbf16>
      %parallel_loop3A_46 = arith.index_cast %parallel_loop3A_41 : i32 to index
      %parallel_loop3A_47 = arith.constant 0 : index
      %parallel_loop3A_48 = tpu.vector_load %arg9[%parallel_loop3A_46, %parallel_loop3A_47] {strides = array<i32>} : memref<80x64xi32, #tpu.memory_space<vmem>>, vector<16xi32>,
      %parallel_loop3A_49 = vector.bitcast %parallel_loop3A_48 : vector<16xi32> to vector<32xbf16>
      %parallel_loop3A_50 = arith.mulf %parallel_loop3A_45, %parallel_loop3A_49 : vector<32xbf16>
      %parallel_loop3A_51 = tpu.unpack_subelements %parallel_loop3A_50, 0 {pack_format = #tpu.pack_format<interleaved>} : vector<32xbf16> -> vector<16xf32>
      %parallel_loop3A_52 = tpu.unpack_subelements %parallel_loop3A_50, 1 {pack_format = #tpu.pack_format<interleaved>} : vector<32xbf16> -> vector<16xf32>
      %parallel_loop3A_53 = arith.addf %parallel_loop3A_51, %parallel_loop3A_52 : vector<16xf32>
      %parallel_loop3A_54 = arith.index_cast %parallel_loop3A_41 : i32 to index
      %parallel_loop3A_55 = arith.constant 16 : index
      %parallel_loop3A_56 = tpu.vector_load %arg8[%parallel_loop3A_54, %parallel_loop3A_55] {strides = array<i32>} : memref<80x64xi32, #tpu.memory_space<vmem>>, vector<16xi32>,
      %parallel_loop3A_57 = vector.bitcast %parallel_loop3A_56 : vector<16xi32> to vector<32xbf16>
      %parallel_loop3A_58 = arith.index_cast %parallel_loop3A_41 : i32 to index
      %parallel_loop3A_59 = arith.constant 16 : index
      %parallel_loop3A_60 = tpu.vector_load %arg9[%parallel_loop3A_58, %parallel_loop3A_59] {strides = array<i32>} : memref<80x64xi32, #tpu.memory_space<vmem>>, vector<16xi32>,
      %parallel_loop3A_61 = vector.bitcast %parallel_loop3A_60 : vector<16xi32> to vector<32xbf16>
      %parallel_loop3A_62 = arith.mulf %parallel_loop3A_57, %parallel_loop3A_61 : vector<32xbf16>
      %parallel_loop3A_63 = tpu.unpack_subelements %parallel_loop3A_62, 0 {pack_format = #tpu.pack_format<interleaved>} : vector<32xbf16> -> vector<16xf32>
      %parallel_loop3A_64 = tpu.unpack_subelements %parallel_loop3A_62, 1 {pack_format = #tpu.pack_format<interleaved>} : vector<32xbf16> -> vector<16xf32>
      %parallel_loop3A_65 = arith.addf %parallel_loop3A_63, %parallel_loop3A_64 : vector<16xf32>
      %parallel_loop3A_66 = arith.index_cast %parallel_loop3A_41 : i32 to index
      %parallel_loop3A_67 = arith.constant 32 : index
      %parallel_loop3A_68 = tpu.vector_load %arg8[%parallel_loop3A_66, %parallel_loop3A_67] {strides = array<i32>} : memref<80x64xi32, #tpu.memory_space<vmem>>, vector<16xi32>,
      %parallel_loop3A_69 = vector.bitcast %parallel_loop3A_68 : vector<16xi32> to vector<32xbf16>
      %parallel_loop3A_70 = arith.index_cast %parallel_loop3A_41 : i32 to index
      %parallel_loop3A_71 = arith.constant 32 : index
      %parallel_loop3A_72 = tpu.vector_load %arg9[%parallel_loop3A_70, %parallel_loop3A_71] {strides = array<i32>} : memref<80x64xi32, #tpu.memory_space<vmem>>, vector<16xi32>,
      %parallel_loop3A_73 = vector.bitcast %parallel_loop3A_72 : vector<16xi32> to vector<32xbf16>
      %parallel_loop3A_74 = arith.mulf %parallel_loop3A_69, %parallel_loop3A_73 : vector<32xbf16>
      %parallel_loop3A_75 = tpu.unpack_subelements %parallel_loop3A_74, 0 {pack_format = #tpu.pack_format<interleaved>} : vector<32xbf16> -> vector<16xf32>
      %parallel_loop3A_76 = tpu.unpack_subelements %parallel_loop3A_74, 1 {pack_format = #tpu.pack_format<interleaved>} : vector<32xbf16> -> vector<16xf32>
      %parallel_loop3A_77 = arith.addf %parallel_loop3A_75, %parallel_loop3A_76 : vector<16xf32>
      %parallel_loop3A_78 = arith.index_cast %parallel_loop3A_41 : i32 to index
      %parallel_loop3A_79 = arith.constant 48 : index
      %parallel_loop3A_80 = tpu.vector_load %arg8[%parallel_loop3A_78, %parallel_loop3A_79] {strides = array<i32>} : memref<80x64xi32, #tpu.memory_space<vmem>>, vector<16xi32>,
      %parallel_loop3A_81 = vector.bitcast %parallel_loop3A_80 : vector<16xi32> to vector<32xbf16>
      %parallel_loop3A_82 = arith.index_cast %parallel_loop3A_41 : i32 to index
      %parallel_loop3A_83 = arith.constant 48 : index
      %parallel_loop3A_84 = tpu.vector_load %arg9[%parallel_loop3A_82, %parallel_loop3A_83] {strides = array<i32>} : memref<80x64xi32, #tpu.memory_space<vmem>>, vector<16xi32>,
      %parallel_loop3A_85 = vector.bitcast %parallel_loop3A_84 : vector<16xi32> to vector<32xbf16>
      %parallel_loop3A_86 = arith.mulf %parallel_loop3A_81, %parallel_loop3A_85 : vector<32xbf16>
      %parallel_loop3A_87 = tpu.unpack_subelements %parallel_loop3A_86, 0 {pack_format = #tpu.pack_format<interleaved>} : vector<32xbf16> -> vector<16xf32>
      %parallel_loop3A_88 = tpu.unpack_subelements %parallel_loop3A_86, 1 {pack_format = #tpu.pack_format<interleaved>} : vector<32xbf16> -> vector<16xf32>
      %parallel_loop3A_89 = arith.addf %parallel_loop3A_87, %parallel_loop3A_88 : vector<16xf32>
      %parallel_loop3A_90 = arith.addf %parallel_loop3A_53, %parallel_loop3A_65 : vector<16xf32>
      %parallel_loop3A_91 = arith.addf %parallel_loop3A_77, %parallel_loop3A_89 : vector<16xf32>
      %parallel_loop3A_92 = arith.addf %parallel_loop3A_90, %parallel_loop3A_91 : vector<16xf32>
      %parallel_loop3A_93 = arith.constant 16 : i32
      %parallel_loop3A_94 = arith.muli %parallel_loop3A_37, %parallel_loop3A_93 : i32
      %parallel_loop3A_95 = arith.constant 1 : i32
      %parallel_loop3A_96 = arith.addi %parallel_loop3A_94, %parallel_loop3A_95 : i32
      %parallel_loop3A_97 = arith.index_cast %parallel_loop3A_96 : i32 to index
      %parallel_loop3A_98 = arith.constant 0 : index
      %parallel_loop3A_99 = tpu.vector_load %arg8[%parallel_loop3A_97, %parallel_loop3A_98] {strides = array<i32>} : memref<80x64xi32, #tpu.memory_space<vmem>>, vector<16xi32>,
      %parallel_loop3A_100 = vector.bitcast %parallel_loop3A_99 : vector<16xi32> to vector<32xbf16>
      %parallel_loop3A_101 = arith.index_cast %parallel_loop3A_96 : i32 to index
      %parallel_loop3A_102 = arith.constant 0 : index
      %parallel_loop3A_103 = tpu.vector_load %arg9[%parallel_loop3A_101, %parallel_loop3A_102] {strides = array<i32>} : memref<80x64xi32, #tpu.memory_space<vmem>>, vector<16xi32>,
      %parallel_loop3A_104 = vector.bitcast %parallel_loop3A_103 : vector<16xi32> to vector<32xbf16>
      %parallel_loop3A_105 = arith.mulf %parallel_loop3A_100, %parallel_loop3A_104 : vector<32xbf16>
      %parallel_loop3A_106 = tpu.unpack_subelements %parallel_loop3A_105, 0 {pack_format = #tpu.pack_format<interleaved>} : vector<32xbf16> -> vector<16xf32>
      %parallel_loop3A_107 = tpu.unpack_subelements %parallel_loop3A_105, 1 {pack_format = #tpu.pack_format<interleaved>} : vector<32xbf16> -> vector<16xf32>
      %parallel_loop3A_108 = arith.addf %parallel_loop3A_106, %parallel_loop3A_107 : vector<16xf32>
      %parallel_loop3A_109 = arith.index_cast %parallel_loop3A_96 : i32 to index
      %parallel_loop3A_110 = arith.constant 16 : index
      %parallel_loop3A_111 = tpu.vector_load %arg8[%parallel_loop3A_109, %parallel_loop3A_110] {strides = array<i32>} : memref<80x64xi32, #tpu.memory_space<vmem>>, vector<16xi32>,
      %parallel_loop3A_112 = vector.bitcast %parallel_loop3A_111 : vector<16xi32> to vector<32xbf16>
      %parallel_loop3A_113 = arith.index_cast %parallel_loop3A_96 : i32 to index
      %parallel_loop3A_114 = arith.constant 16 : index
      %parallel_loop3A_115 = tpu.vector_load %arg9[%parallel_loop3A_113, %parallel_loop3A_114] {strides = array<i32>} : memref<80x64xi32, #tpu.memory_space<vmem>>, vector<16xi32>,
      %parallel_loop3A_116 = vector.bitcast %parallel_loop3A_115 : vector<16xi32> to vector<32xbf16>
      %parallel_loop3A_117 = arith.mulf %parallel_loop3A_112, %parallel_loop3A_116 : vector<32xbf16>
      %parallel_loop3A_118 = tpu.unpack_subelements %parallel_loop3A_117, 0 {pack_format = #tpu.pack_format<interleaved>} : vector<32xbf16> -> vector<16xf32>
      %parallel_loop3A_119 = tpu.unpack_subelements %parallel_loop3A_117, 1 {pack_format = #tpu.pack_format<interleaved>} : vector<32xbf16> -> vector<16xf32>
      %parallel_loop3A_120 = arith.addf %parallel_loop3A_118, %parallel_loop3A_119 : vector<16xf32>
      %parallel_loop3A_121 = arith.index_cast %parallel_loop3A_96 : i32 to index
      %parallel_loop3A_122 = arith.constant 32 : index
      %parallel_loop3A_123 = tpu.vector_load %arg8[%parallel_loop3A_121, %parallel_loop3A_122] {strides = array<i32>} : memref<80x64xi32, #tpu.memory_space<vmem>>, vector<16xi32>,
      %parallel_loop3A_124 = vector.bitcast %parallel_loop3A_123 : vector<16xi32> to vector<32xbf16>
      %parallel_loop3A_125 = arith.index_cast %parallel_loop3A_96 : i32 to index
      %parallel_loop3A_126 = arith.constant 32 : index
      %parallel_loop3A_127 = tpu.vector_load %arg9[%parallel_loop3A_125, %parallel_loop3A_126] {strides = array<i32>} : memref<80x64xi32, #tpu.memory_space<vmem>>, vector<16xi32>,
      %parallel_loop3A_128 = vector.bitcast %parallel_loop3A_127 : vector<16xi32> to vector<32xbf16>
      %parallel_loop3A_129 = arith.mulf %parallel_loop3A_124, %parallel_loop3A_128 : vector<32xbf16>
      %parallel_loop3A_130 = tpu.unpack_subelements %parallel_loop3A_129, 0 {pack_format = #tpu.pack_format<interleaved>} : vector<32xbf16> -> vector<16xf32>
      %parallel_loop3A_131 = tpu.unpack_subelements %parallel_loop3A_129, 1 {pack_format = #tpu.pack_format<interleaved>} : vector<32xbf16> -> vector<16xf32>
      %parallel_loop3A_132 = arith.addf %parallel_loop3A_130, %parallel_loop3A_131 : vector<16xf32>
      %parallel_loop3A_133 = arith.index_cast %parallel_loop3A_96 : i32 to index
      %parallel_loop3A_134 = arith.constant 48 : index
      %parallel_loop3A_135 = tpu.vector_load %arg8[%parallel_loop3A_133, %parallel_loop3A_134] {strides = array<i32>} : memref<80x64xi32, #tpu.memory_space<vmem>>, vector<16xi32>,
      %parallel_loop3A_136 = vector.bitcast %parallel_loop3A_135 : vector<16xi32> to vector<32xbf16>
      %parallel_loop3A_137 = arith.index_cast %parallel_loop3A_96 : i32 to index
      %parallel_loop3A_138 = arith.constant 48 : index
      %parallel_loop3A_139 = tpu.vector_load %arg9[%parallel_loop3A_137, %parallel_loop3A_138] {strides = array<i32>} : memref<80x64xi32, #tpu.memory_space<vmem>>, vector<16xi32>,
      %parallel_loop3A_140 = vector.bitcast %parallel_loop3A_139 : vector<16xi32> to vector<32xbf16>
      %parallel_loop3A_141 = arith.mulf %parallel_loop3A_136, %parallel_loop3A_140 : vector<32xbf16>
      %parallel_loop3A_142 = tpu.unpack_subelements %parallel_loop3A_141, 0 {pack_format = #tpu.pack_format<interleaved>} : vector<32xbf16> -> vector<16xf32>
      %parallel_loop3A_143 = tpu.unpack_subelements %parallel_loop3A_141, 1 {pack_format = #tpu.pack_format<interleaved>} : vector<32xbf16> -> vector<16xf32>
      %parallel_loop3A_144 = arith.addf %parallel_loop3A_142, %parallel_loop3A_143 : vector<16xf32>
      %parallel_loop3A_145 = arith.addf %parallel_loop3A_108, %parallel_loop3A_120 : vector<16xf32>
      %parallel_loop3A_146 = arith.addf %parallel_loop3A_132, %parallel_loop3A_144 : vector<16xf32>
      %parallel_loop3A_147 = arith.addf %parallel_loop3A_145, %parallel_loop3A_146 : vector<16xf32>
      %parallel_loop3A_148 = arith.constant 16 : i32
      %parallel_loop3A_149 = arith.muli %parallel_loop3A_37, %parallel_loop3A_148 : i32
      %parallel_loop3A_150 = arith.constant 2 : i32
      %parallel_loop3A_151 = arith.addi %parallel_loop3A_149, %parallel_loop3A_150 : i32
      %parallel_loop3A_152 = arith.index_cast %parallel_loop3A_151 : i32 to index
      %parallel_loop3A_153 = arith.constant 0 : index
      %parallel_loop3A_154 = tpu.vector_load %arg8[%parallel_loop3A_152, %parallel_loop3A_153] {strides = array<i32>} : memref<80x64xi32, #tpu.memory_space<vmem>>, vector<16xi32>,
      %parallel_loop3A_155 = vector.bitcast %parallel_loop3A_154 : vector<16xi32> to vector<32xbf16>
      %parallel_loop3A_156 = arith.index_cast %parallel_loop3A_151 : i32 to index
      %parallel_loop3A_157 = arith.constant 0 : index
      %parallel_loop3A_158 = tpu.vector_load %arg9[%parallel_loop3A_156, %parallel_loop3A_157] {strides = array<i32>} : memref<80x64xi32, #tpu.memory_space<vmem>>, vector<16xi32>,
      %parallel_loop3A_159 = vector.bitcast %parallel_loop3A_158 : vector<16xi32> to vector<32xbf16>
      %parallel_loop3A_160 = arith.mulf %parallel_loop3A_155, %parallel_loop3A_159 : vector<32xbf16>
      %parallel_loop3A_161 = tpu.unpack_subelements %parallel_loop3A_160, 0 {pack_format = #tpu.pack_format<interleaved>} : vector<32xbf16> -> vector<16xf32>
      %parallel_loop3A_162 = tpu.unpack_subelements %parallel_loop3A_160, 1 {pack_format = #tpu.pack_format<interleaved>} : vector<32xbf16> -> vector<16xf32>
      %parallel_loop3A_163 = arith.addf %parallel_loop3A_161, %parallel_loop3A_162 : vector<16xf32>
      %parallel_loop3A_164 = arith.index_cast %parallel_loop3A_151 : i32 to index
      %parallel_loop3A_165 = arith.constant 16 : index
      %parallel_loop3A_166 = tpu.vector_load %arg8[%parallel_loop3A_164, %parallel_loop3A_165] {strides = array<i32>} : memref<80x64xi32, #tpu.memory_space<vmem>>, vector<16xi32>,
      %parallel_loop3A_167 = vector.bitcast %parallel_loop3A_166 : vector<16xi32> to vector<32xbf16>
      %parallel_loop3A_168 = arith.index_cast %parallel_loop3A_151 : i32 to index
      %parallel_loop3A_169 = arith.constant 16 : index
      %parallel_loop3A_170 = tpu.vector_load %arg9[%parallel_loop3A_168, %parallel_loop3A_169] {strides = array<i32>} : memref<80x64xi32, #tpu.memory_space<vmem>>, vector<16xi32>,
      %parallel_loop3A_171 = vector.bitcast %parallel_loop3A_170 : vector<16xi32> to vector<32xbf16>
      %parallel_loop3A_172 = arith.mulf %parallel_loop3A_167, %parallel_loop3A_171 : vector<32xbf16>
      %parallel_loop3A_173 = tpu.unpack_subelements %parallel_loop3A_172, 0 {pack_format = #tpu.pack_format<interleaved>} : vector<32xbf16> -> vector<16xf32>
      %parallel_loop3A_174 = tpu.unpack_subelements %parallel_loop3A_172, 1 {pack_format = #tpu.pack_format<interleaved>} : vector<32xbf16> -> vector<16xf32>
      %parallel_loop3A_175 = arith.addf %parallel_loop3A_173, %parallel_loop3A_174 : vector<16xf32>
      %parallel_loop3A_176 = arith.index_cast %parallel_loop3A_151 : i32 to index
      %parallel_loop3A_177 = arith.constant 32 : index
      %parallel_loop3A_178 = tpu.vector_load %arg8[%parallel_loop3A_176, %parallel_loop3A_177] {strides = array<i32>} : memref<80x64xi32, #tpu.memory_space<vmem>>, vector<16xi32>,
      %parallel_loop3A_179 = vector.bitcast %parallel_loop3A_178 : vector<16xi32> to vector<32xbf16>
      %parallel_loop3A_180 = arith.index_cast %parallel_loop3A_151 : i32 to index
      %parallel_loop3A_181 = arith.constant 32 : index
      %parallel_loop3A_182 = tpu.vector_load %arg9[%parallel_loop3A_180, %parallel_loop3A_181] {strides = array<i32>} : memref<80x64xi32, #tpu.memory_space<vmem>>, vector<16xi32>,
      %parallel_loop3A_183 = vector.bitcast %parallel_loop3A_182 : vector<16xi32> to vector<32xbf16>
      %parallel_loop3A_184 = arith.mulf %parallel_loop3A_179, %parallel_loop3A_183 : vector<32xbf16>
      %parallel_loop3A_185 = tpu.unpack_subelements %parallel_loop3A_184, 0 {pack_format = #tpu.pack_format<interleaved>} : vector<32xbf16> -> vector<16xf32>
      %parallel_loop3A_186 = tpu.unpack_subelements %parallel_loop3A_184, 1 {pack_format = #tpu.pack_format<interleaved>} : vector<32xbf16> -> vector<16xf32>
      %parallel_loop3A_187 = arith.addf %parallel_loop3A_185, %parallel_loop3A_186 : vector<16xf32>
      %parallel_loop3A_188 = arith.index_cast %parallel_loop3A_151 : i32 to index
      %parallel_loop3A_189 = arith.constant 48 : index
      %parallel_loop3A_190 = tpu.vector_load %arg8[%parallel_loop3A_188, %parallel_loop3A_189] {strides = array<i32>} : memref<80x64xi32, #tpu.memory_space<vmem>>, vector<16xi32>,
      %parallel_loop3A_191 = vector.bitcast %parallel_loop3A_190 : vector<16xi32> to vector<32xbf16>
      %parallel_loop3A_192 = arith.index_cast %parallel_loop3A_151 : i32 to index
      %parallel_loop3A_193 = arith.constant 48 : index
      %parallel_loop3A_194 = tpu.vector_load %arg9[%parallel_loop3A_192, %parallel_loop3A_193] {strides = array<i32>} : memref<80x64xi32, #tpu.memory_space<vmem>>, vector<16xi32>,
      %parallel_loop3A_195 = vector.bitcast %parallel_loop3A_194 : vector<16xi32> to vector<32xbf16>
      %parallel_loop3A_196 = arith.mulf %parallel_loop3A_191, %parallel_loop3A_195 : vector<32xbf16>
      %parallel_loop3A_197 = tpu.unpack_subelements %parallel_loop3A_196, 0 {pack_format = #tpu.pack_format<interleaved>} : vector<32xbf16> -> vector<16xf32>
      %parallel_loop3A_198 = tpu.unpack_subelements %parallel_loop3A_196, 1 {pack_format = #tpu.pack_format<interleaved>} : vector<32xbf16> -> vector<16xf32>
      %parallel_loop3A_199 = arith.addf %parallel_loop3A_197, %parallel_loop3A_198 : vector<16xf32>
      %parallel_loop3A_200 = arith.addf %parallel_loop3A_163, %parallel_loop3A_175 : vector<16xf32>
      %parallel_loop3A_201 = arith.addf %parallel_loop3A_187, %parallel_loop3A_199 : vector<16xf32>
      %parallel_loop3A_202 = arith.addf %parallel_loop3A_200, %parallel_loop3A_201 : vector<16xf32>
      %parallel_loop3A_203 = arith.constant 16 : i32
      %parallel_loop3A_204 = arith.muli %parallel_loop3A_37, %parallel_loop3A_203 : i32
      %parallel_loop3A_205 = arith.constant 3 : i32
      %parallel_loop3A_206 = arith.addi %parallel_loop3A_204, %parallel_loop3A_205 : i32
      %parallel_loop3A_207 = arith.index_cast %parallel_loop3A_206 : i32 to index
      %parallel_loop3A_208 = arith.constant 0 : index
      %parallel_loop3A_209 = tpu.vector_load %arg8[%parallel_loop3A_207, %parallel_loop3A_208] {strides = array<i32>} : memref<80x64xi32, #tpu.memory_space<vmem>>, vector<16xi32>,
      %parallel_loop3A_210 = vector.bitcast %parallel_loop3A_209 : vector<16xi32> to vector<32xbf16>
      %parallel_loop3A_211 = arith.index_cast %parallel_loop3A_206 : i32 to index
      %parallel_loop3A_212 = arith.constant 0 : index
      %parallel_loop3A_213 = tpu.vector_load %arg9[%parallel_loop3A_211, %parallel_loop3A_212] {strides = array<i32>} : memref<80x64xi32, #tpu.memory_space<vmem>>, vector<16xi32>,
      %parallel_loop3A_214 = vector.bitcast %parallel_loop3A_213 : vector<16xi32> to vector<32xbf16>
      %parallel_loop3A_215 = arith.mulf %parallel_loop3A_210, %parallel_loop3A_214 : vector<32xbf16>
      %parallel_loop3A_216 = tpu.unpack_subelements %parallel_loop3A_215, 0 {pack_format = #tpu.pack_format<interleaved>} : vector<32xbf16> -> vector<16xf32>
      %parallel_loop3A_217 = tpu.unpack_subelements %parallel_loop3A_215, 1 {pack_format = #tpu.pack_format<interleaved>} : vector<32xbf16> -> vector<16xf32>
      %parallel_loop3A_218 = arith.addf %parallel_loop3A_216, %parallel_loop3A_217 : vector<16xf32>
      %parallel_loop3A_219 = arith.index_cast %parallel_loop3A_206 : i32 to index
      %parallel_loop3A_220 = arith.constant 16 : index
      %parallel_loop3A_221 = tpu.vector_load %arg8[%parallel_loop3A_219, %parallel_loop3A_220] {strides = array<i32>} : memref<80x64xi32, #tpu.memory_space<vmem>>, vector<16xi32>,
      %parallel_loop3A_222 = vector.bitcast %parallel_loop3A_221 : vector<16xi32> to vector<32xbf16>
      %parallel_loop3A_223 = arith.index_cast %parallel_loop3A_206 : i32 to index
      %parallel_loop3A_224 = arith.constant 16 : index
      %parallel_loop3A_225 = tpu.vector_load %arg9[%parallel_loop3A_223, %parallel_loop3A_224] {strides = array<i32>} : memref<80x64xi32, #tpu.memory_space<vmem>>, vector<16xi32>,
      %parallel_loop3A_226 = vector.bitcast %parallel_loop3A_225 : vector<16xi32> to vector<32xbf16>
      %parallel_loop3A_227 = arith.mulf %parallel_loop3A_222, %parallel_loop3A_226 : vector<32xbf16>
      %parallel_loop3A_228 = tpu.unpack_subelements %parallel_loop3A_227, 0 {pack_format = #tpu.pack_format<interleaved>} : vector<32xbf16> -> vector<16xf32>
      %parallel_loop3A_229 = tpu.unpack_subelements %parallel_loop3A_227, 1 {pack_format = #tpu.pack_format<interleaved>} : vector<32xbf16> -> vector<16xf32>
      %parallel_loop3A_230 = arith.addf %parallel_loop3A_228, %parallel_loop3A_229 : vector<16xf32>
      %parallel_loop3A_231 = arith.index_cast %parallel_loop3A_206 : i32 to index
      %parallel_loop3A_232 = arith.constant 32 : index
      %parallel_loop3A_233 = tpu.vector_load %arg8[%parallel_loop3A_231, %parallel_loop3A_232] {strides = array<i32>} : memref<80x64xi32, #tpu.memory_space<vmem>>, vector<16xi32>,
      %parallel_loop3A_234 = vector.bitcast %parallel_loop3A_233 : vector<16xi32> to vector<32xbf16>
      %parallel_loop3A_235 = arith.index_cast %parallel_loop3A_206 : i32 to index
      %parallel_loop3A_236 = arith.constant 32 : index
      %parallel_loop3A_237 = tpu.vector_load %arg9[%parallel_loop3A_235, %parallel_loop3A_236] {strides = array<i32>} : memref<80x64xi32, #tpu.memory_space<vmem>>, vector<16xi32>,
      %parallel_loop3A_238 = vector.bitcast %parallel_loop3A_237 : vector<16xi32> to vector<32xbf16>
      %parallel_loop3A_239 = arith.mulf %parallel_loop3A_234, %parallel_loop3A_238 : vector<32xbf16>
      %parallel_loop3A_240 = tpu.unpack_subelements %parallel_loop3A_239, 0 {pack_format = #tpu.pack_format<interleaved>} : vector<32xbf16> -> vector<16xf32>
      %parallel_loop3A_241 = tpu.unpack_subelements %parallel_loop3A_239, 1 {pack_format = #tpu.pack_format<interleaved>} : vector<32xbf16> -> vector<16xf32>
      %parallel_loop3A_242 = arith.addf %parallel_loop3A_240, %parallel_loop3A_241 : vector<16xf32>
      %parallel_loop3A_243 = arith.index_cast %parallel_loop3A_206 : i32 to index
      %parallel_loop3A_244 = arith.constant 48 : index
      %parallel_loop3A_245 = tpu.vector_load %arg8[%parallel_loop3A_243, %parallel_loop3A_244] {strides = array<i32>} : memref<80x64xi32, #tpu.memory_space<vmem>>, vector<16xi32>,
      %parallel_loop3A_246 = vector.bitcast %parallel_loop3A_245 : vector<16xi32> to vector<32xbf16>
      %parallel_loop3A_247 = arith.index_cast %parallel_loop3A_206 : i32 to index
      %parallel_loop3A_248 = arith.constant 48 : index
      %parallel_loop3A_249 = tpu.vector_load %arg9[%parallel_loop3A_247, %parallel_loop3A_248] {strides = array<i32>} : memref<80x64xi32, #tpu.memory_space<vmem>>, vector<16xi32>,
      %parallel_loop3A_250 = vector.bitcast %parallel_loop3A_249 : vector<16xi32> to vector<32xbf16>
      %parallel_loop3A_251 = arith.mulf %parallel_loop3A_246, %parallel_loop3A_250 : vector<32xbf16>
      %parallel_loop3A_252 = tpu.unpack_subelements %parallel_loop3A_251, 0 {pack_format = #tpu.pack_format<interleaved>} : vector<32xbf16> -> vector<16xf32>
      %parallel_loop3A_253 = tpu.unpack_subelements %parallel_loop3A_251, 1 {pack_format = #tpu.pack_format<interleaved>} : vector<32xbf16> -> vector<16xf32>
      %parallel_loop3A_254 = arith.addf %parallel_loop3A_252, %parallel_loop3A_253 : vector<16xf32>
      %parallel_loop3A_255 = arith.addf %parallel_loop3A_218, %parallel_loop3A_230 : vector<16xf32>
      %parallel_loop3A_256 = arith.addf %parallel_loop3A_242, %parallel_loop3A_254 : vector<16xf32>
      %parallel_loop3A_257 = arith.addf %parallel_loop3A_255, %parallel_loop3A_256 : vector<16xf32>
      %parallel_loop3A_258 = arith.constant 16 : i32
      %parallel_loop3A_259 = arith.muli %parallel_loop3A_37, %parallel_loop3A_258 : i32
      %parallel_loop3A_260 = arith.constant 4 : i32
      %parallel_loop3A_261 = arith.addi %parallel_loop3A_259, %parallel_loop3A_260 : i32
      %parallel_loop3A_262 = arith.index_cast %parallel_loop3A_261 : i32 to index
      %parallel_loop3A_263 = arith.constant 0 : index
      %parallel_loop3A_264 = tpu.vector_load %arg8[%parallel_loop3A_262, %parallel_loop3A_263] {strides = array<i32>} : memref<80x64xi32, #tpu.memory_space<vmem>>, vector<16xi32>,
      %parallel_loop3A_265 = vector.bitcast %parallel_loop3A_264 : vector<16xi32> to vector<32xbf16>
      %parallel_loop3A_266 = arith.index_cast %parallel_loop3A_261 : i32 to index
      %parallel_loop3A_267 = arith.constant 0 : index
      %parallel_loop3A_268 = tpu.vector_load %arg9[%parallel_loop3A_266, %parallel_loop3A_267] {strides = array<i32>} : memref<80x64xi32, #tpu.memory_space<vmem>>, vector<16xi32>,
      %parallel_loop3A_269 = vector.bitcast %parallel_loop3A_268 : vector<16xi32> to vector<32xbf16>
      %parallel_loop3A_270 = arith.mulf %parallel_loop3A_265, %parallel_loop3A_269 : vector<32xbf16>
      %parallel_loop3A_271 = tpu.unpack_subelements %parallel_loop3A_270, 0 {pack_format = #tpu.pack_format<interleaved>} : vector<32xbf16> -> vector<16xf32>
      %parallel_loop3A_272 = tpu.unpack_subelements %parallel_loop3A_270, 1 {pack_format = #tpu.pack_format<interleaved>} : vector<32xbf16> -> vector<16xf32>
      %parallel_loop3A_273 = arith.addf %parallel_loop3A_271, %parallel_loop3A_272 : vector<16xf32>
      %parallel_loop3A_274 = arith.index_cast %parallel_loop3A_261 : i32 to index
      %parallel_loop3A_275 = arith.constant 16 : index
      %parallel_loop3A_276 = tpu.vector_load %arg8[%parallel_loop3A_274, %parallel_loop3A_275] {strides = array<i32>} : memref<80x64xi32, #tpu.memory_space<vmem>>, vector<16xi32>,
      %parallel_loop3A_277 = vector.bitcast %parallel_loop3A_276 : vector<16xi32> to vector<32xbf16>
      %parallel_loop3A_278 = arith.index_cast %parallel_loop3A_261 : i32 to index
      %parallel_loop3A_279 = arith.constant 16 : index
      %parallel_loop3A_280 = tpu.vector_load %arg9[%parallel_loop3A_278, %parallel_loop3A_279] {strides = array<i32>} : memref<80x64xi32, #tpu.memory_space<vmem>>, vector<16xi32>,
      %parallel_loop3A_281 = vector.bitcast %parallel_loop3A_280 : vector<16xi32> to vector<32xbf16>
      %parallel_loop3A_282 = arith.mulf %parallel_loop3A_277, %parallel_loop3A_281 : vector<32xbf16>
      %parallel_loop3A_283 = tpu.unpack_subelements %parallel_loop3A_282, 0 {pack_format = #tpu.pack_format<interleaved>} : vector<32xbf16> -> vector<16xf32>
      %parallel_loop3A_284 = tpu.unpack_subelements %parallel_loop3A_282, 1 {pack_format = #tpu.pack_format<interleaved>} : vector<32xbf16> -> vector<16xf32>
      %parallel_loop3A_285 = arith.addf %parallel_loop3A_283, %parallel_loop3A_284 : vector<16xf32>
      %parallel_loop3A_286 = arith.index_cast %parallel_loop3A_261 : i32 to index
      %parallel_loop3A_287 = arith.constant 32 : index
      %parallel_loop3A_288 = tpu.vector_load %arg8[%parallel_loop3A_286, %parallel_loop3A_287] {strides = array<i32>} : memref<80x64xi32, #tpu.memory_space<vmem>>, vector<16xi32>,
      %parallel_loop3A_289 = vector.bitcast %parallel_loop3A_288 : vector<16xi32> to vector<32xbf16>
      %parallel_loop3A_290 = arith.index_cast %parallel_loop3A_261 : i32 to index
      %parallel_loop3A_291 = arith.constant 32 : index
      %parallel_loop3A_292 = tpu.vector_load %arg9[%parallel_loop3A_290, %parallel_loop3A_291] {strides = array<i32>} : memref<80x64xi32, #tpu.memory_space<vmem>>, vector<16xi32>,
      %parallel_loop3A_293 = vector.bitcast %parallel_loop3A_292 : vector<16xi32> to vector<32xbf16>
      %parallel_loop3A_294 = arith.mulf %parallel_loop3A_289, %parallel_loop3A_293 : vector<32xbf16>
      %parallel_loop3A_295 = tpu.unpack_subelements %parallel_loop3A_294, 0 {pack_format = #tpu.pack_format<interleaved>} : vector<32xbf16> -> vector<16xf32>
      %parallel_loop3A_296 = tpu.unpack_subelements %parallel_loop3A_294, 1 {pack_format = #tpu.pack_format<interleaved>} : vector<32xbf16> -> vector<16xf32>
      %parallel_loop3A_297 = arith.addf %parallel_loop3A_295, %parallel_loop3A_296 : vector<16xf32>
      %parallel_loop3A_298 = arith.index_cast %parallel_loop3A_261 : i32 to index
      %parallel_loop3A_299 = arith.constant 48 : index
      %parallel_loop3A_300 = tpu.vector_load %arg8[%parallel_loop3A_298, %parallel_loop3A_299] {strides = array<i32>} : memref<80x64xi32, #tpu.memory_space<vmem>>, vector<16xi32>,
      %parallel_loop3A_301 = vector.bitcast %parallel_loop3A_300 : vector<16xi32> to vector<32xbf16>
      %parallel_loop3A_302 = arith.index_cast %parallel_loop3A_261 : i32 to index
      %parallel_loop3A_303 = arith.constant 48 : index
      %parallel_loop3A_304 = tpu.vector_load %arg9[%parallel_loop3A_302, %parallel_loop3A_303] {strides = array<i32>} : memref<80x64xi32, #tpu.memory_space<vmem>>, vector<16xi32>,
      %parallel_loop3A_305 = vector.bitcast %parallel_loop3A_304 : vector<16xi32> to vector<32xbf16>
      %parallel_loop3A_306 = arith.mulf %parallel_loop3A_301, %parallel_loop3A_305 : vector<32xbf16>
      %parallel_loop3A_307 = tpu.unpack_subelements %parallel_loop3A_306, 0 {pack_format = #tpu.pack_format<interleaved>} : vector<32xbf16> -> vector<16xf32>
      %parallel_loop3A_308 = tpu.unpack_subelements %parallel_loop3A_306, 1 {pack_format = #tpu.pack_format<interleaved>} : vector<32xbf16> -> vector<16xf32>
      %parallel_loop3A_309 = arith.addf %parallel_loop3A_307, %parallel_loop3A_308 : vector<16xf32>
      %parallel_loop3A_310 = arith.addf %parallel_loop3A_273, %parallel_loop3A_285 : vector<16xf32>
      %parallel_loop3A_311 = arith.addf %parallel_loop3A_297, %parallel_loop3A_309 : vector<16xf32>
      %parallel_loop3A_312 = arith.addf %parallel_loop3A_310, %parallel_loop3A_311 : vector<16xf32>
      %parallel_loop3A_313 = arith.constant 16 : i32
      %parallel_loop3A_314 = arith.muli %parallel_loop3A_37, %parallel_loop3A_313 : i32
      %parallel_loop3A_315 = arith.constant 5 : i32
      %parallel_loop3A_316 = arith.addi %parallel_loop3A_314, %parallel_loop3A_315 : i32
      %parallel_loop3A_317 = arith.index_cast %parallel_loop3A_316 : i32 to index
      %parallel_loop3A_318 = arith.constant 0 : index
      %parallel_loop3A_319 = tpu.vector_load %arg8[%parallel_loop3A_317, %parallel_loop3A_318] {strides = array<i32>} : memref<80x64xi32, #tpu.memory_space<vmem>>, vector<16xi32>,
      %parallel_loop3A_320 = vector.bitcast %parallel_loop3A_319 : vector<16xi32> to vector<32xbf16>
      %parallel_loop3A_321 = arith.index_cast %parallel_loop3A_316 : i32 to index
      %parallel_loop3A_322 = arith.constant 0 : index
      %parallel_loop3A_323 = tpu.vector_load %arg9[%parallel_loop3A_321, %parallel_loop3A_322] {strides = array<i32>} : memref<80x64xi32, #tpu.memory_space<vmem>>, vector<16xi32>,
      %parallel_loop3A_324 = vector.bitcast %parallel_loop3A_323 : vector<16xi32> to vector<32xbf16>
      %parallel_loop3A_325 = arith.mulf %parallel_loop3A_320, %parallel_loop3A_324 : vector<32xbf16>
      %parallel_loop3A_326 = tpu.unpack_subelements %parallel_loop3A_325, 0 {pack_format = #tpu.pack_format<interleaved>} : vector<32xbf16> -> vector<16xf32>
      %parallel_loop3A_327 = tpu.unpack_subelements %parallel_loop3A_325, 1 {pack_format = #tpu.pack_format<interleaved>} : vector<32xbf16> -> vector<16xf32>
      %parallel_loop3A_328 = arith.addf %parallel_loop3A_326, %parallel_loop3A_327 : vector<16xf32>
      %parallel_loop3A_329 = arith.index_cast %parallel_loop3A_316 : i32 to index
      %parallel_loop3A_330 = arith.constant 16 : index
      %parallel_loop3A_331 = tpu.vector_load %arg8[%parallel_loop3A_329, %parallel_loop3A_330] {strides = array<i32>} : memref<80x64xi32, #tpu.memory_space<vmem>>, vector<16xi32>,
      %parallel_loop3A_332 = vector.bitcast %parallel_loop3A_331 : vector<16xi32> to vector<32xbf16>
      %parallel_loop3A_333 = arith.index_cast %parallel_loop3A_316 : i32 to index
      %parallel_loop3A_334 = arith.constant 16 : index
      %parallel_loop3A_335 = tpu.vector_load %arg9[%parallel_loop3A_333, %parallel_loop3A_334] {strides = array<i32>} : memref<80x64xi32, #tpu.memory_space<vmem>>, vector<16xi32>,
      %parallel_loop3A_336 = vector.bitcast %parallel_loop3A_335 : vector<16xi32> to vector<32xbf16>
      %parallel_loop3A_337 = arith.mulf %parallel_loop3A_332, %parallel_loop3A_336 : vector<32xbf16>
      %parallel_loop3A_338 = tpu.unpack_subelements %parallel_loop3A_337, 0 {pack_format = #tpu.pack_format<interleaved>} : vector<32xbf16> -> vector<16xf32>
      %parallel_loop3A_339 = tpu.unpack_subelements %parallel_loop3A_337, 1 {pack_format = #tpu.pack_format<interleaved>} : vector<32xbf16> -> vector<16xf32>
      %parallel_loop3A_340 = arith.addf %parallel_loop3A_338, %parallel_loop3A_339 : vector<16xf32>
      %parallel_loop3A_341 = arith.index_cast %parallel_loop3A_316 : i32 to index
      %parallel_loop3A_342 = arith.constant 32 : index
      %parallel_loop3A_343 = tpu.vector_load %arg8[%parallel_loop3A_341, %parallel_loop3A_342] {strides = array<i32>} : memref<80x64xi32, #tpu.memory_space<vmem>>, vector<16xi32>,
      %parallel_loop3A_344 = vector.bitcast %parallel_loop3A_343 : vector<16xi32> to vector<32xbf16>
      %parallel_loop3A_345 = arith.index_cast %parallel_loop3A_316 : i32 to index
      %parallel_loop3A_346 = arith.constant 32 : index
      %parallel_loop3A_347 = tpu.vector_load %arg9[%parallel_loop3A_345, %parallel_loop3A_346] {strides = array<i32>} : memref<80x64xi32, #tpu.memory_space<vmem>>, vector<16xi32>,
      %parallel_loop3A_348 = vector.bitcast %parallel_loop3A_347 : vector<16xi32> to vector<32xbf16>
      %parallel_loop3A_349 = arith.mulf %parallel_loop3A_344, %parallel_loop3A_348 : vector<32xbf16>
      %parallel_loop3A_350 = tpu.unpack_subelements %parallel_loop3A_349, 0 {pack_format = #tpu.pack_format<interleaved>} : vector<32xbf16> -> vector<16xf32>
      %parallel_loop3A_351 = tpu.unpack_subelements %parallel_loop3A_349, 1 {pack_format = #tpu.pack_format<interleaved>} : vector<32xbf16> -> vector<16xf32>
      %parallel_loop3A_352 = arith.addf %parallel_loop3A_350, %parallel_loop3A_351 : vector<16xf32>
      %parallel_loop3A_353 = arith.index_cast %parallel_loop3A_316 : i32 to index
      %parallel_loop3A_354 = arith.constant 48 : index
      %parallel_loop3A_355 = tpu.vector_load %arg8[%parallel_loop3A_353, %parallel_loop3A_354] {strides = array<i32>} : memref<80x64xi32, #tpu.memory_space<vmem>>, vector<16xi32>,
      %parallel_loop3A_356 = vector.bitcast %parallel_loop3A_355 : vector<16xi32> to vector<32xbf16>
      %parallel_loop3A_357 = arith.index_cast %parallel_loop3A_316 : i32 to index
      %parallel_loop3A_358 = arith.constant 48 : index
      %parallel_loop3A_359 = tpu.vector_load %arg9[%parallel_loop3A_357, %parallel_loop3A_358] {strides = array<i32>} : memref<80x64xi32, #tpu.memory_space<vmem>>, vector<16xi32>,
      %parallel_loop3A_360 = vector.bitcast %parallel_loop3A_359 : vector<16xi32> to vector<32xbf16>
      %parallel_loop3A_361 = arith.mulf %parallel_loop3A_356, %parallel_loop3A_360 : vector<32xbf16>
      %parallel_loop3A_362 = tpu.unpack_subelements %parallel_loop3A_361, 0 {pack_format = #tpu.pack_format<interleaved>} : vector<32xbf16> -> vector<16xf32>
      %parallel_loop3A_363 = tpu.unpack_subelements %parallel_loop3A_361, 1 {pack_format = #tpu.pack_format<interleaved>} : vector<32xbf16> -> vector<16xf32>
      %parallel_loop3A_364 = arith.addf %parallel_loop3A_362, %parallel_loop3A_363 : vector<16xf32>
      %parallel_loop3A_365 = arith.addf %parallel_loop3A_328, %parallel_loop3A_340 : vector<16xf32>
      %parallel_loop3A_366 = arith.addf %parallel_loop3A_352, %parallel_loop3A_364 : vector<16xf32>
      %parallel_loop3A_367 = arith.addf %parallel_loop3A_365, %parallel_loop3A_366 : vector<16xf32>
      %parallel_loop3A_368 = arith.constant 16 : i32
      %parallel_loop3A_369 = arith.muli %parallel_loop3A_37, %parallel_loop3A_368 : i32
      %parallel_loop3A_370 = arith.constant 6 : i32
      %parallel_loop3A_371 = arith.addi %parallel_loop3A_369, %parallel_loop3A_370 : i32
      %parallel_loop3A_372 = arith.index_cast %parallel_loop3A_371 : i32 to index
      %parallel_loop3A_373 = arith.constant 0 : index
      %parallel_loop3A_374 = tpu.vector_load %arg8[%parallel_loop3A_372, %parallel_loop3A_373] {strides = array<i32>} : memref<80x64xi32, #tpu.memory_space<vmem>>, vector<16xi32>,
      %parallel_loop3A_375 = vector.bitcast %parallel_loop3A_374 : vector<16xi32> to vector<32xbf16>
      %parallel_loop3A_376 = arith.index_cast %parallel_loop3A_371 : i32 to index
      %parallel_loop3A_377 = arith.constant 0 : index
      %parallel_loop3A_378 = tpu.vector_load %arg9[%parallel_loop3A_376, %parallel_loop3A_377] {strides = array<i32>} : memref<80x64xi32, #tpu.memory_space<vmem>>, vector<16xi32>,
      %parallel_loop3A_379 = vector.bitcast %parallel_loop3A_378 : vector<16xi32> to vector<32xbf16>
      %parallel_loop3A_380 = arith.mulf %parallel_loop3A_375, %parallel_loop3A_379 : vector<32xbf16>
      %parallel_loop3A_381 = tpu.unpack_subelements %parallel_loop3A_380, 0 {pack_format = #tpu.pack_format<interleaved>} : vector<32xbf16> -> vector<16xf32>
      %parallel_loop3A_382 = tpu.unpack_subelements %parallel_loop3A_380, 1 {pack_format = #tpu.pack_format<interleaved>} : vector<32xbf16> -> vector<16xf32>
      %parallel_loop3A_383 = arith.addf %parallel_loop3A_381, %parallel_loop3A_382 : vector<16xf32>
      %parallel_loop3A_384 = arith.index_cast %parallel_loop3A_371 : i32 to index
      %parallel_loop3A_385 = arith.constant 16 : index
      %parallel_loop3A_386 = tpu.vector_load %arg8[%parallel_loop3A_384, %parallel_loop3A_385] {strides = array<i32>} : memref<80x64xi32, #tpu.memory_space<vmem>>, vector<16xi32>,
      %parallel_loop3A_387 = vector.bitcast %parallel_loop3A_386 : vector<16xi32> to vector<32xbf16>
      %parallel_loop3A_388 = arith.index_cast %parallel_loop3A_371 : i32 to index
      %parallel_loop3A_389 = arith.constant 16 : index
      %parallel_loop3A_390 = tpu.vector_load %arg9[%parallel_loop3A_388, %parallel_loop3A_389] {strides = array<i32>} : memref<80x64xi32, #tpu.memory_space<vmem>>, vector<16xi32>,
      %parallel_loop3A_391 = vector.bitcast %parallel_loop3A_390 : vector<16xi32> to vector<32xbf16>
      %parallel_loop3A_392 = arith.mulf %parallel_loop3A_387, %parallel_loop3A_391 : vector<32xbf16>
      %parallel_loop3A_393 = tpu.unpack_subelements %parallel_loop3A_392, 0 {pack_format = #tpu.pack_format<interleaved>} : vector<32xbf16> -> vector<16xf32>
      %parallel_loop3A_394 = tpu.unpack_subelements %parallel_loop3A_392, 1 {pack_format = #tpu.pack_format<interleaved>} : vector<32xbf16> -> vector<16xf32>
      %parallel_loop3A_395 = arith.addf %parallel_loop3A_393, %parallel_loop3A_394 : vector<16xf32>
      %parallel_loop3A_396 = arith.index_cast %parallel_loop3A_371 : i32 to index
      %parallel_loop3A_397 = arith.constant 32 : index
      %parallel_loop3A_398 = tpu.vector_load %arg8[%parallel_loop3A_396, %parallel_loop3A_397] {strides = array<i32>} : memref<80x64xi32, #tpu.memory_space<vmem>>, vector<16xi32>,
      %parallel_loop3A_399 = vector.bitcast %parallel_loop3A_398 : vector<16xi32> to vector<32xbf16>
      %parallel_loop3A_400 = arith.index_cast %parallel_loop3A_371 : i32 to index
      %parallel_loop3A_401 = arith.constant 32 : index
      %parallel_loop3A_402 = tpu.vector_load %arg9[%parallel_loop3A_400, %parallel_loop3A_401] {strides = array<i32>} : memref<80x64xi32, #tpu.memory_space<vmem>>, vector<16xi32>,
      %parallel_loop3A_403 = vector.bitcast %parallel_loop3A_402 : vector<16xi32> to vector<32xbf16>
      %parallel_loop3A_404 = arith.mulf %parallel_loop3A_399, %parallel_loop3A_403 : vector<32xbf16>
      %parallel_loop3A_405 = tpu.unpack_subelements %parallel_loop3A_404, 0 {pack_format = #tpu.pack_format<interleaved>} : vector<32xbf16> -> vector<16xf32>
      %parallel_loop3A_406 = tpu.unpack_subelements %parallel_loop3A_404, 1 {pack_format = #tpu.pack_format<interleaved>} : vector<32xbf16> -> vector<16xf32>
      %parallel_loop3A_407 = arith.addf %parallel_loop3A_405, %parallel_loop3A_406 : vector<16xf32>
      %parallel_loop3A_408 = arith.index_cast %parallel_loop3A_371 : i32 to index
      %parallel_loop3A_409 = arith.constant 48 : index
      %parallel_loop3A_410 = tpu.vector_load %arg8[%parallel_loop3A_408, %parallel_loop3A_409] {strides = array<i32>} : memref<80x64xi32, #tpu.memory_space<vmem>>, vector<16xi32>,
      %parallel_loop3A_411 = vector.bitcast %parallel_loop3A_410 : vector<16xi32> to vector<32xbf16>
      %parallel_loop3A_412 = arith.index_cast %parallel_loop3A_371 : i32 to index
      %parallel_loop3A_413 = arith.constant 48 : index
      %parallel_loop3A_414 = tpu.vector_load %arg9[%parallel_loop3A_412, %parallel_loop3A_413] {strides = array<i32>} : memref<80x64xi32, #tpu.memory_space<vmem>>, vector<16xi32>,
      %parallel_loop3A_415 = vector.bitcast %parallel_loop3A_414 : vector<16xi32> to vector<32xbf16>
      %parallel_loop3A_416 = arith.mulf %parallel_loop3A_411, %parallel_loop3A_415 : vector<32xbf16>
      %parallel_loop3A_417 = tpu.unpack_subelements %parallel_loop3A_416, 0 {pack_format = #tpu.pack_format<interleaved>} : vector<32xbf16> -> vector<16xf32>
      %parallel_loop3A_418 = tpu.unpack_subelements %parallel_loop3A_416, 1 {pack_format = #tpu.pack_format<interleaved>} : vector<32xbf16> -> vector<16xf32>
      %parallel_loop3A_419 = arith.addf %parallel_loop3A_417, %parallel_loop3A_418 : vector<16xf32>
      %parallel_loop3A_420 = arith.addf %parallel_loop3A_383, %parallel_loop3A_395 : vector<16xf32>
      %parallel_loop3A_421 = arith.addf %parallel_loop3A_407, %parallel_loop3A_419 : vector<16xf32>
      %parallel_loop3A_422 = arith.addf %parallel_loop3A_420, %parallel_loop3A_421 : vector<16xf32>
      %parallel_loop3A_423 = arith.constant 16 : i32
      %parallel_loop3A_424 = arith.muli %parallel_loop3A_37, %parallel_loop3A_423 : i32
      %parallel_loop3A_425 = arith.constant 7 : i32
      %parallel_loop3A_426 = arith.addi %parallel_loop3A_424, %parallel_loop3A_425 : i32
      %parallel_loop3A_427 = arith.index_cast %parallel_loop3A_426 : i32 to index
      %parallel_loop3A_428 = arith.constant 0 : index
      %parallel_loop3A_429 = tpu.vector_load %arg8[%parallel_loop3A_427, %parallel_loop3A_428] {strides = array<i32>} : memref<80x64xi32, #tpu.memory_space<vmem>>, vector<16xi32>,
      %parallel_loop3A_430 = vector.bitcast %parallel_loop3A_429 : vector<16xi32> to vector<32xbf16>
      %parallel_loop3A_431 = arith.index_cast %parallel_loop3A_426 : i32 to index
      %parallel_loop3A_432 = arith.constant 0 : index
      %parallel_loop3A_433 = tpu.vector_load %arg9[%parallel_loop3A_431, %parallel_loop3A_432] {strides = array<i32>} : memref<80x64xi32, #tpu.memory_space<vmem>>, vector<16xi32>,
      %parallel_loop3A_434 = vector.bitcast %parallel_loop3A_433 : vector<16xi32> to vector<32xbf16>
      %parallel_loop3A_435 = arith.mulf %parallel_loop3A_430, %parallel_loop3A_434 : vector<32xbf16>
      %parallel_loop3A_436 = tpu.unpack_subelements %parallel_loop3A_435, 0 {pack_format = #tpu.pack_format<interleaved>} : vector<32xbf16> -> vector<16xf32>
      %parallel_loop3A_437 = tpu.unpack_subelements %parallel_loop3A_435, 1 {pack_format = #tpu.pack_format<interleaved>} : vector<32xbf16> -> vector<16xf32>
      %parallel_loop3A_438 = arith.addf %parallel_loop3A_436, %parallel_loop3A_437 : vector<16xf32>
      %parallel_loop3A_439 = arith.index_cast %parallel_loop3A_426 : i32 to index
      %parallel_loop3A_440 = arith.constant 16 : index
      %parallel_loop3A_441 = tpu.vector_load %arg8[%parallel_loop3A_439, %parallel_loop3A_440] {strides = array<i32>} : memref<80x64xi32, #tpu.memory_space<vmem>>, vector<16xi32>,
      %parallel_loop3A_442 = vector.bitcast %parallel_loop3A_441 : vector<16xi32> to vector<32xbf16>
      %parallel_loop3A_443 = arith.index_cast %parallel_loop3A_426 : i32 to index
      %parallel_loop3A_444 = arith.constant 16 : index
      %parallel_loop3A_445 = tpu.vector_load %arg9[%parallel_loop3A_443, %parallel_loop3A_444] {strides = array<i32>} : memref<80x64xi32, #tpu.memory_space<vmem>>, vector<16xi32>,
      %parallel_loop3A_446 = vector.bitcast %parallel_loop3A_445 : vector<16xi32> to vector<32xbf16>
      %parallel_loop3A_447 = arith.mulf %parallel_loop3A_442, %parallel_loop3A_446 : vector<32xbf16>
      %parallel_loop3A_448 = tpu.unpack_subelements %parallel_loop3A_447, 0 {pack_format = #tpu.pack_format<interleaved>} : vector<32xbf16> -> vector<16xf32>
      %parallel_loop3A_449 = tpu.unpack_subelements %parallel_loop3A_447, 1 {pack_format = #tpu.pack_format<interleaved>} : vector<32xbf16> -> vector<16xf32>
      %parallel_loop3A_450 = arith.addf %parallel_loop3A_448, %parallel_loop3A_449 : vector<16xf32>
      %parallel_loop3A_451 = arith.index_cast %parallel_loop3A_426 : i32 to index
      %parallel_loop3A_452 = arith.constant 32 : index
      %parallel_loop3A_453 = tpu.vector_load %arg8[%parallel_loop3A_451, %parallel_loop3A_452] {strides = array<i32>} : memref<80x64xi32, #tpu.memory_space<vmem>>, vector<16xi32>,
      %parallel_loop3A_454 = vector.bitcast %parallel_loop3A_453 : vector<16xi32> to vector<32xbf16>
      %parallel_loop3A_455 = arith.index_cast %parallel_loop3A_426 : i32 to index
      %parallel_loop3A_456 = arith.constant 32 : index
      %parallel_loop3A_457 = tpu.vector_load %arg9[%parallel_loop3A_455, %parallel_loop3A_456] {strides = array<i32>} : memref<80x64xi32, #tpu.memory_space<vmem>>, vector<16xi32>,
      %parallel_loop3A_458 = vector.bitcast %parallel_loop3A_457 : vector<16xi32> to vector<32xbf16>
      %parallel_loop3A_459 = arith.mulf %parallel_loop3A_454, %parallel_loop3A_458 : vector<32xbf16>
      %parallel_loop3A_460 = tpu.unpack_subelements %parallel_loop3A_459, 0 {pack_format = #tpu.pack_format<interleaved>} : vector<32xbf16> -> vector<16xf32>
      %parallel_loop3A_461 = tpu.unpack_subelements %parallel_loop3A_459, 1 {pack_format = #tpu.pack_format<interleaved>} : vector<32xbf16> -> vector<16xf32>
      %parallel_loop3A_462 = arith.addf %parallel_loop3A_460, %parallel_loop3A_461 : vector<16xf32>
      %parallel_loop3A_463 = arith.index_cast %parallel_loop3A_426 : i32 to index
      %parallel_loop3A_464 = arith.constant 48 : index
      %parallel_loop3A_465 = tpu.vector_load %arg8[%parallel_loop3A_463, %parallel_loop3A_464] {strides = array<i32>} : memref<80x64xi32, #tpu.memory_space<vmem>>, vector<16xi32>,
      %parallel_loop3A_466 = vector.bitcast %parallel_loop3A_465 : vector<16xi32> to vector<32xbf16>
      %parallel_loop3A_467 = arith.index_cast %parallel_loop3A_426 : i32 to index
      %parallel_loop3A_468 = arith.constant 48 : index
      %parallel_loop3A_469 = tpu.vector_load %arg9[%parallel_loop3A_467, %parallel_loop3A_468] {strides = array<i32>} : memref<80x64xi32, #tpu.memory_space<vmem>>, vector<16xi32>,
      %parallel_loop3A_470 = vector.bitcast %parallel_loop3A_469 : vector<16xi32> to vector<32xbf16>
      %parallel_loop3A_471 = arith.mulf %parallel_loop3A_466, %parallel_loop3A_470 : vector<32xbf16>
      %parallel_loop3A_472 = tpu.unpack_subelements %parallel_loop3A_471, 0 {pack_format = #tpu.pack_format<interleaved>} : vector<32xbf16> -> vector<16xf32>
      %parallel_loop3A_473 = tpu.unpack_subelements %parallel_loop3A_471, 1 {pack_format = #tpu.pack_format<interleaved>} : vector<32xbf16> -> vector<16xf32>
      %parallel_loop3A_474 = arith.addf %parallel_loop3A_472, %parallel_loop3A_473 : vector<16xf32>
      %parallel_loop3A_475 = arith.addf %parallel_loop3A_438, %parallel_loop3A_450 : vector<16xf32>
      %parallel_loop3A_476 = arith.addf %parallel_loop3A_462, %parallel_loop3A_474 : vector<16xf32>
      %parallel_loop3A_477 = arith.addf %parallel_loop3A_475, %parallel_loop3A_476 : vector<16xf32>
      %parallel_loop3A_478 = arith.constant 16 : i32
      %parallel_loop3A_479 = arith.muli %parallel_loop3A_37, %parallel_loop3A_478 : i32
      %parallel_loop3A_480 = arith.constant 8 : i32
      %parallel_loop3A_481 = arith.addi %parallel_loop3A_479, %parallel_loop3A_480 : i32
      %parallel_loop3A_482 = arith.index_cast %parallel_loop3A_481 : i32 to index
      %parallel_loop3A_483 = arith.constant 0 : index
      %parallel_loop3A_484 = tpu.vector_load %arg8[%parallel_loop3A_482, %parallel_loop3A_483] {strides = array<i32>} : memref<80x64xi32, #tpu.memory_space<vmem>>, vector<16xi32>,
      %parallel_loop3A_485 = vector.bitcast %parallel_loop3A_484 : vector<16xi32> to vector<32xbf16>
      %parallel_loop3A_486 = arith.index_cast %parallel_loop3A_481 : i32 to index
      %parallel_loop3A_487 = arith.constant 0 : index
      %parallel_loop3A_488 = tpu.vector_load %arg9[%parallel_loop3A_486, %parallel_loop3A_487] {strides = array<i32>} : memref<80x64xi32, #tpu.memory_space<vmem>>, vector<16xi32>,
      %parallel_loop3A_489 = vector.bitcast %parallel_loop3A_488 : vector<16xi32> to vector<32xbf16>
      %parallel_loop3A_490 = arith.mulf %parallel_loop3A_485, %parallel_loop3A_489 : vector<32xbf16>
      %parallel_loop3A_491 = tpu.unpack_subelements %parallel_loop3A_490, 0 {pack_format = #tpu.pack_format<interleaved>} : vector<32xbf16> -> vector<16xf32>
      %parallel_loop3A_492 = tpu.unpack_subelements %parallel_loop3A_490, 1 {pack_format = #tpu.pack_format<interleaved>} : vector<32xbf16> -> vector<16xf32>
      %parallel_loop3A_493 = arith.addf %parallel_loop3A_491, %parallel_loop3A_492 : vector<16xf32>
      %parallel_loop3A_494 = arith.index_cast %parallel_loop3A_481 : i32 to index
      %parallel_loop3A_495 = arith.constant 16 : index
      %parallel_loop3A_496 = tpu.vector_load %arg8[%parallel_loop3A_494, %parallel_loop3A_495] {strides = array<i32>} : memref<80x64xi32, #tpu.memory_space<vmem>>, vector<16xi32>,
      %parallel_loop3A_497 = vector.bitcast %parallel_loop3A_496 : vector<16xi32> to vector<32xbf16>
      %parallel_loop3A_498 = arith.index_cast %parallel_loop3A_481 : i32 to index
      %parallel_loop3A_499 = arith.constant 16 : index
      %parallel_loop3A_500 = tpu.vector_load %arg9[%parallel_loop3A_498, %parallel_loop3A_499] {strides = array<i32>} : memref<80x64xi32, #tpu.memory_space<vmem>>, vector<16xi32>,
      %parallel_loop3A_501 = vector.bitcast %parallel_loop3A_500 : vector<16xi32> to vector<32xbf16>
      %parallel_loop3A_502 = arith.mulf %parallel_loop3A_497, %parallel_loop3A_501 : vector<32xbf16>
      %parallel_loop3A_503 = tpu.unpack_subelements %parallel_loop3A_502, 0 {pack_format = #tpu.pack_format<interleaved>} : vector<32xbf16> -> vector<16xf32>
      %parallel_loop3A_504 = tpu.unpack_subelements %parallel_loop3A_502, 1 {pack_format = #tpu.pack_format<interleaved>} : vector<32xbf16> -> vector<16xf32>
      %parallel_loop3A_505 = arith.addf %parallel_loop3A_503, %parallel_loop3A_504 : vector<16xf32>
      %parallel_loop3A_506 = arith.index_cast %parallel_loop3A_481 : i32 to index
      %parallel_loop3A_507 = arith.constant 32 : index
      %parallel_loop3A_508 = tpu.vector_load %arg8[%parallel_loop3A_506, %parallel_loop3A_507] {strides = array<i32>} : memref<80x64xi32, #tpu.memory_space<vmem>>, vector<16xi32>,
      %parallel_loop3A_509 = vector.bitcast %parallel_loop3A_508 : vector<16xi32> to vector<32xbf16>
      %parallel_loop3A_510 = arith.index_cast %parallel_loop3A_481 : i32 to index
      %parallel_loop3A_511 = arith.constant 32 : index
      %parallel_loop3A_512 = tpu.vector_load %arg9[%parallel_loop3A_510, %parallel_loop3A_511] {strides = array<i32>} : memref<80x64xi32, #tpu.memory_space<vmem>>, vector<16xi32>,
      %parallel_loop3A_513 = vector.bitcast %parallel_loop3A_512 : vector<16xi32> to vector<32xbf16>
      %parallel_loop3A_514 = arith.mulf %parallel_loop3A_509, %parallel_loop3A_513 : vector<32xbf16>
      %parallel_loop3A_515 = tpu.unpack_subelements %parallel_loop3A_514, 0 {pack_format = #tpu.pack_format<interleaved>} : vector<32xbf16> -> vector<16xf32>
      %parallel_loop3A_516 = tpu.unpack_subelements %parallel_loop3A_514, 1 {pack_format = #tpu.pack_format<interleaved>} : vector<32xbf16> -> vector<16xf32>
      %parallel_loop3A_517 = arith.addf %parallel_loop3A_515, %parallel_loop3A_516 : vector<16xf32>
      %parallel_loop3A_518 = arith.index_cast %parallel_loop3A_481 : i32 to index
      %parallel_loop3A_519 = arith.constant 48 : index
      %parallel_loop3A_520 = tpu.vector_load %arg8[%parallel_loop3A_518, %parallel_loop3A_519] {strides = array<i32>} : memref<80x64xi32, #tpu.memory_space<vmem>>, vector<16xi32>,
      %parallel_loop3A_521 = vector.bitcast %parallel_loop3A_520 : vector<16xi32> to vector<32xbf16>
      %parallel_loop3A_522 = arith.index_cast %parallel_loop3A_481 : i32 to index
      %parallel_loop3A_523 = arith.constant 48 : index
      %parallel_loop3A_524 = tpu.vector_load %arg9[%parallel_loop3A_522, %parallel_loop3A_523] {strides = array<i32>} : memref<80x64xi32, #tpu.memory_space<vmem>>, vector<16xi32>,
      %parallel_loop3A_525 = vector.bitcast %parallel_loop3A_524 : vector<16xi32> to vector<32xbf16>
      %parallel_loop3A_526 = arith.mulf %parallel_loop3A_521, %parallel_loop3A_525 : vector<32xbf16>
      %parallel_loop3A_527 = tpu.unpack_subelements %parallel_loop3A_526, 0 {pack_format = #tpu.pack_format<interleaved>} : vector<32xbf16> -> vector<16xf32>
      %parallel_loop3A_528 = tpu.unpack_subelements %parallel_loop3A_526, 1 {pack_format = #tpu.pack_format<interleaved>} : vector<32xbf16> -> vector<16xf32>
      %parallel_loop3A_529 = arith.addf %parallel_loop3A_527, %parallel_loop3A_528 : vector<16xf32>
      %parallel_loop3A_530 = arith.addf %parallel_loop3A_493, %parallel_loop3A_505 : vector<16xf32>
      %parallel_loop3A_531 = arith.addf %parallel_loop3A_517, %parallel_loop3A_529 : vector<16xf32>
      %parallel_loop3A_532 = arith.addf %parallel_loop3A_530, %parallel_loop3A_531 : vector<16xf32>
      %parallel_loop3A_533 = arith.constant 16 : i32
      %parallel_loop3A_534 = arith.muli %parallel_loop3A_37, %parallel_loop3A_533 : i32
      %parallel_loop3A_535 = arith.constant 9 : i32
      %parallel_loop3A_536 = arith.addi %parallel_loop3A_534, %parallel_loop3A_535 : i32
      %parallel_loop3A_537 = arith.index_cast %parallel_loop3A_536 : i32 to index
      %parallel_loop3A_538 = arith.constant 0 : index
      %parallel_loop3A_539 = tpu.vector_load %arg8[%parallel_loop3A_537, %parallel_loop3A_538] {strides = array<i32>} : memref<80x64xi32, #tpu.memory_space<vmem>>, vector<16xi32>,
      %parallel_loop3A_540 = vector.bitcast %parallel_loop3A_539 : vector<16xi32> to vector<32xbf16>
      %parallel_loop3A_541 = arith.index_cast %parallel_loop3A_536 : i32 to index
      %parallel_loop3A_542 = arith.constant 0 : index
      %parallel_loop3A_543 = tpu.vector_load %arg9[%parallel_loop3A_541, %parallel_loop3A_542] {strides = array<i32>} : memref<80x64xi32, #tpu.memory_space<vmem>>, vector<16xi32>,
      %parallel_loop3A_544 = vector.bitcast %parallel_loop3A_543 : vector<16xi32> to vector<32xbf16>
      %parallel_loop3A_545 = arith.mulf %parallel_loop3A_540, %parallel_loop3A_544 : vector<32xbf16>
      %parallel_loop3A_546 = tpu.unpack_subelements %parallel_loop3A_545, 0 {pack_format = #tpu.pack_format<interleaved>} : vector<32xbf16> -> vector<16xf32>
      %parallel_loop3A_547 = tpu.unpack_subelements %parallel_loop3A_545, 1 {pack_format = #tpu.pack_format<interleaved>} : vector<32xbf16> -> vector<16xf32>
      %parallel_loop3A_548 = arith.addf %parallel_loop3A_546, %parallel_loop3A_547 : vector<16xf32>
      %parallel_loop3A_549 = arith.index_cast %parallel_loop3A_536 : i32 to index
      %parallel_loop3A_550 = arith.constant 16 : index
      %parallel_loop3A_551 = tpu.vector_load %arg8[%parallel_loop3A_549, %parallel_loop3A_550] {strides = array<i32>} : memref<80x64xi32, #tpu.memory_space<vmem>>, vector<16xi32>,
      %parallel_loop3A_552 = vector.bitcast %parallel_loop3A_551 : vector<16xi32> to vector<32xbf16>
      %parallel_loop3A_553 = arith.index_cast %parallel_loop3A_536 : i32 to index
      %parallel_loop3A_554 = arith.constant 16 : index
      %parallel_loop3A_555 = tpu.vector_load %arg9[%parallel_loop3A_553, %parallel_loop3A_554] {strides = array<i32>} : memref<80x64xi32, #tpu.memory_space<vmem>>, vector<16xi32>,
      %parallel_loop3A_556 = vector.bitcast %parallel_loop3A_555 : vector<16xi32> to vector<32xbf16>
      %parallel_loop3A_557 = arith.mulf %parallel_loop3A_552, %parallel_loop3A_556 : vector<32xbf16>
      %parallel_loop3A_558 = tpu.unpack_subelements %parallel_loop3A_557, 0 {pack_format = #tpu.pack_format<interleaved>} : vector<32xbf16> -> vector<16xf32>
      %parallel_loop3A_559 = tpu.unpack_subelements %parallel_loop3A_557, 1 {pack_format = #tpu.pack_format<interleaved>} : vector<32xbf16> -> vector<16xf32>
      %parallel_loop3A_560 = arith.addf %parallel_loop3A_558, %parallel_loop3A_559 : vector<16xf32>
      %parallel_loop3A_561 = arith.index_cast %parallel_loop3A_536 : i32 to index
      %parallel_loop3A_562 = arith.constant 32 : index
      %parallel_loop3A_563 = tpu.vector_load %arg8[%parallel_loop3A_561, %parallel_loop3A_562] {strides = array<i32>} : memref<80x64xi32, #tpu.memory_space<vmem>>, vector<16xi32>,
      %parallel_loop3A_564 = vector.bitcast %parallel_loop3A_563 : vector<16xi32> to vector<32xbf16>
      %parallel_loop3A_565 = arith.index_cast %parallel_loop3A_536 : i32 to index
      %parallel_loop3A_566 = arith.constant 32 : index
      %parallel_loop3A_567 = tpu.vector_load %arg9[%parallel_loop3A_565, %parallel_loop3A_566] {strides = array<i32>} : memref<80x64xi32, #tpu.memory_space<vmem>>, vector<16xi32>,
      %parallel_loop3A_568 = vector.bitcast %parallel_loop3A_567 : vector<16xi32> to vector<32xbf16>
      %parallel_loop3A_569 = arith.mulf %parallel_loop3A_564, %parallel_loop3A_568 : vector<32xbf16>
      %parallel_loop3A_570 = tpu.unpack_subelements %parallel_loop3A_569, 0 {pack_format = #tpu.pack_format<interleaved>} : vector<32xbf16> -> vector<16xf32>
      %parallel_loop3A_571 = tpu.unpack_subelements %parallel_loop3A_569, 1 {pack_format = #tpu.pack_format<interleaved>} : vector<32xbf16> -> vector<16xf32>
      %parallel_loop3A_572 = arith.addf %parallel_loop3A_570, %parallel_loop3A_571 : vector<16xf32>
      %parallel_loop3A_573 = arith.index_cast %parallel_loop3A_536 : i32 to index
      %parallel_loop3A_574 = arith.constant 48 : index
      %parallel_loop3A_575 = tpu.vector_load %arg8[%parallel_loop3A_573, %parallel_loop3A_574] {strides = array<i32>} : memref<80x64xi32, #tpu.memory_space<vmem>>, vector<16xi32>,
      %parallel_loop3A_576 = vector.bitcast %parallel_loop3A_575 : vector<16xi32> to vector<32xbf16>
      %parallel_loop3A_577 = arith.index_cast %parallel_loop3A_536 : i32 to index
      %parallel_loop3A_578 = arith.constant 48 : index
      %parallel_loop3A_579 = tpu.vector_load %arg9[%parallel_loop3A_577, %parallel_loop3A_578] {strides = array<i32>} : memref<80x64xi32, #tpu.memory_space<vmem>>, vector<16xi32>,
      %parallel_loop3A_580 = vector.bitcast %parallel_loop3A_579 : vector<16xi32> to vector<32xbf16>
      %parallel_loop3A_581 = arith.mulf %parallel_loop3A_576, %parallel_loop3A_580 : vector<32xbf16>
      %parallel_loop3A_582 = tpu.unpack_subelements %parallel_loop3A_581, 0 {pack_format = #tpu.pack_format<interleaved>} : vector<32xbf16> -> vector<16xf32>
      %parallel_loop3A_583 = tpu.unpack_subelements %parallel_loop3A_581, 1 {pack_format = #tpu.pack_format<interleaved>} : vector<32xbf16> -> vector<16xf32>
      %parallel_loop3A_584 = arith.addf %parallel_loop3A_582, %parallel_loop3A_583 : vector<16xf32>
      %parallel_loop3A_585 = arith.addf %parallel_loop3A_548, %parallel_loop3A_560 : vector<16xf32>
      %parallel_loop3A_586 = arith.addf %parallel_loop3A_572, %parallel_loop3A_584 : vector<16xf32>
      %parallel_loop3A_587 = arith.addf %parallel_loop3A_585, %parallel_loop3A_586 : vector<16xf32>
      %parallel_loop3A_588 = arith.constant 16 : i32
      %parallel_loop3A_589 = arith.muli %parallel_loop3A_37, %parallel_loop3A_588 : i32
      %parallel_loop3A_590 = arith.constant 10 : i32
      %parallel_loop3A_591 = arith.addi %parallel_loop3A_589, %parallel_loop3A_590 : i32
      %parallel_loop3A_592 = arith.index_cast %parallel_loop3A_591 : i32 to index
      %parallel_loop3A_593 = arith.constant 0 : index
      %parallel_loop3A_594 = tpu.vector_load %arg8[%parallel_loop3A_592, %parallel_loop3A_593] {strides = array<i32>} : memref<80x64xi32, #tpu.memory_space<vmem>>, vector<16xi32>,
      %parallel_loop3A_595 = vector.bitcast %parallel_loop3A_594 : vector<16xi32> to vector<32xbf16>
      %parallel_loop3A_596 = arith.index_cast %parallel_loop3A_591 : i32 to index
      %parallel_loop3A_597 = arith.constant 0 : index
      %parallel_loop3A_598 = tpu.vector_load %arg9[%parallel_loop3A_596, %parallel_loop3A_597] {strides = array<i32>} : memref<80x64xi32, #tpu.memory_space<vmem>>, vector<16xi32>,
      %parallel_loop3A_599 = vector.bitcast %parallel_loop3A_598 : vector<16xi32> to vector<32xbf16>
      %parallel_loop3A_600 = arith.mulf %parallel_loop3A_595, %parallel_loop3A_599 : vector<32xbf16>
      %parallel_loop3A_601 = tpu.unpack_subelements %parallel_loop3A_600, 0 {pack_format = #tpu.pack_format<interleaved>} : vector<32xbf16> -> vector<16xf32>
      %parallel_loop3A_602 = tpu.unpack_subelements %parallel_loop3A_600, 1 {pack_format = #tpu.pack_format<interleaved>} : vector<32xbf16> -> vector<16xf32>
      %parallel_loop3A_603 = arith.addf %parallel_loop3A_601, %parallel_loop3A_602 : vector<16xf32>
      %parallel_loop3A_604 = arith.index_cast %parallel_loop3A_591 : i32 to index
      %parallel_loop3A_605 = arith.constant 16 : index
      %parallel_loop3A_606 = tpu.vector_load %arg8[%parallel_loop3A_604, %parallel_loop3A_605] {strides = array<i32>} : memref<80x64xi32, #tpu.memory_space<vmem>>, vector<16xi32>,
      %parallel_loop3A_607 = vector.bitcast %parallel_loop3A_606 : vector<16xi32> to vector<32xbf16>
      %parallel_loop3A_608 = arith.index_cast %parallel_loop3A_591 : i32 to index
      %parallel_loop3A_609 = arith.constant 16 : index
      %parallel_loop3A_610 = tpu.vector_load %arg9[%parallel_loop3A_608, %parallel_loop3A_609] {strides = array<i32>} : memref<80x64xi32, #tpu.memory_space<vmem>>, vector<16xi32>,
      %parallel_loop3A_611 = vector.bitcast %parallel_loop3A_610 : vector<16xi32> to vector<32xbf16>
      %parallel_loop3A_612 = arith.mulf %parallel_loop3A_607, %parallel_loop3A_611 : vector<32xbf16>
      %parallel_loop3A_613 = tpu.unpack_subelements %parallel_loop3A_612, 0 {pack_format = #tpu.pack_format<interleaved>} : vector<32xbf16> -> vector<16xf32>
      %parallel_loop3A_614 = tpu.unpack_subelements %parallel_loop3A_612, 1 {pack_format = #tpu.pack_format<interleaved>} : vector<32xbf16> -> vector<16xf32>
      %parallel_loop3A_615 = arith.addf %parallel_loop3A_613, %parallel_loop3A_614 : vector<16xf32>
      %parallel_loop3A_616 = arith.index_cast %parallel_loop3A_591 : i32 to index
      %parallel_loop3A_617 = arith.constant 32 : index
      %parallel_loop3A_618 = tpu.vector_load %arg8[%parallel_loop3A_616, %parallel_loop3A_617] {strides = array<i32>} : memref<80x64xi32, #tpu.memory_space<vmem>>, vector<16xi32>,
      %parallel_loop3A_619 = vector.bitcast %parallel_loop3A_618 : vector<16xi32> to vector<32xbf16>
      %parallel_loop3A_620 = arith.index_cast %parallel_loop3A_591 : i32 to index
      %parallel_loop3A_621 = arith.constant 32 : index
      %parallel_loop3A_622 = tpu.vector_load %arg9[%parallel_loop3A_620, %parallel_loop3A_621] {strides = array<i32>} : memref<80x64xi32, #tpu.memory_space<vmem>>, vector<16xi32>,
      %parallel_loop3A_623 = vector.bitcast %parallel_loop3A_622 : vector<16xi32> to vector<32xbf16>
      %parallel_loop3A_624 = arith.mulf %parallel_loop3A_619, %parallel_loop3A_623 : vector<32xbf16>
      %parallel_loop3A_625 = tpu.unpack_subelements %parallel_loop3A_624, 0 {pack_format = #tpu.pack_format<interleaved>} : vector<32xbf16> -> vector<16xf32>
      %parallel_loop3A_626 = tpu.unpack_subelements %parallel_loop3A_624, 1 {pack_format = #tpu.pack_format<interleaved>} : vector<32xbf16> -> vector<16xf32>
      %parallel_loop3A_627 = arith.addf %parallel_loop3A_625, %parallel_loop3A_626 : vector<16xf32>
      %parallel_loop3A_628 = arith.index_cast %parallel_loop3A_591 : i32 to index
      %parallel_loop3A_629 = arith.constant 48 : index
      %parallel_loop3A_630 = tpu.vector_load %arg8[%parallel_loop3A_628, %parallel_loop3A_629] {strides = array<i32>} : memref<80x64xi32, #tpu.memory_space<vmem>>, vector<16xi32>,
      %parallel_loop3A_631 = vector.bitcast %parallel_loop3A_630 : vector<16xi32> to vector<32xbf16>
      %parallel_loop3A_632 = arith.index_cast %parallel_loop3A_591 : i32 to index
      %parallel_loop3A_633 = arith.constant 48 : index
      %parallel_loop3A_634 = tpu.vector_load %arg9[%parallel_loop3A_632, %parallel_loop3A_633] {strides = array<i32>} : memref<80x64xi32, #tpu.memory_space<vmem>>, vector<16xi32>,
      %parallel_loop3A_635 = vector.bitcast %parallel_loop3A_634 : vector<16xi32> to vector<32xbf16>
      %parallel_loop3A_636 = arith.mulf %parallel_loop3A_631, %parallel_loop3A_635 : vector<32xbf16>
      %parallel_loop3A_637 = tpu.unpack_subelements %parallel_loop3A_636, 0 {pack_format = #tpu.pack_format<interleaved>} : vector<32xbf16> -> vector<16xf32>
      %parallel_loop3A_638 = tpu.unpack_subelements %parallel_loop3A_636, 1 {pack_format = #tpu.pack_format<interleaved>} : vector<32xbf16> -> vector<16xf32>
      %parallel_loop3A_639 = arith.addf %parallel_loop3A_637, %parallel_loop3A_638 : vector<16xf32>
      %parallel_loop3A_640 = arith.addf %parallel_loop3A_603, %parallel_loop3A_615 : vector<16xf32>
      %parallel_loop3A_641 = arith.addf %parallel_loop3A_627, %parallel_loop3A_639 : vector<16xf32>
      %parallel_loop3A_642 = arith.addf %parallel_loop3A_640, %parallel_loop3A_641 : vector<16xf32>
      %parallel_loop3A_643 = arith.constant 16 : i32
      %parallel_loop3A_644 = arith.muli %parallel_loop3A_37, %parallel_loop3A_643 : i32
      %parallel_loop3A_645 = arith.constant 11 : i32
      %parallel_loop3A_646 = arith.addi %parallel_loop3A_644, %parallel_loop3A_645 : i32
      %parallel_loop3A_647 = arith.index_cast %parallel_loop3A_646 : i32 to index
      %parallel_loop3A_648 = arith.constant 0 : index
      %parallel_loop3A_649 = tpu.vector_load %arg8[%parallel_loop3A_647, %parallel_loop3A_648] {strides = array<i32>} : memref<80x64xi32, #tpu.memory_space<vmem>>, vector<16xi32>,
      %parallel_loop3A_650 = vector.bitcast %parallel_loop3A_649 : vector<16xi32> to vector<32xbf16>
      %parallel_loop3A_651 = arith.index_cast %parallel_loop3A_646 : i32 to index
      %parallel_loop3A_652 = arith.constant 0 : index
      %parallel_loop3A_653 = tpu.vector_load %arg9[%parallel_loop3A_651, %parallel_loop3A_652] {strides = array<i32>} : memref<80x64xi32, #tpu.memory_space<vmem>>, vector<16xi32>,
      %parallel_loop3A_654 = vector.bitcast %parallel_loop3A_653 : vector<16xi32> to vector<32xbf16>
      %parallel_loop3A_655 = arith.mulf %parallel_loop3A_650, %parallel_loop3A_654 : vector<32xbf16>
      %parallel_loop3A_656 = tpu.unpack_subelements %parallel_loop3A_655, 0 {pack_format = #tpu.pack_format<interleaved>} : vector<32xbf16> -> vector<16xf32>
      %parallel_loop3A_657 = tpu.unpack_subelements %parallel_loop3A_655, 1 {pack_format = #tpu.pack_format<interleaved>} : vector<32xbf16> -> vector<16xf32>
      %parallel_loop3A_658 = arith.addf %parallel_loop3A_656, %parallel_loop3A_657 : vector<16xf32>
      %parallel_loop3A_659 = arith.index_cast %parallel_loop3A_646 : i32 to index
      %parallel_loop3A_660 = arith.constant 16 : index
      %parallel_loop3A_661 = tpu.vector_load %arg8[%parallel_loop3A_659, %parallel_loop3A_660] {strides = array<i32>} : memref<80x64xi32, #tpu.memory_space<vmem>>, vector<16xi32>,
      %parallel_loop3A_662 = vector.bitcast %parallel_loop3A_661 : vector<16xi32> to vector<32xbf16>
      %parallel_loop3A_663 = arith.index_cast %parallel_loop3A_646 : i32 to index
      %parallel_loop3A_664 = arith.constant 16 : index
      %parallel_loop3A_665 = tpu.vector_load %arg9[%parallel_loop3A_663, %parallel_loop3A_664] {strides = array<i32>} : memref<80x64xi32, #tpu.memory_space<vmem>>, vector<16xi32>,
      %parallel_loop3A_666 = vector.bitcast %parallel_loop3A_665 : vector<16xi32> to vector<32xbf16>
      %parallel_loop3A_667 = arith.mulf %parallel_loop3A_662, %parallel_loop3A_666 : vector<32xbf16>
      %parallel_loop3A_668 = tpu.unpack_subelements %parallel_loop3A_667, 0 {pack_format = #tpu.pack_format<interleaved>} : vector<32xbf16> -> vector<16xf32>
      %parallel_loop3A_669 = tpu.unpack_subelements %parallel_loop3A_667, 1 {pack_format = #tpu.pack_format<interleaved>} : vector<32xbf16> -> vector<16xf32>
      %parallel_loop3A_670 = arith.addf %parallel_loop3A_668, %parallel_loop3A_669 : vector<16xf32>
      %parallel_loop3A_671 = arith.index_cast %parallel_loop3A_646 : i32 to index
      %parallel_loop3A_672 = arith.constant 32 : index
      %parallel_loop3A_673 = tpu.vector_load %arg8[%parallel_loop3A_671, %parallel_loop3A_672] {strides = array<i32>} : memref<80x64xi32, #tpu.memory_space<vmem>>, vector<16xi32>,
      %parallel_loop3A_674 = vector.bitcast %parallel_loop3A_673 : vector<16xi32> to vector<32xbf16>
      %parallel_loop3A_675 = arith.index_cast %parallel_loop3A_646 : i32 to index
      %parallel_loop3A_676 = arith.constant 32 : index
      %parallel_loop3A_677 = tpu.vector_load %arg9[%parallel_loop3A_675, %parallel_loop3A_676] {strides = array<i32>} : memref<80x64xi32, #tpu.memory_space<vmem>>, vector<16xi32>,
      %parallel_loop3A_678 = vector.bitcast %parallel_loop3A_677 : vector<16xi32> to vector<32xbf16>
      %parallel_loop3A_679 = arith.mulf %parallel_loop3A_674, %parallel_loop3A_678 : vector<32xbf16>
      %parallel_loop3A_680 = tpu.unpack_subelements %parallel_loop3A_679, 0 {pack_format = #tpu.pack_format<interleaved>} : vector<32xbf16> -> vector<16xf32>
      %parallel_loop3A_681 = tpu.unpack_subelements %parallel_loop3A_679, 1 {pack_format = #tpu.pack_format<interleaved>} : vector<32xbf16> -> vector<16xf32>
      %parallel_loop3A_682 = arith.addf %parallel_loop3A_680, %parallel_loop3A_681 : vector<16xf32>
      %parallel_loop3A_683 = arith.index_cast %parallel_loop3A_646 : i32 to index
      %parallel_loop3A_684 = arith.constant 48 : index
      %parallel_loop3A_685 = tpu.vector_load %arg8[%parallel_loop3A_683, %parallel_loop3A_684] {strides = array<i32>} : memref<80x64xi32, #tpu.memory_space<vmem>>, vector<16xi32>,
      %parallel_loop3A_686 = vector.bitcast %parallel_loop3A_685 : vector<16xi32> to vector<32xbf16>
      %parallel_loop3A_687 = arith.index_cast %parallel_loop3A_646 : i32 to index
      %parallel_loop3A_688 = arith.constant 48 : index
      %parallel_loop3A_689 = tpu.vector_load %arg9[%parallel_loop3A_687, %parallel_loop3A_688] {strides = array<i32>} : memref<80x64xi32, #tpu.memory_space<vmem>>, vector<16xi32>,
      %parallel_loop3A_690 = vector.bitcast %parallel_loop3A_689 : vector<16xi32> to vector<32xbf16>
      %parallel_loop3A_691 = arith.mulf %parallel_loop3A_686, %parallel_loop3A_690 : vector<32xbf16>
      %parallel_loop3A_692 = tpu.unpack_subelements %parallel_loop3A_691, 0 {pack_format = #tpu.pack_format<interleaved>} : vector<32xbf16> -> vector<16xf32>
      %parallel_loop3A_693 = tpu.unpack_subelements %parallel_loop3A_691, 1 {pack_format = #tpu.pack_format<interleaved>} : vector<32xbf16> -> vector<16xf32>
      %parallel_loop3A_694 = arith.addf %parallel_loop3A_692, %parallel_loop3A_693 : vector<16xf32>
      %parallel_loop3A_695 = arith.addf %parallel_loop3A_658, %parallel_loop3A_670 : vector<16xf32>
      %parallel_loop3A_696 = arith.addf %parallel_loop3A_682, %parallel_loop3A_694 : vector<16xf32>
      %parallel_loop3A_697 = arith.addf %parallel_loop3A_695, %parallel_loop3A_696 : vector<16xf32>
      %parallel_loop3A_698 = arith.constant 16 : i32
      %parallel_loop3A_699 = arith.muli %parallel_loop3A_37, %parallel_loop3A_698 : i32
      %parallel_loop3A_700 = arith.constant 12 : i32
      %parallel_loop3A_701 = arith.addi %parallel_loop3A_699, %parallel_loop3A_700 : i32
      %parallel_loop3A_702 = arith.index_cast %parallel_loop3A_701 : i32 to index
      %parallel_loop3A_703 = arith.constant 0 : index
      %parallel_loop3A_704 = tpu.vector_load %arg8[%parallel_loop3A_702, %parallel_loop3A_703] {strides = array<i32>} : memref<80x64xi32, #tpu.memory_space<vmem>>, vector<16xi32>,
      %parallel_loop3A_705 = vector.bitcast %parallel_loop3A_704 : vector<16xi32> to vector<32xbf16>
      %parallel_loop3A_706 = arith.index_cast %parallel_loop3A_701 : i32 to index
      %parallel_loop3A_707 = arith.constant 0 : index
      %parallel_loop3A_708 = tpu.vector_load %arg9[%parallel_loop3A_706, %parallel_loop3A_707] {strides = array<i32>} : memref<80x64xi32, #tpu.memory_space<vmem>>, vector<16xi32>,
      %parallel_loop3A_709 = vector.bitcast %parallel_loop3A_708 : vector<16xi32> to vector<32xbf16>
      %parallel_loop3A_710 = arith.mulf %parallel_loop3A_705, %parallel_loop3A_709 : vector<32xbf16>
      %parallel_loop3A_711 = tpu.unpack_subelements %parallel_loop3A_710, 0 {pack_format = #tpu.pack_format<interleaved>} : vector<32xbf16> -> vector<16xf32>
      %parallel_loop3A_712 = tpu.unpack_subelements %parallel_loop3A_710, 1 {pack_format = #tpu.pack_format<interleaved>} : vector<32xbf16> -> vector<16xf32>
      %parallel_loop3A_713 = arith.addf %parallel_loop3A_711, %parallel_loop3A_712 : vector<16xf32>
      %parallel_loop3A_714 = arith.index_cast %parallel_loop3A_701 : i32 to index
      %parallel_loop3A_715 = arith.constant 16 : index
      %parallel_loop3A_716 = tpu.vector_load %arg8[%parallel_loop3A_714, %parallel_loop3A_715] {strides = array<i32>} : memref<80x64xi32, #tpu.memory_space<vmem>>, vector<16xi32>,
      %parallel_loop3A_717 = vector.bitcast %parallel_loop3A_716 : vector<16xi32> to vector<32xbf16>
      %parallel_loop3A_718 = arith.index_cast %parallel_loop3A_701 : i32 to index
      %parallel_loop3A_719 = arith.constant 16 : index
      %parallel_loop3A_720 = tpu.vector_load %arg9[%parallel_loop3A_718, %parallel_loop3A_719] {strides = array<i32>} : memref<80x64xi32, #tpu.memory_space<vmem>>, vector<16xi32>,
      %parallel_loop3A_721 = vector.bitcast %parallel_loop3A_720 : vector<16xi32> to vector<32xbf16>
      %parallel_loop3A_722 = arith.mulf %parallel_loop3A_717, %parallel_loop3A_721 : vector<32xbf16>
      %parallel_loop3A_723 = tpu.unpack_subelements %parallel_loop3A_722, 0 {pack_format = #tpu.pack_format<interleaved>} : vector<32xbf16> -> vector<16xf32>
      %parallel_loop3A_724 = tpu.unpack_subelements %parallel_loop3A_722, 1 {pack_format = #tpu.pack_format<interleaved>} : vector<32xbf16> -> vector<16xf32>
      %parallel_loop3A_725 = arith.addf %parallel_loop3A_723, %parallel_loop3A_724 : vector<16xf32>
      %parallel_loop3A_726 = arith.index_cast %parallel_loop3A_701 : i32 to index
      %parallel_loop3A_727 = arith.constant 32 : index
      %parallel_loop3A_728 = tpu.vector_load %arg8[%parallel_loop3A_726, %parallel_loop3A_727] {strides = array<i32>} : memref<80x64xi32, #tpu.memory_space<vmem>>, vector<16xi32>,
      %parallel_loop3A_729 = vector.bitcast %parallel_loop3A_728 : vector<16xi32> to vector<32xbf16>
      %parallel_loop3A_730 = arith.index_cast %parallel_loop3A_701 : i32 to index
      %parallel_loop3A_731 = arith.constant 32 : index
      %parallel_loop3A_732 = tpu.vector_load %arg9[%parallel_loop3A_730, %parallel_loop3A_731] {strides = array<i32>} : memref<80x64xi32, #tpu.memory_space<vmem>>, vector<16xi32>,
      %parallel_loop3A_733 = vector.bitcast %parallel_loop3A_732 : vector<16xi32> to vector<32xbf16>
      %parallel_loop3A_734 = arith.mulf %parallel_loop3A_729, %parallel_loop3A_733 : vector<32xbf16>
      %parallel_loop3A_735 = tpu.unpack_subelements %parallel_loop3A_734, 0 {pack_format = #tpu.pack_format<interleaved>} : vector<32xbf16> -> vector<16xf32>
      %parallel_loop3A_736 = tpu.unpack_subelements %parallel_loop3A_734, 1 {pack_format = #tpu.pack_format<interleaved>} : vector<32xbf16> -> vector<16xf32>
      %parallel_loop3A_737 = arith.addf %parallel_loop3A_735, %parallel_loop3A_736 : vector<16xf32>
      %parallel_loop3A_738 = arith.index_cast %parallel_loop3A_701 : i32 to index
      %parallel_loop3A_739 = arith.constant 48 : index
      %parallel_loop3A_740 = tpu.vector_load %arg8[%parallel_loop3A_738, %parallel_loop3A_739] {strides = array<i32>} : memref<80x64xi32, #tpu.memory_space<vmem>>, vector<16xi32>,
      %parallel_loop3A_741 = vector.bitcast %parallel_loop3A_740 : vector<16xi32> to vector<32xbf16>
      %parallel_loop3A_742 = arith.index_cast %parallel_loop3A_701 : i32 to index
      %parallel_loop3A_743 = arith.constant 48 : index
      %parallel_loop3A_744 = tpu.vector_load %arg9[%parallel_loop3A_742, %parallel_loop3A_743] {strides = array<i32>} : memref<80x64xi32, #tpu.memory_space<vmem>>, vector<16xi32>,
      %parallel_loop3A_745 = vector.bitcast %parallel_loop3A_744 : vector<16xi32> to vector<32xbf16>
      %parallel_loop3A_746 = arith.mulf %parallel_loop3A_741, %parallel_loop3A_745 : vector<32xbf16>
      %parallel_loop3A_747 = tpu.unpack_subelements %parallel_loop3A_746, 0 {pack_format = #tpu.pack_format<interleaved>} : vector<32xbf16> -> vector<16xf32>
      %parallel_loop3A_748 = tpu.unpack_subelements %parallel_loop3A_746, 1 {pack_format = #tpu.pack_format<interleaved>} : vector<32xbf16> -> vector<16xf32>
      %parallel_loop3A_749 = arith.addf %parallel_loop3A_747, %parallel_loop3A_748 : vector<16xf32>
      %parallel_loop3A_750 = arith.addf %parallel_loop3A_713, %parallel_loop3A_725 : vector<16xf32>
      %parallel_loop3A_751 = arith.addf %parallel_loop3A_737, %parallel_loop3A_749 : vector<16xf32>
      %parallel_loop3A_752 = arith.addf %parallel_loop3A_750, %parallel_loop3A_751 : vector<16xf32>
      %parallel_loop3A_753 = arith.constant 16 : i32
      %parallel_loop3A_754 = arith.muli %parallel_loop3A_37, %parallel_loop3A_753 : i32
      %parallel_loop3A_755 = arith.constant 13 : i32
      %parallel_loop3A_756 = arith.addi %parallel_loop3A_754, %parallel_loop3A_755 : i32
      %parallel_loop3A_757 = arith.index_cast %parallel_loop3A_756 : i32 to index
      %parallel_loop3A_758 = arith.constant 0 : index
      %parallel_loop3A_759 = tpu.vector_load %arg8[%parallel_loop3A_757, %parallel_loop3A_758] {strides = array<i32>} : memref<80x64xi32, #tpu.memory_space<vmem>>, vector<16xi32>,
      %parallel_loop3A_760 = vector.bitcast %parallel_loop3A_759 : vector<16xi32> to vector<32xbf16>
      %parallel_loop3A_761 = arith.index_cast %parallel_loop3A_756 : i32 to index
      %parallel_loop3A_762 = arith.constant 0 : index
      %parallel_loop3A_763 = tpu.vector_load %arg9[%parallel_loop3A_761, %parallel_loop3A_762] {strides = array<i32>} : memref<80x64xi32, #tpu.memory_space<vmem>>, vector<16xi32>,
      %parallel_loop3A_764 = vector.bitcast %parallel_loop3A_763 : vector<16xi32> to vector<32xbf16>
      %parallel_loop3A_765 = arith.mulf %parallel_loop3A_760, %parallel_loop3A_764 : vector<32xbf16>
      %parallel_loop3A_766 = tpu.unpack_subelements %parallel_loop3A_765, 0 {pack_format = #tpu.pack_format<interleaved>} : vector<32xbf16> -> vector<16xf32>
      %parallel_loop3A_767 = tpu.unpack_subelements %parallel_loop3A_765, 1 {pack_format = #tpu.pack_format<interleaved>} : vector<32xbf16> -> vector<16xf32>
      %parallel_loop3A_768 = arith.addf %parallel_loop3A_766, %parallel_loop3A_767 : vector<16xf32>
      %parallel_loop3A_769 = arith.index_cast %parallel_loop3A_756 : i32 to index
      %parallel_loop3A_770 = arith.constant 16 : index
      %parallel_loop3A_771 = tpu.vector_load %arg8[%parallel_loop3A_769, %parallel_loop3A_770] {strides = array<i32>} : memref<80x64xi32, #tpu.memory_space<vmem>>, vector<16xi32>,
      %parallel_loop3A_772 = vector.bitcast %parallel_loop3A_771 : vector<16xi32> to vector<32xbf16>
      %parallel_loop3A_773 = arith.index_cast %parallel_loop3A_756 : i32 to index
      %parallel_loop3A_774 = arith.constant 16 : index
      %parallel_loop3A_775 = tpu.vector_load %arg9[%parallel_loop3A_773, %parallel_loop3A_774] {strides = array<i32>} : memref<80x64xi32, #tpu.memory_space<vmem>>, vector<16xi32>,
      %parallel_loop3A_776 = vector.bitcast %parallel_loop3A_775 : vector<16xi32> to vector<32xbf16>
      %parallel_loop3A_777 = arith.mulf %parallel_loop3A_772, %parallel_loop3A_776 : vector<32xbf16>
      %parallel_loop3A_778 = tpu.unpack_subelements %parallel_loop3A_777, 0 {pack_format = #tpu.pack_format<interleaved>} : vector<32xbf16> -> vector<16xf32>
      %parallel_loop3A_779 = tpu.unpack_subelements %parallel_loop3A_777, 1 {pack_format = #tpu.pack_format<interleaved>} : vector<32xbf16> -> vector<16xf32>
      %parallel_loop3A_780 = arith.addf %parallel_loop3A_778, %parallel_loop3A_779 : vector<16xf32>
      %parallel_loop3A_781 = arith.index_cast %parallel_loop3A_756 : i32 to index
      %parallel_loop3A_782 = arith.constant 32 : index
      %parallel_loop3A_783 = tpu.vector_load %arg8[%parallel_loop3A_781, %parallel_loop3A_782] {strides = array<i32>} : memref<80x64xi32, #tpu.memory_space<vmem>>, vector<16xi32>,
      %parallel_loop3A_784 = vector.bitcast %parallel_loop3A_783 : vector<16xi32> to vector<32xbf16>
      %parallel_loop3A_785 = arith.index_cast %parallel_loop3A_756 : i32 to index
      %parallel_loop3A_786 = arith.constant 32 : index
      %parallel_loop3A_787 = tpu.vector_load %arg9[%parallel_loop3A_785, %parallel_loop3A_786] {strides = array<i32>} : memref<80x64xi32, #tpu.memory_space<vmem>>, vector<16xi32>,
      %parallel_loop3A_788 = vector.bitcast %parallel_loop3A_787 : vector<16xi32> to vector<32xbf16>
      %parallel_loop3A_789 = arith.mulf %parallel_loop3A_784, %parallel_loop3A_788 : vector<32xbf16>
      %parallel_loop3A_790 = tpu.unpack_subelements %parallel_loop3A_789, 0 {pack_format = #tpu.pack_format<interleaved>} : vector<32xbf16> -> vector<16xf32>
      %parallel_loop3A_791 = tpu.unpack_subelements %parallel_loop3A_789, 1 {pack_format = #tpu.pack_format<interleaved>} : vector<32xbf16> -> vector<16xf32>
      %parallel_loop3A_792 = arith.addf %parallel_loop3A_790, %parallel_loop3A_791 : vector<16xf32>
      %parallel_loop3A_793 = arith.index_cast %parallel_loop3A_756 : i32 to index
      %parallel_loop3A_794 = arith.constant 48 : index
      %parallel_loop3A_795 = tpu.vector_load %arg8[%parallel_loop3A_793, %parallel_loop3A_794] {strides = array<i32>} : memref<80x64xi32, #tpu.memory_space<vmem>>, vector<16xi32>,
      %parallel_loop3A_796 = vector.bitcast %parallel_loop3A_795 : vector<16xi32> to vector<32xbf16>
      %parallel_loop3A_797 = arith.index_cast %parallel_loop3A_756 : i32 to index
      %parallel_loop3A_798 = arith.constant 48 : index
      %parallel_loop3A_799 = tpu.vector_load %arg9[%parallel_loop3A_797, %parallel_loop3A_798] {strides = array<i32>} : memref<80x64xi32, #tpu.memory_space<vmem>>, vector<16xi32>,
      %parallel_loop3A_800 = vector.bitcast %parallel_loop3A_799 : vector<16xi32> to vector<32xbf16>
      %parallel_loop3A_801 = arith.mulf %parallel_loop3A_796, %parallel_loop3A_800 : vector<32xbf16>
      %parallel_loop3A_802 = tpu.unpack_subelements %parallel_loop3A_801, 0 {pack_format = #tpu.pack_format<interleaved>} : vector<32xbf16> -> vector<16xf32>
      %parallel_loop3A_803 = tpu.unpack_subelements %parallel_loop3A_801, 1 {pack_format = #tpu.pack_format<interleaved>} : vector<32xbf16> -> vector<16xf32>
      %parallel_loop3A_804 = arith.addf %parallel_loop3A_802, %parallel_loop3A_803 : vector<16xf32>
      %parallel_loop3A_805 = arith.addf %parallel_loop3A_768, %parallel_loop3A_780 : vector<16xf32>
      %parallel_loop3A_806 = arith.addf %parallel_loop3A_792, %parallel_loop3A_804 : vector<16xf32>
      %parallel_loop3A_807 = arith.addf %parallel_loop3A_805, %parallel_loop3A_806 : vector<16xf32>
      %parallel_loop3A_808 = arith.constant 16 : i32
      %parallel_loop3A_809 = arith.muli %parallel_loop3A_37, %parallel_loop3A_808 : i32
      %parallel_loop3A_810 = arith.constant 14 : i32
      %parallel_loop3A_811 = arith.addi %parallel_loop3A_809, %parallel_loop3A_810 : i32
      %parallel_loop3A_812 = arith.index_cast %parallel_loop3A_811 : i32 to index
      %parallel_loop3A_813 = arith.constant 0 : index
      %parallel_loop3A_814 = tpu.vector_load %arg8[%parallel_loop3A_812, %parallel_loop3A_813] {strides = array<i32>} : memref<80x64xi32, #tpu.memory_space<vmem>>, vector<16xi32>,
      %parallel_loop3A_815 = vector.bitcast %parallel_loop3A_814 : vector<16xi32> to vector<32xbf16>
      %parallel_loop3A_816 = arith.index_cast %parallel_loop3A_811 : i32 to index
      %parallel_loop3A_817 = arith.constant 0 : index
      %parallel_loop3A_818 = tpu.vector_load %arg9[%parallel_loop3A_816, %parallel_loop3A_817] {strides = array<i32>} : memref<80x64xi32, #tpu.memory_space<vmem>>, vector<16xi32>,
      %parallel_loop3A_819 = vector.bitcast %parallel_loop3A_818 : vector<16xi32> to vector<32xbf16>
      %parallel_loop3A_820 = arith.mulf %parallel_loop3A_815, %parallel_loop3A_819 : vector<32xbf16>
      %parallel_loop3A_821 = tpu.unpack_subelements %parallel_loop3A_820, 0 {pack_format = #tpu.pack_format<interleaved>} : vector<32xbf16> -> vector<16xf32>
      %parallel_loop3A_822 = tpu.unpack_subelements %parallel_loop3A_820, 1 {pack_format = #tpu.pack_format<interleaved>} : vector<32xbf16> -> vector<16xf32>
      %parallel_loop3A_823 = arith.addf %parallel_loop3A_821, %parallel_loop3A_822 : vector<16xf32>
      %parallel_loop3A_824 = arith.index_cast %parallel_loop3A_811 : i32 to index
      %parallel_loop3A_825 = arith.constant 16 : index
      %parallel_loop3A_826 = tpu.vector_load %arg8[%parallel_loop3A_824, %parallel_loop3A_825] {strides = array<i32>} : memref<80x64xi32, #tpu.memory_space<vmem>>, vector<16xi32>,
      %parallel_loop3A_827 = vector.bitcast %parallel_loop3A_826 : vector<16xi32> to vector<32xbf16>
      %parallel_loop3A_828 = arith.index_cast %parallel_loop3A_811 : i32 to index
      %parallel_loop3A_829 = arith.constant 16 : index
      %parallel_loop3A_830 = tpu.vector_load %arg9[%parallel_loop3A_828, %parallel_loop3A_829] {strides = array<i32>} : memref<80x64xi32, #tpu.memory_space<vmem>>, vector<16xi32>,
      %parallel_loop3A_831 = vector.bitcast %parallel_loop3A_830 : vector<16xi32> to vector<32xbf16>
      %parallel_loop3A_832 = arith.mulf %parallel_loop3A_827, %parallel_loop3A_831 : vector<32xbf16>
      %parallel_loop3A_833 = tpu.unpack_subelements %parallel_loop3A_832, 0 {pack_format = #tpu.pack_format<interleaved>} : vector<32xbf16> -> vector<16xf32>
      %parallel_loop3A_834 = tpu.unpack_subelements %parallel_loop3A_832, 1 {pack_format = #tpu.pack_format<interleaved>} : vector<32xbf16> -> vector<16xf32>
      %parallel_loop3A_835 = arith.addf %parallel_loop3A_833, %parallel_loop3A_834 : vector<16xf32>
      %parallel_loop3A_836 = arith.index_cast %parallel_loop3A_811 : i32 to index
      %parallel_loop3A_837 = arith.constant 32 : index
      %parallel_loop3A_838 = tpu.vector_load %arg8[%parallel_loop3A_836, %parallel_loop3A_837] {strides = array<i32>} : memref<80x64xi32, #tpu.memory_space<vmem>>, vector<16xi32>,
      %parallel_loop3A_839 = vector.bitcast %parallel_loop3A_838 : vector<16xi32> to vector<32xbf16>
      %parallel_loop3A_840 = arith.index_cast %parallel_loop3A_811 : i32 to index
      %parallel_loop3A_841 = arith.constant 32 : index
      %parallel_loop3A_842 = tpu.vector_load %arg9[%parallel_loop3A_840, %parallel_loop3A_841] {strides = array<i32>} : memref<80x64xi32, #tpu.memory_space<vmem>>, vector<16xi32>,
      %parallel_loop3A_843 = vector.bitcast %parallel_loop3A_842 : vector<16xi32> to vector<32xbf16>
      %parallel_loop3A_844 = arith.mulf %parallel_loop3A_839, %parallel_loop3A_843 : vector<32xbf16>
      %parallel_loop3A_845 = tpu.unpack_subelements %parallel_loop3A_844, 0 {pack_format = #tpu.pack_format<interleaved>} : vector<32xbf16> -> vector<16xf32>
      %parallel_loop3A_846 = tpu.unpack_subelements %parallel_loop3A_844, 1 {pack_format = #tpu.pack_format<interleaved>} : vector<32xbf16> -> vector<16xf32>
      %parallel_loop3A_847 = arith.addf %parallel_loop3A_845, %parallel_loop3A_846 : vector<16xf32>
      %parallel_loop3A_848 = arith.index_cast %parallel_loop3A_811 : i32 to index
      %parallel_loop3A_849 = arith.constant 48 : index
      %parallel_loop3A_850 = tpu.vector_load %arg8[%parallel_loop3A_848, %parallel_loop3A_849] {strides = array<i32>} : memref<80x64xi32, #tpu.memory_space<vmem>>, vector<16xi32>,
      %parallel_loop3A_851 = vector.bitcast %parallel_loop3A_850 : vector<16xi32> to vector<32xbf16>
      %parallel_loop3A_852 = arith.index_cast %parallel_loop3A_811 : i32 to index
      %parallel_loop3A_853 = arith.constant 48 : index
      %parallel_loop3A_854 = tpu.vector_load %arg9[%parallel_loop3A_852, %parallel_loop3A_853] {strides = array<i32>} : memref<80x64xi32, #tpu.memory_space<vmem>>, vector<16xi32>,
      %parallel_loop3A_855 = vector.bitcast %parallel_loop3A_854 : vector<16xi32> to vector<32xbf16>
      %parallel_loop3A_856 = arith.mulf %parallel_loop3A_851, %parallel_loop3A_855 : vector<32xbf16>
      %parallel_loop3A_857 = tpu.unpack_subelements %parallel_loop3A_856, 0 {pack_format = #tpu.pack_format<interleaved>} : vector<32xbf16> -> vector<16xf32>
      %parallel_loop3A_858 = tpu.unpack_subelements %parallel_loop3A_856, 1 {pack_format = #tpu.pack_format<interleaved>} : vector<32xbf16> -> vector<16xf32>
      %parallel_loop3A_859 = arith.addf %parallel_loop3A_857, %parallel_loop3A_858 : vector<16xf32>
      %parallel_loop3A_860 = arith.addf %parallel_loop3A_823, %parallel_loop3A_835 : vector<16xf32>
      %parallel_loop3A_861 = arith.addf %parallel_loop3A_847, %parallel_loop3A_859 : vector<16xf32>
      %parallel_loop3A_862 = arith.addf %parallel_loop3A_860, %parallel_loop3A_861 : vector<16xf32>
      %parallel_loop3A_863 = arith.constant 16 : i32
      %parallel_loop3A_864 = arith.muli %parallel_loop3A_37, %parallel_loop3A_863 : i32
      %parallel_loop3A_865 = arith.constant 15 : i32
      %parallel_loop3A_866 = arith.addi %parallel_loop3A_864, %parallel_loop3A_865 : i32
      %parallel_loop3A_867 = arith.index_cast %parallel_loop3A_866 : i32 to index
      %parallel_loop3A_868 = arith.constant 0 : index
      %parallel_loop3A_869 = tpu.vector_load %arg8[%parallel_loop3A_867, %parallel_loop3A_868] {strides = array<i32>} : memref<80x64xi32, #tpu.memory_space<vmem>>, vector<16xi32>,
      %parallel_loop3A_870 = vector.bitcast %parallel_loop3A_869 : vector<16xi32> to vector<32xbf16>
      %parallel_loop3A_871 = arith.index_cast %parallel_loop3A_866 : i32 to index
      %parallel_loop3A_872 = arith.constant 0 : index
      %parallel_loop3A_873 = tpu.vector_load %arg9[%parallel_loop3A_871, %parallel_loop3A_872] {strides = array<i32>} : memref<80x64xi32, #tpu.memory_space<vmem>>, vector<16xi32>,
      %parallel_loop3A_874 = vector.bitcast %parallel_loop3A_873 : vector<16xi32> to vector<32xbf16>
      %parallel_loop3A_875 = arith.mulf %parallel_loop3A_870, %parallel_loop3A_874 : vector<32xbf16>
      %parallel_loop3A_876 = tpu.unpack_subelements %parallel_loop3A_875, 0 {pack_format = #tpu.pack_format<interleaved>} : vector<32xbf16> -> vector<16xf32>
      %parallel_loop3A_877 = tpu.unpack_subelements %parallel_loop3A_875, 1 {pack_format = #tpu.pack_format<interleaved>} : vector<32xbf16> -> vector<16xf32>
      %parallel_loop3A_878 = arith.addf %parallel_loop3A_876, %parallel_loop3A_877 : vector<16xf32>
      %parallel_loop3A_879 = arith.index_cast %parallel_loop3A_866 : i32 to index
      %parallel_loop3A_880 = arith.constant 16 : index
      %parallel_loop3A_881 = tpu.vector_load %arg8[%parallel_loop3A_879, %parallel_loop3A_880] {strides = array<i32>} : memref<80x64xi32, #tpu.memory_space<vmem>>, vector<16xi32>,
      %parallel_loop3A_882 = vector.bitcast %parallel_loop3A_881 : vector<16xi32> to vector<32xbf16>
      %parallel_loop3A_883 = arith.index_cast %parallel_loop3A_866 : i32 to index
      %parallel_loop3A_884 = arith.constant 16 : index
      %parallel_loop3A_885 = tpu.vector_load %arg9[%parallel_loop3A_883, %parallel_loop3A_884] {strides = array<i32>} : memref<80x64xi32, #tpu.memory_space<vmem>>, vector<16xi32>,
      %parallel_loop3A_886 = vector.bitcast %parallel_loop3A_885 : vector<16xi32> to vector<32xbf16>
      %parallel_loop3A_887 = arith.mulf %parallel_loop3A_882, %parallel_loop3A_886 : vector<32xbf16>
      %parallel_loop3A_888 = tpu.unpack_subelements %parallel_loop3A_887, 0 {pack_format = #tpu.pack_format<interleaved>} : vector<32xbf16> -> vector<16xf32>
      %parallel_loop3A_889 = tpu.unpack_subelements %parallel_loop3A_887, 1 {pack_format = #tpu.pack_format<interleaved>} : vector<32xbf16> -> vector<16xf32>
      %parallel_loop3A_890 = arith.addf %parallel_loop3A_888, %parallel_loop3A_889 : vector<16xf32>
      %parallel_loop3A_891 = arith.index_cast %parallel_loop3A_866 : i32 to index
      %parallel_loop3A_892 = arith.constant 32 : index
      %parallel_loop3A_893 = tpu.vector_load %arg8[%parallel_loop3A_891, %parallel_loop3A_892] {strides = array<i32>} : memref<80x64xi32, #tpu.memory_space<vmem>>, vector<16xi32>,
      %parallel_loop3A_894 = vector.bitcast %parallel_loop3A_893 : vector<16xi32> to vector<32xbf16>
      %parallel_loop3A_895 = arith.index_cast %parallel_loop3A_866 : i32 to index
      %parallel_loop3A_896 = arith.constant 32 : index
      %parallel_loop3A_897 = tpu.vector_load %arg9[%parallel_loop3A_895, %parallel_loop3A_896] {strides = array<i32>} : memref<80x64xi32, #tpu.memory_space<vmem>>, vector<16xi32>,
      %parallel_loop3A_898 = vector.bitcast %parallel_loop3A_897 : vector<16xi32> to vector<32xbf16>
      %parallel_loop3A_899 = arith.mulf %parallel_loop3A_894, %parallel_loop3A_898 : vector<32xbf16>
      %parallel_loop3A_900 = tpu.unpack_subelements %parallel_loop3A_899, 0 {pack_format = #tpu.pack_format<interleaved>} : vector<32xbf16> -> vector<16xf32>
      %parallel_loop3A_901 = tpu.unpack_subelements %parallel_loop3A_899, 1 {pack_format = #tpu.pack_format<interleaved>} : vector<32xbf16> -> vector<16xf32>
      %parallel_loop3A_902 = arith.addf %parallel_loop3A_900, %parallel_loop3A_901 : vector<16xf32>
      %parallel_loop3A_903 = arith.index_cast %parallel_loop3A_866 : i32 to index
      %parallel_loop3A_904 = arith.constant 48 : index
      %parallel_loop3A_905 = tpu.vector_load %arg8[%parallel_loop3A_903, %parallel_loop3A_904] {strides = array<i32>} : memref<80x64xi32, #tpu.memory_space<vmem>>, vector<16xi32>,
      %parallel_loop3A_906 = vector.bitcast %parallel_loop3A_905 : vector<16xi32> to vector<32xbf16>
      %parallel_loop3A_907 = arith.index_cast %parallel_loop3A_866 : i32 to index
      %parallel_loop3A_908 = arith.constant 48 : index
      %parallel_loop3A_909 = tpu.vector_load %arg9[%parallel_loop3A_907, %parallel_loop3A_908] {strides = array<i32>} : memref<80x64xi32, #tpu.memory_space<vmem>>, vector<16xi32>,
      %parallel_loop3A_910 = vector.bitcast %parallel_loop3A_909 : vector<16xi32> to vector<32xbf16>
      %parallel_loop3A_911 = arith.mulf %parallel_loop3A_906, %parallel_loop3A_910 : vector<32xbf16>
      %parallel_loop3A_912 = tpu.unpack_subelements %parallel_loop3A_911, 0 {pack_format = #tpu.pack_format<interleaved>} : vector<32xbf16> -> vector<16xf32>
      %parallel_loop3A_913 = tpu.unpack_subelements %parallel_loop3A_911, 1 {pack_format = #tpu.pack_format<interleaved>} : vector<32xbf16> -> vector<16xf32>
      %parallel_loop3A_914 = arith.addf %parallel_loop3A_912, %parallel_loop3A_913 : vector<16xf32>
      %parallel_loop3A_915 = arith.addf %parallel_loop3A_878, %parallel_loop3A_890 : vector<16xf32>
      %parallel_loop3A_916 = arith.addf %parallel_loop3A_902, %parallel_loop3A_914 : vector<16xf32>
      %parallel_loop3A_917 = arith.addf %parallel_loop3A_915, %parallel_loop3A_916 : vector<16xf32>
      %parallel_loop3A_918 = arith.constant 1 : i32
      %parallel_loop3A_919 = vector.broadcast %parallel_loop3A_918 : i32 to vector<16xi32>
      %parallel_loop3A_920 = arith.andi %iota3A, %parallel_loop3A_919 : vector<16xi32>
      %parallel_loop3A_921 = arith.constant 0 : i32
      %parallel_loop3A_922 = vector.broadcast %parallel_loop3A_921 : i32 to vector<16xi32>
      %parallel_loop3A_923 = arith.cmpi eq, %parallel_loop3A_920, %parallel_loop3A_922 : vector<16xi32>
      %parallel_loop3A_924 = arith.constant 1 : i32
      %parallel_loop3A_925 = vector.broadcast %parallel_loop3A_924 : i32 to vector<16xi32>
      %parallel_loop3A_926 = arith.xori %iota3A, %parallel_loop3A_925 : vector<16xi32>
      %parallel_loop3A_927 = arith.constant 0 : i32
      %parallel_loop3A_928 = vector.broadcast %parallel_loop3A_927 : i32 to vector<16xi32>
      %parallel_loop3A_929 = arith.cmpi slt, %parallel_loop3A_926, %parallel_loop3A_928 : vector<16xi32>
      %parallel_loop3A_930 = arith.constant 16 : i32
      %parallel_loop3A_931 = vector.broadcast %parallel_loop3A_930 : i32 to vector<16xi32>
      %parallel_loop3A_932 = arith.addi %parallel_loop3A_926, %parallel_loop3A_931 : vector<16xi32>
      %parallel_loop3A_933 = arith.select %parallel_loop3A_929, %parallel_loop3A_932, %parallel_loop3A_926 : vector<16xi1>, vector<16xi32>
      %parallel_loop3A_934 = vector.shape_cast %parallel_loop3A_933 : vector<16xi32> to vector<16x1xi32>
      %parallel_loop3A_935 = vector.shape_cast %parallel_loop3A_934 : vector<16x1xi32> to vector<16xi32>
      %parallel_loop3A_936 = tpu.dynamic_gather %parallel_loop3A_92[%parallel_loop3A_935] in [0] : vector<16xf32>, vector<16xi32> -> vector<16xf32>
      %parallel_loop3A_937 = arith.addf %parallel_loop3A_92, %parallel_loop3A_936 : vector<16xf32>
      %parallel_loop3A_938 = arith.constant 0 : i32
      %parallel_loop3A_939 = vector.broadcast %parallel_loop3A_938 : i32 to vector<16xi32>
      %parallel_loop3A_940 = arith.cmpi slt, %parallel_loop3A_926, %parallel_loop3A_939 : vector<16xi32>
      %parallel_loop3A_941 = arith.constant 16 : i32
      %parallel_loop3A_942 = vector.broadcast %parallel_loop3A_941 : i32 to vector<16xi32>
      %parallel_loop3A_943 = arith.addi %parallel_loop3A_926, %parallel_loop3A_942 : vector<16xi32>
      %parallel_loop3A_944 = arith.select %parallel_loop3A_940, %parallel_loop3A_943, %parallel_loop3A_926 : vector<16xi1>, vector<16xi32>
      %parallel_loop3A_945 = vector.shape_cast %parallel_loop3A_944 : vector<16xi32> to vector<16x1xi32>
      %parallel_loop3A_946 = vector.shape_cast %parallel_loop3A_945 : vector<16x1xi32> to vector<16xi32>
      %parallel_loop3A_947 = tpu.dynamic_gather %parallel_loop3A_147[%parallel_loop3A_946] in [0] : vector<16xf32>, vector<16xi32> -> vector<16xf32>
      %parallel_loop3A_948 = arith.addf %parallel_loop3A_147, %parallel_loop3A_947 : vector<16xf32>
      %parallel_loop3A_949 = arith.select %parallel_loop3A_923, %parallel_loop3A_937, %parallel_loop3A_948 : vector<16xi1>, vector<16xf32>
      %parallel_loop3A_950 = arith.constant 0 : i32
      %parallel_loop3A_951 = vector.broadcast %parallel_loop3A_950 : i32 to vector<16xi32>
      %parallel_loop3A_952 = arith.cmpi slt, %parallel_loop3A_926, %parallel_loop3A_951 : vector<16xi32>
      %parallel_loop3A_953 = arith.constant 16 : i32
      %parallel_loop3A_954 = vector.broadcast %parallel_loop3A_953 : i32 to vector<16xi32>
      %parallel_loop3A_955 = arith.addi %parallel_loop3A_926, %parallel_loop3A_954 : vector<16xi32>
      %parallel_loop3A_956 = arith.select %parallel_loop3A_952, %parallel_loop3A_955, %parallel_loop3A_926 : vector<16xi1>, vector<16xi32>
      %parallel_loop3A_957 = vector.shape_cast %parallel_loop3A_956 : vector<16xi32> to vector<16x1xi32>
      %parallel_loop3A_958 = vector.shape_cast %parallel_loop3A_957 : vector<16x1xi32> to vector<16xi32>
      %parallel_loop3A_959 = tpu.dynamic_gather %parallel_loop3A_202[%parallel_loop3A_958] in [0] : vector<16xf32>, vector<16xi32> -> vector<16xf32>
      %parallel_loop3A_960 = arith.addf %parallel_loop3A_202, %parallel_loop3A_959 : vector<16xf32>
      %parallel_loop3A_961 = arith.constant 0 : i32
      %parallel_loop3A_962 = vector.broadcast %parallel_loop3A_961 : i32 to vector<16xi32>
      %parallel_loop3A_963 = arith.cmpi slt, %parallel_loop3A_926, %parallel_loop3A_962 : vector<16xi32>
      %parallel_loop3A_964 = arith.constant 16 : i32
      %parallel_loop3A_965 = vector.broadcast %parallel_loop3A_964 : i32 to vector<16xi32>
      %parallel_loop3A_966 = arith.addi %parallel_loop3A_926, %parallel_loop3A_965 : vector<16xi32>
      %parallel_loop3A_967 = arith.select %parallel_loop3A_963, %parallel_loop3A_966, %parallel_loop3A_926 : vector<16xi1>, vector<16xi32>
      %parallel_loop3A_968 = vector.shape_cast %parallel_loop3A_967 : vector<16xi32> to vector<16x1xi32>
      %parallel_loop3A_969 = vector.shape_cast %parallel_loop3A_968 : vector<16x1xi32> to vector<16xi32>
      %parallel_loop3A_970 = tpu.dynamic_gather %parallel_loop3A_257[%parallel_loop3A_969] in [0] : vector<16xf32>, vector<16xi32> -> vector<16xf32>
      %parallel_loop3A_971 = arith.addf %parallel_loop3A_257, %parallel_loop3A_970 : vector<16xf32>
      %parallel_loop3A_972 = arith.select %parallel_loop3A_923, %parallel_loop3A_960, %parallel_loop3A_971 : vector<16xi1>, vector<16xf32>
      %parallel_loop3A_973 = arith.constant 0 : i32
      %parallel_loop3A_974 = vector.broadcast %parallel_loop3A_973 : i32 to vector<16xi32>
      %parallel_loop3A_975 = arith.cmpi slt, %parallel_loop3A_926, %parallel_loop3A_974 : vector<16xi32>
      %parallel_loop3A_976 = arith.constant 16 : i32
      %parallel_loop3A_977 = vector.broadcast %parallel_loop3A_976 : i32 to vector<16xi32>
      %parallel_loop3A_978 = arith.addi %parallel_loop3A_926, %parallel_loop3A_977 : vector<16xi32>
      %parallel_loop3A_979 = arith.select %parallel_loop3A_975, %parallel_loop3A_978, %parallel_loop3A_926 : vector<16xi1>, vector<16xi32>
      %parallel_loop3A_980 = vector.shape_cast %parallel_loop3A_979 : vector<16xi32> to vector<16x1xi32>
      %parallel_loop3A_981 = vector.shape_cast %parallel_loop3A_980 : vector<16x1xi32> to vector<16xi32>
      %parallel_loop3A_982 = tpu.dynamic_gather %parallel_loop3A_312[%parallel_loop3A_981] in [0] : vector<16xf32>, vector<16xi32> -> vector<16xf32>
      %parallel_loop3A_983 = arith.addf %parallel_loop3A_312, %parallel_loop3A_982 : vector<16xf32>
      %parallel_loop3A_984 = arith.constant 0 : i32
      %parallel_loop3A_985 = vector.broadcast %parallel_loop3A_984 : i32 to vector<16xi32>
      %parallel_loop3A_986 = arith.cmpi slt, %parallel_loop3A_926, %parallel_loop3A_985 : vector<16xi32>
      %parallel_loop3A_987 = arith.constant 16 : i32
      %parallel_loop3A_988 = vector.broadcast %parallel_loop3A_987 : i32 to vector<16xi32>
      %parallel_loop3A_989 = arith.addi %parallel_loop3A_926, %parallel_loop3A_988 : vector<16xi32>
      %parallel_loop3A_990 = arith.select %parallel_loop3A_986, %parallel_loop3A_989, %parallel_loop3A_926 : vector<16xi1>, vector<16xi32>
      %parallel_loop3A_991 = vector.shape_cast %parallel_loop3A_990 : vector<16xi32> to vector<16x1xi32>
      %parallel_loop3A_992 = vector.shape_cast %parallel_loop3A_991 : vector<16x1xi32> to vector<16xi32>
      %parallel_loop3A_993 = tpu.dynamic_gather %parallel_loop3A_367[%parallel_loop3A_992] in [0] : vector<16xf32>, vector<16xi32> -> vector<16xf32>
      %parallel_loop3A_994 = arith.addf %parallel_loop3A_367, %parallel_loop3A_993 : vector<16xf32>
      %parallel_loop3A_995 = arith.select %parallel_loop3A_923, %parallel_loop3A_983, %parallel_loop3A_994 : vector<16xi1>, vector<16xf32>
      %parallel_loop3A_996 = arith.constant 0 : i32
      %parallel_loop3A_997 = vector.broadcast %parallel_loop3A_996 : i32 to vector<16xi32>
      %parallel_loop3A_998 = arith.cmpi slt, %parallel_loop3A_926, %parallel_loop3A_997 : vector<16xi32>
      %parallel_loop3A_999 = arith.constant 16 : i32
      %parallel_loop3A_1000 = vector.broadcast %parallel_loop3A_999 : i32 to vector<16xi32>
      %parallel_loop3A_1001 = arith.addi %parallel_loop3A_926, %parallel_loop3A_1000 : vector<16xi32>
      %parallel_loop3A_1002 = arith.select %parallel_loop3A_998, %parallel_loop3A_1001, %parallel_loop3A_926 : vector<16xi1>, vector<16xi32>
      %parallel_loop3A_1003 = vector.shape_cast %parallel_loop3A_1002 : vector<16xi32> to vector<16x1xi32>
      %parallel_loop3A_1004 = vector.shape_cast %parallel_loop3A_1003 : vector<16x1xi32> to vector<16xi32>
      %parallel_loop3A_1005 = tpu.dynamic_gather %parallel_loop3A_422[%parallel_loop3A_1004] in [0] : vector<16xf32>, vector<16xi32> -> vector<16xf32>
      %parallel_loop3A_1006 = arith.addf %parallel_loop3A_422, %parallel_loop3A_1005 : vector<16xf32>
      %parallel_loop3A_1007 = arith.constant 0 : i32
      %parallel_loop3A_1008 = vector.broadcast %parallel_loop3A_1007 : i32 to vector<16xi32>
      %parallel_loop3A_1009 = arith.cmpi slt, %parallel_loop3A_926, %parallel_loop3A_1008 : vector<16xi32>
      %parallel_loop3A_1010 = arith.constant 16 : i32
      %parallel_loop3A_1011 = vector.broadcast %parallel_loop3A_1010 : i32 to vector<16xi32>
      %parallel_loop3A_1012 = arith.addi %parallel_loop3A_926, %parallel_loop3A_1011 : vector<16xi32>
      %parallel_loop3A_1013 = arith.select %parallel_loop3A_1009, %parallel_loop3A_1012, %parallel_loop3A_926 : vector<16xi1>, vector<16xi32>
      %parallel_loop3A_1014 = vector.shape_cast %parallel_loop3A_1013 : vector<16xi32> to vector<16x1xi32>
      %parallel_loop3A_1015 = vector.shape_cast %parallel_loop3A_1014 : vector<16x1xi32> to vector<16xi32>
      %parallel_loop3A_1016 = tpu.dynamic_gather %parallel_loop3A_477[%parallel_loop3A_1015] in [0] : vector<16xf32>, vector<16xi32> -> vector<16xf32>
      %parallel_loop3A_1017 = arith.addf %parallel_loop3A_477, %parallel_loop3A_1016 : vector<16xf32>
      %parallel_loop3A_1018 = arith.select %parallel_loop3A_923, %parallel_loop3A_1006, %parallel_loop3A_1017 : vector<16xi1>, vector<16xf32>
      %parallel_loop3A_1019 = arith.constant 0 : i32
      %parallel_loop3A_1020 = vector.broadcast %parallel_loop3A_1019 : i32 to vector<16xi32>
      %parallel_loop3A_1021 = arith.cmpi slt, %parallel_loop3A_926, %parallel_loop3A_1020 : vector<16xi32>
      %parallel_loop3A_1022 = arith.constant 16 : i32
      %parallel_loop3A_1023 = vector.broadcast %parallel_loop3A_1022 : i32 to vector<16xi32>
      %parallel_loop3A_1024 = arith.addi %parallel_loop3A_926, %parallel_loop3A_1023 : vector<16xi32>
      %parallel_loop3A_1025 = arith.select %parallel_loop3A_1021, %parallel_loop3A_1024, %parallel_loop3A_926 : vector<16xi1>, vector<16xi32>
      %parallel_loop3A_1026 = vector.shape_cast %parallel_loop3A_1025 : vector<16xi32> to vector<16x1xi32>
      %parallel_loop3A_1027 = vector.shape_cast %parallel_loop3A_1026 : vector<16x1xi32> to vector<16xi32>
      %parallel_loop3A_1028 = tpu.dynamic_gather %parallel_loop3A_532[%parallel_loop3A_1027] in [0] : vector<16xf32>, vector<16xi32> -> vector<16xf32>
      %parallel_loop3A_1029 = arith.addf %parallel_loop3A_532, %parallel_loop3A_1028 : vector<16xf32>
      %parallel_loop3A_1030 = arith.constant 0 : i32
      %parallel_loop3A_1031 = vector.broadcast %parallel_loop3A_1030 : i32 to vector<16xi32>
      %parallel_loop3A_1032 = arith.cmpi slt, %parallel_loop3A_926, %parallel_loop3A_1031 : vector<16xi32>
      %parallel_loop3A_1033 = arith.constant 16 : i32
      %parallel_loop3A_1034 = vector.broadcast %parallel_loop3A_1033 : i32 to vector<16xi32>
      %parallel_loop3A_1035 = arith.addi %parallel_loop3A_926, %parallel_loop3A_1034 : vector<16xi32>
      %parallel_loop3A_1036 = arith.select %parallel_loop3A_1032, %parallel_loop3A_1035, %parallel_loop3A_926 : vector<16xi1>, vector<16xi32>
      %parallel_loop3A_1037 = vector.shape_cast %parallel_loop3A_1036 : vector<16xi32> to vector<16x1xi32>
      %parallel_loop3A_1038 = vector.shape_cast %parallel_loop3A_1037 : vector<16x1xi32> to vector<16xi32>
      %parallel_loop3A_1039 = tpu.dynamic_gather %parallel_loop3A_587[%parallel_loop3A_1038] in [0] : vector<16xf32>, vector<16xi32> -> vector<16xf32>
      %parallel_loop3A_1040 = arith.addf %parallel_loop3A_587, %parallel_loop3A_1039 : vector<16xf32>
      %parallel_loop3A_1041 = arith.select %parallel_loop3A_923, %parallel_loop3A_1029, %parallel_loop3A_1040 : vector<16xi1>, vector<16xf32>
      %parallel_loop3A_1042 = arith.constant 0 : i32
      %parallel_loop3A_1043 = vector.broadcast %parallel_loop3A_1042 : i32 to vector<16xi32>
      %parallel_loop3A_1044 = arith.cmpi slt, %parallel_loop3A_926, %parallel_loop3A_1043 : vector<16xi32>
      %parallel_loop3A_1045 = arith.constant 16 : i32
      %parallel_loop3A_1046 = vector.broadcast %parallel_loop3A_1045 : i32 to vector<16xi32>
      %parallel_loop3A_1047 = arith.addi %parallel_loop3A_926, %parallel_loop3A_1046 : vector<16xi32>
      %parallel_loop3A_1048 = arith.select %parallel_loop3A_1044, %parallel_loop3A_1047, %parallel_loop3A_926 : vector<16xi1>, vector<16xi32>
      %parallel_loop3A_1049 = vector.shape_cast %parallel_loop3A_1048 : vector<16xi32> to vector<16x1xi32>
      %parallel_loop3A_1050 = vector.shape_cast %parallel_loop3A_1049 : vector<16x1xi32> to vector<16xi32>
      %parallel_loop3A_1051 = tpu.dynamic_gather %parallel_loop3A_642[%parallel_loop3A_1050] in [0] : vector<16xf32>, vector<16xi32> -> vector<16xf32>
      %parallel_loop3A_1052 = arith.addf %parallel_loop3A_642, %parallel_loop3A_1051 : vector<16xf32>
      %parallel_loop3A_1053 = arith.constant 0 : i32
      %parallel_loop3A_1054 = vector.broadcast %parallel_loop3A_1053 : i32 to vector<16xi32>
      %parallel_loop3A_1055 = arith.cmpi slt, %parallel_loop3A_926, %parallel_loop3A_1054 : vector<16xi32>
      %parallel_loop3A_1056 = arith.constant 16 : i32
      %parallel_loop3A_1057 = vector.broadcast %parallel_loop3A_1056 : i32 to vector<16xi32>
      %parallel_loop3A_1058 = arith.addi %parallel_loop3A_926, %parallel_loop3A_1057 : vector<16xi32>
      %parallel_loop3A_1059 = arith.select %parallel_loop3A_1055, %parallel_loop3A_1058, %parallel_loop3A_926 : vector<16xi1>, vector<16xi32>
      %parallel_loop3A_1060 = vector.shape_cast %parallel_loop3A_1059 : vector<16xi32> to vector<16x1xi32>
      %parallel_loop3A_1061 = vector.shape_cast %parallel_loop3A_1060 : vector<16x1xi32> to vector<16xi32>
      %parallel_loop3A_1062 = tpu.dynamic_gather %parallel_loop3A_697[%parallel_loop3A_1061] in [0] : vector<16xf32>, vector<16xi32> -> vector<16xf32>
      %parallel_loop3A_1063 = arith.addf %parallel_loop3A_697, %parallel_loop3A_1062 : vector<16xf32>
      %parallel_loop3A_1064 = arith.select %parallel_loop3A_923, %parallel_loop3A_1052, %parallel_loop3A_1063 : vector<16xi1>, vector<16xf32>
      %parallel_loop3A_1065 = arith.constant 0 : i32
      %parallel_loop3A_1066 = vector.broadcast %parallel_loop3A_1065 : i32 to vector<16xi32>
      %parallel_loop3A_1067 = arith.cmpi slt, %parallel_loop3A_926, %parallel_loop3A_1066 : vector<16xi32>
      %parallel_loop3A_1068 = arith.constant 16 : i32
      %parallel_loop3A_1069 = vector.broadcast %parallel_loop3A_1068 : i32 to vector<16xi32>
      %parallel_loop3A_1070 = arith.addi %parallel_loop3A_926, %parallel_loop3A_1069 : vector<16xi32>
      %parallel_loop3A_1071 = arith.select %parallel_loop3A_1067, %parallel_loop3A_1070, %parallel_loop3A_926 : vector<16xi1>, vector<16xi32>
      %parallel_loop3A_1072 = vector.shape_cast %parallel_loop3A_1071 : vector<16xi32> to vector<16x1xi32>
      %parallel_loop3A_1073 = vector.shape_cast %parallel_loop3A_1072 : vector<16x1xi32> to vector<16xi32>
      %parallel_loop3A_1074 = tpu.dynamic_gather %parallel_loop3A_752[%parallel_loop3A_1073] in [0] : vector<16xf32>, vector<16xi32> -> vector<16xf32>
      %parallel_loop3A_1075 = arith.addf %parallel_loop3A_752, %parallel_loop3A_1074 : vector<16xf32>
      %parallel_loop3A_1076 = arith.constant 0 : i32
      %parallel_loop3A_1077 = vector.broadcast %parallel_loop3A_1076 : i32 to vector<16xi32>
      %parallel_loop3A_1078 = arith.cmpi slt, %parallel_loop3A_926, %parallel_loop3A_1077 : vector<16xi32>
      %parallel_loop3A_1079 = arith.constant 16 : i32
      %parallel_loop3A_1080 = vector.broadcast %parallel_loop3A_1079 : i32 to vector<16xi32>
      %parallel_loop3A_1081 = arith.addi %parallel_loop3A_926, %parallel_loop3A_1080 : vector<16xi32>
      %parallel_loop3A_1082 = arith.select %parallel_loop3A_1078, %parallel_loop3A_1081, %parallel_loop3A_926 : vector<16xi1>, vector<16xi32>
      %parallel_loop3A_1083 = vector.shape_cast %parallel_loop3A_1082 : vector<16xi32> to vector<16x1xi32>
      %parallel_loop3A_1084 = vector.shape_cast %parallel_loop3A_1083 : vector<16x1xi32> to vector<16xi32>
      %parallel_loop3A_1085 = tpu.dynamic_gather %parallel_loop3A_807[%parallel_loop3A_1084] in [0] : vector<16xf32>, vector<16xi32> -> vector<16xf32>
      %parallel_loop3A_1086 = arith.addf %parallel_loop3A_807, %parallel_loop3A_1085 : vector<16xf32>
      %parallel_loop3A_1087 = arith.select %parallel_loop3A_923, %parallel_loop3A_1075, %parallel_loop3A_1086 : vector<16xi1>, vector<16xf32>
      %parallel_loop3A_1088 = arith.constant 0 : i32
      %parallel_loop3A_1089 = vector.broadcast %parallel_loop3A_1088 : i32 to vector<16xi32>
      %parallel_loop3A_1090 = arith.cmpi slt, %parallel_loop3A_926, %parallel_loop3A_1089 : vector<16xi32>
      %parallel_loop3A_1091 = arith.constant 16 : i32
      %parallel_loop3A_1092 = vector.broadcast %parallel_loop3A_1091 : i32 to vector<16xi32>
      %parallel_loop3A_1093 = arith.addi %parallel_loop3A_926, %parallel_loop3A_1092 : vector<16xi32>
      %parallel_loop3A_1094 = arith.select %parallel_loop3A_1090, %parallel_loop3A_1093, %parallel_loop3A_926 : vector<16xi1>, vector<16xi32>
      %parallel_loop3A_1095 = vector.shape_cast %parallel_loop3A_1094 : vector<16xi32> to vector<16x1xi32>
      %parallel_loop3A_1096 = vector.shape_cast %parallel_loop3A_1095 : vector<16x1xi32> to vector<16xi32>
      %parallel_loop3A_1097 = tpu.dynamic_gather %parallel_loop3A_862[%parallel_loop3A_1096] in [0] : vector<16xf32>, vector<16xi32> -> vector<16xf32>
      %parallel_loop3A_1098 = arith.addf %parallel_loop3A_862, %parallel_loop3A_1097 : vector<16xf32>
      %parallel_loop3A_1099 = arith.constant 0 : i32
      %parallel_loop3A_1100 = vector.broadcast %parallel_loop3A_1099 : i32 to vector<16xi32>
      %parallel_loop3A_1101 = arith.cmpi slt, %parallel_loop3A_926, %parallel_loop3A_1100 : vector<16xi32>
      %parallel_loop3A_1102 = arith.constant 16 : i32
      %parallel_loop3A_1103 = vector.broadcast %parallel_loop3A_1102 : i32 to vector<16xi32>
      %parallel_loop3A_1104 = arith.addi %parallel_loop3A_926, %parallel_loop3A_1103 : vector<16xi32>
      %parallel_loop3A_1105 = arith.select %parallel_loop3A_1101, %parallel_loop3A_1104, %parallel_loop3A_926 : vector<16xi1>, vector<16xi32>
      %parallel_loop3A_1106 = vector.shape_cast %parallel_loop3A_1105 : vector<16xi32> to vector<16x1xi32>
      %parallel_loop3A_1107 = vector.shape_cast %parallel_loop3A_1106 : vector<16x1xi32> to vector<16xi32>
      %parallel_loop3A_1108 = tpu.dynamic_gather %parallel_loop3A_917[%parallel_loop3A_1107] in [0] : vector<16xf32>, vector<16xi32> -> vector<16xf32>
      %parallel_loop3A_1109 = arith.addf %parallel_loop3A_917, %parallel_loop3A_1108 : vector<16xf32>
      %parallel_loop3A_1110 = arith.select %parallel_loop3A_923, %parallel_loop3A_1098, %parallel_loop3A_1109 : vector<16xi1>, vector<16xf32>
      %parallel_loop3A_1111 = arith.constant 2 : i32
      %parallel_loop3A_1112 = vector.broadcast %parallel_loop3A_1111 : i32 to vector<16xi32>
      %parallel_loop3A_1113 = arith.andi %iota3A, %parallel_loop3A_1112 : vector<16xi32>
      %parallel_loop3A_1114 = arith.constant 0 : i32
      %parallel_loop3A_1115 = vector.broadcast %parallel_loop3A_1114 : i32 to vector<16xi32>
      %parallel_loop3A_1116 = arith.cmpi eq, %parallel_loop3A_1113, %parallel_loop3A_1115 : vector<16xi32>
      %parallel_loop3A_1117 = arith.constant 2 : i32
      %parallel_loop3A_1118 = vector.broadcast %parallel_loop3A_1117 : i32 to vector<16xi32>
      %parallel_loop3A_1119 = arith.xori %iota3A, %parallel_loop3A_1118 : vector<16xi32>
      %parallel_loop3A_1120 = arith.constant 0 : i32
      %parallel_loop3A_1121 = vector.broadcast %parallel_loop3A_1120 : i32 to vector<16xi32>
      %parallel_loop3A_1122 = arith.cmpi slt, %parallel_loop3A_1119, %parallel_loop3A_1121 : vector<16xi32>
      %parallel_loop3A_1123 = arith.constant 16 : i32
      %parallel_loop3A_1124 = vector.broadcast %parallel_loop3A_1123 : i32 to vector<16xi32>
      %parallel_loop3A_1125 = arith.addi %parallel_loop3A_1119, %parallel_loop3A_1124 : vector<16xi32>
      %parallel_loop3A_1126 = arith.select %parallel_loop3A_1122, %parallel_loop3A_1125, %parallel_loop3A_1119 : vector<16xi1>, vector<16xi32>
      %parallel_loop3A_1127 = vector.shape_cast %parallel_loop3A_1126 : vector<16xi32> to vector<16x1xi32>
      %parallel_loop3A_1128 = vector.shape_cast %parallel_loop3A_1127 : vector<16x1xi32> to vector<16xi32>
      %parallel_loop3A_1129 = tpu.dynamic_gather %parallel_loop3A_949[%parallel_loop3A_1128] in [0] : vector<16xf32>, vector<16xi32> -> vector<16xf32>
      %parallel_loop3A_1130 = arith.addf %parallel_loop3A_949, %parallel_loop3A_1129 : vector<16xf32>
      %parallel_loop3A_1131 = arith.constant 0 : i32
      %parallel_loop3A_1132 = vector.broadcast %parallel_loop3A_1131 : i32 to vector<16xi32>
      %parallel_loop3A_1133 = arith.cmpi slt, %parallel_loop3A_1119, %parallel_loop3A_1132 : vector<16xi32>
      %parallel_loop3A_1134 = arith.constant 16 : i32
      %parallel_loop3A_1135 = vector.broadcast %parallel_loop3A_1134 : i32 to vector<16xi32>
      %parallel_loop3A_1136 = arith.addi %parallel_loop3A_1119, %parallel_loop3A_1135 : vector<16xi32>
      %parallel_loop3A_1137 = arith.select %parallel_loop3A_1133, %parallel_loop3A_1136, %parallel_loop3A_1119 : vector<16xi1>, vector<16xi32>
      %parallel_loop3A_1138 = vector.shape_cast %parallel_loop3A_1137 : vector<16xi32> to vector<16x1xi32>
      %parallel_loop3A_1139 = vector.shape_cast %parallel_loop3A_1138 : vector<16x1xi32> to vector<16xi32>
      %parallel_loop3A_1140 = tpu.dynamic_gather %parallel_loop3A_972[%parallel_loop3A_1139] in [0] : vector<16xf32>, vector<16xi32> -> vector<16xf32>
      %parallel_loop3A_1141 = arith.addf %parallel_loop3A_972, %parallel_loop3A_1140 : vector<16xf32>
      %parallel_loop3A_1142 = arith.select %parallel_loop3A_1116, %parallel_loop3A_1130, %parallel_loop3A_1141 : vector<16xi1>, vector<16xf32>
      %parallel_loop3A_1143 = arith.constant 0 : i32
      %parallel_loop3A_1144 = vector.broadcast %parallel_loop3A_1143 : i32 to vector<16xi32>
      %parallel_loop3A_1145 = arith.cmpi slt, %parallel_loop3A_1119, %parallel_loop3A_1144 : vector<16xi32>
      %parallel_loop3A_1146 = arith.constant 16 : i32
      %parallel_loop3A_1147 = vector.broadcast %parallel_loop3A_1146 : i32 to vector<16xi32>
      %parallel_loop3A_1148 = arith.addi %parallel_loop3A_1119, %parallel_loop3A_1147 : vector<16xi32>
      %parallel_loop3A_1149 = arith.select %parallel_loop3A_1145, %parallel_loop3A_1148, %parallel_loop3A_1119 : vector<16xi1>, vector<16xi32>
      %parallel_loop3A_1150 = vector.shape_cast %parallel_loop3A_1149 : vector<16xi32> to vector<16x1xi32>
      %parallel_loop3A_1151 = vector.shape_cast %parallel_loop3A_1150 : vector<16x1xi32> to vector<16xi32>
      %parallel_loop3A_1152 = tpu.dynamic_gather %parallel_loop3A_995[%parallel_loop3A_1151] in [0] : vector<16xf32>, vector<16xi32> -> vector<16xf32>
      %parallel_loop3A_1153 = arith.addf %parallel_loop3A_995, %parallel_loop3A_1152 : vector<16xf32>
      %parallel_loop3A_1154 = arith.constant 0 : i32
      %parallel_loop3A_1155 = vector.broadcast %parallel_loop3A_1154 : i32 to vector<16xi32>
      %parallel_loop3A_1156 = arith.cmpi slt, %parallel_loop3A_1119, %parallel_loop3A_1155 : vector<16xi32>
      %parallel_loop3A_1157 = arith.constant 16 : i32
      %parallel_loop3A_1158 = vector.broadcast %parallel_loop3A_1157 : i32 to vector<16xi32>
      %parallel_loop3A_1159 = arith.addi %parallel_loop3A_1119, %parallel_loop3A_1158 : vector<16xi32>
      %parallel_loop3A_1160 = arith.select %parallel_loop3A_1156, %parallel_loop3A_1159, %parallel_loop3A_1119 : vector<16xi1>, vector<16xi32>
      %parallel_loop3A_1161 = vector.shape_cast %parallel_loop3A_1160 : vector<16xi32> to vector<16x1xi32>
      %parallel_loop3A_1162 = vector.shape_cast %parallel_loop3A_1161 : vector<16x1xi32> to vector<16xi32>
      %parallel_loop3A_1163 = tpu.dynamic_gather %parallel_loop3A_1018[%parallel_loop3A_1162] in [0] : vector<16xf32>, vector<16xi32> -> vector<16xf32>
      %parallel_loop3A_1164 = arith.addf %parallel_loop3A_1018, %parallel_loop3A_1163 : vector<16xf32>
      %parallel_loop3A_1165 = arith.select %parallel_loop3A_1116, %parallel_loop3A_1153, %parallel_loop3A_1164 : vector<16xi1>, vector<16xf32>
      %parallel_loop3A_1166 = arith.constant 0 : i32
      %parallel_loop3A_1167 = vector.broadcast %parallel_loop3A_1166 : i32 to vector<16xi32>
      %parallel_loop3A_1168 = arith.cmpi slt, %parallel_loop3A_1119, %parallel_loop3A_1167 : vector<16xi32>
      %parallel_loop3A_1169 = arith.constant 16 : i32
      %parallel_loop3A_1170 = vector.broadcast %parallel_loop3A_1169 : i32 to vector<16xi32>
      %parallel_loop3A_1171 = arith.addi %parallel_loop3A_1119, %parallel_loop3A_1170 : vector<16xi32>
      %parallel_loop3A_1172 = arith.select %parallel_loop3A_1168, %parallel_loop3A_1171, %parallel_loop3A_1119 : vector<16xi1>, vector<16xi32>
      %parallel_loop3A_1173 = vector.shape_cast %parallel_loop3A_1172 : vector<16xi32> to vector<16x1xi32>
      %parallel_loop3A_1174 = vector.shape_cast %parallel_loop3A_1173 : vector<16x1xi32> to vector<16xi32>
      %parallel_loop3A_1175 = tpu.dynamic_gather %parallel_loop3A_1041[%parallel_loop3A_1174] in [0] : vector<16xf32>, vector<16xi32> -> vector<16xf32>
      %parallel_loop3A_1176 = arith.addf %parallel_loop3A_1041, %parallel_loop3A_1175 : vector<16xf32>
      %parallel_loop3A_1177 = arith.constant 0 : i32
      %parallel_loop3A_1178 = vector.broadcast %parallel_loop3A_1177 : i32 to vector<16xi32>
      %parallel_loop3A_1179 = arith.cmpi slt, %parallel_loop3A_1119, %parallel_loop3A_1178 : vector<16xi32>
      %parallel_loop3A_1180 = arith.constant 16 : i32
      %parallel_loop3A_1181 = vector.broadcast %parallel_loop3A_1180 : i32 to vector<16xi32>
      %parallel_loop3A_1182 = arith.addi %parallel_loop3A_1119, %parallel_loop3A_1181 : vector<16xi32>
      %parallel_loop3A_1183 = arith.select %parallel_loop3A_1179, %parallel_loop3A_1182, %parallel_loop3A_1119 : vector<16xi1>, vector<16xi32>
      %parallel_loop3A_1184 = vector.shape_cast %parallel_loop3A_1183 : vector<16xi32> to vector<16x1xi32>
      %parallel_loop3A_1185 = vector.shape_cast %parallel_loop3A_1184 : vector<16x1xi32> to vector<16xi32>
      %parallel_loop3A_1186 = tpu.dynamic_gather %parallel_loop3A_1064[%parallel_loop3A_1185] in [0] : vector<16xf32>, vector<16xi32> -> vector<16xf32>
      %parallel_loop3A_1187 = arith.addf %parallel_loop3A_1064, %parallel_loop3A_1186 : vector<16xf32>
      %parallel_loop3A_1188 = arith.select %parallel_loop3A_1116, %parallel_loop3A_1176, %parallel_loop3A_1187 : vector<16xi1>, vector<16xf32>
      %parallel_loop3A_1189 = arith.constant 0 : i32
      %parallel_loop3A_1190 = vector.broadcast %parallel_loop3A_1189 : i32 to vector<16xi32>
      %parallel_loop3A_1191 = arith.cmpi slt, %parallel_loop3A_1119, %parallel_loop3A_1190 : vector<16xi32>
      %parallel_loop3A_1192 = arith.constant 16 : i32
      %parallel_loop3A_1193 = vector.broadcast %parallel_loop3A_1192 : i32 to vector<16xi32>
      %parallel_loop3A_1194 = arith.addi %parallel_loop3A_1119, %parallel_loop3A_1193 : vector<16xi32>
      %parallel_loop3A_1195 = arith.select %parallel_loop3A_1191, %parallel_loop3A_1194, %parallel_loop3A_1119 : vector<16xi1>, vector<16xi32>
      %parallel_loop3A_1196 = vector.shape_cast %parallel_loop3A_1195 : vector<16xi32> to vector<16x1xi32>
      %parallel_loop3A_1197 = vector.shape_cast %parallel_loop3A_1196 : vector<16x1xi32> to vector<16xi32>
      %parallel_loop3A_1198 = tpu.dynamic_gather %parallel_loop3A_1087[%parallel_loop3A_1197] in [0] : vector<16xf32>, vector<16xi32> -> vector<16xf32>
      %parallel_loop3A_1199 = arith.addf %parallel_loop3A_1087, %parallel_loop3A_1198 : vector<16xf32>
      %parallel_loop3A_1200 = arith.constant 0 : i32
      %parallel_loop3A_1201 = vector.broadcast %parallel_loop3A_1200 : i32 to vector<16xi32>
      %parallel_loop3A_1202 = arith.cmpi slt, %parallel_loop3A_1119, %parallel_loop3A_1201 : vector<16xi32>
      %parallel_loop3A_1203 = arith.constant 16 : i32
      %parallel_loop3A_1204 = vector.broadcast %parallel_loop3A_1203 : i32 to vector<16xi32>
      %parallel_loop3A_1205 = arith.addi %parallel_loop3A_1119, %parallel_loop3A_1204 : vector<16xi32>
      %parallel_loop3A_1206 = arith.select %parallel_loop3A_1202, %parallel_loop3A_1205, %parallel_loop3A_1119 : vector<16xi1>, vector<16xi32>
      %parallel_loop3A_1207 = vector.shape_cast %parallel_loop3A_1206 : vector<16xi32> to vector<16x1xi32>
      %parallel_loop3A_1208 = vector.shape_cast %parallel_loop3A_1207 : vector<16x1xi32> to vector<16xi32>
      %parallel_loop3A_1209 = tpu.dynamic_gather %parallel_loop3A_1110[%parallel_loop3A_1208] in [0] : vector<16xf32>, vector<16xi32> -> vector<16xf32>
      %parallel_loop3A_1210 = arith.addf %parallel_loop3A_1110, %parallel_loop3A_1209 : vector<16xf32>
      %parallel_loop3A_1211 = arith.select %parallel_loop3A_1116, %parallel_loop3A_1199, %parallel_loop3A_1210 : vector<16xi1>, vector<16xf32>
      %parallel_loop3A_1212 = arith.constant 4 : i32
      %parallel_loop3A_1213 = vector.broadcast %parallel_loop3A_1212 : i32 to vector<16xi32>
      %parallel_loop3A_1214 = arith.andi %iota3A, %parallel_loop3A_1213 : vector<16xi32>
      %parallel_loop3A_1215 = arith.constant 0 : i32
      %parallel_loop3A_1216 = vector.broadcast %parallel_loop3A_1215 : i32 to vector<16xi32>
      %parallel_loop3A_1217 = arith.cmpi eq, %parallel_loop3A_1214, %parallel_loop3A_1216 : vector<16xi32>
      %parallel_loop3A_1218 = arith.constant 4 : i32
      %parallel_loop3A_1219 = vector.broadcast %parallel_loop3A_1218 : i32 to vector<16xi32>
      %parallel_loop3A_1220 = arith.xori %iota3A, %parallel_loop3A_1219 : vector<16xi32>
      %parallel_loop3A_1221 = arith.constant 0 : i32
      %parallel_loop3A_1222 = vector.broadcast %parallel_loop3A_1221 : i32 to vector<16xi32>
      %parallel_loop3A_1223 = arith.cmpi slt, %parallel_loop3A_1220, %parallel_loop3A_1222 : vector<16xi32>
      %parallel_loop3A_1224 = arith.constant 16 : i32
      %parallel_loop3A_1225 = vector.broadcast %parallel_loop3A_1224 : i32 to vector<16xi32>
      %parallel_loop3A_1226 = arith.addi %parallel_loop3A_1220, %parallel_loop3A_1225 : vector<16xi32>
      %parallel_loop3A_1227 = arith.select %parallel_loop3A_1223, %parallel_loop3A_1226, %parallel_loop3A_1220 : vector<16xi1>, vector<16xi32>
      %parallel_loop3A_1228 = vector.shape_cast %parallel_loop3A_1227 : vector<16xi32> to vector<16x1xi32>
      %parallel_loop3A_1229 = vector.shape_cast %parallel_loop3A_1228 : vector<16x1xi32> to vector<16xi32>
      %parallel_loop3A_1230 = tpu.dynamic_gather %parallel_loop3A_1142[%parallel_loop3A_1229] in [0] : vector<16xf32>, vector<16xi32> -> vector<16xf32>
      %parallel_loop3A_1231 = arith.addf %parallel_loop3A_1142, %parallel_loop3A_1230 : vector<16xf32>
      %parallel_loop3A_1232 = arith.constant 0 : i32
      %parallel_loop3A_1233 = vector.broadcast %parallel_loop3A_1232 : i32 to vector<16xi32>
      %parallel_loop3A_1234 = arith.cmpi slt, %parallel_loop3A_1220, %parallel_loop3A_1233 : vector<16xi32>
      %parallel_loop3A_1235 = arith.constant 16 : i32
      %parallel_loop3A_1236 = vector.broadcast %parallel_loop3A_1235 : i32 to vector<16xi32>
      %parallel_loop3A_1237 = arith.addi %parallel_loop3A_1220, %parallel_loop3A_1236 : vector<16xi32>
      %parallel_loop3A_1238 = arith.select %parallel_loop3A_1234, %parallel_loop3A_1237, %parallel_loop3A_1220 : vector<16xi1>, vector<16xi32>
      %parallel_loop3A_1239 = vector.shape_cast %parallel_loop3A_1238 : vector<16xi32> to vector<16x1xi32>
      %parallel_loop3A_1240 = vector.shape_cast %parallel_loop3A_1239 : vector<16x1xi32> to vector<16xi32>
      %parallel_loop3A_1241 = tpu.dynamic_gather %parallel_loop3A_1165[%parallel_loop3A_1240] in [0] : vector<16xf32>, vector<16xi32> -> vector<16xf32>
      %parallel_loop3A_1242 = arith.addf %parallel_loop3A_1165, %parallel_loop3A_1241 : vector<16xf32>
      %parallel_loop3A_1243 = arith.select %parallel_loop3A_1217, %parallel_loop3A_1231, %parallel_loop3A_1242 : vector<16xi1>, vector<16xf32>
      %parallel_loop3A_1244 = arith.constant 0 : i32
      %parallel_loop3A_1245 = vector.broadcast %parallel_loop3A_1244 : i32 to vector<16xi32>
      %parallel_loop3A_1246 = arith.cmpi slt, %parallel_loop3A_1220, %parallel_loop3A_1245 : vector<16xi32>
      %parallel_loop3A_1247 = arith.constant 16 : i32
      %parallel_loop3A_1248 = vector.broadcast %parallel_loop3A_1247 : i32 to vector<16xi32>
      %parallel_loop3A_1249 = arith.addi %parallel_loop3A_1220, %parallel_loop3A_1248 : vector<16xi32>
      %parallel_loop3A_1250 = arith.select %parallel_loop3A_1246, %parallel_loop3A_1249, %parallel_loop3A_1220 : vector<16xi1>, vector<16xi32>
      %parallel_loop3A_1251 = vector.shape_cast %parallel_loop3A_1250 : vector<16xi32> to vector<16x1xi32>
      %parallel_loop3A_1252 = vector.shape_cast %parallel_loop3A_1251 : vector<16x1xi32> to vector<16xi32>
      %parallel_loop3A_1253 = tpu.dynamic_gather %parallel_loop3A_1188[%parallel_loop3A_1252] in [0] : vector<16xf32>, vector<16xi32> -> vector<16xf32>
      %parallel_loop3A_1254 = arith.addf %parallel_loop3A_1188, %parallel_loop3A_1253 : vector<16xf32>
      %parallel_loop3A_1255 = arith.constant 0 : i32
      %parallel_loop3A_1256 = vector.broadcast %parallel_loop3A_1255 : i32 to vector<16xi32>
      %parallel_loop3A_1257 = arith.cmpi slt, %parallel_loop3A_1220, %parallel_loop3A_1256 : vector<16xi32>
      %parallel_loop3A_1258 = arith.constant 16 : i32
      %parallel_loop3A_1259 = vector.broadcast %parallel_loop3A_1258 : i32 to vector<16xi32>
      %parallel_loop3A_1260 = arith.addi %parallel_loop3A_1220, %parallel_loop3A_1259 : vector<16xi32>
      %parallel_loop3A_1261 = arith.select %parallel_loop3A_1257, %parallel_loop3A_1260, %parallel_loop3A_1220 : vector<16xi1>, vector<16xi32>
      %parallel_loop3A_1262 = vector.shape_cast %parallel_loop3A_1261 : vector<16xi32> to vector<16x1xi32>
      %parallel_loop3A_1263 = vector.shape_cast %parallel_loop3A_1262 : vector<16x1xi32> to vector<16xi32>
      %parallel_loop3A_1264 = tpu.dynamic_gather %parallel_loop3A_1211[%parallel_loop3A_1263] in [0] : vector<16xf32>, vector<16xi32> -> vector<16xf32>
      %parallel_loop3A_1265 = arith.addf %parallel_loop3A_1211, %parallel_loop3A_1264 : vector<16xf32>
      %parallel_loop3A_1266 = arith.select %parallel_loop3A_1217, %parallel_loop3A_1254, %parallel_loop3A_1265 : vector<16xi1>, vector<16xf32>
      %parallel_loop3A_1267 = arith.constant 8 : i32
      %parallel_loop3A_1268 = vector.broadcast %parallel_loop3A_1267 : i32 to vector<16xi32>
      %parallel_loop3A_1269 = arith.andi %iota3A, %parallel_loop3A_1268 : vector<16xi32>
      %parallel_loop3A_1270 = arith.constant 0 : i32
      %parallel_loop3A_1271 = vector.broadcast %parallel_loop3A_1270 : i32 to vector<16xi32>
      %parallel_loop3A_1272 = arith.cmpi eq, %parallel_loop3A_1269, %parallel_loop3A_1271 : vector<16xi32>
      %parallel_loop3A_1273 = arith.constant 8 : i32
      %parallel_loop3A_1274 = vector.broadcast %parallel_loop3A_1273 : i32 to vector<16xi32>
      %parallel_loop3A_1275 = arith.xori %iota3A, %parallel_loop3A_1274 : vector<16xi32>
      %parallel_loop3A_1276 = arith.constant 0 : i32
      %parallel_loop3A_1277 = vector.broadcast %parallel_loop3A_1276 : i32 to vector<16xi32>
      %parallel_loop3A_1278 = arith.cmpi slt, %parallel_loop3A_1275, %parallel_loop3A_1277 : vector<16xi32>
      %parallel_loop3A_1279 = arith.constant 16 : i32
      %parallel_loop3A_1280 = vector.broadcast %parallel_loop3A_1279 : i32 to vector<16xi32>
      %parallel_loop3A_1281 = arith.addi %parallel_loop3A_1275, %parallel_loop3A_1280 : vector<16xi32>
      %parallel_loop3A_1282 = arith.select %parallel_loop3A_1278, %parallel_loop3A_1281, %parallel_loop3A_1275 : vector<16xi1>, vector<16xi32>
      %parallel_loop3A_1283 = vector.shape_cast %parallel_loop3A_1282 : vector<16xi32> to vector<16x1xi32>
      %parallel_loop3A_1284 = vector.shape_cast %parallel_loop3A_1283 : vector<16x1xi32> to vector<16xi32>
      %parallel_loop3A_1285 = tpu.dynamic_gather %parallel_loop3A_1243[%parallel_loop3A_1284] in [0] : vector<16xf32>, vector<16xi32> -> vector<16xf32>
      %parallel_loop3A_1286 = arith.addf %parallel_loop3A_1243, %parallel_loop3A_1285 : vector<16xf32>
      %parallel_loop3A_1287 = arith.constant 0 : i32
      %parallel_loop3A_1288 = vector.broadcast %parallel_loop3A_1287 : i32 to vector<16xi32>
      %parallel_loop3A_1289 = arith.cmpi slt, %parallel_loop3A_1275, %parallel_loop3A_1288 : vector<16xi32>
      %parallel_loop3A_1290 = arith.constant 16 : i32
      %parallel_loop3A_1291 = vector.broadcast %parallel_loop3A_1290 : i32 to vector<16xi32>
      %parallel_loop3A_1292 = arith.addi %parallel_loop3A_1275, %parallel_loop3A_1291 : vector<16xi32>
      %parallel_loop3A_1293 = arith.select %parallel_loop3A_1289, %parallel_loop3A_1292, %parallel_loop3A_1275 : vector<16xi1>, vector<16xi32>
      %parallel_loop3A_1294 = vector.shape_cast %parallel_loop3A_1293 : vector<16xi32> to vector<16x1xi32>
      %parallel_loop3A_1295 = vector.shape_cast %parallel_loop3A_1294 : vector<16x1xi32> to vector<16xi32>
      %parallel_loop3A_1296 = tpu.dynamic_gather %parallel_loop3A_1266[%parallel_loop3A_1295] in [0] : vector<16xf32>, vector<16xi32> -> vector<16xf32>
      %parallel_loop3A_1297 = arith.addf %parallel_loop3A_1266, %parallel_loop3A_1296 : vector<16xf32>
      %parallel_loop3A_1298 = arith.select %parallel_loop3A_1272, %parallel_loop3A_1286, %parallel_loop3A_1297 : vector<16xi1>, vector<16xf32>
      %parallel_loop3A_1299 = arith.constant 16 : i32
      %parallel_loop3A_1300 = arith.muli %parallel_loop3A_37, %parallel_loop3A_1299 : i32
      %parallel_loop3A_1301 = arith.constant 124 : i32
      %parallel_loop3A_1302 = arith.index_cast %parallel_loop3A_1301 : i32 to index
      %parallel_loop3A_1303 = arith.index_cast %parallel_loop3A_1300 : i32 to index
      %parallel_loop3A_1304 = tpu.vector_load %arg12[%parallel_loop3A_1302, %parallel_loop3A_1303] {strides = array<i32>} : memref<125x80xf32, #tpu.memory_space<vmem>>, vector<16xf32>,
      tpu.vector_store %arg12[%parallel_loop3A_1302, %parallel_loop3A_1303], %parallel_loop3A_1298 {strides = array<i32>} : memref<125x80xf32, #tpu.memory_space<vmem>>, vector<16xf32>,
    } {sc.loop_unroll_factor = 1 : i64, sc.parallel_access}
    "tpu.region"() ({
      %run_scoped3A = tpu.sem_alloc : memref<!tpu.dma_semaphore, #tpu.memory_space<semaphore_mem>>
      %dma_start3A_37 = arith.constant 0 : i32
      %dma_start3A_38 = arith.constant 0 : i32
      %dma_start3A_39 = tpu.memref_slice %arg5[%add3A, %dma_start3A_37, %dma_start3A_38] : memref<32x125x80xf32, #tpu.memory_space<hbm>> -> memref<1x125x80xf32, #tpu.memory_space<hbm>>
      %dma_start3A_40 = tpu.memref_squeeze %dma_start3A_39 : memref<1x125x80xf32, #tpu.memory_space<hbm>> -> memref<125x80xf32, #tpu.memory_space<hbm>>
      %dma_start3A_41 = arith.constant 0 : i32
      %dma_start3A_42 = arith.constant 0 : i32
      %dma_start3A_43 = tpu.memref_slice %arg5[%add3A, %dma_start3A_41, %dma_start3A_42] : memref<32x125x80xf32, #tpu.memory_space<hbm>> -> memref<1x125x80xf32, #tpu.memory_space<hbm>>
      %dma_start3A_44 = tpu.memref_squeeze %dma_start3A_43 : memref<1x125x80xf32, #tpu.memory_space<hbm>> -> memref<125x80xf32, #tpu.memory_space<hbm>>
      tpu.enqueue_dma source(%arg12 : memref<125x80xf32, #tpu.memory_space<vmem>>) target(%dma_start3A_44 : memref<125x80xf32, #tpu.memory_space<hbm>>) target_semaphore(%run_scoped3A : memref<!tpu.dma_semaphore, #tpu.memory_space<semaphore_mem>>)
      %dma_wait3A_45 = arith.constant 0 : i32
      %dma_wait3A_46 = arith.constant 0 : i32
      %dma_wait3A_47 = tpu.memref_slice %arg5[%add3A, %dma_wait3A_45, %dma_wait3A_46] : memref<32x125x80xf32, #tpu.memory_space<hbm>> -> memref<1x125x80xf32, #tpu.memory_space<hbm>>
      %dma_wait3A_48 = tpu.memref_squeeze %dma_wait3A_47 : memref<1x125x80xf32, #tpu.memory_space<hbm>> -> memref<125x80xf32, #tpu.memory_space<hbm>>
      %dma_wait3A_49 = arith.constant 0 : i32
      %dma_wait3A_50 = arith.constant 0 : i32
      %dma_wait3A_51 = tpu.memref_slice %arg5[%add3A, %dma_wait3A_49, %dma_wait3A_50] : memref<32x125x80xf32, #tpu.memory_space<hbm>> -> memref<1x125x80xf32, #tpu.memory_space<hbm>>
      %dma_wait3A_52 = tpu.memref_squeeze %dma_wait3A_51 : memref<1x125x80xf32, #tpu.memory_space<hbm>> -> memref<125x80xf32, #tpu.memory_space<hbm>>
      tpu.wait_dma2 semaphore(%run_scoped3A : memref<!tpu.dma_semaphore, #tpu.memory_space<semaphore_mem>>) src(%arg12 : memref<125x80xf32, #tpu.memory_space<vmem>>) dst(%dma_wait3A_52 : memref<125x80xf32, #tpu.memory_space<hbm>>)
      tpu.yield
    }) : () -> ()
    return
  }
}

</mosaic_0001>

<sc_bundles>
// kernel: kernel.3.cloned.1.call-start
scs
__scs_entry_jumppad:
0x0: {  	(pc) =	sbr.rel $0x88, $3  }
0x1: {  	(tag) =	ssettag $0x0;
	lr =	simm.s32 $0x1  }
0x2: {  	[smem:$0x3F9F] =	sst lr;
	_ =	strace $0xD0000000  }
0x3: {  	_ = 	snop  }
0x4: {  	_ = 	snop  }
0x5: {  	_ = 	snop  }
0x6: {  	_ = 	snop  }
0x7: {  	_ = 	snop  }
__scs_overlays_trampoline_lowered:
0x8: {  	[smem:$0x3FAE] =	sst s0  }
0x9: {  	[smem:$0x3FAF] =	sst s1  }
0xa: {  	[smem:$0x3FB0] =	sst s2  }
0xb: {  	[smem:$0x3FB1] =	sst s3  }
0xc: {  	[smem:$0x3FB2] =	sst s4  }
0xd: {  	[smem:$0x3FB3] =	sst s5  }
0xe: {  	[smem:$0x3FB4] =	sst s6  }
0xf: {  	[smem:$0x3FB5] =	sst s7  }
0x10: {  	[smem:$0x3FB6] =	sst s8  }
0x11: {  	[smem:$0x3FB7] =	sst s9;
	s0 =	simm.s32 @!p0 $0x0  }
0x12: {  	s1 =	sld [smem:$0x3F9D];
	s0 =	simm.s32 @p0 $0x1  }
0x13: {  	[smem:$0x3FB8] =	sst s0;
	s0 =	simm.s32 @!p1 $0x0  }
0x14: {  	s2 =	sld [smem:$0x3F9C];
	s0 =	simm.s32 @p1 $0x1  }
0x15: {  	[smem:$0x3FB9] =	sst s0;
	s0 =	simm.s32 @!p2 $0x0  }
0x16: {  	s3 =	sld [smem:$0x3FDB];
	s0 =	simm.s32 @p2 $0x1  }
0x17: {  	s4 =	simm.s32 $0x1BF5;
	[smem:$0x3FBB] =	sst s0  }
0x18: {  	s0 =	sld [smem:$0x3F9E];
	_ =	swait.ge [sflag:s4], $0x0  }
0x19: {  	s7 =	sld [smem:$0x3F9F]  }
0x1a: {  	s8 =	sadd.s32 $0xFFFFE003, lr  }
0x1b: {  	s9 =	sadd.s32 $0xFFFFFEF7, lr;
	s5 =	simm.s32 $0xFFFFFFFF;
	p2 =	slt.u32 s8, $0xFFFFF086  }
0x1c: {  	p1 =	slt.u32 s9, $0xF7A;
	s5 =	simm.s32 @!p2 $0x0  }
0x1d: {  	s5 =	simm.s32 @p1 $0x1;
	p0 =	seq.s32 s7, s2  }
0x1e: {  	s7 =	smul.u32 @!p0 $0xF7A, s2;
	p2 =	seq.s32 @!p0 s5, $0x0  }
0x1f: {  	s9 =	smul.u32 $0xF7A, s1;
	s8 =	simm.s32 @!p0 $0x1BF5;
	p2 =	por !p2, p0  }
0x20: {  	[sflag:s8] =	ssyncset.s32 @!p0 $0xFFFFF086;
	s6 =	sadd.s32 @!p0 s3, s7;
	s7 =	simm.s32 @!p0 $0x108  }
0x21: {  	s3 =	sadd.s32 s3, s9;
	s6 =	sadd.s32 @!p0 $0x88, s6;
	s7 =	simm.s32 @p2 $0x1082  }
0x22: {  	[simem:s7], [sflag:s8] =	dma.local @!p0 [hbm:s6], $0xF7A  }
0x23: {  	s9 =	sor.u32 $0xD0000000, s2;
	s6 =	simm.s32 $0x108;
	_ =	swait.ge @!p0 [sflag:s8], $0x0  }
0x24: {  	s3 =	sadd.s32 $0x88, s3;
	s6 =	simm.s32 @!p1 $0x1082;
	[sflag:s4] =	ssyncset.s32 $0xFFFFF086  }
0x25: {  	[simem:s6], [sflag:s4] =	dma.local [hbm:s3], $0xF7A  }
0x26: {  	[smem:$0x3F9F] =	sst s1;
	(tag) =	ssettag s2;
	_ =	strace s9  }
0x27: {  	s1 =	sld [smem:$0x3FAF]  }
0x28: {  	s2 =	sld [smem:$0x3FB0]  }
0x29: {  	s4 =	sld [smem:$0x3FB2]  }
0x2a: {  	p0 =	seq.s32 s5, $0x0;
	s5 =	sld [smem:$0x3FB3]  }
0x2b: {  	s6 =	sld [smem:$0x3FB4]  }
0x2c: {  	s7 =	sld [smem:$0x3FB5]  }
0x2d: {  	s3 =	simm.s32 $0x108;
	s8 =	sld [smem:$0x3FB6]  }
0x2e: {  	s3 =	simm.s32 @!p0 $0x1082;
	s9 =	sld [smem:$0x3FB7]  }
0x2f: {  	lr =	sadd.s32 s0, s3;
	s0 =	sld [smem:$0x3FAE]  }
0x30: {  	s3 =	sld [smem:$0x3FB1]  }
0x31: {  	[smem:$0x3FBA] =	sst s10  }
0x32: {  	s10 =	sld [smem:$0x3FB8];
	_ =	sdelay $0x3  }
0x33: {  	p0 =	seq.s32 s10, $0x1;
	s10 =	sld [smem:$0x3FBA];
	_ =	sdelay $0x3  }
0x34: {  	[smem:$0x3FBA] =	sst s10  }
0x35: {  	s10 =	sld [smem:$0x3FB9];
	_ =	sdelay $0x3  }
0x36: {  	p1 =	seq.s32 s10, $0x1;
	s10 =	sld [smem:$0x3FBA];
	_ =	sdelay $0x3  }
0x37: {  	[smem:$0x3FBA] =	sst s10  }
0x38: {  	s10 =	sld [smem:$0x3FBB]  }
0x39: {  	_ = 	snop;
	(pc) =	sbr.ind lr, $3  }
0x3a: {  	_ = 	snop  }
0x3b: {  	_ = 	snop  }
0x3c: {  	p2 =	seq.s32 s10, $0x1;
	s10 =	sld [smem:$0x3FBA]  }
0x3d: {  	_ =	shalt  }
0x3e: {  	_ =	shalt  }
0x3f: {  	_ =	shalt  }
0x40: {  	_ =	shalt  }
0x41: {  	_ =	shalt  }
0x42: {  	_ =	shalt  }
0x43: {  	_ =	shalt  }
0x44: {  	_ =	shalt  }
0x45: {  	_ =	shalt  }
0x46: {  	_ =	shalt  }
0x47: {  	_ =	shalt  }
0x48: {  	_ =	shalt  }
0x49: {  	_ =	shalt  }
0x4a: {  	_ =	shalt  }
0x4b: {  	_ =	shalt  }
0x4c: {  	_ =	shalt  }
0x4d: {  	_ =	shalt  }
0x4e: {  	_ =	shalt  }
0x4f: {  	_ =	shalt  }
0x50: {  	_ =	shalt  }
0x51: {  	_ =	shalt  }
0x52: {  	_ =	shalt  }
0x53: {  	_ =	shalt  }
0x54: {  	_ =	shalt  }
0x55: {  	_ =	shalt  }
0x56: {  	_ =	shalt  }
0x57: {  	_ =	shalt  }
0x58: {  	_ =	shalt  }
0x59: {  	_ =	shalt  }
0x5a: {  	_ =	shalt  }
0x5b: {  	_ =	shalt  }
0x5c: {  	_ =	shalt  }
0x5d: {  	_ =	shalt  }
0x5e: {  	_ =	shalt  }
0x5f: {  	_ =	shalt  }
0x60: {  	_ =	shalt  }
0x61: {  	_ =	shalt  }
0x62: {  	_ =	shalt  }
0x63: {  	_ =	shalt  }
0x64: {  	_ =	shalt  }
0x65: {  	_ =	shalt  }
0x66: {  	_ =	shalt  }
0x67: {  	_ =	shalt  }
0x68: {  	_ =	shalt  }
0x69: {  	_ =	shalt  }
0x6a: {  	_ =	shalt  }
0x6b: {  	_ =	shalt  }
0x6c: {  	_ =	shalt  }
0x6d: {  	_ =	shalt  }
0x6e: {  	_ =	shalt  }
0x6f: {  	_ =	shalt  }
0x70: {  	_ =	shalt  }
0x71: {  	_ =	shalt  }
0x72: {  	_ =	shalt  }
0x73: {  	_ =	shalt  }
0x74: {  	_ =	shalt  }
0x75: {  	_ =	shalt  }
0x76: {  	_ =	shalt  }
0x77: {  	_ =	shalt  }
0x78: {  	_ =	shalt  }
0x79: {  	_ =	shalt  }
0x7a: {  	_ =	shalt  }
0x7b: {  	_ =	shalt  }
0x7c: {  	_ =	shalt  }
0x7d: {  	_ =	shalt  }
0x7e: {  	_ =	shalt  }
0x7f: {  	_ =	shalt  }
0x80: {  	_ =	shalt  }
0x81: {  	_ =	shalt  }
0x82: {  	_ =	shalt  }
0x83: {  	_ =	shalt  }
0x84: {  	_ =	shalt  }
0x85: {  	_ =	shalt  }
0x86: {  	_ =	shalt  }
0x87: {  	_ =	shalt  }
.Lfunc_end0:
.L_simem_size_0:
called_computation_lowered:
.L_overlay_start_0:
0x88: {  	s2 =	sld [smem:$0x3FD9]  }
0x89: {  	s3 =	sld [smem:$0x3FFE];
	_ =	sdelay $0x1  }
0x8a: {  	s1 =	srdreg.scid  }
0x8b: {  	s0 =	sand.u32 $0x1, s1  }
0x8c: {  	s17 =	sshll.u32 s0, $0xA;
	s2 =	sadd.s32 s3, s2  }
0x8d: {  	s2 =	sadd.s32 s2, s17  }
0x8e: {  	[smem:$0x3FC6] =	sst s2  }
0x8f: {  	_ = 	snop  }
0x90: {  	s2 =	sld [smem:$0x3FD0];
	(tm) =	ssettm $0x1  }
0x91: {  	s18 =	sld [smem:$0x3FFB];
	_ =	sdelay $0x3  }
0x92: {  	_ =	strace s18  }
0x93: {  	s3 =	sld [smem:$0x3FFC];
	_ =	sdelay $0x3  }
0x94: {  	_ =	strace s3  }
0x95: {  	s3 =	sld [smem:$0x3FFD];
	_ =	sdelay $0x3  }
0x96: {  	_ =	strace s3  }
0x97: {  	_ =	strace $0x8FFFFFFF  }
0x98: {  	s19 =	sld [smem:$0x3FDB];
	_ =	sdelay $0x1  }
0x99: {  	s4 =	simm.s32 $_scs_section_size  }
0x9a: {  	s5 =	simm.s32 $_size__tile_overlayer_lowered;
	s6 =	simm.s32 $_tile_overlayer_lowered  }
0x9b: {  	s22 =	simm.s32 $0x1BFF;
	s21 =	sshll.u32 s6, $0x1;
	s3 =	sadd.s32 s4, s19  }
0x9c: {  	s7 =	simm.s32 $0x0;
	s20 =	sshll.u32 s5, $0x1;
	s5 =	sadd.s32 s21, s3  }
0x9d: {  	[timem:s7], [sflag:s22] =	dma.local [hbm:s5], s20  }
0x9e: {  	_ =	swait.ge [sflag:s22], s20  }
0x9f: {  	s4 =	ssub.s32 $0x0, s20;
	[sflag:s22] =	ssyncset.done $0x0  }
0xa0: {  	[sflag:s22] =	ssyncadd.s32 s4;
	_ =	sdelay $0x1  }
0xa1: {  	s23 =	simm.s32 $0x1B8B  }
0xa2: {  	_ =	swait.ge [sflag:s23], $0x1  }
0xa3: {  	[sflag:s23] =	ssyncset.done $0x0  }
0xa4: {  	s25 =	simm.s32 $0x1B8E;
	s24 =	sld [smem:$0x3FFE];
	[sflag:s23] =	ssyncadd.s32 $0xFFFFFFFF  }
0xa5: {  	s26 =	simm.s32 $execute0_lowered;
	[smem:$0x3FD2] =	sst s25  }
0xa6: {  	s5 =	sshll.u32 s26, $0x1;
	_ =	strace $0x80000046;
	[dreg:$0x1] =	wrdreg $0xFFFFFFFF  }
0xa7: {  	s28 =	simm.s32 $_size_execute0_lowered;
	s3 =	sadd.s32 s3, s5;
	[dreg:$0x0] =	wrdreg $0x0  }
0xa8: {  	s5 =	sshll.u32 s28, $0x1;
	[dreg:$0x2] =	wrdreg s3  }
0xa9: {  	[dreg:$0x3] =	wrdreg s5  }
0xaa: {  	[dreg:$0x4] =	wrdreg $0xC0  }
0xab: {  	_ =	task [dreg:s7], $0x5FFFF  }
0xac: {  	[dreg:$0x1] =	wrdreg $0xFFFFFFFF  }
0xad: {  	[dreg:$0x0] =	wrdreg $0x60  }
0xae: {  	[dreg:$0x2] =	wrdreg s24  }
0xaf: {  	[dreg:$0x3] =	wrdreg s2  }
0xb0: {  	[dreg:$0x4] =	wrdreg $0xC5300  }
0xb1: {  	[dreg:$0x5] =	wrdreg $0x9  }
0xb2: {  	_ =	task.clear_ibuf [dreg:s7], $0x6FFFF;
	_ =	strace $0x90000046  }
0xb3: {  	s29 =	simm.s32 $0x9;
	_ =	strace $0x80000048  }
0xb4: {  	_ =	swait.ge [sflag:s29], $0x1  }
0xb5: {  	[sflag:s29] =	ssyncadd.s32 $0xFFFFFFFF  }
0xb6: {  	_ =	strace $0x90000048  }
0xb7: {  	_ =	sfence  }
0xb8: {  	s30 =	sld [smem:$0x0];
	_ =	sdelay $0x2  }
0xb9: {  	s31 =	sshll.u32 s1, $0xD;
	s1 =	sshrl.u32 s1, $0x2  }
0xba: {  	s3 =	sand.u32 $0x4000, s31;
	s1 =	sadd.s32 s1, s30  }
0xbb: {  	s0 =	sor.u32 s3, s0;
	s1 =	sshll.u32 s1, $0x11  }
0xbc: {  	s0 =	sor.u32 s1, s0  }
0xbd: {  	s0 =	sadd.s32 $0x8F2B, s0  }
0xbe: {  	[sflag:s0] =	ssyncadd.remote.s32 $0x1  }
0xbf: {  	_ =	sfence.sel $0xFFFF  }
0xc0: {  	[dreg:$0x0] =	wrdreg $0xFFFFFFFF;
	(pc) =	sbr.abs _section_cstart, $3  }
0xc1: {  	[dreg:$0x1] =	wrdreg $0xFFFFFFFF  }
0xc2: {  	_ =	task.clear_ibuf [dreg:s7], $0x2FFFF;
	_ =	strace $0x9FFFFFFF  }
0xc3: {  	(tm) =	ssettm $0x7FFFFFFF  }
tec
execute0_lowered:
.L_overlay_start_1:
0x0: {  	(tag) =	ssettag $0x1  }
0x1: {  	v0 =	vimm.s32 $0xEFCDAB89  }
0x2: {  	vm0 =	vcmask $0xB08;
	vm1 =	vcmask $0x300;
	v1 =	vimm.s32 $0x67452301  }
0x3: {  	v2 =	vimm.s32 $0xDCFE98BA;
	v3 =	vimm.s32 $0x54761032;
	vm2 =	vcmask $0x700  }
0x4: {  	vm3 =	vcmask $0x3B38;
	v4 =	vimm.s32 $0xFEDCBA98;
	v5 =	vimm.s32 $0x76543210  }
0x5: {  	v0 =	vunpack.c.l.s4.s8 v0;
	vm0 =	vmor vm1, vm0;
	vm1 =	vcmask $0x1310  }
0x6: {  	s4 =	rddreg [dreg:$0x0];
	v1 =	vunpack.c.l.s4.s8 v1;
	v2 =	vunpack.c.l.s4.s8 v2;
	v3 =	vunpack.c.l.s4.s8 v3  }
0x7: {  	s6 =	rddreg [dreg:$0x1];
	v4 =	vunpack.c.l.s4.s8 v4;
	vm0 =	vmor vm0, vm1;
	vm1 =	vcmask $0x1B18  }
0x8: {  	s1 =	rddreg [dreg:$0x2];
	v0 =	vunpack.c.0.s8.s32 v0;
	vm0 =	vmor vm0, vm1;
	vm1 =	vcmask $0x2320  }
0x9: {  	s0 =	rddreg [dreg:$0x3];
	v1 =	vunpack.c.0.s8.s32 v1;
	vm0 =	vmor vm0, vm1;
	vm1 =	vcmask $0x2B28  }
0xa: {  	s3 =	srdreg.scid;
	s7 =	stileid.u32;
	v4 =	vunpack.c.0.s8.s32 v4;
	vm0 =	vmor vm0, vm1;
	vm1 =	vcmask $0x3330  }
0xb: {  	s10 =	simm.s32 $0x2710;
	s11 =	simm.s32 $0x50;
	s12 =	simm.s32 $0x4E20;
	v0 =	vcombine.low v1, v0;
	v1 =	vunpack.c.0.s8.s32 v2;
	v2 =	vunpack.c.0.s8.s32 v3  }
0xc: {  	s2 =	simm.s32 $0x0;
	s13 =	simm.s32 $0x6220;
	s14 =	simm.s32 $0x7620;
	v3 =	vimm.s32 $0x32107654;
	vm0 =	vmor vm0, vm1;
	vm1 =	vcmask $0x1710  }
0xd: {  	s15 =	simm.s32 $0x8A20;
	s16 =	simm.s32 $0x1;
	s17 =	simm.s32 $0x2;
	v3 =	vunpack.c.l.s4.s8 v3;
	v1 =	vcombine.low v2, v1;
	v2 =	vimm.s32 $0xBA98FEDC  }
0xe: {  	s18 =	simm.s32 $0x3;
	s19 =	simm.s32 $0x4;
	s20 =	simm.s32 $0x9E20;
	vm1 =	vmor vm2, vm1;
	vm2 =	vcmask $0x2720;
	v2 =	vunpack.c.l.s4.s8 v2  }
0xf: {  	s21 =	simm.s32 $0x0;
	s3 =	sand.u32 $0x1, s3;
	s5 =	sshll.u32 s7, $0x1;
	v5 =	vunpack.c.l.s4.s8 v5;
	v4 =	vand.u32 $0xF, v4;
	vm1 =	vmor vm1, vm2  }
0x10: {  	[smem:$0x7FF] =	sst s2;
	s5 =	sor.u32 s3, s5;
	s8 =	ssub.s32 $0x2, s3;
	vm2 =	vcmask $0x3730;
	v3 =	vunpack.c.0.s8.s32 v3;
	v2 =	vunpack.c.0.s8.s32 v2  }
0x11: {  	p0 =	sne.s32 s7, $0x0;
	s9 =	smul.u32 $0x4E2, s5;
	s31 =	sshrl.u32 s8, $0x1;
	vm0 =	vmor vm0, vm3;
	vm3 =	vcmask $0xF00;
	vm1 =	vmor vm1, vm2  }
0x12: {  	_ =	strace $0x80000047;
	s3 =	sadd.s32 $0x9E00, s4;
	s8 =	ssub.s32 s8, s31;
	vm2 =	vcmask $0x2F20;
	v2 =	vcombine.low v3, v2;
	v3 =	vunpack.c.0.s8.s32 v5  }
0x13: {  	s4 =	sadd.s32 s4, s9;
	s6 =	sadd.s32 s6, s9;
	s7 =	smax.u32 s8, $0x1;
	v0 =	vand.u32 $0xF, v0;
	v1 =	vand.u32 $0xF, v1;
	vm2 =	vmor vm3, vm2  }
0x14: {  	s8 =	sshrl.u32 @!p0 s1, $0x3;
	s9 =	simm.s32 $0x5;
	s5 =	sadd.s32 $0x1D800, s4;
	vm3 =	vmmov $0xff;
	v2 =	vand.u32 $0xF, v2;
	v3 =	vcombine.low v4, v3  }
.LBB2_1:
0x15: {  	s22 =	simm.s32 @!p0 $0x1C05  }
0x16: {  	[spmem:s8], [sflag:s22] =	dma.local @!p0 [hbm:s3], $0x13880  }
0x17: {  	s22 =	simm.s32 @!p0 $0x5  }
0x18: {  	_ =	swait.ge @!p0 [sflag:s22], $0x13880  }
0x19: {  	[sflag:s22] =	ssyncset.done @!p0 $0x0  }
0x1a: {  	[sflag:s22] =	ssyncadd.s32 @!p0 $0xFFFEC780  }
0x1b: {  	[tilespmem:s2], [sflag:$0x5] =	stream.linear.gather [hbm4b:s4+s2], $0x2710, $0x38;
	[tilespmem:$0x16170] =	vst v63  }
0x1c: {  	_ =	swait.ge [sflag:s9], $0x2710  }
0x1d: {  	[sflag:s9] =	ssyncset.done $0x0  }
0x1e: {  	[sflag:s9] =	ssyncadd.s32 $0xFFFFD8F0  }
0x1f: {  	[tilespmem:s10], [sflag:$0x5] =	stream.linear.gather [hbm4b:s5+s2], $0x2710, $0x38;
	[tilespmem:$0x16170] =	vst v63  }
0x20: {  	_ =	swait.ge [sflag:s9], $0x2710  }
0x21: {  	[sflag:s9] =	ssyncset.done $0x0  }
0x22: {  	[sflag:s9] =	ssyncadd.s32 $0xFFFFD8F0  }
0x23: {  	[bflag:$0x0] =	sbarrier.arrive $0xFFFF  }
0x24: {  	[tilespmem:s12], [sflag:$0x1] =	stream.indirect.gather [spmem:s1], $0x40, s2, s11, $0xb8;
	[tilespmem:$0x16170] =	vst v63  }
0x25: {  	s23 =	simm.s32 $0x9E20;
	s24 =	simm.s32 $0x0;
	s22 =	simm.s32 $0x9E70  }
0x26: {  	[tilespmem:s13], [sflag:$0x2] =	stream.indirect.gather [spmem:s1], $0x40, s10, s11, $0xb8;
	[tilespmem:$0x16170] =	vst v63  }
.LBB2_2:
0x27: {  	s25 =	smul.u32 $0xA0, s24;
	_ =	sdelay $0x1  }
0x28: {  	s26 =	sadd.s32 $0x50, s25  }
0x29: {  	[tilespmem:s14], [sflag:$0x3] =	stream.indirect.gather [spmem:s1], $0x40, s26, s11, $0xb8;
	[tilespmem:$0x16170] =	vst v63  }
0x2a: {  	s31 =	sadd.s32 $0x2760, s25  }
0x2b: {  	[tilespmem:s15], [sflag:$0x4] =	stream.indirect.gather [spmem:s1], $0x40, s31, s11, $0xb8;
	[tilespmem:$0x16170] =	vst v63  }
0x2c: {  	_ =	swait.ge [sflag:s16], $0x1400  }
0x2d: {  	[sflag:s16] =	ssyncset.done $0x0  }
0x2e: {  	[sflag:s16] =	ssyncadd.s32 $0xFFFFEC00  }
0x2f: {  	_ =	swait.ge [sflag:s17], $0x1400  }
0x30: {  	[sflag:s17] =	ssyncset.done $0x0  }
0x31: {  	s28 =	smov.u32 s23;
	s26 =	simm.s32 $0xFC0;
	[sflag:s17] =	ssyncadd.s32 $0xFFFFEC00  }
.LBB2_3:
0x32: {  	s29 =	sshra.s32 s26, $0x2  }
0x33: {  	v4 =	vld [tilespmem:s29+$0x4A30]  }
0x34: {  	v5 =	vld [tilespmem:s29+$0x5E30]  }
0x35: {  	v6 =	vld [tilespmem:s29+$0x4A40]  }
0x36: {  	v7 =	vld [tilespmem:s29+$0x5E40]  }
0x37: {  	v8 =	vld [tilespmem:s29+$0x4A50]  }
0x38: {  	v9 =	vld [tilespmem:s29+$0x5E50]  }
0x39: {  	v10 =	vld [tilespmem:s29+$0x4A60]  }
0x3a: {  	v11 =	vld [tilespmem:s29+$0x5E60]  }
0x3b: {  	v12 =	vld [tilespmem:s29+$0x4A70]  }
0x3c: {  	v13 =	vld [tilespmem:s29+$0x5E70]  }
0x3d: {  	v14 =	vld [tilespmem:s29+$0x4A80]  }
0x3e: {  	v15 =	vld [tilespmem:s29+$0x5E80]  }
0x3f: {  	v16 =	vld [tilespmem:s29+$0x4A90]  }
0x40: {  	v17 =	vld [tilespmem:s29+$0x5E90]  }
0x41: {  	v18 =	vld [tilespmem:s29+$0x4AA0]  }
0x42: {  	v19 =	vld [tilespmem:s29+$0x5EA0]  }
0x43: {  	v20 =	vld [tilespmem:s29+$0x4AB0]  }
0x44: {  	v21 =	vld [tilespmem:s29+$0x5EB0]  }
0x45: {  	v22 =	vld [tilespmem:s29+$0x4AC0]  }
0x46: {  	v23 =	vld [tilespmem:s29+$0x5EC0]  }
0x47: {  	v24 =	vld [tilespmem:s29+$0x4AD0]  }
0x48: {  	v25 =	vld [tilespmem:s29+$0x5ED0]  }
0x49: {  	v26 =	vld [tilespmem:s29+$0x4AE0]  }
0x4a: {  	v27 =	vld [tilespmem:s29+$0x5EE0]  }
0x4b: {  	v28 =	vld [tilespmem:s29+$0x4AF0]  }
0x4c: {  	v29 =	vld [tilespmem:s29+$0x5EF0]  }
0x4d: {  	v30 =	vld [tilespmem:s29+$0x4B00]  }
0x4e: {  	v31 =	vld [tilespmem:s29+$0x5F00]  }
0x4f: {  	v32 =	vld [tilespmem:s29+$0x4B10]  }
0x50: {  	v33 =	vld [tilespmem:s29+$0x5F10]  }
0x51: {  	v63 =	vld [tilespmem:s29+$0x5F20]  }
0x52: {  	v37 =	vld [tilespmem:s29+$0x5F40];
	v4 =	vmul.bf16 v5, v4;
	v6 =	vmul.bf16 v7, v6  }
0x53: {  	v54 =	vld [tilespmem:s29+$0x5FA0];
	v8 =	vmul.bf16 v9, v8;
	v10 =	vmul.bf16 v11, v10  }
0x54: {  	v39 =	vld [tilespmem:s29+$0x4BB0];
	v12 =	vmul.bf16 v13, v12;
	v14 =	vmul.bf16 v15, v14  }
0x55: {  	v5 =	vld [tilespmem:s29+$0x4B20];
	v44 =	vmul.bf16 v17, v16;
	v46 =	vmul.bf16 v19, v18  }
0x56: {  	v9 =	vld [tilespmem:s29+$0x4B30];
	v20 =	vmul.bf16 v21, v20;
	v50 =	vmul.bf16 v23, v22  }
0x57: {  	v11 =	vld [tilespmem:s29+$0x5F30];
	v24 =	vmul.bf16 v25, v24;
	v26 =	vmul.bf16 v27, v26  }
0x58: {  	v13 =	vld [tilespmem:s29+$0x5F50];
	v56 =	vmul.bf16 v29, v28;
	v58 =	vmul.bf16 v31, v30  }
0x59: {  	v15 =	vld [tilespmem:s29+$0x5F60];
	v59 =	vmul.bf16 v33, v32;
	v34 =	vunpack.i.u.bf16.f32 v4;
	v4 =	vunpack.i.l.bf16.f32 v4  }
0x5a: {  	v18 =	vld [tilespmem:s29+$0x5F70];
	v35 =	vunpack.i.u.bf16.f32 v6;
	v6 =	vunpack.i.l.bf16.f32 v6;
	v40 =	vunpack.i.u.bf16.f32 v8  }
0x5b: {  	v19 =	vld [tilespmem:s29+$0x4B80];
	v8 =	vunpack.i.l.bf16.f32 v8;
	v36 =	vunpack.i.u.bf16.f32 v10;
	v10 =	vunpack.i.l.bf16.f32 v10  }
0x5c: {  	v21 =	vld [tilespmem:s29+$0x5F80];
	v42 =	vunpack.i.u.bf16.f32 v12;
	v12 =	vunpack.i.l.bf16.f32 v12;
	v45 =	vunpack.i.u.bf16.f32 v14  }
0x5d: {  	v22 =	vld [tilespmem:s29+$0x4B90];
	v14 =	vunpack.i.l.bf16.f32 v14;
	v47 =	vunpack.i.u.bf16.f32 v44;
	v48 =	vunpack.i.u.bf16.f32 v46  }
0x5e: {  	v25 =	vld [tilespmem:s29+$0x5F90];
	v17 =	vunpack.i.l.bf16.f32 v46;
	v51 =	vunpack.i.u.bf16.f32 v20;
	v20 =	vunpack.i.l.bf16.f32 v20  }
0x5f: {  	v27 =	vld [tilespmem:s29+$0x4BA0];
	v52 =	vunpack.i.u.bf16.f32 v50;
	v53 =	vunpack.i.u.bf16.f32 v24;
	v24 =	vunpack.i.l.bf16.f32 v24  }
0x60: {  	v16 =	vld [tilespmem:s29+$0x4BC0];
	v38 =	vunpack.i.u.bf16.f32 v26;
	v26 =	vunpack.i.l.bf16.f32 v26;
	v4 =	vadd.f32 v4, v34  }
0x61: {  	v30 =	vld [tilespmem:s29+$0x4BD0];
	v28 =	vunpack.i.u.bf16.f32 v56;
	v6 =	vadd.f32 v6, v35;
	v8 =	vadd.f32 v8, v40  }
0x62: {  	v32 =	vld [tilespmem:s29+$0x5FD0];
	v62 =	vunpack.i.u.bf16.f32 v59;
	v10 =	vadd.f32 v10, v36;
	v43 =	vadd.f32 v12, v42  }
0x63: {  	v29 =	vunpack.i.l.bf16.f32 v59;
	v59 =	vld [tilespmem:s29+$0x6060];
	v14 =	vadd.f32 v14, v45;
	v49 =	vadd.f32 v17, v48  }
0x64: {  	v35 =	vld [tilespmem:s29+$0x4B40];
	v17 =	vunpack.i.l.bf16.f32 v50;
	v20 =	vadd.f32 v20, v51;
	v23 =	vadd.f32 v24, v53  }
0x65: {  	v31 =	vunpack.i.u.bf16.f32 v58;
	v34 =	vld [tilespmem:s29+$0x4B50];
	v55 =	vadd.f32 v26, v38;
	v17 =	vadd.f32 v17, v52  }
0x66: {  	v12 =	vld [tilespmem:s29+$0x4B70];
	v4 =	vadd.f32 v6, v4;
	v41 =	vadd.f32 v10, v8;
	v10 =	vunpack.i.l.bf16.f32 v44  }
0x67: {  	v26 =	vld [tilespmem:s29+$0x5FB0];
	v6 =	vadd.f32 v14, v43;
	v57 =	vadd.f32 v55, v23;
	v14 =	vunpack.i.l.bf16.f32 v56  }
0x68: {  	v24 =	vld [tilespmem:s29+$0x5FC0];
	v23 =	vunpack.i.l.bf16.f32 v58;
	v5 =	vmul.bf16 v63, v5;
	v9 =	vmul.bf16 v11, v9  }
0x69: {  	v40 =	vld [tilespmem:s29+$0x5FE0];
	v19 =	vmul.bf16 v21, v19;
	v10 =	vadd.f32 v10, v47;
	v17 =	vadd.f32 v17, v20  }
0x6a: {  	v42 =	vld [tilespmem:s29+$0x5FF0];
	v22 =	vmul.bf16 v25, v22;
	v60 =	vadd.f32 v14, v28;
	v61 =	vadd.f32 v23, v31  }
0x6b: {  	v50 =	vld [tilespmem:s29+$0x6020];
	v27 =	vmul.bf16 v54, v27;
	v23 =	vadd.f32 v29, v62;
	v4 =	vadd.f32 v41, v4  }
0x6c: {  	v52 =	vld [tilespmem:s29+$0x6030];
	v38 =	vunpack.i.u.bf16.f32 v5;
	v5 =	vunpack.i.l.bf16.f32 v5;
	v44 =	vunpack.i.u.bf16.f32 v9  }
0x6d: {  	v8 =	vld [tilespmem:s29+$0x4B60];
	v9 =	vunpack.i.l.bf16.f32 v9;
	v53 =	vunpack.i.u.bf16.f32 v19;
	v19 =	vunpack.i.l.bf16.f32 v19  }
0x6e: {  	v63 =	vld [tilespmem:s29+$0x4BE0];
	v54 =	vunpack.i.u.bf16.f32 v22;
	v22 =	vunpack.i.l.bf16.f32 v22;
	v36 =	vunpack.i.u.bf16.f32 v27  }
0x6f: {  	v55 =	vld [tilespmem:s29+$0x6040];
	v27 =	vunpack.i.l.bf16.f32 v27;
	v10 =	vadd.f32 v49, v10;
	v41 =	vadd.f32 v5, v38  }
0x70: {  	v31 =	vld [tilespmem:s29+$0x4BF0];
	v5 =	vadd.f32 v57, v17;
	v7 =	vadd.f32 v61, v60;
	v45 =	vmul.bf16 v37, v35  }
0x71: {  	v14 =	vld [tilespmem:s29+$0x4C00];
	v9 =	vadd.f32 v9, v44;
	v46 =	vmul.bf16 v13, v34;
	v12 =	vmul.bf16 v18, v12  }
0x72: {  	v29 =	vld [tilespmem:s29+$0x4C20];
	v19 =	vadd.f32 v19, v53;
	v21 =	vadd.f32 v22, v54;
	v57 =	vmul.bf16 v26, v39  }
0x73: {  	v13 =	vld [tilespmem:s29+$0x4C10];
	v56 =	vadd.f32 v27, v36;
	v16 =	vmul.bf16 v24, v16;
	v61 =	vmul.bf16 v32, v30  }
0x74: {  	v35 =	vld [tilespmem:s29+$0x4C40];
	v6 =	vadd.f32 v10, v6;
	v43 =	vadd.f32 v41, v23;
	v47 =	vunpack.i.u.bf16.f32 v45  }
0x75: {  	v37 =	vld [tilespmem:s29+$0x4C50];
	v20 =	vunpack.i.l.bf16.f32 v45;
	v8 =	vmul.bf16 v15, v8;
	v48 =	vunpack.i.u.bf16.f32 v46  }
0x76: {  	v27 =	vld [tilespmem:s29+$0x6050];
	v11 =	vunpack.i.l.bf16.f32 v46;
	v51 =	vunpack.i.u.bf16.f32 v12;
	v12 =	vunpack.i.l.bf16.f32 v12  }
0x77: {  	v26 =	vld [tilespmem:s29+$0x4C70];
	v58 =	vadd.f32 v56, v21;
	v62 =	vunpack.i.u.bf16.f32 v16;
	v16 =	vunpack.i.l.bf16.f32 v16  }
0x78: {  	v32 =	vld [tilespmem:s29+$0x6070];
	v28 =	vmul.bf16 v40, v63;
	v63 =	vunpack.i.u.bf16.f32 v61;
	v17 =	vadd.f32 v20, v47  }
0x79: {  	v30 =	vld [tilespmem:s29+$0x4C80];
	v24 =	vunpack.i.l.bf16.f32 v61;
	v11 =	vadd.f32 v11, v48;
	v12 =	vadd.f32 v12, v51  }
0x7a: {  	v23 =	vld [tilespmem:s29+$0x6000];
	v60 =	vunpack.i.u.bf16.f32 v57;
	v16 =	vadd.f32 v16, v62;
	v22 =	vadd.f32 v24, v63  }
0x7b: {  	v15 =	vld [tilespmem:s29+$0x6010];
	v10 =	vmul.bf16 v42, v31;
	v18 =	vmul.bf16 v50, v29;
	v7 =	vadd.f32 v43, v7  }
0x7c: {  	v40 =	vld [tilespmem:s29+$0x6080];
	v49 =	vunpack.i.u.bf16.f32 v8;
	v8 =	vunpack.i.l.bf16.f32 v8;
	v33 =	vunpack.i.u.bf16.f32 v28  }
0x7d: {  	v20 =	vld [tilespmem:s29+$0x4C30];
	v28 =	vunpack.i.l.bf16.f32 v28;
	v8 =	vadd.f32 v8, v49;
	v9 =	vadd.f32 v17, v9  }
0x7e: {  	v48 =	vld [tilespmem:s29+$0x4CB0];
	v12 =	vadd.f32 v19, v12;
	v41 =	vadd.f32 v28, v33;
	v44 =	vunpack.i.u.bf16.f32 v10  }
0x7f: {  	v50 =	vld [tilespmem:s29+$0x60B0];
	v45 =	vunpack.i.l.bf16.f32 v10;
	v29 =	vunpack.i.u.bf16.f32 v18;
	v18 =	vunpack.i.l.bf16.f32 v18  }
0x80: {  	v62 =	vld [tilespmem:s29+$0x4CF0];
	v54 =	vmul.bf16 v55, v35;
	v27 =	vmul.bf16 v27, v37;
	v47 =	vadd.f32 v45, v44  }
0x81: {  	v63 =	vld [tilespmem:s29+$0x60F0];
	v35 =	vmul.bf16 v32, v26;
	v53 =	vadd.f32 v18, v29;
	v8 =	vadd.f32 v8, v11  }
0x82: {  	v38 =	vld [tilespmem:s29+$0x4D00];
	v11 =	vunpack.i.l.bf16.f32 v57;
	v42 =	vadd.f32 v41, v22;
	v14 =	vmul.bf16 v23, v14  }
0x83: {  	v46 =	vld [tilespmem:s29+$0x60A0];
	v13 =	vmul.bf16 v15, v13;
	v34 =	vunpack.i.u.bf16.f32 v54;
	v18 =	vunpack.i.l.bf16.f32 v54  }
0x84: {  	v43 =	vld [tilespmem:s29+$0x4CA0];
	v39 =	vmul.bf16 v40, v30;
	v41 =	vunpack.i.u.bf16.f32 v35;
	v11 =	vadd.f32 v11, v60  }
0x85: {  	v17 =	vld [tilespmem:s29+$0x4C60];
	v20 =	vmul.bf16 v52, v20;
	v18 =	vadd.f32 v18, v34;
	v48 =	vmul.bf16 v50, v48  }
0x86: {  	v24 =	vld [tilespmem:s29+$0x4CC0];
	v31 =	vmul.bf16 v63, v62;
	v8 =	vadd.f32 v8, v9;
	v9 =	vadd.f32 v58, v12  }
0x87: {  	v28 =	vld [tilespmem:s29+$0x4C90];
	v49 =	vunpack.i.u.bf16.f32 v14;
	v14 =	vunpack.i.l.bf16.f32 v14;
	v51 =	vunpack.i.u.bf16.f32 v13  }
0x88: {  	v55 =	vld [tilespmem:s29+$0x4CD0];
	v13 =	vunpack.i.l.bf16.f32 v13;
	v30 =	vunpack.i.u.bf16.f32 v39;
	v11 =	vadd.f32 v16, v11  }
0x89: {  	v32 =	vld [tilespmem:s29+$0x4D30];
	v19 =	vmul.bf16 v46, v43;
	v14 =	vadd.f32 v14, v49;
	v13 =	vadd.f32 v13, v51  }
0x8a: {  	v57 =	vld [tilespmem:s29+$0x60D0];
	v56 =	vunpack.i.u.bf16.f32 v20;
	v20 =	vunpack.i.l.bf16.f32 v20;
	v17 =	vmul.bf16 v59, v17  }
0x8b: {  	v40 =	vld [tilespmem:s29+$0x6100];
	v59 =	vunpack.i.u.bf16.f32 v27;
	v27 =	vunpack.i.l.bf16.f32 v27;
	v50 =	vunpack.i.u.bf16.f32 v48  }
0x8c: {  	v15 =	vld [tilespmem:s29+$0x6130];
	v51 =	vunpack.i.l.bf16.f32 v48;
	v20 =	vadd.f32 v20, v56;
	v27 =	vadd.f32 v27, v59  }
0x8d: {  	v52 =	vld [tilespmem:s29+$0x60C0];
	v46 =	vunpack.i.u.bf16.f32 v19;
	v19 =	vunpack.i.l.bf16.f32 v19;
	v54 =	vadd.f32 v51, v50  }
0x8e: {  	v60 =	vld [tilespmem:s29+$0x60E0];
	v33 =	vperm.xlane v9, v0;
	v10 =	vadd.f32 v42, v11;
	v61 =	vunpack.i.u.bf16.f32 v17  }
0x8f: {  	v12 =	vld [tilespmem:s29+$0x6090];
	v17 =	vunpack.i.l.bf16.f32 v17;
	v11 =	vadd.f32 v14, v47;
	v13 =	vadd.f32 v53, v13  }
0x90: {  	v58 =	vld [tilespmem:s29+$0x4CE0];
	v14 =	vunpack.i.l.bf16.f32 v35;
	v19 =	vadd.f32 v19, v46;
	v55 =	vmul.bf16 v57, v55  }
0x91: {  	v16 =	vmul.bf16 v40, v38;
	v40 =	vunpack.i.l.bf16.f32 v31;
	v15 =	vmul.bf16 v15, v32  }
0x92: {  	v45 =	vld [tilespmem:s29+$0x4D20];
	v32 =	vperm.xlane v8, v0;
	v17 =	vadd.f32 v17, v61;
	v18 =	vadd.f32 v18, v20  }
0x93: {  	v62 =	vld [tilespmem:s29+$0x6160];
	v20 =	vunpack.i.l.bf16.f32 v39;
	v14 =	vadd.f32 v14, v41;
	v52 =	vmul.bf16 v52, v24  }
0x94: {  	v63 =	vld [tilespmem:s29+$0x4D70];
	v39 =	vunpack.i.u.bf16.f32 v31;
	v31 =	vperm.xlane v7, v0;
	v12 =	vmul.bf16 v12, v28  }
0x95: {  	v43 =	vld [tilespmem:s29+$0x6110];
	v20 =	vadd.f32 v20, v30;
	v21 =	vmul.bf16 v60, v58;
	v59 =	vunpack.i.u.bf16.f32 v55  }
0x96: {  	v48 =	vld [tilespmem:s29+$0x6190];
	v26 =	vadd.f32 v40, v39;
	v34 =	vadd.f32 v32, v8;
	v36 =	vperm.xlane v10, v0  }
0x97: {  	v56 =	vld [tilespmem:s29+$0x4D50];
	v17 =	vadd.f32 v17, v27;
	v57 =	vunpack.i.u.bf16.f32 v52;
	v22 =	vunpack.i.l.bf16.f32 v52  }
0x98: {  	v42 =	vld [tilespmem:s29+$0x4D10];
	v52 =	vunpack.i.u.bf16.f32 v15;
	v15 =	vunpack.i.l.bf16.f32 v15;
	v7 =	vadd.f32 v31, v7  }
0x99: {  	v47 =	vld [tilespmem:s29+$0x6120];
	v44 =	vunpack.i.u.bf16.f32 v12;
	v12 =	vunpack.i.l.bf16.f32 v12;
	v14 =	vadd.f32 v20, v14  }
0x9a: {  	v41 =	vld [tilespmem:s29+$0x6170];
	v20 =	vadd.f32 v22, v57;
	v61 =	vunpack.i.u.bf16.f32 v21;
	v15 =	vadd.f32 v15, v52  }
0x9b: {  	v58 =	vld [tilespmem:s29+$0x6150];
	v21 =	vunpack.i.l.bf16.f32 v21;
	v27 =	vadd.f32 v12, v44;
	v12 =	vadd.f32 v13, v11  }
0x9c: {  	v60 =	vld [tilespmem:s29+$0x4D60];
	v11 =	vadd.f32 v17, v18;
	v17 =	vunpack.i.l.bf16.f32 v55;
	v21 =	vadd.f32 v21, v61  }
0x9d: {  	v46 =	vld [tilespmem:s29+$0x4D90];
	v23 =	vmul.bf16 v43, v42;
	v42 =	vunpack.i.u.bf16.f32 v16;
	v16 =	vunpack.i.l.bf16.f32 v16  }
0x9e: {  	v53 =	vld [tilespmem:s29+$0x6140];
	v30 =	vmul.bf16 v47, v45;
	v17 =	vadd.f32 v17, v59;
	v16 =	vadd.f32 v16, v42  }
0x9f: {  	v39 =	vld [tilespmem:s29+$0x4DE0];
	v49 =	vadd.f32 v19, v27;
	v44 =	vunpack.i.u.bf16.f32 v23;
	v23 =	vunpack.i.l.bf16.f32 v23  }
0xa0: {  	v57 =	vld [tilespmem:s29+$0x4DC0];
	v35 =	vunpack.i.u.bf16.f32 v30;
	v30 =	vunpack.i.l.bf16.f32 v30;
	v19 =	vmul.bf16 v58, v56  }
0xa1: {  	v18 =	vld [tilespmem:s29+$0x4D40];
	v27 =	vmul.bf16 v62, v60;
	v62 =	vmul.bf16 v41, v63;
	v23 =	vadd.f32 v23, v44  }
0xa2: {  	v43 =	vld [tilespmem:s29+$0x4D80];
	v41 =	vmul.bf16 v48, v46;
	v47 =	vadd.f32 v30, v35;
	v17 =	vadd.f32 v21, v17  }
0xa3: {  	v45 =	vld [tilespmem:s29+$0x6180];
	v16 =	vadd.f32 v16, v26;
	v30 =	vperm.xlane v5, v0;
	v35 =	vadd.f32 v33, v9  }
0xa4: {  	v59 =	vld [tilespmem:s29+$0x61C0];
	v13 =	vadd.f32 v49, v14;
	v14 =	vadd.f32 v20, v54;
	v56 =	vunpack.i.u.bf16.f32 v19  }
0xa5: {  	v42 =	vld [tilespmem:s29+$0x61E0];
	v19 =	vunpack.i.l.bf16.f32 v19;
	v58 =	vunpack.i.u.bf16.f32 v27;
	v27 =	vunpack.i.l.bf16.f32 v27  }
0xa6: {  	v40 =	vunpack.i.u.bf16.f32 v62;
	v28 =	vunpack.i.l.bf16.f32 v41;
	v50 =	vadd.f32 v47, v23  }
0xa7: {  	v61 =	vld [tilespmem:s29+$0x4DD0];
	v18 =	vmul.bf16 v53, v18;
	v19 =	vadd.f32 v19, v56;
	v60 =	vadd.f32 v27, v58  }
0xa8: {  	v63 =	vld [tilespmem:s29+$0x61D0];
	v38 =	vmul.bf16 v45, v43;
	v45 =	vunpack.i.u.bf16.f32 v41;
	v5 =	vadd.f32 v30, v5  }
0xa9: {  	v51 =	vld [tilespmem:s29+$0x61A0];
	v14 =	vadd.f32 v17, v14;
	v17 =	vunpack.i.l.bf16.f32 v62;
	v26 =	vmul.bf16 v59, v57  }
0xaa: {  	v46 =	vld [tilespmem:s29+$0x61F0];
	v47 =	vadd.f32 v28, v45;
	v22 =	vmul.bf16 v42, v39;
	v39 =	vperm.xlane v13, v0  }
0xab: {  	v44 =	vld [tilespmem:s29+$0x4DF0];
	v54 =	vunpack.i.u.bf16.f32 v18;
	v18 =	vunpack.i.l.bf16.f32 v18;
	v16 =	vadd.f32 v50, v16  }
0xac: {  	v49 =	vld [tilespmem:s29+$0x4DA0];
	v37 =	vadd.f32 v60, v19;
	v17 =	vadd.f32 v17, v40;
	v43 =	vunpack.i.u.bf16.f32 v38  }
0xad: {  	v19 =	vunpack.i.l.bf16.f32 v38;
	v21 =	vmul.bf16 v63, v61;
	v5 =	vsel vm0, v5, v7  }
0xae: {  	v55 =	vld [tilespmem:s29+$0x61B0];
	v38 =	vperm.xlane v11, v0;
	v7 =	vadd.f32 v36, v10;
	v18 =	vadd.f32 v18, v54  }
0xaf: {  	v53 =	vld [tilespmem:s29+$0x4DB0];
	v19 =	vadd.f32 v19, v43;
	v56 =	vunpack.i.u.bf16.f32 v26;
	v26 =	vunpack.i.l.bf16.f32 v26  }
0xb0: {  	v23 =	vmul.bf16 v46, v44;
	v59 =	vunpack.i.u.bf16.f32 v22;
	v22 =	vunpack.i.l.bf16.f32 v22  }
0xb1: {  	v40 =	vperm.xlane v14, v0;
	v41 =	vadd.f32 v39, v13;
	v20 =	vmul.bf16 v51, v49  }
0xb2: {  	v48 =	vld [tilespmem:s29+$0x4E00];
	v26 =	vadd.f32 v26, v56;
	v58 =	vunpack.i.u.bf16.f32 v21;
	v21 =	vunpack.i.l.bf16.f32 v21  }
0xb3: {  	v50 =	vld [tilespmem:s29+$0x6200];
	v22 =	vadd.f32 v22, v59;
	v8 =	vadd.f32 v38, v11;
	v42 =	vperm.xlane v16, v0  }
0xb4: {  	v57 =	vld [tilespmem:s29+$0x6220];
	v15 =	vadd.f32 v18, v15;
	v25 =	vmul.bf16 v55, v53;
	v17 =	vadd.f32 v19, v17  }
0xb5: {  	v51 =	vld [tilespmem:s29+$0x4E10];
	v21 =	vadd.f32 v21, v58;
	v61 =	vunpack.i.u.bf16.f32 v23;
	v23 =	vunpack.i.l.bf16.f32 v23  }
0xb6: {  	v53 =	vld [tilespmem:s29+$0x6210];
	v10 =	vadd.f32 v40, v14;
	v49 =	vunpack.i.u.bf16.f32 v20;
	v20 =	vunpack.i.l.bf16.f32 v20  }
0xb7: {  	v55 =	vld [tilespmem:s29+$0x4E20];
	v23 =	vadd.f32 v23, v61;
	v8 =	vsel vm0, v8, v41;
	v20 =	vadd.f32 v20, v49  }
0xb8: {  	v52 =	vunpack.i.u.bf16.f32 v25;
	v25 =	vunpack.i.l.bf16.f32 v25;
	v60 =	vmul.bf16 v50, v48  }
0xb9: {  	v21 =	vadd.f32 v22, v21;
	v15 =	vadd.f32 v37, v15;
	v37 =	vperm.xlane v12, v0  }
0xba: {  	v54 =	vadd.f32 v25, v52;
	v52 =	vperm.xlane v5, v1;
	v20 =	vadd.f32 v20, v47  }
0xbb: {  	v29 =	vunpack.i.u.bf16.f32 v60;
	v27 =	vunpack.i.l.bf16.f32 v60;
	v19 =	vmul.bf16 v53, v51  }
0xbc: {  	v9 =	vadd.f32 v37, v12;
	v12 =	vadd.f32 v42, v16;
	v25 =	vmul.bf16 v57, v55  }
0xbd: {  	v27 =	vadd.f32 v27, v29;
	v24 =	vadd.f32 v26, v54;
	v62 =	vunpack.i.u.bf16.f32 v19  }
0xbe: {  	v19 =	vunpack.i.l.bf16.f32 v19;
	v63 =	vunpack.i.u.bf16.f32 v25;
	v25 =	vunpack.i.l.bf16.f32 v25  }
0xbf: {  	v43 =	vperm.xlane v15, v0;
	v19 =	vadd.f32 v19, v62;
	v25 =	vadd.f32 v25, v63  }
0xc0: {  	v29 =	vperm.xlane v6, v0;
	v5 =	vadd.f32 v52, v5;
	v17 =	vadd.f32 v20, v17  }
0xc1: {  	v55 =	vperm.xlane v8, v1;
	v26 =	vadd.f32 v27, v23;
	v19 =	vadd.f32 v25, v19  }
0xc2: {  	v7 =	vsel vm0, v7, v9;
	v47 =	vadd.f32 v43, v15;
	v10 =	vsel vm0, v10, v12  }
0xc3: {  	v27 =	vperm.xlane v4, v0;
	v28 =	vadd.f32 v21, v24;
	v19 =	vadd.f32 v19, v26  }
0xc4: {  	v6 =	vadd.f32 v29, v6;
	v54 =	vperm.xlane v7, v1;
	v44 =	vperm.xlane v17, v0  }
0xc5: {  	v4 =	vadd.f32 v27, v4;
	v45 =	vperm.xlane v28, v0;
	v46 =	vperm.xlane v19, v0  }
0xc6: {  	v56 =	vperm.xlane v10, v1;
	v8 =	vadd.f32 v55, v8;
	v48 =	vadd.f32 v44, v17  }
0xc7: {  	v4 =	vsel vm0, v4, v6;
	v49 =	vadd.f32 v45, v28;
	v50 =	vadd.f32 v46, v19  }
0xc8: {  	v7 =	vadd.f32 v54, v7;
	v6 =	vsel vm0, v34, v35;
	v51 =	vperm.xlane v4, v1  }
0xc9: {  	v9 =	vsel vm0, v47, v48;
	v53 =	vperm.xlane v6, v1;
	v11 =	vsel vm0, v49, v50  }
0xca: {  	v10 =	vadd.f32 v56, v10;
	v57 =	vperm.xlane v9, v1;
	v58 =	vperm.xlane v11, v1  }
0xcb: {  	v4 =	vadd.f32 v51, v4;
	v6 =	vadd.f32 v53, v6  }
0xcc: {  	v59 =	vsel vm1, v8, v10;
	v9 =	vadd.f32 v57, v9;
	v11 =	vadd.f32 v58, v11  }
0xcd: {  	v10 =	vperm.xlane v59, v2;
	v4 =	vsel vm1, v4, v5  }
0xce: {  	v5 =	vsel vm1, v6, v7;
	v61 =	vperm.xlane v4, v2;
	v60 =	vsel vm1, v9, v11  }
0xcf: {  	v62 =	vperm.xlane v5, v2;
	v11 =	vperm.xlane v60, v2  }
0xd0: {  	v6 =	vadd.f32 v10, v59;
	v4 =	vadd.f32 v61, v4  }
0xd1: {  	v5 =	vadd.f32 v62, v5;
	v7 =	vadd.f32 v11, v60;
	_ =	sdelay $0x1  }
0xd2: {  	v4 =	vsel vm2, v4, v5;
	v5 =	vsel vm2, v6, v7  }
0xd3: {  	p1 =	sne.s32 s26, $0x4FC0;
	v63 =	vperm.xlane v4, v3;
	v7 =	vperm.xlane v5, v3  }
.Ltmp0:
0xd4: {  	_ = 	snop;
	(pc) =	sbr.rel @p1 .LBB2_3-.Ltmp0, $3  }
0xd5: {  	v4 =	vadd.f32 v63, v4;
	v5 =	vadd.f32 v7, v5;
	_ =	sdelay $0x1  }
0xd6: {  	v4 =	vsel vm3, v4, v5  }
0xd7: {  	s26 =	sadd.s32 $0x1000, s26;
	[tilespmem:s28+$0x0] =	vst v4;
	s28 =	sadd.s32 $0x10, s28  }
0xd8: {  	s26 =	sadd.s32 $0xA0, s25  }
0xd9: {  	[tilespmem:s12], [sflag:$0x1] =	stream.indirect.gather [spmem:s1], $0x40, s26, s11, $0xb8;
	[tilespmem:$0x16170] =	vst v63  }
0xda: {  	s31 =	sadd.s32 $0x27B0, s25  }
0xdb: {  	[tilespmem:s13], [sflag:$0x2] =	stream.indirect.gather [spmem:s1], $0x40, s31, s11, $0xb8;
	[tilespmem:$0x16170] =	vst v63  }
0xdc: {  	_ =	swait.ge [sflag:s18], $0x1400  }
0xdd: {  	[sflag:s18] =	ssyncset.done $0x0  }
0xde: {  	[sflag:s18] =	ssyncadd.s32 $0xFFFFEC00  }
0xdf: {  	_ =	swait.ge [sflag:s19], $0x1400  }
0xe0: {  	[sflag:s19] =	ssyncset.done $0x0  }
0xe1: {  	s25 =	simm.s32 $0xFC0;
	s26 =	smov.u32 s22;
	[sflag:s19] =	ssyncadd.s32 $0xFFFFEC00  }
.LBB2_5:
0xe2: {  	s28 =	sshra.s32 s25, $0x2  }
0xe3: {  	v4 =	vld [tilespmem:s28+$0x7230]  }
0xe4: {  	v5 =	vld [tilespmem:s28+$0x8630]  }
0xe5: {  	v6 =	vld [tilespmem:s28+$0x7240]  }
0xe6: {  	v7 =	vld [tilespmem:s28+$0x8640]  }
0xe7: {  	v8 =	vld [tilespmem:s28+$0x7250]  }
0xe8: {  	v9 =	vld [tilespmem:s28+$0x8650]  }
0xe9: {  	v10 =	vld [tilespmem:s28+$0x7260]  }
0xea: {  	v11 =	vld [tilespmem:s28+$0x8660]  }
0xeb: {  	v12 =	vld [tilespmem:s28+$0x7270]  }
0xec: {  	v13 =	vld [tilespmem:s28+$0x8670]  }
0xed: {  	v14 =	vld [tilespmem:s28+$0x7280]  }
0xee: {  	v15 =	vld [tilespmem:s28+$0x8680]  }
0xef: {  	v16 =	vld [tilespmem:s28+$0x7290]  }
0xf0: {  	v17 =	vld [tilespmem:s28+$0x8690]  }
0xf1: {  	v18 =	vld [tilespmem:s28+$0x72A0]  }
0xf2: {  	v19 =	vld [tilespmem:s28+$0x86A0]  }
0xf3: {  	v20 =	vld [tilespmem:s28+$0x72B0]  }
0xf4: {  	v21 =	vld [tilespmem:s28+$0x86B0]  }
0xf5: {  	v22 =	vld [tilespmem:s28+$0x72C0]  }
0xf6: {  	v23 =	vld [tilespmem:s28+$0x86C0]  }
0xf7: {  	v24 =	vld [tilespmem:s28+$0x72D0]  }
0xf8: {  	v25 =	vld [tilespmem:s28+$0x86D0]  }
0xf9: {  	v26 =	vld [tilespmem:s28+$0x72E0]  }
0xfa: {  	v27 =	vld [tilespmem:s28+$0x86E0]  }
0xfb: {  	v28 =	vld [tilespmem:s28+$0x72F0]  }
0xfc: {  	v29 =	vld [tilespmem:s28+$0x86F0]  }
0xfd: {  	v30 =	vld [tilespmem:s28+$0x7300]  }
0xfe: {  	v31 =	vld [tilespmem:s28+$0x8700]  }
0xff: {  	v32 =	vld [tilespmem:s28+$0x7310]  }
0x100: {  	v33 =	vld [tilespmem:s28+$0x8710]  }
0x101: {  	v63 =	vld [tilespmem:s28+$0x8720]  }
0x102: {  	v37 =	vld [tilespmem:s28+$0x8740];
	v4 =	vmul.bf16 v5, v4;
	v6 =	vmul.bf16 v7, v6  }
0x103: {  	v54 =	vld [tilespmem:s28+$0x87A0];
	v8 =	vmul.bf16 v9, v8;
	v10 =	vmul.bf16 v11, v10  }
0x104: {  	v39 =	vld [tilespmem:s28+$0x73B0];
	v12 =	vmul.bf16 v13, v12;
	v14 =	vmul.bf16 v15, v14  }
0x105: {  	v5 =	vld [tilespmem:s28+$0x7320];
	v44 =	vmul.bf16 v17, v16;
	v46 =	vmul.bf16 v19, v18  }
0x106: {  	v9 =	vld [tilespmem:s28+$0x7330];
	v20 =	vmul.bf16 v21, v20;
	v50 =	vmul.bf16 v23, v22  }
0x107: {  	v11 =	vld [tilespmem:s28+$0x8730];
	v24 =	vmul.bf16 v25, v24;
	v26 =	vmul.bf16 v27, v26  }
0x108: {  	v13 =	vld [tilespmem:s28+$0x8750];
	v56 =	vmul.bf16 v29, v28;
	v58 =	vmul.bf16 v31, v30  }
0x109: {  	v15 =	vld [tilespmem:s28+$0x8760];
	v59 =	vmul.bf16 v33, v32;
	v34 =	vunpack.i.u.bf16.f32 v4;
	v4 =	vunpack.i.l.bf16.f32 v4  }
0x10a: {  	v18 =	vld [tilespmem:s28+$0x8770];
	v35 =	vunpack.i.u.bf16.f32 v6;
	v6 =	vunpack.i.l.bf16.f32 v6;
	v40 =	vunpack.i.u.bf16.f32 v8  }
0x10b: {  	v19 =	vld [tilespmem:s28+$0x7380];
	v8 =	vunpack.i.l.bf16.f32 v8;
	v36 =	vunpack.i.u.bf16.f32 v10;
	v10 =	vunpack.i.l.bf16.f32 v10  }
0x10c: {  	v21 =	vld [tilespmem:s28+$0x8780];
	v42 =	vunpack.i.u.bf16.f32 v12;
	v12 =	vunpack.i.l.bf16.f32 v12;
	v45 =	vunpack.i.u.bf16.f32 v14  }
0x10d: {  	v22 =	vld [tilespmem:s28+$0x7390];
	v14 =	vunpack.i.l.bf16.f32 v14;
	v47 =	vunpack.i.u.bf16.f32 v44;
	v48 =	vunpack.i.u.bf16.f32 v46  }
0x10e: {  	v25 =	vld [tilespmem:s28+$0x8790];
	v17 =	vunpack.i.l.bf16.f32 v46;
	v51 =	vunpack.i.u.bf16.f32 v20;
	v20 =	vunpack.i.l.bf16.f32 v20  }
0x10f: {  	v27 =	vld [tilespmem:s28+$0x73A0];
	v52 =	vunpack.i.u.bf16.f32 v50;
	v53 =	vunpack.i.u.bf16.f32 v24;
	v24 =	vunpack.i.l.bf16.f32 v24  }
0x110: {  	v16 =	vld [tilespmem:s28+$0x73C0];
	v38 =	vunpack.i.u.bf16.f32 v26;
	v26 =	vunpack.i.l.bf16.f32 v26;
	v4 =	vadd.f32 v4, v34  }
0x111: {  	v30 =	vld [tilespmem:s28+$0x73D0];
	v28 =	vunpack.i.u.bf16.f32 v56;
	v6 =	vadd.f32 v6, v35;
	v8 =	vadd.f32 v8, v40  }
0x112: {  	v32 =	vld [tilespmem:s28+$0x87D0];
	v62 =	vunpack.i.u.bf16.f32 v59;
	v10 =	vadd.f32 v10, v36;
	v43 =	vadd.f32 v12, v42  }
0x113: {  	v29 =	vunpack.i.l.bf16.f32 v59;
	v59 =	vld [tilespmem:s28+$0x8860];
	v14 =	vadd.f32 v14, v45;
	v49 =	vadd.f32 v17, v48  }
0x114: {  	v35 =	vld [tilespmem:s28+$0x7340];
	v17 =	vunpack.i.l.bf16.f32 v50;
	v20 =	vadd.f32 v20, v51;
	v23 =	vadd.f32 v24, v53  }
0x115: {  	v31 =	vunpack.i.u.bf16.f32 v58;
	v34 =	vld [tilespmem:s28+$0x7350];
	v55 =	vadd.f32 v26, v38;
	v17 =	vadd.f32 v17, v52  }
0x116: {  	v12 =	vld [tilespmem:s28+$0x7370];
	v4 =	vadd.f32 v6, v4;
	v41 =	vadd.f32 v10, v8;
	v10 =	vunpack.i.l.bf16.f32 v44  }
0x117: {  	v26 =	vld [tilespmem:s28+$0x87B0];
	v6 =	vadd.f32 v14, v43;
	v57 =	vadd.f32 v55, v23;
	v14 =	vunpack.i.l.bf16.f32 v56  }
0x118: {  	v24 =	vld [tilespmem:s28+$0x87C0];
	v23 =	vunpack.i.l.bf16.f32 v58;
	v5 =	vmul.bf16 v63, v5;
	v9 =	vmul.bf16 v11, v9  }
0x119: {  	v40 =	vld [tilespmem:s28+$0x87E0];
	v19 =	vmul.bf16 v21, v19;
	v10 =	vadd.f32 v10, v47;
	v17 =	vadd.f32 v17, v20  }
0x11a: {  	v42 =	vld [tilespmem:s28+$0x87F0];
	v22 =	vmul.bf16 v25, v22;
	v60 =	vadd.f32 v14, v28;
	v61 =	vadd.f32 v23, v31  }
0x11b: {  	v50 =	vld [tilespmem:s28+$0x8820];
	v27 =	vmul.bf16 v54, v27;
	v23 =	vadd.f32 v29, v62;
	v4 =	vadd.f32 v41, v4  }
0x11c: {  	v52 =	vld [tilespmem:s28+$0x8830];
	v38 =	vunpack.i.u.bf16.f32 v5;
	v5 =	vunpack.i.l.bf16.f32 v5;
	v44 =	vunpack.i.u.bf16.f32 v9  }
0x11d: {  	v8 =	vld [tilespmem:s28+$0x7360];
	v9 =	vunpack.i.l.bf16.f32 v9;
	v53 =	vunpack.i.u.bf16.f32 v19;
	v19 =	vunpack.i.l.bf16.f32 v19  }
0x11e: {  	v63 =	vld [tilespmem:s28+$0x73E0];
	v54 =	vunpack.i.u.bf16.f32 v22;
	v22 =	vunpack.i.l.bf16.f32 v22;
	v36 =	vunpack.i.u.bf16.f32 v27  }
0x11f: {  	v55 =	vld [tilespmem:s28+$0x8840];
	v27 =	vunpack.i.l.bf16.f32 v27;
	v10 =	vadd.f32 v49, v10;
	v41 =	vadd.f32 v5, v38  }
0x120: {  	v31 =	vld [tilespmem:s28+$0x73F0];
	v5 =	vadd.f32 v57, v17;
	v7 =	vadd.f32 v61, v60;
	v45 =	vmul.bf16 v37, v35  }
0x121: {  	v14 =	vld [tilespmem:s28+$0x7400];
	v9 =	vadd.f32 v9, v44;
	v46 =	vmul.bf16 v13, v34;
	v12 =	vmul.bf16 v18, v12  }
0x122: {  	v29 =	vld [tilespmem:s28+$0x7420];
	v19 =	vadd.f32 v19, v53;
	v21 =	vadd.f32 v22, v54;
	v57 =	vmul.bf16 v26, v39  }
0x123: {  	v13 =	vld [tilespmem:s28+$0x7410];
	v56 =	vadd.f32 v27, v36;
	v16 =	vmul.bf16 v24, v16;
	v61 =	vmul.bf16 v32, v30  }
0x124: {  	v35 =	vld [tilespmem:s28+$0x7440];
	v6 =	vadd.f32 v10, v6;
	v43 =	vadd.f32 v41, v23;
	v47 =	vunpack.i.u.bf16.f32 v45  }
0x125: {  	v37 =	vld [tilespmem:s28+$0x7450];
	v20 =	vunpack.i.l.bf16.f32 v45;
	v8 =	vmul.bf16 v15, v8;
	v48 =	vunpack.i.u.bf16.f32 v46  }
0x126: {  	v27 =	vld [tilespmem:s28+$0x8850];
	v11 =	vunpack.i.l.bf16.f32 v46;
	v51 =	vunpack.i.u.bf16.f32 v12;
	v12 =	vunpack.i.l.bf16.f32 v12  }
0x127: {  	v26 =	vld [tilespmem:s28+$0x7470];
	v58 =	vadd.f32 v56, v21;
	v62 =	vunpack.i.u.bf16.f32 v16;
	v16 =	vunpack.i.l.bf16.f32 v16  }
0x128: {  	v32 =	vld [tilespmem:s28+$0x8870];
	v28 =	vmul.bf16 v40, v63;
	v63 =	vunpack.i.u.bf16.f32 v61;
	v17 =	vadd.f32 v20, v47  }
0x129: {  	v30 =	vld [tilespmem:s28+$0x7480];
	v24 =	vunpack.i.l.bf16.f32 v61;
	v11 =	vadd.f32 v11, v48;
	v12 =	vadd.f32 v12, v51  }
0x12a: {  	v23 =	vld [tilespmem:s28+$0x8800];
	v60 =	vunpack.i.u.bf16.f32 v57;
	v16 =	vadd.f32 v16, v62;
	v22 =	vadd.f32 v24, v63  }
0x12b: {  	v15 =	vld [tilespmem:s28+$0x8810];
	v10 =	vmul.bf16 v42, v31;
	v18 =	vmul.bf16 v50, v29;
	v7 =	vadd.f32 v43, v7  }
0x12c: {  	v40 =	vld [tilespmem:s28+$0x8880];
	v49 =	vunpack.i.u.bf16.f32 v8;
	v8 =	vunpack.i.l.bf16.f32 v8;
	v33 =	vunpack.i.u.bf16.f32 v28  }
0x12d: {  	v20 =	vld [tilespmem:s28+$0x7430];
	v28 =	vunpack.i.l.bf16.f32 v28;
	v8 =	vadd.f32 v8, v49;
	v9 =	vadd.f32 v17, v9  }
0x12e: {  	v48 =	vld [tilespmem:s28+$0x74B0];
	v12 =	vadd.f32 v19, v12;
	v41 =	vadd.f32 v28, v33;
	v44 =	vunpack.i.u.bf16.f32 v10  }
0x12f: {  	v50 =	vld [tilespmem:s28+$0x88B0];
	v45 =	vunpack.i.l.bf16.f32 v10;
	v29 =	vunpack.i.u.bf16.f32 v18;
	v18 =	vunpack.i.l.bf16.f32 v18  }
0x130: {  	v62 =	vld [tilespmem:s28+$0x74F0];
	v54 =	vmul.bf16 v55, v35;
	v27 =	vmul.bf16 v27, v37;
	v47 =	vadd.f32 v45, v44  }
0x131: {  	v63 =	vld [tilespmem:s28+$0x88F0];
	v35 =	vmul.bf16 v32, v26;
	v53 =	vadd.f32 v18, v29;
	v8 =	vadd.f32 v8, v11  }
0x132: {  	v38 =	vld [tilespmem:s28+$0x7500];
	v11 =	vunpack.i.l.bf16.f32 v57;
	v42 =	vadd.f32 v41, v22;
	v14 =	vmul.bf16 v23, v14  }
0x133: {  	v46 =	vld [tilespmem:s28+$0x88A0];
	v13 =	vmul.bf16 v15, v13;
	v34 =	vunpack.i.u.bf16.f32 v54;
	v18 =	vunpack.i.l.bf16.f32 v54  }
0x134: {  	v43 =	vld [tilespmem:s28+$0x74A0];
	v39 =	vmul.bf16 v40, v30;
	v41 =	vunpack.i.u.bf16.f32 v35;
	v11 =	vadd.f32 v11, v60  }
0x135: {  	v17 =	vld [tilespmem:s28+$0x7460];
	v20 =	vmul.bf16 v52, v20;
	v18 =	vadd.f32 v18, v34;
	v48 =	vmul.bf16 v50, v48  }
0x136: {  	v24 =	vld [tilespmem:s28+$0x74C0];
	v31 =	vmul.bf16 v63, v62;
	v8 =	vadd.f32 v8, v9;
	v9 =	vadd.f32 v58, v12  }
0x137: {  	v28 =	vld [tilespmem:s28+$0x7490];
	v49 =	vunpack.i.u.bf16.f32 v14;
	v14 =	vunpack.i.l.bf16.f32 v14;
	v51 =	vunpack.i.u.bf16.f32 v13  }
0x138: {  	v55 =	vld [tilespmem:s28+$0x74D0];
	v13 =	vunpack.i.l.bf16.f32 v13;
	v30 =	vunpack.i.u.bf16.f32 v39;
	v11 =	vadd.f32 v16, v11  }
0x139: {  	v32 =	vld [tilespmem:s28+$0x7530];
	v19 =	vmul.bf16 v46, v43;
	v14 =	vadd.f32 v14, v49;
	v13 =	vadd.f32 v13, v51  }
0x13a: {  	v57 =	vld [tilespmem:s28+$0x88D0];
	v56 =	vunpack.i.u.bf16.f32 v20;
	v20 =	vunpack.i.l.bf16.f32 v20;
	v17 =	vmul.bf16 v59, v17  }
0x13b: {  	v40 =	vld [tilespmem:s28+$0x8900];
	v59 =	vunpack.i.u.bf16.f32 v27;
	v27 =	vunpack.i.l.bf16.f32 v27;
	v50 =	vunpack.i.u.bf16.f32 v48  }
0x13c: {  	v15 =	vld [tilespmem:s28+$0x8930];
	v51 =	vunpack.i.l.bf16.f32 v48;
	v20 =	vadd.f32 v20, v56;
	v27 =	vadd.f32 v27, v59  }
0x13d: {  	v52 =	vld [tilespmem:s28+$0x88C0];
	v46 =	vunpack.i.u.bf16.f32 v19;
	v19 =	vunpack.i.l.bf16.f32 v19;
	v54 =	vadd.f32 v51, v50  }
0x13e: {  	v60 =	vld [tilespmem:s28+$0x88E0];
	v33 =	vperm.xlane v9, v0;
	v10 =	vadd.f32 v42, v11;
	v61 =	vunpack.i.u.bf16.f32 v17  }
0x13f: {  	v12 =	vld [tilespmem:s28+$0x8890];
	v17 =	vunpack.i.l.bf16.f32 v17;
	v11 =	vadd.f32 v14, v47;
	v13 =	vadd.f32 v53, v13  }
0x140: {  	v58 =	vld [tilespmem:s28+$0x74E0];
	v14 =	vunpack.i.l.bf16.f32 v35;
	v19 =	vadd.f32 v19, v46;
	v55 =	vmul.bf16 v57, v55  }
0x141: {  	v16 =	vmul.bf16 v40, v38;
	v40 =	vunpack.i.l.bf16.f32 v31;
	v15 =	vmul.bf16 v15, v32  }
0x142: {  	v45 =	vld [tilespmem:s28+$0x7520];
	v32 =	vperm.xlane v8, v0;
	v17 =	vadd.f32 v17, v61;
	v18 =	vadd.f32 v18, v20  }
0x143: {  	v62 =	vld [tilespmem:s28+$0x8960];
	v20 =	vunpack.i.l.bf16.f32 v39;
	v14 =	vadd.f32 v14, v41;
	v52 =	vmul.bf16 v52, v24  }
0x144: {  	v63 =	vld [tilespmem:s28+$0x7570];
	v39 =	vunpack.i.u.bf16.f32 v31;
	v31 =	vperm.xlane v7, v0;
	v12 =	vmul.bf16 v12, v28  }
0x145: {  	v43 =	vld [tilespmem:s28+$0x8910];
	v20 =	vadd.f32 v20, v30;
	v21 =	vmul.bf16 v60, v58;
	v59 =	vunpack.i.u.bf16.f32 v55  }
0x146: {  	v48 =	vld [tilespmem:s28+$0x8990];
	v26 =	vadd.f32 v40, v39;
	v34 =	vadd.f32 v32, v8;
	v36 =	vperm.xlane v10, v0  }
0x147: {  	v56 =	vld [tilespmem:s28+$0x7550];
	v17 =	vadd.f32 v17, v27;
	v57 =	vunpack.i.u.bf16.f32 v52;
	v22 =	vunpack.i.l.bf16.f32 v52  }
0x148: {  	v42 =	vld [tilespmem:s28+$0x7510];
	v52 =	vunpack.i.u.bf16.f32 v15;
	v15 =	vunpack.i.l.bf16.f32 v15;
	v7 =	vadd.f32 v31, v7  }
0x149: {  	v47 =	vld [tilespmem:s28+$0x8920];
	v44 =	vunpack.i.u.bf16.f32 v12;
	v12 =	vunpack.i.l.bf16.f32 v12;
	v14 =	vadd.f32 v20, v14  }
0x14a: {  	v41 =	vld [tilespmem:s28+$0x8970];
	v20 =	vadd.f32 v22, v57;
	v61 =	vunpack.i.u.bf16.f32 v21;
	v15 =	vadd.f32 v15, v52  }
0x14b: {  	v58 =	vld [tilespmem:s28+$0x8950];
	v21 =	vunpack.i.l.bf16.f32 v21;
	v27 =	vadd.f32 v12, v44;
	v12 =	vadd.f32 v13, v11  }
0x14c: {  	v60 =	vld [tilespmem:s28+$0x7560];
	v11 =	vadd.f32 v17, v18;
	v17 =	vunpack.i.l.bf16.f32 v55;
	v21 =	vadd.f32 v21, v61  }
0x14d: {  	v46 =	vld [tilespmem:s28+$0x7590];
	v23 =	vmul.bf16 v43, v42;
	v42 =	vunpack.i.u.bf16.f32 v16;
	v16 =	vunpack.i.l.bf16.f32 v16  }
0x14e: {  	v53 =	vld [tilespmem:s28+$0x8940];
	v30 =	vmul.bf16 v47, v45;
	v17 =	vadd.f32 v17, v59;
	v16 =	vadd.f32 v16, v42  }
0x14f: {  	v39 =	vld [tilespmem:s28+$0x75E0];
	v49 =	vadd.f32 v19, v27;
	v44 =	vunpack.i.u.bf16.f32 v23;
	v23 =	vunpack.i.l.bf16.f32 v23  }
0x150: {  	v57 =	vld [tilespmem:s28+$0x75C0];
	v35 =	vunpack.i.u.bf16.f32 v30;
	v30 =	vunpack.i.l.bf16.f32 v30;
	v19 =	vmul.bf16 v58, v56  }
0x151: {  	v18 =	vld [tilespmem:s28+$0x7540];
	v27 =	vmul.bf16 v62, v60;
	v62 =	vmul.bf16 v41, v63;
	v23 =	vadd.f32 v23, v44  }
0x152: {  	v43 =	vld [tilespmem:s28+$0x7580];
	v41 =	vmul.bf16 v48, v46;
	v47 =	vadd.f32 v30, v35;
	v17 =	vadd.f32 v21, v17  }
0x153: {  	v45 =	vld [tilespmem:s28+$0x8980];
	v16 =	vadd.f32 v16, v26;
	v30 =	vperm.xlane v5, v0;
	v35 =	vadd.f32 v33, v9  }
0x154: {  	v59 =	vld [tilespmem:s28+$0x89C0];
	v13 =	vadd.f32 v49, v14;
	v14 =	vadd.f32 v20, v54;
	v56 =	vunpack.i.u.bf16.f32 v19  }
0x155: {  	v42 =	vld [tilespmem:s28+$0x89E0];
	v19 =	vunpack.i.l.bf16.f32 v19;
	v58 =	vunpack.i.u.bf16.f32 v27;
	v27 =	vunpack.i.l.bf16.f32 v27  }
0x156: {  	v40 =	vunpack.i.u.bf16.f32 v62;
	v28 =	vunpack.i.l.bf16.f32 v41;
	v50 =	vadd.f32 v47, v23  }
0x157: {  	v61 =	vld [tilespmem:s28+$0x75D0];
	v18 =	vmul.bf16 v53, v18;
	v19 =	vadd.f32 v19, v56;
	v60 =	vadd.f32 v27, v58  }
0x158: {  	v63 =	vld [tilespmem:s28+$0x89D0];
	v38 =	vmul.bf16 v45, v43;
	v45 =	vunpack.i.u.bf16.f32 v41;
	v5 =	vadd.f32 v30, v5  }
0x159: {  	v51 =	vld [tilespmem:s28+$0x89A0];
	v14 =	vadd.f32 v17, v14;
	v17 =	vunpack.i.l.bf16.f32 v62;
	v26 =	vmul.bf16 v59, v57  }
0x15a: {  	v46 =	vld [tilespmem:s28+$0x89F0];
	v47 =	vadd.f32 v28, v45;
	v22 =	vmul.bf16 v42, v39;
	v39 =	vperm.xlane v13, v0  }
0x15b: {  	v44 =	vld [tilespmem:s28+$0x75F0];
	v54 =	vunpack.i.u.bf16.f32 v18;
	v18 =	vunpack.i.l.bf16.f32 v18;
	v16 =	vadd.f32 v50, v16  }
0x15c: {  	v49 =	vld [tilespmem:s28+$0x75A0];
	v37 =	vadd.f32 v60, v19;
	v17 =	vadd.f32 v17, v40;
	v43 =	vunpack.i.u.bf16.f32 v38  }
0x15d: {  	v19 =	vunpack.i.l.bf16.f32 v38;
	v21 =	vmul.bf16 v63, v61;
	v5 =	vsel vm0, v5, v7  }
0x15e: {  	v55 =	vld [tilespmem:s28+$0x89B0];
	v38 =	vperm.xlane v11, v0;
	v7 =	vadd.f32 v36, v10;
	v18 =	vadd.f32 v18, v54  }
0x15f: {  	v53 =	vld [tilespmem:s28+$0x75B0];
	v19 =	vadd.f32 v19, v43;
	v56 =	vunpack.i.u.bf16.f32 v26;
	v26 =	vunpack.i.l.bf16.f32 v26  }
0x160: {  	v23 =	vmul.bf16 v46, v44;
	v59 =	vunpack.i.u.bf16.f32 v22;
	v22 =	vunpack.i.l.bf16.f32 v22  }
0x161: {  	v40 =	vperm.xlane v14, v0;
	v41 =	vadd.f32 v39, v13;
	v20 =	vmul.bf16 v51, v49  }
0x162: {  	v48 =	vld [tilespmem:s28+$0x7600];
	v26 =	vadd.f32 v26, v56;
	v58 =	vunpack.i.u.bf16.f32 v21;
	v21 =	vunpack.i.l.bf16.f32 v21  }
0x163: {  	v50 =	vld [tilespmem:s28+$0x8A00];
	v22 =	vadd.f32 v22, v59;
	v8 =	vadd.f32 v38, v11;
	v42 =	vperm.xlane v16, v0  }
0x164: {  	v57 =	vld [tilespmem:s28+$0x8A20];
	v15 =	vadd.f32 v18, v15;
	v25 =	vmul.bf16 v55, v53;
	v17 =	vadd.f32 v19, v17  }
0x165: {  	v51 =	vld [tilespmem:s28+$0x7610];
	v21 =	vadd.f32 v21, v58;
	v61 =	vunpack.i.u.bf16.f32 v23;
	v23 =	vunpack.i.l.bf16.f32 v23  }
0x166: {  	v53 =	vld [tilespmem:s28+$0x8A10];
	v10 =	vadd.f32 v40, v14;
	v49 =	vunpack.i.u.bf16.f32 v20;
	v20 =	vunpack.i.l.bf16.f32 v20  }
0x167: {  	v55 =	vld [tilespmem:s28+$0x7620];
	v23 =	vadd.f32 v23, v61;
	v8 =	vsel vm0, v8, v41;
	v20 =	vadd.f32 v20, v49  }
0x168: {  	v52 =	vunpack.i.u.bf16.f32 v25;
	v25 =	vunpack.i.l.bf16.f32 v25;
	v60 =	vmul.bf16 v50, v48  }
0x169: {  	v21 =	vadd.f32 v22, v21;
	v15 =	vadd.f32 v37, v15;
	v37 =	vperm.xlane v12, v0  }
0x16a: {  	v54 =	vadd.f32 v25, v52;
	v52 =	vperm.xlane v5, v1;
	v20 =	vadd.f32 v20, v47  }
0x16b: {  	v29 =	vunpack.i.u.bf16.f32 v60;
	v27 =	vunpack.i.l.bf16.f32 v60;
	v19 =	vmul.bf16 v53, v51  }
0x16c: {  	v9 =	vadd.f32 v37, v12;
	v12 =	vadd.f32 v42, v16;
	v25 =	vmul.bf16 v57, v55  }
0x16d: {  	v27 =	vadd.f32 v27, v29;
	v24 =	vadd.f32 v26, v54;
	v62 =	vunpack.i.u.bf16.f32 v19  }
0x16e: {  	v19 =	vunpack.i.l.bf16.f32 v19;
	v63 =	vunpack.i.u.bf16.f32 v25;
	v25 =	vunpack.i.l.bf16.f32 v25  }
0x16f: {  	v43 =	vperm.xlane v15, v0;
	v19 =	vadd.f32 v19, v62;
	v25 =	vadd.f32 v25, v63  }
0x170: {  	v29 =	vperm.xlane v6, v0;
	v5 =	vadd.f32 v52, v5;
	v17 =	vadd.f32 v20, v17  }
0x171: {  	v55 =	vperm.xlane v8, v1;
	v26 =	vadd.f32 v27, v23;
	v19 =	vadd.f32 v25, v19  }
0x172: {  	v7 =	vsel vm0, v7, v9;
	v47 =	vadd.f32 v43, v15;
	v10 =	vsel vm0, v10, v12  }
0x173: {  	v27 =	vperm.xlane v4, v0;
	v28 =	vadd.f32 v21, v24;
	v19 =	vadd.f32 v19, v26  }
0x174: {  	v6 =	vadd.f32 v29, v6;
	v54 =	vperm.xlane v7, v1;
	v44 =	vperm.xlane v17, v0  }
0x175: {  	v4 =	vadd.f32 v27, v4;
	v45 =	vperm.xlane v28, v0;
	v46 =	vperm.xlane v19, v0  }
0x176: {  	v56 =	vperm.xlane v10, v1;
	v8 =	vadd.f32 v55, v8;
	v48 =	vadd.f32 v44, v17  }
0x177: {  	v4 =	vsel vm0, v4, v6;
	v49 =	vadd.f32 v45, v28;
	v50 =	vadd.f32 v46, v19  }
0x178: {  	v7 =	vadd.f32 v54, v7;
	v6 =	vsel vm0, v34, v35;
	v51 =	vperm.xlane v4, v1  }
0x179: {  	v9 =	vsel vm0, v47, v48;
	v53 =	vperm.xlane v6, v1;
	v11 =	vsel vm0, v49, v50  }
0x17a: {  	v10 =	vadd.f32 v56, v10;
	v57 =	vperm.xlane v9, v1;
	v58 =	vperm.xlane v11, v1  }
0x17b: {  	v4 =	vadd.f32 v51, v4;
	v6 =	vadd.f32 v53, v6  }
0x17c: {  	v59 =	vsel vm1, v8, v10;
	v9 =	vadd.f32 v57, v9;
	v11 =	vadd.f32 v58, v11  }
0x17d: {  	v10 =	vperm.xlane v59, v2;
	v4 =	vsel vm1, v4, v5  }
0x17e: {  	v5 =	vsel vm1, v6, v7;
	v61 =	vperm.xlane v4, v2;
	v60 =	vsel vm1, v9, v11  }
0x17f: {  	v62 =	vperm.xlane v5, v2;
	v11 =	vperm.xlane v60, v2  }
0x180: {  	v6 =	vadd.f32 v10, v59;
	v4 =	vadd.f32 v61, v4  }
0x181: {  	v5 =	vadd.f32 v62, v5;
	v7 =	vadd.f32 v11, v60;
	_ =	sdelay $0x1  }
0x182: {  	v4 =	vsel vm2, v4, v5;
	v5 =	vsel vm2, v6, v7  }
0x183: {  	p1 =	sne.s32 s25, $0x4FC0;
	v63 =	vperm.xlane v4, v3;
	v7 =	vperm.xlane v5, v3  }
.Ltmp1:
0x184: {  	_ = 	snop;
	(pc) =	sbr.rel @p1 .LBB2_5-.Ltmp1, $3  }
0x185: {  	v4 =	vadd.f32 v63, v4;
	v5 =	vadd.f32 v7, v5;
	_ =	sdelay $0x1  }
0x186: {  	v4 =	vsel vm3, v4, v5  }
0x187: {  	s25 =	sadd.s32 $0x1000, s25;
	[tilespmem:s26+$0x0] =	vst v4;
	s26 =	sadd.s32 $0x10, s26  }
0x188: {  	s24 =	sadd.s32 $0x1, s24  }
0x189: {  	p1 =	sne.s32 s24, $0x3E  }
.Ltmp2:
0x18a: {  	_ = 	snop;
	(pc) =	sbr.rel @p1 .LBB2_2-.Ltmp2, $2  }
0x18b: {  	_ =	sdelay $0x2  }
0x18c: {  	s23 =	sadd.s32 $0xA0, s23;
	s22 =	sadd.s32 $0xA0, s22  }
0x18d: {  	_ =	swait.ge [sflag:s16], $0x1400  }
0x18e: {  	[sflag:s16] =	ssyncset.done $0x0  }
0x18f: {  	[sflag:s16] =	ssyncadd.s32 $0xFFFFEC00  }
0x190: {  	_ =	swait.ge [sflag:s17], $0x1400  }
0x191: {  	[sflag:s17] =	ssyncset.done $0x0  }
0x192: {  	s22 =	simm.s32 $0xFC0;
	s23 =	simm.s32 $0xC4E0;
	[sflag:s17] =	ssyncadd.s32 $0xFFFFEC00  }
.LBB2_8:
0x193: {  	s24 =	sshra.s32 s22, $0x2  }
0x194: {  	v4 =	vld [tilespmem:s24+$0x4A30]  }
0x195: {  	v5 =	vld [tilespmem:s24+$0x5E30]  }
0x196: {  	v6 =	vld [tilespmem:s24+$0x4A40]  }
0x197: {  	v7 =	vld [tilespmem:s24+$0x5E40]  }
0x198: {  	v8 =	vld [tilespmem:s24+$0x4A50]  }
0x199: {  	v9 =	vld [tilespmem:s24+$0x5E50]  }
0x19a: {  	v10 =	vld [tilespmem:s24+$0x4A60]  }
0x19b: {  	v11 =	vld [tilespmem:s24+$0x5E60]  }
0x19c: {  	v12 =	vld [tilespmem:s24+$0x4A70]  }
0x19d: {  	v13 =	vld [tilespmem:s24+$0x5E70]  }
0x19e: {  	v14 =	vld [tilespmem:s24+$0x4A80]  }
0x19f: {  	v15 =	vld [tilespmem:s24+$0x5E80]  }
0x1a0: {  	v16 =	vld [tilespmem:s24+$0x4A90]  }
0x1a1: {  	v17 =	vld [tilespmem:s24+$0x5E90]  }
0x1a2: {  	v18 =	vld [tilespmem:s24+$0x4AA0]  }
0x1a3: {  	v19 =	vld [tilespmem:s24+$0x5EA0]  }
0x1a4: {  	v20 =	vld [tilespmem:s24+$0x4AB0]  }
0x1a5: {  	v21 =	vld [tilespmem:s24+$0x5EB0]  }
0x1a6: {  	v22 =	vld [tilespmem:s24+$0x4AC0]  }
0x1a7: {  	v23 =	vld [tilespmem:s24+$0x5EC0]  }
0x1a8: {  	v24 =	vld [tilespmem:s24+$0x4AD0]  }
0x1a9: {  	v25 =	vld [tilespmem:s24+$0x5ED0]  }
0x1aa: {  	v26 =	vld [tilespmem:s24+$0x4AE0]  }
0x1ab: {  	v27 =	vld [tilespmem:s24+$0x5EE0]  }
0x1ac: {  	v28 =	vld [tilespmem:s24+$0x4AF0]  }
0x1ad: {  	v29 =	vld [tilespmem:s24+$0x5EF0]  }
0x1ae: {  	v30 =	vld [tilespmem:s24+$0x4B00]  }
0x1af: {  	v31 =	vld [tilespmem:s24+$0x5F00]  }
0x1b0: {  	v32 =	vld [tilespmem:s24+$0x4B10]  }
0x1b1: {  	v33 =	vld [tilespmem:s24+$0x5F10]  }
0x1b2: {  	v63 =	vld [tilespmem:s24+$0x5F20]  }
0x1b3: {  	v37 =	vld [tilespmem:s24+$0x5F40];
	v4 =	vmul.bf16 v5, v4;
	v6 =	vmul.bf16 v7, v6  }
0x1b4: {  	v54 =	vld [tilespmem:s24+$0x5FA0];
	v8 =	vmul.bf16 v9, v8;
	v10 =	vmul.bf16 v11, v10  }
0x1b5: {  	v39 =	vld [tilespmem:s24+$0x4BB0];
	v12 =	vmul.bf16 v13, v12;
	v14 =	vmul.bf16 v15, v14  }
0x1b6: {  	v5 =	vld [tilespmem:s24+$0x4B20];
	v44 =	vmul.bf16 v17, v16;
	v46 =	vmul.bf16 v19, v18  }
0x1b7: {  	v9 =	vld [tilespmem:s24+$0x4B30];
	v20 =	vmul.bf16 v21, v20;
	v50 =	vmul.bf16 v23, v22  }
0x1b8: {  	v11 =	vld [tilespmem:s24+$0x5F30];
	v24 =	vmul.bf16 v25, v24;
	v26 =	vmul.bf16 v27, v26  }
0x1b9: {  	v13 =	vld [tilespmem:s24+$0x5F50];
	v56 =	vmul.bf16 v29, v28;
	v58 =	vmul.bf16 v31, v30  }
0x1ba: {  	v15 =	vld [tilespmem:s24+$0x5F60];
	v59 =	vmul.bf16 v33, v32;
	v34 =	vunpack.i.u.bf16.f32 v4;
	v4 =	vunpack.i.l.bf16.f32 v4  }
0x1bb: {  	v18 =	vld [tilespmem:s24+$0x5F70];
	v35 =	vunpack.i.u.bf16.f32 v6;
	v6 =	vunpack.i.l.bf16.f32 v6;
	v40 =	vunpack.i.u.bf16.f32 v8  }
0x1bc: {  	v19 =	vld [tilespmem:s24+$0x4B80];
	v8 =	vunpack.i.l.bf16.f32 v8;
	v36 =	vunpack.i.u.bf16.f32 v10;
	v10 =	vunpack.i.l.bf16.f32 v10  }
0x1bd: {  	v21 =	vld [tilespmem:s24+$0x5F80];
	v42 =	vunpack.i.u.bf16.f32 v12;
	v12 =	vunpack.i.l.bf16.f32 v12;
	v45 =	vunpack.i.u.bf16.f32 v14  }
0x1be: {  	v22 =	vld [tilespmem:s24+$0x4B90];
	v14 =	vunpack.i.l.bf16.f32 v14;
	v47 =	vunpack.i.u.bf16.f32 v44;
	v48 =	vunpack.i.u.bf16.f32 v46  }
0x1bf: {  	v25 =	vld [tilespmem:s24+$0x5F90];
	v17 =	vunpack.i.l.bf16.f32 v46;
	v51 =	vunpack.i.u.bf16.f32 v20;
	v20 =	vunpack.i.l.bf16.f32 v20  }
0x1c0: {  	v27 =	vld [tilespmem:s24+$0x4BA0];
	v52 =	vunpack.i.u.bf16.f32 v50;
	v53 =	vunpack.i.u.bf16.f32 v24;
	v24 =	vunpack.i.l.bf16.f32 v24  }
0x1c1: {  	v16 =	vld [tilespmem:s24+$0x4BC0];
	v38 =	vunpack.i.u.bf16.f32 v26;
	v26 =	vunpack.i.l.bf16.f32 v26;
	v4 =	vadd.f32 v4, v34  }
0x1c2: {  	v30 =	vld [tilespmem:s24+$0x4BD0];
	v28 =	vunpack.i.u.bf16.f32 v56;
	v6 =	vadd.f32 v6, v35;
	v8 =	vadd.f32 v8, v40  }
0x1c3: {  	v32 =	vld [tilespmem:s24+$0x5FD0];
	v62 =	vunpack.i.u.bf16.f32 v59;
	v10 =	vadd.f32 v10, v36;
	v43 =	vadd.f32 v12, v42  }
0x1c4: {  	v29 =	vunpack.i.l.bf16.f32 v59;
	v59 =	vld [tilespmem:s24+$0x6060];
	v14 =	vadd.f32 v14, v45;
	v49 =	vadd.f32 v17, v48  }
0x1c5: {  	v35 =	vld [tilespmem:s24+$0x4B40];
	v17 =	vunpack.i.l.bf16.f32 v50;
	v20 =	vadd.f32 v20, v51;
	v23 =	vadd.f32 v24, v53  }
0x1c6: {  	v31 =	vunpack.i.u.bf16.f32 v58;
	v34 =	vld [tilespmem:s24+$0x4B50];
	v55 =	vadd.f32 v26, v38;
	v17 =	vadd.f32 v17, v52  }
0x1c7: {  	v12 =	vld [tilespmem:s24+$0x4B70];
	v4 =	vadd.f32 v6, v4;
	v41 =	vadd.f32 v10, v8;
	v10 =	vunpack.i.l.bf16.f32 v44  }
0x1c8: {  	v26 =	vld [tilespmem:s24+$0x5FB0];
	v6 =	vadd.f32 v14, v43;
	v57 =	vadd.f32 v55, v23;
	v14 =	vunpack.i.l.bf16.f32 v56  }
0x1c9: {  	v24 =	vld [tilespmem:s24+$0x5FC0];
	v23 =	vunpack.i.l.bf16.f32 v58;
	v5 =	vmul.bf16 v63, v5;
	v9 =	vmul.bf16 v11, v9  }
0x1ca: {  	v40 =	vld [tilespmem:s24+$0x5FE0];
	v19 =	vmul.bf16 v21, v19;
	v10 =	vadd.f32 v10, v47;
	v17 =	vadd.f32 v17, v20  }
0x1cb: {  	v42 =	vld [tilespmem:s24+$0x5FF0];
	v22 =	vmul.bf16 v25, v22;
	v60 =	vadd.f32 v14, v28;
	v61 =	vadd.f32 v23, v31  }
0x1cc: {  	v50 =	vld [tilespmem:s24+$0x6020];
	v27 =	vmul.bf16 v54, v27;
	v23 =	vadd.f32 v29, v62;
	v4 =	vadd.f32 v41, v4  }
0x1cd: {  	v52 =	vld [tilespmem:s24+$0x6030];
	v38 =	vunpack.i.u.bf16.f32 v5;
	v5 =	vunpack.i.l.bf16.f32 v5;
	v44 =	vunpack.i.u.bf16.f32 v9  }
0x1ce: {  	v8 =	vld [tilespmem:s24+$0x4B60];
	v9 =	vunpack.i.l.bf16.f32 v9;
	v53 =	vunpack.i.u.bf16.f32 v19;
	v19 =	vunpack.i.l.bf16.f32 v19  }
0x1cf: {  	v63 =	vld [tilespmem:s24+$0x4BE0];
	v54 =	vunpack.i.u.bf16.f32 v22;
	v22 =	vunpack.i.l.bf16.f32 v22;
	v36 =	vunpack.i.u.bf16.f32 v27  }
0x1d0: {  	v55 =	vld [tilespmem:s24+$0x6040];
	v27 =	vunpack.i.l.bf16.f32 v27;
	v10 =	vadd.f32 v49, v10;
	v41 =	vadd.f32 v5, v38  }
0x1d1: {  	v31 =	vld [tilespmem:s24+$0x4BF0];
	v5 =	vadd.f32 v57, v17;
	v7 =	vadd.f32 v61, v60;
	v45 =	vmul.bf16 v37, v35  }
0x1d2: {  	v14 =	vld [tilespmem:s24+$0x4C00];
	v9 =	vadd.f32 v9, v44;
	v46 =	vmul.bf16 v13, v34;
	v12 =	vmul.bf16 v18, v12  }
0x1d3: {  	v29 =	vld [tilespmem:s24+$0x4C20];
	v19 =	vadd.f32 v19, v53;
	v21 =	vadd.f32 v22, v54;
	v57 =	vmul.bf16 v26, v39  }
0x1d4: {  	v13 =	vld [tilespmem:s24+$0x4C10];
	v56 =	vadd.f32 v27, v36;
	v16 =	vmul.bf16 v24, v16;
	v61 =	vmul.bf16 v32, v30  }
0x1d5: {  	v35 =	vld [tilespmem:s24+$0x4C40];
	v6 =	vadd.f32 v10, v6;
	v43 =	vadd.f32 v41, v23;
	v47 =	vunpack.i.u.bf16.f32 v45  }
0x1d6: {  	v37 =	vld [tilespmem:s24+$0x4C50];
	v20 =	vunpack.i.l.bf16.f32 v45;
	v8 =	vmul.bf16 v15, v8;
	v48 =	vunpack.i.u.bf16.f32 v46  }
0x1d7: {  	v27 =	vld [tilespmem:s24+$0x6050];
	v11 =	vunpack.i.l.bf16.f32 v46;
	v51 =	vunpack.i.u.bf16.f32 v12;
	v12 =	vunpack.i.l.bf16.f32 v12  }
0x1d8: {  	v26 =	vld [tilespmem:s24+$0x4C70];
	v58 =	vadd.f32 v56, v21;
	v62 =	vunpack.i.u.bf16.f32 v16;
	v16 =	vunpack.i.l.bf16.f32 v16  }
0x1d9: {  	v32 =	vld [tilespmem:s24+$0x6070];
	v28 =	vmul.bf16 v40, v63;
	v63 =	vunpack.i.u.bf16.f32 v61;
	v17 =	vadd.f32 v20, v47  }
0x1da: {  	v30 =	vld [tilespmem:s24+$0x4C80];
	v24 =	vunpack.i.l.bf16.f32 v61;
	v11 =	vadd.f32 v11, v48;
	v12 =	vadd.f32 v12, v51  }
0x1db: {  	v23 =	vld [tilespmem:s24+$0x6000];
	v60 =	vunpack.i.u.bf16.f32 v57;
	v16 =	vadd.f32 v16, v62;
	v22 =	vadd.f32 v24, v63  }
0x1dc: {  	v15 =	vld [tilespmem:s24+$0x6010];
	v10 =	vmul.bf16 v42, v31;
	v18 =	vmul.bf16 v50, v29;
	v7 =	vadd.f32 v43, v7  }
0x1dd: {  	v40 =	vld [tilespmem:s24+$0x6080];
	v49 =	vunpack.i.u.bf16.f32 v8;
	v8 =	vunpack.i.l.bf16.f32 v8;
	v33 =	vunpack.i.u.bf16.f32 v28  }
0x1de: {  	v20 =	vld [tilespmem:s24+$0x4C30];
	v28 =	vunpack.i.l.bf16.f32 v28;
	v8 =	vadd.f32 v8, v49;
	v9 =	vadd.f32 v17, v9  }
0x1df: {  	v48 =	vld [tilespmem:s24+$0x4CB0];
	v12 =	vadd.f32 v19, v12;
	v41 =	vadd.f32 v28, v33;
	v44 =	vunpack.i.u.bf16.f32 v10  }
0x1e0: {  	v50 =	vld [tilespmem:s24+$0x60B0];
	v45 =	vunpack.i.l.bf16.f32 v10;
	v29 =	vunpack.i.u.bf16.f32 v18;
	v18 =	vunpack.i.l.bf16.f32 v18  }
0x1e1: {  	v62 =	vld [tilespmem:s24+$0x4CF0];
	v54 =	vmul.bf16 v55, v35;
	v27 =	vmul.bf16 v27, v37;
	v47 =	vadd.f32 v45, v44  }
0x1e2: {  	v63 =	vld [tilespmem:s24+$0x60F0];
	v35 =	vmul.bf16 v32, v26;
	v53 =	vadd.f32 v18, v29;
	v8 =	vadd.f32 v8, v11  }
0x1e3: {  	v38 =	vld [tilespmem:s24+$0x4D00];
	v11 =	vunpack.i.l.bf16.f32 v57;
	v42 =	vadd.f32 v41, v22;
	v14 =	vmul.bf16 v23, v14  }
0x1e4: {  	v46 =	vld [tilespmem:s24+$0x60A0];
	v13 =	vmul.bf16 v15, v13;
	v34 =	vunpack.i.u.bf16.f32 v54;
	v18 =	vunpack.i.l.bf16.f32 v54  }
0x1e5: {  	v43 =	vld [tilespmem:s24+$0x4CA0];
	v39 =	vmul.bf16 v40, v30;
	v41 =	vunpack.i.u.bf16.f32 v35;
	v11 =	vadd.f32 v11, v60  }
0x1e6: {  	v17 =	vld [tilespmem:s24+$0x4C60];
	v20 =	vmul.bf16 v52, v20;
	v18 =	vadd.f32 v18, v34;
	v48 =	vmul.bf16 v50, v48  }
0x1e7: {  	v24 =	vld [tilespmem:s24+$0x4CC0];
	v31 =	vmul.bf16 v63, v62;
	v8 =	vadd.f32 v8, v9;
	v9 =	vadd.f32 v58, v12  }
0x1e8: {  	v28 =	vld [tilespmem:s24+$0x4C90];
	v49 =	vunpack.i.u.bf16.f32 v14;
	v14 =	vunpack.i.l.bf16.f32 v14;
	v51 =	vunpack.i.u.bf16.f32 v13  }
0x1e9: {  	v55 =	vld [tilespmem:s24+$0x4CD0];
	v13 =	vunpack.i.l.bf16.f32 v13;
	v30 =	vunpack.i.u.bf16.f32 v39;
	v11 =	vadd.f32 v16, v11  }
0x1ea: {  	v32 =	vld [tilespmem:s24+$0x4D30];
	v19 =	vmul.bf16 v46, v43;
	v14 =	vadd.f32 v14, v49;
	v13 =	vadd.f32 v13, v51  }
0x1eb: {  	v57 =	vld [tilespmem:s24+$0x60D0];
	v56 =	vunpack.i.u.bf16.f32 v20;
	v20 =	vunpack.i.l.bf16.f32 v20;
	v17 =	vmul.bf16 v59, v17  }
0x1ec: {  	v40 =	vld [tilespmem:s24+$0x6100];
	v59 =	vunpack.i.u.bf16.f32 v27;
	v27 =	vunpack.i.l.bf16.f32 v27;
	v50 =	vunpack.i.u.bf16.f32 v48  }
0x1ed: {  	v15 =	vld [tilespmem:s24+$0x6130];
	v51 =	vunpack.i.l.bf16.f32 v48;
	v20 =	vadd.f32 v20, v56;
	v27 =	vadd.f32 v27, v59  }
0x1ee: {  	v52 =	vld [tilespmem:s24+$0x60C0];
	v46 =	vunpack.i.u.bf16.f32 v19;
	v19 =	vunpack.i.l.bf16.f32 v19;
	v54 =	vadd.f32 v51, v50  }
0x1ef: {  	v60 =	vld [tilespmem:s24+$0x60E0];
	v33 =	vperm.xlane v9, v0;
	v10 =	vadd.f32 v42, v11;
	v61 =	vunpack.i.u.bf16.f32 v17  }
0x1f0: {  	v12 =	vld [tilespmem:s24+$0x6090];
	v17 =	vunpack.i.l.bf16.f32 v17;
	v11 =	vadd.f32 v14, v47;
	v13 =	vadd.f32 v53, v13  }
0x1f1: {  	v58 =	vld [tilespmem:s24+$0x4CE0];
	v14 =	vunpack.i.l.bf16.f32 v35;
	v19 =	vadd.f32 v19, v46;
	v55 =	vmul.bf16 v57, v55  }
0x1f2: {  	v16 =	vmul.bf16 v40, v38;
	v40 =	vunpack.i.l.bf16.f32 v31;
	v15 =	vmul.bf16 v15, v32  }
0x1f3: {  	v45 =	vld [tilespmem:s24+$0x4D20];
	v32 =	vperm.xlane v8, v0;
	v17 =	vadd.f32 v17, v61;
	v18 =	vadd.f32 v18, v20  }
0x1f4: {  	v62 =	vld [tilespmem:s24+$0x6160];
	v20 =	vunpack.i.l.bf16.f32 v39;
	v14 =	vadd.f32 v14, v41;
	v52 =	vmul.bf16 v52, v24  }
0x1f5: {  	v63 =	vld [tilespmem:s24+$0x4D70];
	v39 =	vunpack.i.u.bf16.f32 v31;
	v31 =	vperm.xlane v7, v0;
	v12 =	vmul.bf16 v12, v28  }
0x1f6: {  	v43 =	vld [tilespmem:s24+$0x6110];
	v20 =	vadd.f32 v20, v30;
	v21 =	vmul.bf16 v60, v58;
	v59 =	vunpack.i.u.bf16.f32 v55  }
0x1f7: {  	v48 =	vld [tilespmem:s24+$0x6190];
	v26 =	vadd.f32 v40, v39;
	v34 =	vadd.f32 v32, v8;
	v36 =	vperm.xlane v10, v0  }
0x1f8: {  	v56 =	vld [tilespmem:s24+$0x4D50];
	v17 =	vadd.f32 v17, v27;
	v57 =	vunpack.i.u.bf16.f32 v52;
	v22 =	vunpack.i.l.bf16.f32 v52  }
0x1f9: {  	v42 =	vld [tilespmem:s24+$0x4D10];
	v52 =	vunpack.i.u.bf16.f32 v15;
	v15 =	vunpack.i.l.bf16.f32 v15;
	v7 =	vadd.f32 v31, v7  }
0x1fa: {  	v47 =	vld [tilespmem:s24+$0x6120];
	v44 =	vunpack.i.u.bf16.f32 v12;
	v12 =	vunpack.i.l.bf16.f32 v12;
	v14 =	vadd.f32 v20, v14  }
0x1fb: {  	v41 =	vld [tilespmem:s24+$0x6170];
	v20 =	vadd.f32 v22, v57;
	v61 =	vunpack.i.u.bf16.f32 v21;
	v15 =	vadd.f32 v15, v52  }
0x1fc: {  	v58 =	vld [tilespmem:s24+$0x6150];
	v21 =	vunpack.i.l.bf16.f32 v21;
	v27 =	vadd.f32 v12, v44;
	v12 =	vadd.f32 v13, v11  }
0x1fd: {  	v60 =	vld [tilespmem:s24+$0x4D60];
	v11 =	vadd.f32 v17, v18;
	v17 =	vunpack.i.l.bf16.f32 v55;
	v21 =	vadd.f32 v21, v61  }
0x1fe: {  	v46 =	vld [tilespmem:s24+$0x4D90];
	v23 =	vmul.bf16 v43, v42;
	v42 =	vunpack.i.u.bf16.f32 v16;
	v16 =	vunpack.i.l.bf16.f32 v16  }
0x1ff: {  	v53 =	vld [tilespmem:s24+$0x6140];
	v30 =	vmul.bf16 v47, v45;
	v17 =	vadd.f32 v17, v59;
	v16 =	vadd.f32 v16, v42  }
0x200: {  	v39 =	vld [tilespmem:s24+$0x4DE0];
	v49 =	vadd.f32 v19, v27;
	v44 =	vunpack.i.u.bf16.f32 v23;
	v23 =	vunpack.i.l.bf16.f32 v23  }
0x201: {  	v57 =	vld [tilespmem:s24+$0x4DC0];
	v35 =	vunpack.i.u.bf16.f32 v30;
	v30 =	vunpack.i.l.bf16.f32 v30;
	v19 =	vmul.bf16 v58, v56  }
0x202: {  	v18 =	vld [tilespmem:s24+$0x4D40];
	v27 =	vmul.bf16 v62, v60;
	v62 =	vmul.bf16 v41, v63;
	v23 =	vadd.f32 v23, v44  }
0x203: {  	v43 =	vld [tilespmem:s24+$0x4D80];
	v41 =	vmul.bf16 v48, v46;
	v47 =	vadd.f32 v30, v35;
	v17 =	vadd.f32 v21, v17  }
0x204: {  	v45 =	vld [tilespmem:s24+$0x6180];
	v16 =	vadd.f32 v16, v26;
	v30 =	vperm.xlane v5, v0;
	v35 =	vadd.f32 v33, v9  }
0x205: {  	v59 =	vld [tilespmem:s24+$0x61C0];
	v13 =	vadd.f32 v49, v14;
	v14 =	vadd.f32 v20, v54;
	v56 =	vunpack.i.u.bf16.f32 v19  }
0x206: {  	v42 =	vld [tilespmem:s24+$0x61E0];
	v19 =	vunpack.i.l.bf16.f32 v19;
	v58 =	vunpack.i.u.bf16.f32 v27;
	v27 =	vunpack.i.l.bf16.f32 v27  }
0x207: {  	v40 =	vunpack.i.u.bf16.f32 v62;
	v28 =	vunpack.i.l.bf16.f32 v41;
	v50 =	vadd.f32 v47, v23  }
0x208: {  	v61 =	vld [tilespmem:s24+$0x4DD0];
	v18 =	vmul.bf16 v53, v18;
	v19 =	vadd.f32 v19, v56;
	v60 =	vadd.f32 v27, v58  }
0x209: {  	v63 =	vld [tilespmem:s24+$0x61D0];
	v38 =	vmul.bf16 v45, v43;
	v45 =	vunpack.i.u.bf16.f32 v41;
	v5 =	vadd.f32 v30, v5  }
0x20a: {  	v51 =	vld [tilespmem:s24+$0x61A0];
	v14 =	vadd.f32 v17, v14;
	v17 =	vunpack.i.l.bf16.f32 v62;
	v26 =	vmul.bf16 v59, v57  }
0x20b: {  	v46 =	vld [tilespmem:s24+$0x61F0];
	v47 =	vadd.f32 v28, v45;
	v22 =	vmul.bf16 v42, v39;
	v39 =	vperm.xlane v13, v0  }
0x20c: {  	v44 =	vld [tilespmem:s24+$0x4DF0];
	v54 =	vunpack.i.u.bf16.f32 v18;
	v18 =	vunpack.i.l.bf16.f32 v18;
	v16 =	vadd.f32 v50, v16  }
0x20d: {  	v49 =	vld [tilespmem:s24+$0x4DA0];
	v37 =	vadd.f32 v60, v19;
	v17 =	vadd.f32 v17, v40;
	v43 =	vunpack.i.u.bf16.f32 v38  }
0x20e: {  	v19 =	vunpack.i.l.bf16.f32 v38;
	v21 =	vmul.bf16 v63, v61;
	v5 =	vsel vm0, v5, v7  }
0x20f: {  	v55 =	vld [tilespmem:s24+$0x61B0];
	v38 =	vperm.xlane v11, v0;
	v7 =	vadd.f32 v36, v10;
	v18 =	vadd.f32 v18, v54  }
0x210: {  	v53 =	vld [tilespmem:s24+$0x4DB0];
	v19 =	vadd.f32 v19, v43;
	v56 =	vunpack.i.u.bf16.f32 v26;
	v26 =	vunpack.i.l.bf16.f32 v26  }
0x211: {  	v23 =	vmul.bf16 v46, v44;
	v59 =	vunpack.i.u.bf16.f32 v22;
	v22 =	vunpack.i.l.bf16.f32 v22  }
0x212: {  	v40 =	vperm.xlane v14, v0;
	v41 =	vadd.f32 v39, v13;
	v20 =	vmul.bf16 v51, v49  }
0x213: {  	v48 =	vld [tilespmem:s24+$0x4E00];
	v26 =	vadd.f32 v26, v56;
	v58 =	vunpack.i.u.bf16.f32 v21;
	v21 =	vunpack.i.l.bf16.f32 v21  }
0x214: {  	v50 =	vld [tilespmem:s24+$0x6200];
	v22 =	vadd.f32 v22, v59;
	v8 =	vadd.f32 v38, v11;
	v42 =	vperm.xlane v16, v0  }
0x215: {  	v57 =	vld [tilespmem:s24+$0x6220];
	v15 =	vadd.f32 v18, v15;
	v25 =	vmul.bf16 v55, v53;
	v17 =	vadd.f32 v19, v17  }
0x216: {  	v51 =	vld [tilespmem:s24+$0x4E10];
	v21 =	vadd.f32 v21, v58;
	v61 =	vunpack.i.u.bf16.f32 v23;
	v23 =	vunpack.i.l.bf16.f32 v23  }
0x217: {  	v53 =	vld [tilespmem:s24+$0x6210];
	v10 =	vadd.f32 v40, v14;
	v49 =	vunpack.i.u.bf16.f32 v20;
	v20 =	vunpack.i.l.bf16.f32 v20  }
0x218: {  	v55 =	vld [tilespmem:s24+$0x4E20];
	v23 =	vadd.f32 v23, v61;
	v8 =	vsel vm0, v8, v41;
	v20 =	vadd.f32 v20, v49  }
0x219: {  	v52 =	vunpack.i.u.bf16.f32 v25;
	v25 =	vunpack.i.l.bf16.f32 v25;
	v60 =	vmul.bf16 v50, v48  }
0x21a: {  	v21 =	vadd.f32 v22, v21;
	v15 =	vadd.f32 v37, v15;
	v37 =	vperm.xlane v12, v0  }
0x21b: {  	v54 =	vadd.f32 v25, v52;
	v52 =	vperm.xlane v5, v1;
	v20 =	vadd.f32 v20, v47  }
0x21c: {  	v29 =	vunpack.i.u.bf16.f32 v60;
	v27 =	vunpack.i.l.bf16.f32 v60;
	v19 =	vmul.bf16 v53, v51  }
0x21d: {  	v9 =	vadd.f32 v37, v12;
	v12 =	vadd.f32 v42, v16;
	v25 =	vmul.bf16 v57, v55  }
0x21e: {  	v27 =	vadd.f32 v27, v29;
	v24 =	vadd.f32 v26, v54;
	v62 =	vunpack.i.u.bf16.f32 v19  }
0x21f: {  	v19 =	vunpack.i.l.bf16.f32 v19;
	v63 =	vunpack.i.u.bf16.f32 v25;
	v25 =	vunpack.i.l.bf16.f32 v25  }
0x220: {  	v43 =	vperm.xlane v15, v0;
	v19 =	vadd.f32 v19, v62;
	v25 =	vadd.f32 v25, v63  }
0x221: {  	v29 =	vperm.xlane v6, v0;
	v5 =	vadd.f32 v52, v5;
	v17 =	vadd.f32 v20, v17  }
0x222: {  	v55 =	vperm.xlane v8, v1;
	v26 =	vadd.f32 v27, v23;
	v19 =	vadd.f32 v25, v19  }
0x223: {  	v7 =	vsel vm0, v7, v9;
	v47 =	vadd.f32 v43, v15;
	v10 =	vsel vm0, v10, v12  }
0x224: {  	v27 =	vperm.xlane v4, v0;
	v28 =	vadd.f32 v21, v24;
	v19 =	vadd.f32 v19, v26  }
0x225: {  	v6 =	vadd.f32 v29, v6;
	v54 =	vperm.xlane v7, v1;
	v44 =	vperm.xlane v17, v0  }
0x226: {  	v4 =	vadd.f32 v27, v4;
	v45 =	vperm.xlane v28, v0;
	v46 =	vperm.xlane v19, v0  }
0x227: {  	v56 =	vperm.xlane v10, v1;
	v8 =	vadd.f32 v55, v8;
	v48 =	vadd.f32 v44, v17  }
0x228: {  	v4 =	vsel vm0, v4, v6;
	v49 =	vadd.f32 v45, v28;
	v50 =	vadd.f32 v46, v19  }
0x229: {  	v7 =	vadd.f32 v54, v7;
	v6 =	vsel vm0, v34, v35;
	v51 =	vperm.xlane v4, v1  }
0x22a: {  	v9 =	vsel vm0, v47, v48;
	v53 =	vperm.xlane v6, v1;
	v11 =	vsel vm0, v49, v50  }
0x22b: {  	v10 =	vadd.f32 v56, v10;
	v57 =	vperm.xlane v9, v1;
	v58 =	vperm.xlane v11, v1  }
0x22c: {  	v4 =	vadd.f32 v51, v4;
	v6 =	vadd.f32 v53, v6  }
0x22d: {  	v59 =	vsel vm1, v8, v10;
	v9 =	vadd.f32 v57, v9;
	v11 =	vadd.f32 v58, v11  }
0x22e: {  	v10 =	vperm.xlane v59, v2;
	v4 =	vsel vm1, v4, v5  }
0x22f: {  	v5 =	vsel vm1, v6, v7;
	v61 =	vperm.xlane v4, v2;
	v60 =	vsel vm1, v9, v11  }
0x230: {  	v62 =	vperm.xlane v5, v2;
	v11 =	vperm.xlane v60, v2  }
0x231: {  	v6 =	vadd.f32 v10, v59;
	v4 =	vadd.f32 v61, v4  }
0x232: {  	v5 =	vadd.f32 v62, v5;
	v7 =	vadd.f32 v11, v60;
	_ =	sdelay $0x1  }
0x233: {  	v4 =	vsel vm2, v4, v5;
	v5 =	vsel vm2, v6, v7  }
0x234: {  	p1 =	sne.s32 s22, $0x4FC0;
	v63 =	vperm.xlane v4, v3;
	v7 =	vperm.xlane v5, v3  }
.Ltmp3:
0x235: {  	_ = 	snop;
	(pc) =	sbr.rel @p1 .LBB2_8-.Ltmp3, $3  }
0x236: {  	v4 =	vadd.f32 v63, v4;
	v5 =	vadd.f32 v7, v5;
	_ =	sdelay $0x1  }
0x237: {  	v4 =	vsel vm3, v4, v5  }
0x238: {  	s22 =	sadd.s32 $0x1000, s22;
	[tilespmem:s23+$0x0] =	vst v4;
	s23 =	sadd.s32 $0x10, s23  }
0x239: {  	s21 =	sadd.s32 $0x1, s21  }
0x23a: {  	p1 =	sne.s32 s21, s7  }
.Ltmp4:
0x23b: {  	_ = 	snop;
	(pc) =	sbr.rel @p1 .LBB2_1-.Ltmp4, $4  }
0x23c: {  	[hbm4b:s6+s2] =	stream.linear.scatter [tilespmem:s20], [sflag:$0x5], $0x2710, $0x38;
	[tilespmem:$0x16170] =	vst v63  }
0x23d: {  	_ =	swait.ge [sflag:s9], $0x2710  }
0x23e: {  	[sflag:s9] =	ssyncset.done $0x0  }
0x23f: {  	[sflag:s9] =	ssyncadd.s32 $0xFFFFD8F0  }
0x240: {  	_ =	sfence.sel $0x180000  }
0x241: {  	[bflag:$0x0] =	sbarrier.arrive $0xFFFF  }
0x242: {  	_ =	strace $0x90000047  }
0x243: {  	s0 =	sadd.s32 @!p0 $0x100000, s0;
	[bflag:$0x2] =	sbarrier.arrive $0xFFFF  }
0x244: {  	[sflag:s0] =	ssyncadd.tile.s32 @!p0 $0x1;
	_ =	shalt  }
.Lfunc_end2:
_tile_overlayer_lowered:
.L_overlay_start_2:
0x245: {  	(tag) =	ssettag $0x2  }
0x246: {  	s0 =	rddreg [dreg:$0x0];
	s2 =	stileid.u32  }
0x247: {  	s1 =	rddreg [dreg:$0x1];
	p0 =	sne.s32 s2, $0x0  }
0x248: {  	s3 =	rddreg [dreg:$0x2];
	[bflag:$0x3] =	sbarrier.arrive $0xFFFF;
	s2 =	simm.s32 @!p0 $0x1C05  }
0x249: {  	[timem:s3], [sflag:s2] =	dma.local @!p0 [hbm:s0], s1  }
0x24a: {  	s0 =	simm.s32 @!p0 $0x5  }
0x24b: {  	_ =	swait.ge @!p0 [sflag:s0], s1  }
0x24c: {  	s1 =	ssub.s32 @!p0 $0x0, s1;
	[sflag:s0] =	ssyncset.done @!p0 $0x0  }
0x24d: {  	[sflag:s0] =	ssyncadd.s32 @!p0 s1  }
0x24e: {  	[bflag:$0x3] =	sbarrier.arrive $0xFFFF  }
0x24f: {  	_ =	shalt  }

</sc_bundles>
